<compile_context>
chip_gen: v7x
topology: tpu7x:2x2x1
jax: 0.10.2.dev20260603
libtpu: 0.0.44.dev20260713+nightly
codegen_flags: <defaults>
</compile_context>

<pallas_src>
import functools

import jax
import jax.numpy as jnp
from jax import lax
from jax.experimental import pallas as pl
from jax.experimental.pallas import tpu as pltpu
from jax.experimental.pallas import tpu_sc as plsc

N = 10000
E = 320000
NCORE = 2
NSUB = 16
EB = 80
FB_FULL = (E // EB) // NSUB
FB_TAIL = (E // EB) % NSUB
HB_FULL = (E // NCORE // EB) // NSUB
HB_TAIL = (E // NCORE // EB) % NSUB
NSUB_IO = 10
ROWS_IO = N // NSUB_IO

_f32 = jnp.float32


def _sc_mesh():
    return plsc.VectorSubcoreMesh(
        core_axis_name="c", subcore_axis_name="s",
        num_cores=NCORE, num_subcores=NSUB)


NB = 4
NVC = EB // 16


def _build_idx(vref, sref, k):
    for j in range(NVC):
        vref[pl.ds(j * 16, 16)] = sref[pl.ds(k * EB + j * 16, 16)]


def _pipelined_edges(x_hbm, acc, srcs_hbm, soff, dst_hbm, doff,
                     idxv, dstv, rows, isems, dsems, gsems, ssems, nblocks):
    ngroups = nblocks // NB
    ntail = nblocks % NB

    def iload(b, k):
        return pltpu.async_copy(srcs_hbm.at[pl.ds(soff + k * EB, EB)],
                                idxv[b], isems[b])

    def dload(b, k):
        return pltpu.async_copy(dst_hbm.at[pl.ds(doff + k * EB, EB)],
                                dstv[b], dsems[b])

    for b in range(NB):
        iload(b, b)
        dload(b, b)

    def group(kk, carry):
        k0 = kk * NB
        gd = []
        for b in range(NB):
            pltpu.make_async_copy(srcs_hbm.at[pl.ds(0, EB)], idxv[b],
                                  isems[b]).wait()
            gd.append(pltpu.async_copy(x_hbm.at[idxv[b]], rows[b], gsems[b]))
        sd = []
        for b in range(NB):
            gd[b].wait()
            pltpu.make_async_copy(dst_hbm.at[pl.ds(0, EB)], dstv[b],
                                  dsems[b]).wait()
            sd.append(pltpu.async_copy(rows[b], acc.at[dstv[b]], ssems[b],
                                       add=True))
        for b in range(NB):
            sd[b].wait()

            @pl.when(kk < ngroups - 1)
            def _():
                iload(b, k0 + NB + b)
                dload(b, k0 + NB + b)

        return carry

    lax.fori_loop(0, ngroups, group, 0)

    for t in range(ntail):
        k = ngroups * NB + t
        iload(t, k).wait()
        dload(t, k).wait()
        pltpu.async_copy(x_hbm.at[idxv[t]], rows[t], gsems[t]).wait()
        pltpu.async_copy(rows[t], acc.at[dstv[t]], ssems[t], add=True).wait()


def _single_block(x_hbm, acc, srcs_hbm, ioff, dst_hbm, doff,
                  idxv0, dstv0, rows0, isem0, dsem0, gsem0, ssem0):
    pltpu.async_copy(srcs_hbm.at[pl.ds(ioff, EB)], idxv0, isem0).wait()
    pltpu.async_copy(dst_hbm.at[pl.ds(doff, EB)], dstv0, dsem0).wait()
    pltpu.async_copy(x_hbm.at[idxv0], rows0, gsem0).wait()
    pltpu.async_copy(rows0, acc.at[dstv0], ssem0, add=True).wait()


def _segsum_scratch(fc):
    return [
        *[pltpu.VMEM((EB,), jnp.int32) for _ in range(NB)],
        *[pltpu.VMEM((EB,), jnp.int32) for _ in range(NB)],
        *[pltpu.VMEM((EB, fc), _f32) for _ in range(NB)],
        *[pltpu.SemaphoreType.DMA for _ in range(4 * NB)],
        pltpu.VMEM_SHARED((N, fc), _f32),
    ]


def _split_scr(scr):
    idxv = scr[0:NB]
    dstv = scr[NB:2 * NB]
    rows = scr[2 * NB:3 * NB]
    isems = scr[3 * NB:4 * NB]
    dsems = scr[4 * NB:5 * NB]
    gsems = scr[5 * NB:6 * NB]
    ssems = scr[6 * NB:7 * NB]
    acc = scr[7 * NB]
    return idxv, dstv, rows, isems, dsems, gsems, ssems, acc


def _segsum_body(srcs_hbm, dst_hbm, x_hbm, zeros_hbm, out_hbm, *scr, ncn):
    idxv, dstv, rows, isems, dsems, gsems, ssems, acc = _split_scr(scr)
    c = lax.axis_index("c")
    s = lax.axis_index("s")
    r0 = s * ROWS_IO

    for ci in range(ncn // NCORE):
        chunk = 2 * ci + c

        @pl.when(s < NSUB_IO)
        def _():
            pltpu.sync_copy(zeros_hbm, acc.at[pl.ds(r0, ROWS_IO)])

        plsc.subcore_barrier()
        _pipelined_edges(x_hbm, acc,
                         srcs_hbm, chunk * E + s * (FB_FULL * EB),
                         dst_hbm, s * (FB_FULL * EB),
                         idxv, dstv, rows, isems, dsems, gsems, ssems,
                         FB_FULL)

        @pl.when(s < FB_TAIL)
        def _():
            blk = NSUB * FB_FULL + s
            _single_block(x_hbm, acc, srcs_hbm, chunk * E + blk * EB,
                          dst_hbm, blk * EB, idxv[0], dstv[0], rows[0],
                          isems[0], dsems[0], gsems[0], ssems[0])

        plsc.subcore_barrier()

        @pl.when(s < NSUB_IO)
        def _():
            pltpu.sync_copy(acc.at[pl.ds(r0, ROWS_IO)],
                            out_hbm.at[pl.ds(chunk * N + r0, ROWS_IO)])

        plsc.subcore_barrier()


def _segsum_split_body(src_hbm, dst_hbm, x_hbm, zeros_hbm, ones_hbm,
                       out_hbm, deg_hbm, *scr):
    idxv, dstv, rows, isems, dsems, gsems, ssems, acc = _split_scr(scr)
    c = lax.axis_index("c")
    s = lax.axis_index("s")
    r0 = s * ROWS_IO

    @pl.when(s < NSUB_IO)
    def _():
        pltpu.sync_copy(zeros_hbm, acc.at[pl.ds(r0, ROWS_IO)])

    plsc.subcore_barrier()

    half = E // NCORE
    e0 = c * half + s * (HB_FULL * EB)
    _pipelined_edges(x_hbm, acc, src_hbm, e0, dst_hbm, e0,
                     idxv, dstv, rows, isems, dsems, gsems, ssems,
                     HB_FULL)

    @pl.when(s < HB_TAIL)
    def _():
        boff = c * half + (NSUB * HB_FULL + s) * EB
        _single_block(x_hbm, acc, src_hbm, boff, dst_hbm, boff,
                      idxv[0], dstv[0], rows[0],
                      isems[0], dsems[0], gsems[0], ssems[0])

    plsc.subcore_barrier()

    @pl.when(s < NSUB_IO)
    def _():
        pltpu.sync_copy(acc.at[pl.ds(r0, ROWS_IO)],
                        out_hbm.at[pl.ds(c * N + r0, ROWS_IO)])
        pltpu.sync_copy(zeros_hbm, acc.at[pl.ds(r0, ROWS_IO)])

    pltpu.sync_copy(ones_hbm, rows[0])
    plsc.subcore_barrier()

    ngroups = HB_FULL // NB

    def dload(b, k):
        return pltpu.async_copy(dst_hbm.at[pl.ds(e0 + k * EB, EB)],
                                dstv[b], dsems[b])

    for b in range(NB):
        dload(b, b)

    def dgroup(kk, carry):
        sd = []
        for b in range(NB):
            pltpu.make_async_copy(dst_hbm.at[pl.ds(0, EB)], dstv[b],
                                  dsems[b]).wait()
            sd.append(pltpu.async_copy(rows[0], acc.at[dstv[b]], ssems[b],
                                       add=True))
        for b in range(NB):
            sd[b].wait()

            @pl.when(kk < ngroups - 1)
            def _():
                dload(b, kk * NB + NB + b)

        return carry

    lax.fori_loop(0, ngroups, dgroup, 0)
    for t in range(HB_FULL % NB):
        dload(t, ngroups * NB + t).wait()
        pltpu.async_copy(rows[0], acc.at[dstv[t]], ssems[t], add=True).wait()

    @pl.when(s < HB_TAIL)
    def _():
        boff = c * half + (NSUB * HB_FULL + s) * EB
        pltpu.async_copy(dst_hbm.at[pl.ds(boff, EB)], dstv[1],
                         dsems[1]).wait()
        pltpu.async_copy(rows[0], acc.at[dstv[1]], ssems[1], add=True).wait()

    plsc.subcore_barrier()

    @pl.when(s < NSUB_IO)
    def _():
        pltpu.sync_copy(acc.at[pl.ds(r0, ROWS_IO)],
                        deg_hbm.at[pl.ds(c * N + r0, ROWS_IO)])


def _segsum_split(src, dst, x, zeros_fc, ones128):
    fn = pl.kernel(
        _segsum_split_body,
        out_type=[jax.ShapeDtypeStruct((NCORE * N, 128), _f32),
                  jax.ShapeDtypeStruct((NCORE * N, 128), _f32)],
        mesh=_sc_mesh(),
        scratch_types=_segsum_scratch(128),
    )
    return fn(src, dst, x, zeros_fc, ones128)


def _segsum(srcs, dst, x_st, zeros_fc, ncn, fc):
    fn = pl.kernel(
        functools.partial(_segsum_body, ncn=ncn),
        out_type=jax.ShapeDtypeStruct((ncn * N, fc), _f32),
        mesh=_sc_mesh(),
        scratch_types=_segsum_scratch(fc),
    )
    return fn(srcs, dst, x_st, zeros_fc)


RB = 400
NRB = N // RB


def _layer_body(*refs, ncin):
    xs = refs[0:ncin]
    ss = refs[ncin:2 * ncin]
    d0_ref, d1_ref, w_ref, b_ref, o_ref = refs[2 * ncin:]
    invd = 1.0 / jnp.maximum(d0_ref[:, :1] + d1_ref[:, :1], 1.0)
    m = jnp.concatenate([xs[ci][...] + ss[ci][...] * invd
                         for ci in range(ncin)], axis=1)
    prod = jnp.dot(m, w_ref[...], preferred_element_type=_f32)
    o_ref[...] = jnp.maximum(prod + b_ref[...], 0.0)


def _tc_layer(x_st, s_st, degp, W, b, ncin, fc_in, ncout):
    d_in = ncin * fc_in
    in_specs = (
        [pl.BlockSpec((RB, fc_in), functools.partial(
            lambda ci, i, jo: (ci * NRB + i, 0), ci)) for ci in range(ncin)] * 2
        + [
            pl.BlockSpec((RB, 8), lambda i, jo: (i, 0)),
            pl.BlockSpec((RB, 8), lambda i, jo: (NRB + i, 0)),
            pl.BlockSpec((d_in, 128), lambda i, jo: (0, jo)),
            pl.BlockSpec((1, 128), lambda i, jo: (0, jo)),
        ])
    return pl.pallas_call(
        functools.partial(_layer_body, ncin=ncin),
        grid=(NRB, ncout),
        in_specs=in_specs,
        out_specs=pl.BlockSpec((RB, 128), lambda i, jo: (jo * NRB + i, 0)),
        out_shape=jax.ShapeDtypeStruct((ncout * N, 128), _f32),
    )(*([x_st] * ncin), *([s_st] * ncin), degp, degp, W, b.reshape(1, -1))


def _layer0_body(x_ref, s0_ref, s1_ref, d0_ref, d1_ref, w_ref, b_ref, o_ref):
    invd = 1.0 / jnp.maximum(d0_ref[:, :1] + d1_ref[:, :1], 1.0)
    m = x_ref[...] + (s0_ref[...] + s1_ref[...]) * invd
    prod = jnp.dot(m, w_ref[...], preferred_element_type=_f32)
    o_ref[...] = jnp.maximum(prod + b_ref[...], 0.0)


def _tc_layer0(x, s_parts, degp, W, b, ncout):
    return pl.pallas_call(
        _layer0_body,
        grid=(NRB, ncout),
        in_specs=[
            pl.BlockSpec((RB, 128), lambda i, jo: (i, 0)),
            pl.BlockSpec((RB, 128), lambda i, jo: (i, 0)),
            pl.BlockSpec((RB, 128), lambda i, jo: (NRB + i, 0)),
            pl.BlockSpec((RB, 8), lambda i, jo: (i, 0)),
            pl.BlockSpec((RB, 8), lambda i, jo: (NRB + i, 0)),
            pl.BlockSpec((128, 128), lambda i, jo: (0, jo)),
            pl.BlockSpec((1, 128), lambda i, jo: (0, jo)),
        ],
        out_specs=pl.BlockSpec((RB, 128), lambda i, jo: (jo * NRB + i, 0)),
        out_shape=jax.ShapeDtypeStruct((ncout * N, 128), _f32),
    )(x, s_parts, s_parts, degp, degp, W, b.reshape(1, -1))


def _layer_last_body(*refs, ncin):
    xs = refs[0:ncin]
    ss = refs[ncin:2 * ncin]
    (d0_ref, d1_ref, w_ref, b_ref,
     aw0, ab0, aw1, ab1, aw2, ab2, cw0, cb0, cw1, cb1, cw2, cb2,
     o_ref, logits_ref, val_ref, g_acc) = refs[2 * ncin:]
    i = pl.program_id(0)
    jo = pl.program_id(1)
    invd = 1.0 / jnp.maximum(d0_ref[:, :1] + d1_ref[:, :1], 1.0)
    m = jnp.concatenate([xs[ci][...] + ss[ci][...] * invd
                         for ci in range(ncin)], axis=1)
    prod = jnp.dot(m, w_ref[...], preferred_element_type=_f32)
    res = jnp.maximum(prod + b_ref[...], 0.0)
    o_ref[...] = res
    sums = jnp.sum(res, axis=0, keepdims=True)

    @pl.when(jnp.logical_and(i == 0, jo == 0))
    def _():
        g_acc[...] = jnp.zeros_like(g_acc)

    @pl.when(jo == 0)
    def _():
        g_acc[0:1, 0:128] += sums

    @pl.when(jo == 1)
    def _():
        g_acc[0:1, 128:256] += sums

    @pl.when(jnp.logical_and(i == NRB - 1, jo == 1))
    def _():
        g = g_acc[...] * (1.0 / N)
        h = jnp.maximum(jnp.dot(g, aw0[...], preferred_element_type=_f32)
                        + ab0[...], 0.0)
        h = jnp.maximum(jnp.dot(h, aw1[...], preferred_element_type=_f32)
                        + ab1[...], 0.0)
        logits_ref[...] = jnp.dot(h, aw2[...], preferred_element_type=_f32) + ab2[...]
        v = jnp.maximum(jnp.dot(g, cw0[...], preferred_element_type=_f32)
                        + cb0[...], 0.0)
        v = jnp.maximum(jnp.dot(v, cw1[...], preferred_element_type=_f32)
                        + cb1[...], 0.0)
        val_ref[...] = jnp.dot(v, cw2[...], preferred_element_type=_f32) + cb2[...]


def _tc_layer_last(x_st, s_st, degp, W, b, ncin, fc_in,
                   aW0, ab0, aW1, ab1, aW2, ab2, cW0, cb0, cW1, cb1,
                   cW2p, cb2b):
    d_in = ncin * fc_in
    full = lambda shape: pl.BlockSpec(shape, lambda i, jo: (0, 0))
    in_specs = (
        [pl.BlockSpec((RB, fc_in), functools.partial(
            lambda ci, i, jo: (ci * NRB + i, 0), ci)) for ci in range(ncin)] * 2
        + [
            pl.BlockSpec((RB, 8), lambda i, jo: (i, 0)),
            pl.BlockSpec((RB, 8), lambda i, jo: (NRB + i, 0)),
            pl.BlockSpec((d_in, 128), lambda i, jo: (0, jo)),
            pl.BlockSpec((1, 128), lambda i, jo: (0, jo)),
            full((256, 512)), full((1, 512)),
            full((512, 256)), full((1, 256)),
            full((256, 1024)), full((1, 1024)),
            full((256, 512)), full((1, 512)),
            full((512, 256)), full((1, 256)),
            full((256, 128)), full((1, 128)),
        ])
    _, logits, val = pl.pallas_call(
        functools.partial(_layer_last_body, ncin=ncin),
        grid=(NRB, 2),
        in_specs=in_specs,
        out_specs=[
            pl.BlockSpec((RB, 128), lambda i, jo: (jo * NRB + i, 0)),
            full((1, 1024)), full((1, 128)),
        ],
        out_shape=[jax.ShapeDtypeStruct((2 * N, 128), _f32),
                   jax.ShapeDtypeStruct((1, 1024), _f32),
                   jax.ShapeDtypeStruct((1, 128), _f32)],
        scratch_shapes=[pltpu.VMEM((1, 256), _f32)],
    )(*([x_st] * ncin), *([s_st] * ncin), degp, degp, W, b.reshape(1, -1),
      aW0, ab0.reshape(1, -1), aW1, ab1.reshape(1, -1), aW2, ab2.reshape(1, -1),
      cW0, cb0.reshape(1, -1), cW1, cb1.reshape(1, -1), cW2p, cb2b)
    return logits, val


def _stack(x, ncn):
    n, d = x.shape
    fc = d // ncn
    return x.reshape(n, ncn, fc).transpose(1, 0, 2).reshape(ncn * n, fc)


def kernel(node_features, edge_index,
           gnn_W0, gnn_b0, gnn_W1, gnn_b1, gnn_W2, gnn_b2, gnn_W3, gnn_b3,
           actor_W0, actor_b0, actor_W1, actor_b1, actor_W2, actor_b2,
           critic_W0, critic_b0, critic_W1, critic_b1, critic_W2, critic_b2):
    src = edge_index[0]
    dst = edge_index[1]

    offs2 = (N * jnp.arange(2, dtype=jnp.int32))[:, None]
    offs4 = (N * jnp.arange(4, dtype=jnp.int32))[:, None]
    srcs2 = (src[None, :] + offs2).reshape(-1)
    srcs4 = (src[None, :] + offs4).reshape(-1)
    zeros128 = jnp.zeros((ROWS_IO, 128), _f32)
    ones128 = jnp.ones((EB, 128), _f32)
    cW2p = jnp.pad(critic_W2, ((0, 0), (0, 127)))
    cb2b = jnp.broadcast_to(critic_b2.reshape(1, 1), (1, 128))

    s0_parts, degp = _segsum_split(src, dst, node_features, zeros128, ones128)
    degs = degp[:, :8]
    x1_st = _tc_layer0(node_features, s0_parts, degs, gnn_W0, gnn_b0, 2)

    s1_st = _segsum(srcs2, dst, x1_st, zeros128, 2, 128)
    x2_st = _tc_layer(x1_st, s1_st, degs, gnn_W1, gnn_b1, 2, 128, 4)

    s2_st = _segsum(srcs4, dst, x2_st, zeros128, 4, 128)
    x3_st = _tc_layer(x2_st, s2_st, degs, gnn_W2, gnn_b2, 4, 128, 4)

    s3_st = _segsum(srcs4, dst, x3_st, zeros128, 4, 128)
    logits, val = _tc_layer_last(x3_st, s3_st, degs, gnn_W3, gnn_b3, 4, 128,
                                 actor_W0, actor_b0, actor_W1, actor_b1,
                                 actor_W2, actor_b2, critic_W0, critic_b0,
                                 critic_W1, critic_b1, cW2p, cb2b)
    return logits, val[:, 0]

# --- scband reference (transcript-rebuilt; emitter-appended) ---
"""Pipeline reference for scband-gnnpolicy-network-68023692034096 (READ-ONLY COPY).

The authoritative reference and input builder live on the scoring server;
editing this copy changes nothing except your own understanding.
"""

import jax, jax.numpy as jnp
import numpy as np

N_NODES = 10000
N_EDGES = 320000
D_IN = 128
GNN_DIMS = [128, 256, 512, 512, 256]
ACTION_DIM = 1024


def _init_linear(key, fan_in, fan_out):
    k1, k2 = jax.random.split(key)
    scale = 1.0 / np.sqrt(fan_in)
    W = jax.random.uniform(k1, (fan_in, fan_out), jnp.float32, -scale, scale)
    b = jax.random.uniform(k2, (fan_out,), jnp.float32, -scale, scale)
    return W, b


def setup_inputs(seed: int = 0) -> dict:
    key = jax.random.key(seed)
    ks = jax.random.split(key, 32)
    inp = {}
    inp['node_features'] = jax.random.normal(ks[0], (N_NODES, D_IN), dtype=jnp.float32)
    inp['edge_index'] = jax.random.randint(ks[1], (2, N_EDGES), 0, N_NODES, dtype=jnp.int32)
    # GNN encoder layers: 128->256->512->512->256
    for i in range(4):
        W, b = _init_linear(ks[2 + i], GNN_DIMS[i], GNN_DIMS[i + 1])
        inp[f'gnn_W{i}'] = W
        inp[f'gnn_b{i}'] = b
    # Actor head: 256 -> 512 -> 256 -> ACTION_DIM
    aw0, ab0 = _init_linear(ks[10], 256, 512)
    aw1, ab1 = _init_linear(ks[11], 512, 256)
    aw2, ab2 = _init_linear(ks[12], 256, ACTION_DIM)
    inp.update(actor_W0=aw0, actor_b0=ab0, actor_W1=aw1, actor_b1=ab1, actor_W2=aw2, actor_b2=ab2)
    # Critic head: 256 -> 512 -> 256 -> 1
    cw0, cb0 = _init_linear(ks[13], 256, 512)
    cw1, cb1 = _init_linear(ks[14], 512, 256)
    cw2, cb2 = _init_linear(ks[15], 256, 1)
    inp.update(critic_W0=cw0, critic_b0=cb0, critic_W1=cw1, critic_b1=cb1, critic_W2=cw2, critic_b2=cb2)
    return inp


def _gnn_encode(x, edge_index, gnn_params):
    src = edge_index[0]
    dst = edge_index[1]
    n = x.shape[0]
    deg = jax.ops.segment_sum(jnp.ones(src.shape[0], dtype=jnp.float32), dst, num_segments=n)
    deg = jnp.maximum(deg, 1.0)[:, None]
    for (W, b) in gnn_params:
        msgs = jnp.take(x, src, axis=0)                      # gather source node features
        agg = jax.ops.segment_sum(msgs, dst, num_segments=n) / deg  # mean aggregation
        x = jax.nn.relu((x + agg) @ W + b)                   # combine + transform
    return x


def reference(node_features, edge_index,
              gnn_W0, gnn_b0, gnn_W1, gnn_b1, gnn_W2, gnn_b2, gnn_W3, gnn_b3,
              actor_W0, actor_b0, actor_W1, actor_b1, actor_W2, actor_b2,
              critic_W0, critic_b0, critic_W1, critic_b1, critic_W2, critic_b2):
    gnn_params = [(gnn_W0, gnn_b0), (gnn_W1, gnn_b1), (gnn_W2, gnn_b2), (gnn_W3, gnn_b3)]
    node_emb = _gnn_encode(node_features, edge_index, gnn_params)  # [N, 256]
    # pool_type='mean', batch=None
    g = jnp.mean(node_emb, axis=0, keepdims=True)                  # [1, 256]
    # Actor head (dropout is identity in eval)
    h = jax.nn.relu(g @ actor_W0 + actor_b0)
    h = jax.nn.relu(h @ actor_W1 + actor_b1)
    action_logits = h @ actor_W2 + actor_b2                        # [1, 1024]
    # Critic head
    v = jax.nn.relu(g @ critic_W0 + critic_b0)
    v = jax.nn.relu(v @ critic_W1 + critic_b1)
    value = (v @ critic_W2 + critic_b2).squeeze(-1)                # [1]
    return (action_logits, value)

if __name__ == "__main__":
    import jax
    _d = setup_inputs()
    print(jax.jit(kernel)(*tuple(_d.values())))

</pallas_src>

<mosaic_0001>
#map = affine_map<(d0, d1) -> (0)>
#map1 = affine_map<(d0, d1) -> (0, 0)>
module attributes {stable_mosaic.version = 14 : i64} {
  func.func @_segsum_split_body(%arg0: i32, %arg1: i32, %arg2: memref<320000xi32, #tpu.memory_space<hbm>>, %arg3: memref<320000xi32, #tpu.memory_space<hbm>>, %arg4: memref<10000x128xf32, #tpu.memory_space<hbm>>, %arg5: memref<1000x128xf32, #tpu.memory_space<hbm>>, %arg6: memref<80x128xf32, #tpu.memory_space<hbm>>, %arg7: memref<20000x128xf32, #tpu.memory_space<hbm>>, %arg8: memref<20000x128xf32, #tpu.memory_space<hbm>>, %arg9: memref<80xi32, #tpu.memory_space<vmem>>, %arg10: memref<80xi32, #tpu.memory_space<vmem>>, %arg11: memref<80xi32, #tpu.memory_space<vmem>>, %arg12: memref<80xi32, #tpu.memory_space<vmem>>, %arg13: memref<80xi32, #tpu.memory_space<vmem>>, %arg14: memref<80xi32, #tpu.memory_space<vmem>>, %arg15: memref<80xi32, #tpu.memory_space<vmem>>, %arg16: memref<80xi32, #tpu.memory_space<vmem>>, %arg17: memref<80x128xf32, #tpu.memory_space<vmem>>, %arg18: memref<80x128xf32, #tpu.memory_space<vmem>>, %arg19: memref<80x128xf32, #tpu.memory_space<vmem>>, %arg20: memref<80x128xf32, #tpu.memory_space<vmem>>, %arg21: memref<!tpu.dma_semaphore, #tpu.memory_space<semaphore_mem>>, %arg22: memref<!tpu.dma_semaphore, #tpu.memory_space<semaphore_mem>>, %arg23: memref<!tpu.dma_semaphore, #tpu.memory_space<semaphore_mem>>, %arg24: memref<!tpu.dma_semaphore, #tpu.memory_space<semaphore_mem>>, %arg25: memref<!tpu.dma_semaphore, #tpu.memory_space<semaphore_mem>>, %arg26: memref<!tpu.dma_semaphore, #tpu.memory_space<semaphore_mem>>, %arg27: memref<!tpu.dma_semaphore, #tpu.memory_space<semaphore_mem>>, %arg28: memref<!tpu.dma_semaphore, #tpu.memory_space<semaphore_mem>>, %arg29: memref<!tpu.dma_semaphore, #tpu.memory_space<semaphore_mem>>, %arg30: memref<!tpu.dma_semaphore, #tpu.memory_space<semaphore_mem>>, %arg31: memref<!tpu.dma_semaphore, #tpu.memory_space<semaphore_mem>>, %arg32: memref<!tpu.dma_semaphore, #tpu.memory_space<semaphore_mem>>, %arg33: memref<!tpu.dma_semaphore, #tpu.memory_space<semaphore_mem>>, %arg34: memref<!tpu.dma_semaphore, #tpu.memory_space<semaphore_mem>>, %arg35: memref<!tpu.dma_semaphore, #tpu.memory_space<semaphore_mem>>, %arg36: memref<!tpu.dma_semaphore, #tpu.memory_space<semaphore_mem>>, %arg37: memref<10000x128xf32, #tpu.memory_space<vmem_shared>>) attributes {dimension_semantics = [#tpu.dimension_semantics<core_parallel>, #tpu.dimension_semantics<subcore_parallel>], iteration_bounds = array<i64: 2, 16>, scalar_prefetch = 0 : i64, scratch_operands = 29 : i64, tpu.core_type = #tpu.core_type<sc_vector_subcore>, window_params = [{transform_indices = #map}, {transform_indices = #map}, {transform_indices = #map1}, {transform_indices = #map1}, {transform_indices = #map1}, {transform_indices = #map1}, {transform_indices = #map1}]} {
    %mul3A = arith.constant 1000 : i32
    %mul3A_0 = arith.muli %arg1, %mul3A : i32
    %lt3A = arith.constant 10 : i32
    %lt3A_1 = arith.cmpi slt, %arg1, %lt3A : i32
    %convert_element_type3A = arith.extui %lt3A_1 : i1 to i32
    %cond3A = arith.constant 0 : i32
    %cond3A_2 = arith.cmpi ne, %convert_element_type3A, %cond3A : i32
    scf.if %cond3A_2 {
      "tpu.region"() ({
        %run_scoped3A = tpu.sem_alloc : memref<!tpu.dma_semaphore, #tpu.memory_space<semaphore_mem>>
        %dma_start3A_123 = arith.constant 0 : i32
        %dma_start3A_124 = tpu.memref_slice %arg37[%mul3A_0, %dma_start3A_123] : memref<10000x128xf32, #tpu.memory_space<vmem_shared>> -> memref<1000x128xf32, #tpu.memory_space<vmem_shared>>
        tpu.enqueue_dma source(%arg5 : memref<1000x128xf32, #tpu.memory_space<hbm>>) target(%dma_start3A_124 : memref<1000x128xf32, #tpu.memory_space<vmem_shared>>) target_semaphore(%run_scoped3A : memref<!tpu.dma_semaphore, #tpu.memory_space<semaphore_mem>>)
        %dma_wait3A_125 = arith.constant 0 : i32
        %dma_wait3A_126 = tpu.memref_slice %arg37[%mul3A_0, %dma_wait3A_125] : memref<10000x128xf32, #tpu.memory_space<vmem_shared>> -> memref<1000x128xf32, #tpu.memory_space<vmem_shared>>
        tpu.wait_dma2 semaphore(%run_scoped3A : memref<!tpu.dma_semaphore, #tpu.memory_space<semaphore_mem>>) src(%arg5 : memref<1000x128xf32, #tpu.memory_space<hbm>>) dst(%dma_wait3A_126 : memref<1000x128xf32, #tpu.memory_space<vmem_shared>>)
        tpu.yield
      }) : () -> ()
    } else {
    }
    %barrier3A = arith.constant 0 : index
    tpu.barrier barrier_id(%barrier3A)
    %mul3A_3 = arith.constant 160000 : i32
    %mul3A_4 = arith.muli %arg0, %mul3A_3 : i32
    %mul3A_5 = arith.constant 10000 : i32
    %mul3A_6 = arith.muli %arg1, %mul3A_5 : i32
    %add3A = arith.addi %mul3A_4, %mul3A_6 : i32
    %add3A_7 = arith.constant 0 : i32
    %add3A_8 = arith.addi %add3A, %add3A_7 : i32
    %dma_start3A = tpu.memref_slice %arg2[%add3A_8] : memref<320000xi32, #tpu.memory_space<hbm>> -> memref<80xi32, #tpu.memory_space<hbm>>
    %dma_start3A_9 = tpu.memref_slice %arg2[%add3A_8] : memref<320000xi32, #tpu.memory_space<hbm>> -> memref<80xi32, #tpu.memory_space<hbm>>
    tpu.enqueue_dma source(%dma_start3A_9 : memref<80xi32, #tpu.memory_space<hbm>>) target(%arg9 : memref<80xi32, #tpu.memory_space<vmem>>) target_semaphore(%arg21 : memref<!tpu.dma_semaphore, #tpu.memory_space<semaphore_mem>>)
    %add3A_10 = arith.constant 0 : i32
    %add3A_11 = arith.addi %add3A, %add3A_10 : i32
    %dma_start3A_12 = tpu.memref_slice %arg3[%add3A_11] : memref<320000xi32, #tpu.memory_space<hbm>> -> memref<80xi32, #tpu.memory_space<hbm>>
    %dma_start3A_13 = tpu.memref_slice %arg3[%add3A_11] : memref<320000xi32, #tpu.memory_space<hbm>> -> memref<80xi32, #tpu.memory_space<hbm>>
    tpu.enqueue_dma source(%dma_start3A_13 : memref<80xi32, #tpu.memory_space<hbm>>) target(%arg13 : memref<80xi32, #tpu.memory_space<vmem>>) target_semaphore(%arg25 : memref<!tpu.dma_semaphore, #tpu.memory_space<semaphore_mem>>)
    %add3A_14 = arith.constant 80 : i32
    %add3A_15 = arith.addi %add3A, %add3A_14 : i32
    %dma_start3A_16 = tpu.memref_slice %arg2[%add3A_15] : memref<320000xi32, #tpu.memory_space<hbm>> -> memref<80xi32, #tpu.memory_space<hbm>>
    %dma_start3A_17 = tpu.memref_slice %arg2[%add3A_15] : memref<320000xi32, #tpu.memory_space<hbm>> -> memref<80xi32, #tpu.memory_space<hbm>>
    tpu.enqueue_dma source(%dma_start3A_17 : memref<80xi32, #tpu.memory_space<hbm>>) target(%arg10 : memref<80xi32, #tpu.memory_space<vmem>>) target_semaphore(%arg22 : memref<!tpu.dma_semaphore, #tpu.memory_space<semaphore_mem>>)
    %add3A_18 = arith.constant 80 : i32
    %add3A_19 = arith.addi %add3A, %add3A_18 : i32
    %dma_start3A_20 = tpu.memref_slice %arg3[%add3A_19] : memref<320000xi32, #tpu.memory_space<hbm>> -> memref<80xi32, #tpu.memory_space<hbm>>
    %dma_start3A_21 = tpu.memref_slice %arg3[%add3A_19] : memref<320000xi32, #tpu.memory_space<hbm>> -> memref<80xi32, #tpu.memory_space<hbm>>
    tpu.enqueue_dma source(%dma_start3A_21 : memref<80xi32, #tpu.memory_space<hbm>>) target(%arg14 : memref<80xi32, #tpu.memory_space<vmem>>) target_semaphore(%arg26 : memref<!tpu.dma_semaphore, #tpu.memory_space<semaphore_mem>>)
    %add3A_22 = arith.constant 160 : i32
    %add3A_23 = arith.addi %add3A, %add3A_22 : i32
    %dma_start3A_24 = tpu.memref_slice %arg2[%add3A_23] : memref<320000xi32, #tpu.memory_space<hbm>> -> memref<80xi32, #tpu.memory_space<hbm>>
    %dma_start3A_25 = tpu.memref_slice %arg2[%add3A_23] : memref<320000xi32, #tpu.memory_space<hbm>> -> memref<80xi32, #tpu.memory_space<hbm>>
    tpu.enqueue_dma source(%dma_start3A_25 : memref<80xi32, #tpu.memory_space<hbm>>) target(%arg11 : memref<80xi32, #tpu.memory_space<vmem>>) target_semaphore(%arg23 : memref<!tpu.dma_semaphore, #tpu.memory_space<semaphore_mem>>)
    %add3A_26 = arith.constant 160 : i32
    %add3A_27 = arith.addi %add3A, %add3A_26 : i32
    %dma_start3A_28 = tpu.memref_slice %arg3[%add3A_27] : memref<320000xi32, #tpu.memory_space<hbm>> -> memref<80xi32, #tpu.memory_space<hbm>>
    %dma_start3A_29 = tpu.memref_slice %arg3[%add3A_27] : memref<320000xi32, #tpu.memory_space<hbm>> -> memref<80xi32, #tpu.memory_space<hbm>>
    tpu.enqueue_dma source(%dma_start3A_29 : memref<80xi32, #tpu.memory_space<hbm>>) target(%arg15 : memref<80xi32, #tpu.memory_space<vmem>>) target_semaphore(%arg27 : memref<!tpu.dma_semaphore, #tpu.memory_space<semaphore_mem>>)
    %add3A_30 = arith.constant 240 : i32
    %add3A_31 = arith.addi %add3A, %add3A_30 : i32
    %dma_start3A_32 = tpu.memref_slice %arg2[%add3A_31] : memref<320000xi32, #tpu.memory_space<hbm>> -> memref<80xi32, #tpu.memory_space<hbm>>
    %dma_start3A_33 = tpu.memref_slice %arg2[%add3A_31] : memref<320000xi32, #tpu.memory_space<hbm>> -> memref<80xi32, #tpu.memory_space<hbm>>
    tpu.enqueue_dma source(%dma_start3A_33 : memref<80xi32, #tpu.memory_space<hbm>>) target(%arg12 : memref<80xi32, #tpu.memory_space<vmem>>) target_semaphore(%arg24 : memref<!tpu.dma_semaphore, #tpu.memory_space<semaphore_mem>>)
    %add3A_34 = arith.constant 240 : i32
    %add3A_35 = arith.addi %add3A, %add3A_34 : i32
    %dma_start3A_36 = tpu.memref_slice %arg3[%add3A_35] : memref<320000xi32, #tpu.memory_space<hbm>> -> memref<80xi32, #tpu.memory_space<hbm>>
    %dma_start3A_37 = tpu.memref_slice %arg3[%add3A_35] : memref<320000xi32, #tpu.memory_space<hbm>> -> memref<80xi32, #tpu.memory_space<hbm>>
    tpu.enqueue_dma source(%dma_start3A_37 : memref<80xi32, #tpu.memory_space<hbm>>) target(%arg16 : memref<80xi32, #tpu.memory_space<vmem>>) target_semaphore(%arg28 : memref<!tpu.dma_semaphore, #tpu.memory_space<semaphore_mem>>)
    %scan3A = arith.constant 0 : i32
    %scan3A_38 = arith.constant 0 : i32
    %scan3A_39 = arith.constant 31 : i32
    %scan3A_40 = arith.addi %scan3A_38, %scan3A_39 : i32
    %scan3A_41 = arith.constant 1 : i32
    scf.for %scan3A_123 = %scan3A_38 to %scan3A_40 step %scan3A_41  : i32 {
      %mul3A_124 = arith.constant 4 : i32
      %mul3A_125 = arith.muli %scan3A_123, %mul3A_124 : i32
      %dma_wait3A_126 = arith.constant 0 : i32
      %dma_wait3A_127 = tpu.memref_slice %arg2[%dma_wait3A_126] : memref<320000xi32, #tpu.memory_space<hbm>> -> memref<80xi32, #tpu.memory_space<hbm>>
      %dma_wait3A_128 = arith.constant 0 : i32
      %dma_wait3A_129 = tpu.memref_slice %arg2[%dma_wait3A_128] : memref<320000xi32, #tpu.memory_space<hbm>> -> memref<80xi32, #tpu.memory_space<hbm>>
      tpu.wait_dma2 semaphore(%arg21 : memref<!tpu.dma_semaphore, #tpu.memory_space<semaphore_mem>>) src(%dma_wait3A_129 : memref<80xi32, #tpu.memory_space<hbm>>) dst(%arg9 : memref<80xi32, #tpu.memory_space<vmem>>)
      %dma_start3A_130 = arith.constant 0 : i32
      %dma_start3A_131 = arith.constant 0 : i32
      %dma_start3A_132 = tpu.memref_slice %arg4[%dma_start3A_130, %dma_start3A_131] : memref<10000x128xf32, #tpu.memory_space<hbm>> -> memref<10000x128xf32, #tpu.memory_space<hbm>>
      tpu.enqueue_indirect_dma source(%dma_start3A_132 : memref<10000x128xf32, #tpu.memory_space<hbm>>) target(%arg17 : memref<80x128xf32, #tpu.memory_space<vmem>>) offsets(%arg9 : memref<80xi32, #tpu.memory_space<vmem>>) semaphore(%arg29 : memref<!tpu.dma_semaphore, #tpu.memory_space<semaphore_mem>>)
      %dma_wait3A_133 = arith.constant 0 : i32
      %dma_wait3A_134 = tpu.memref_slice %arg2[%dma_wait3A_133] : memref<320000xi32, #tpu.memory_space<hbm>> -> memref<80xi32, #tpu.memory_space<hbm>>
      %dma_wait3A_135 = arith.constant 0 : i32
      %dma_wait3A_136 = tpu.memref_slice %arg2[%dma_wait3A_135] : memref<320000xi32, #tpu.memory_space<hbm>> -> memref<80xi32, #tpu.memory_space<hbm>>
      tpu.wait_dma2 semaphore(%arg22 : memref<!tpu.dma_semaphore, #tpu.memory_space<semaphore_mem>>) src(%dma_wait3A_136 : memref<80xi32, #tpu.memory_space<hbm>>) dst(%arg10 : memref<80xi32, #tpu.memory_space<vmem>>)
      %dma_start3A_137 = arith.constant 0 : i32
      %dma_start3A_138 = arith.constant 0 : i32
      %dma_start3A_139 = tpu.memref_slice %arg4[%dma_start3A_137, %dma_start3A_138] : memref<10000x128xf32, #tpu.memory_space<hbm>> -> memref<10000x128xf32, #tpu.memory_space<hbm>>
      tpu.enqueue_indirect_dma source(%dma_start3A_139 : memref<10000x128xf32, #tpu.memory_space<hbm>>) target(%arg18 : memref<80x128xf32, #tpu.memory_space<vmem>>) offsets(%arg10 : memref<80xi32, #tpu.memory_space<vmem>>) semaphore(%arg30 : memref<!tpu.dma_semaphore, #tpu.memory_space<semaphore_mem>>)
      %dma_wait3A_140 = arith.constant 0 : i32
      %dma_wait3A_141 = tpu.memref_slice %arg2[%dma_wait3A_140] : memref<320000xi32, #tpu.memory_space<hbm>> -> memref<80xi32, #tpu.memory_space<hbm>>
      %dma_wait3A_142 = arith.constant 0 : i32
      %dma_wait3A_143 = tpu.memref_slice %arg2[%dma_wait3A_142] : memref<320000xi32, #tpu.memory_space<hbm>> -> memref<80xi32, #tpu.memory_space<hbm>>
      tpu.wait_dma2 semaphore(%arg23 : memref<!tpu.dma_semaphore, #tpu.memory_space<semaphore_mem>>) src(%dma_wait3A_143 : memref<80xi32, #tpu.memory_space<hbm>>) dst(%arg11 : memref<80xi32, #tpu.memory_space<vmem>>)
      %dma_start3A_144 = arith.constant 0 : i32
      %dma_start3A_145 = arith.constant 0 : i32
      %dma_start3A_146 = tpu.memref_slice %arg4[%dma_start3A_144, %dma_start3A_145] : memref<10000x128xf32, #tpu.memory_space<hbm>> -> memref<10000x128xf32, #tpu.memory_space<hbm>>
      tpu.enqueue_indirect_dma source(%dma_start3A_146 : memref<10000x128xf32, #tpu.memory_space<hbm>>) target(%arg19 : memref<80x128xf32, #tpu.memory_space<vmem>>) offsets(%arg11 : memref<80xi32, #tpu.memory_space<vmem>>) semaphore(%arg31 : memref<!tpu.dma_semaphore, #tpu.memory_space<semaphore_mem>>)
      %dma_wait3A_147 = arith.constant 0 : i32
      %dma_wait3A_148 = tpu.memref_slice %arg2[%dma_wait3A_147] : memref<320000xi32, #tpu.memory_space<hbm>> -> memref<80xi32, #tpu.memory_space<hbm>>
      %dma_wait3A_149 = arith.constant 0 : i32
      %dma_wait3A_150 = tpu.memref_slice %arg2[%dma_wait3A_149] : memref<320000xi32, #tpu.memory_space<hbm>> -> memref<80xi32, #tpu.memory_space<hbm>>
      tpu.wait_dma2 semaphore(%arg24 : memref<!tpu.dma_semaphore, #tpu.memory_space<semaphore_mem>>) src(%dma_wait3A_150 : memref<80xi32, #tpu.memory_space<hbm>>) dst(%arg12 : memref<80xi32, #tpu.memory_space<vmem>>)
      %dma_start3A_151 = arith.constant 0 : i32
      %dma_start3A_152 = arith.constant 0 : i32
      %dma_start3A_153 = tpu.memref_slice %arg4[%dma_start3A_151, %dma_start3A_152] : memref<10000x128xf32, #tpu.memory_space<hbm>> -> memref<10000x128xf32, #tpu.memory_space<hbm>>
      tpu.enqueue_indirect_dma source(%dma_start3A_153 : memref<10000x128xf32, #tpu.memory_space<hbm>>) target(%arg20 : memref<80x128xf32, #tpu.memory_space<vmem>>) offsets(%arg12 : memref<80xi32, #tpu.memory_space<vmem>>) semaphore(%arg32 : memref<!tpu.dma_semaphore, #tpu.memory_space<semaphore_mem>>)
      %dma_wait3A_154 = arith.constant 0 : i32
      %dma_wait3A_155 = arith.constant 0 : i32
      %dma_wait3A_156 = tpu.memref_slice %arg4[%dma_wait3A_154, %dma_wait3A_155] : memref<10000x128xf32, #tpu.memory_space<hbm>> -> memref<10000x128xf32, #tpu.memory_space<hbm>>
      tpu.wait_indirect_dma semaphore(%arg29 : memref<!tpu.dma_semaphore, #tpu.memory_space<semaphore_mem>>) src(%dma_wait3A_156 : memref<10000x128xf32, #tpu.memory_space<hbm>>) dst(%arg17 : memref<80x128xf32, #tpu.memory_space<vmem>>)
      %dma_wait3A_157 = arith.constant 0 : i32
      %dma_wait3A_158 = tpu.memref_slice %arg3[%dma_wait3A_157] : memref<320000xi32, #tpu.memory_space<hbm>> -> memref<80xi32, #tpu.memory_space<hbm>>
      %dma_wait3A_159 = arith.constant 0 : i32
      %dma_wait3A_160 = tpu.memref_slice %arg3[%dma_wait3A_159] : memref<320000xi32, #tpu.memory_space<hbm>> -> memref<80xi32, #tpu.memory_space<hbm>>
      tpu.wait_dma2 semaphore(%arg25 : memref<!tpu.dma_semaphore, #tpu.memory_space<semaphore_mem>>) src(%dma_wait3A_160 : memref<80xi32, #tpu.memory_space<hbm>>) dst(%arg13 : memref<80xi32, #tpu.memory_space<vmem>>)
      %dma_start3A_161 = arith.constant 0 : i32
      %dma_start3A_162 = arith.constant 0 : i32
      %dma_start3A_163 = tpu.memref_slice %arg37[%dma_start3A_161, %dma_start3A_162] : memref<10000x128xf32, #tpu.memory_space<vmem_shared>> -> memref<10000x128xf32, #tpu.memory_space<vmem_shared>>
      tpu.enqueue_indirect_dma source(%arg17 : memref<80x128xf32, #tpu.memory_space<vmem>>) target(%dma_start3A_163 : memref<10000x128xf32, #tpu.memory_space<vmem_shared>>) offsets(%arg13 : memref<80xi32, #tpu.memory_space<vmem>>) semaphore(%arg33 : memref<!tpu.dma_semaphore, #tpu.memory_space<semaphore_mem>>) {add = true}
      %dma_wait3A_164 = arith.constant 0 : i32
      %dma_wait3A_165 = arith.constant 0 : i32
      %dma_wait3A_166 = tpu.memref_slice %arg4[%dma_wait3A_164, %dma_wait3A_165] : memref<10000x128xf32, #tpu.memory_space<hbm>> -> memref<10000x128xf32, #tpu.memory_space<hbm>>
      tpu.wait_indirect_dma semaphore(%arg30 : memref<!tpu.dma_semaphore, #tpu.memory_space<semaphore_mem>>) src(%dma_wait3A_166 : memref<10000x128xf32, #tpu.memory_space<hbm>>) dst(%arg18 : memref<80x128xf32, #tpu.memory_space<vmem>>)
      %dma_wait3A_167 = arith.constant 0 : i32
      %dma_wait3A_168 = tpu.memref_slice %arg3[%dma_wait3A_167] : memref<320000xi32, #tpu.memory_space<hbm>> -> memref<80xi32, #tpu.memory_space<hbm>>
      %dma_wait3A_169 = arith.constant 0 : i32
      %dma_wait3A_170 = tpu.memref_slice %arg3[%dma_wait3A_169] : memref<320000xi32, #tpu.memory_space<hbm>> -> memref<80xi32, #tpu.memory_space<hbm>>
      tpu.wait_dma2 semaphore(%arg26 : memref<!tpu.dma_semaphore, #tpu.memory_space<semaphore_mem>>) src(%dma_wait3A_170 : memref<80xi32, #tpu.memory_space<hbm>>) dst(%arg14 : memref<80xi32, #tpu.memory_space<vmem>>)
      %dma_start3A_171 = arith.constant 0 : i32
      %dma_start3A_172 = arith.constant 0 : i32
      %dma_start3A_173 = tpu.memref_slice %arg37[%dma_start3A_171, %dma_start3A_172] : memref<10000x128xf32, #tpu.memory_space<vmem_shared>> -> memref<10000x128xf32, #tpu.memory_space<vmem_shared>>
      tpu.enqueue_indirect_dma source(%arg18 : memref<80x128xf32, #tpu.memory_space<vmem>>) target(%dma_start3A_173 : memref<10000x128xf32, #tpu.memory_space<vmem_shared>>) offsets(%arg14 : memref<80xi32, #tpu.memory_space<vmem>>) semaphore(%arg34 : memref<!tpu.dma_semaphore, #tpu.memory_space<semaphore_mem>>) {add = true}
      %dma_wait3A_174 = arith.constant 0 : i32
      %dma_wait3A_175 = arith.constant 0 : i32
      %dma_wait3A_176 = tpu.memref_slice %arg4[%dma_wait3A_174, %dma_wait3A_175] : memref<10000x128xf32, #tpu.memory_space<hbm>> -> memref<10000x128xf32, #tpu.memory_space<hbm>>
      tpu.wait_indirect_dma semaphore(%arg31 : memref<!tpu.dma_semaphore, #tpu.memory_space<semaphore_mem>>) src(%dma_wait3A_176 : memref<10000x128xf32, #tpu.memory_space<hbm>>) dst(%arg19 : memref<80x128xf32, #tpu.memory_space<vmem>>)
      %dma_wait3A_177 = arith.constant 0 : i32
      %dma_wait3A_178 = tpu.memref_slice %arg3[%dma_wait3A_177] : memref<320000xi32, #tpu.memory_space<hbm>> -> memref<80xi32, #tpu.memory_space<hbm>>
      %dma_wait3A_179 = arith.constant 0 : i32
      %dma_wait3A_180 = tpu.memref_slice %arg3[%dma_wait3A_179] : memref<320000xi32, #tpu.memory_space<hbm>> -> memref<80xi32, #tpu.memory_space<hbm>>
      tpu.wait_dma2 semaphore(%arg27 : memref<!tpu.dma_semaphore, #tpu.memory_space<semaphore_mem>>) src(%dma_wait3A_180 : memref<80xi32, #tpu.memory_space<hbm>>) dst(%arg15 : memref<80xi32, #tpu.memory_space<vmem>>)
      %dma_start3A_181 = arith.constant 0 : i32
      %dma_start3A_182 = arith.constant 0 : i32
      %dma_start3A_183 = tpu.memref_slice %arg37[%dma_start3A_181, %dma_start3A_182] : memref<10000x128xf32, #tpu.memory_space<vmem_shared>> -> memref<10000x128xf32, #tpu.memory_space<vmem_shared>>
      tpu.enqueue_indirect_dma source(%arg19 : memref<80x128xf32, #tpu.memory_space<vmem>>) target(%dma_start3A_183 : memref<10000x128xf32, #tpu.memory_space<vmem_shared>>) offsets(%arg15 : memref<80xi32, #tpu.memory_space<vmem>>) semaphore(%arg35 : memref<!tpu.dma_semaphore, #tpu.memory_space<semaphore_mem>>) {add = true}
      %dma_wait3A_184 = arith.constant 0 : i32
      %dma_wait3A_185 = arith.constant 0 : i32
      %dma_wait3A_186 = tpu.memref_slice %arg4[%dma_wait3A_184, %dma_wait3A_185] : memref<10000x128xf32, #tpu.memory_space<hbm>> -> memref<10000x128xf32, #tpu.memory_space<hbm>>
      tpu.wait_indirect_dma semaphore(%arg32 : memref<!tpu.dma_semaphore, #tpu.memory_space<semaphore_mem>>) src(%dma_wait3A_186 : memref<10000x128xf32, #tpu.memory_space<hbm>>) dst(%arg20 : memref<80x128xf32, #tpu.memory_space<vmem>>)
      %dma_wait3A_187 = arith.constant 0 : i32
      %dma_wait3A_188 = tpu.memref_slice %arg3[%dma_wait3A_187] : memref<320000xi32, #tpu.memory_space<hbm>> -> memref<80xi32, #tpu.memory_space<hbm>>
      %dma_wait3A_189 = arith.constant 0 : i32
      %dma_wait3A_190 = tpu.memref_slice %arg3[%dma_wait3A_189] : memref<320000xi32, #tpu.memory_space<hbm>> -> memref<80xi32, #tpu.memory_space<hbm>>
      tpu.wait_dma2 semaphore(%arg28 : memref<!tpu.dma_semaphore, #tpu.memory_space<semaphore_mem>>) src(%dma_wait3A_190 : memref<80xi32, #tpu.memory_space<hbm>>) dst(%arg16 : memref<80xi32, #tpu.memory_space<vmem>>)
      %dma_start3A_191 = arith.constant 0 : i32
      %dma_start3A_192 = arith.constant 0 : i32
      %dma_start3A_193 = tpu.memref_slice %arg37[%dma_start3A_191, %dma_start3A_192] : memref<10000x128xf32, #tpu.memory_space<vmem_shared>> -> memref<10000x128xf32, #tpu.memory_space<vmem_shared>>
      tpu.enqueue_indirect_dma source(%arg20 : memref<80x128xf32, #tpu.memory_space<vmem>>) target(%dma_start3A_193 : memref<10000x128xf32, #tpu.memory_space<vmem_shared>>) offsets(%arg16 : memref<80xi32, #tpu.memory_space<vmem>>) semaphore(%arg36 : memref<!tpu.dma_semaphore, #tpu.memory_space<semaphore_mem>>) {add = true}
      %dma_wait3A_194 = arith.constant 0 : i32
      %dma_wait3A_195 = arith.constant 0 : i32
      %dma_wait3A_196 = tpu.memref_slice %arg37[%dma_wait3A_194, %dma_wait3A_195] : memref<10000x128xf32, #tpu.memory_space<vmem_shared>> -> memref<10000x128xf32, #tpu.memory_space<vmem_shared>>
      tpu.wait_indirect_dma semaphore(%arg33 : memref<!tpu.dma_semaphore, #tpu.memory_space<semaphore_mem>>) src(%arg17 : memref<80x128xf32, #tpu.memory_space<vmem>>) dst(%dma_wait3A_196 : memref<10000x128xf32, #tpu.memory_space<vmem_shared>>)
      %lt3A_197 = arith.constant 30 : i32
      %lt3A_198 = arith.cmpi slt, %scan3A_123, %lt3A_197 : i32
      %convert_element_type3A_199 = arith.extui %lt3A_198 : i1 to i32
      %cond3A_200 = arith.constant 0 : i32
      %cond3A_201 = arith.cmpi ne, %convert_element_type3A_199, %cond3A_200 : i32
      scf.if %cond3A_201 {
        %add3A_226 = arith.constant 4 : i32
        %add3A_227 = arith.addi %mul3A_125, %add3A_226 : i32
        %add3A_228 = arith.constant 0 : i32
        %add3A_229 = arith.addi %add3A_227, %add3A_228 : i32
        %mul3A_230 = arith.constant 80 : i32
        %mul3A_231 = arith.muli %add3A_229, %mul3A_230 : i32
        %add3A_232 = arith.addi %add3A, %mul3A_231 : i32
        %dma_start3A_233 = tpu.memref_slice %arg2[%add3A_232] : memref<320000xi32, #tpu.memory_space<hbm>> -> memref<80xi32, #tpu.memory_space<hbm>>
        %dma_start3A_234 = tpu.memref_slice %arg2[%add3A_232] : memref<320000xi32, #tpu.memory_space<hbm>> -> memref<80xi32, #tpu.memory_space<hbm>>
        tpu.enqueue_dma source(%dma_start3A_234 : memref<80xi32, #tpu.memory_space<hbm>>) target(%arg9 : memref<80xi32, #tpu.memory_space<vmem>>) target_semaphore(%arg21 : memref<!tpu.dma_semaphore, #tpu.memory_space<semaphore_mem>>)
        %add3A_235 = arith.constant 4 : i32
        %add3A_236 = arith.addi %mul3A_125, %add3A_235 : i32
        %add3A_237 = arith.constant 0 : i32
        %add3A_238 = arith.addi %add3A_236, %add3A_237 : i32
        %mul3A_239 = arith.constant 80 : i32
        %mul3A_240 = arith.muli %add3A_238, %mul3A_239 : i32
        %add3A_241 = arith.addi %add3A, %mul3A_240 : i32
        %dma_start3A_242 = tpu.memref_slice %arg3[%add3A_241] : memref<320000xi32, #tpu.memory_space<hbm>> -> memref<80xi32, #tpu.memory_space<hbm>>
        %dma_start3A_243 = tpu.memref_slice %arg3[%add3A_241] : memref<320000xi32, #tpu.memory_space<hbm>> -> memref<80xi32, #tpu.memory_space<hbm>>
        tpu.enqueue_dma source(%dma_start3A_243 : memref<80xi32, #tpu.memory_space<hbm>>) target(%arg13 : memref<80xi32, #tpu.memory_space<vmem>>) target_semaphore(%arg25 : memref<!tpu.dma_semaphore, #tpu.memory_space<semaphore_mem>>)
      } else {
      }
      %dma_wait3A_202 = arith.constant 0 : i32
      %dma_wait3A_203 = arith.constant 0 : i32
      %dma_wait3A_204 = tpu.memref_slice %arg37[%dma_wait3A_202, %dma_wait3A_203] : memref<10000x128xf32, #tpu.memory_space<vmem_shared>> -> memref<10000x128xf32, #tpu.memory_space<vmem_shared>>
      tpu.wait_indirect_dma semaphore(%arg34 : memref<!tpu.dma_semaphore, #tpu.memory_space<semaphore_mem>>) src(%arg18 : memref<80x128xf32, #tpu.memory_space<vmem>>) dst(%dma_wait3A_204 : memref<10000x128xf32, #tpu.memory_space<vmem_shared>>)
      %lt3A_205 = arith.constant 30 : i32
      %lt3A_206 = arith.cmpi slt, %scan3A_123, %lt3A_205 : i32
      %convert_element_type3A_207 = arith.extui %lt3A_206 : i1 to i32
      %cond3A_208 = arith.constant 0 : i32
      %cond3A_209 = arith.cmpi ne, %convert_element_type3A_207, %cond3A_208 : i32
      scf.if %cond3A_209 {
        %add3A_226 = arith.constant 4 : i32
        %add3A_227 = arith.addi %mul3A_125, %add3A_226 : i32
        %add3A_228 = arith.constant 1 : i32
        %add3A_229 = arith.addi %add3A_227, %add3A_228 : i32
        %mul3A_230 = arith.constant 80 : i32
        %mul3A_231 = arith.muli %add3A_229, %mul3A_230 : i32
        %add3A_232 = arith.addi %add3A, %mul3A_231 : i32
        %dma_start3A_233 = tpu.memref_slice %arg2[%add3A_232] : memref<320000xi32, #tpu.memory_space<hbm>> -> memref<80xi32, #tpu.memory_space<hbm>>
        %dma_start3A_234 = tpu.memref_slice %arg2[%add3A_232] : memref<320000xi32, #tpu.memory_space<hbm>> -> memref<80xi32, #tpu.memory_space<hbm>>
        tpu.enqueue_dma source(%dma_start3A_234 : memref<80xi32, #tpu.memory_space<hbm>>) target(%arg10 : memref<80xi32, #tpu.memory_space<vmem>>) target_semaphore(%arg22 : memref<!tpu.dma_semaphore, #tpu.memory_space<semaphore_mem>>)
        %add3A_235 = arith.constant 4 : i32
        %add3A_236 = arith.addi %mul3A_125, %add3A_235 : i32
        %add3A_237 = arith.constant 1 : i32
        %add3A_238 = arith.addi %add3A_236, %add3A_237 : i32
        %mul3A_239 = arith.constant 80 : i32
        %mul3A_240 = arith.muli %add3A_238, %mul3A_239 : i32
        %add3A_241 = arith.addi %add3A, %mul3A_240 : i32
        %dma_start3A_242 = tpu.memref_slice %arg3[%add3A_241] : memref<320000xi32, #tpu.memory_space<hbm>> -> memref<80xi32, #tpu.memory_space<hbm>>
        %dma_start3A_243 = tpu.memref_slice %arg3[%add3A_241] : memref<320000xi32, #tpu.memory_space<hbm>> -> memref<80xi32, #tpu.memory_space<hbm>>
        tpu.enqueue_dma source(%dma_start3A_243 : memref<80xi32, #tpu.memory_space<hbm>>) target(%arg14 : memref<80xi32, #tpu.memory_space<vmem>>) target_semaphore(%arg26 : memref<!tpu.dma_semaphore, #tpu.memory_space<semaphore_mem>>)
      } else {
      }
      %dma_wait3A_210 = arith.constant 0 : i32
      %dma_wait3A_211 = arith.constant 0 : i32
      %dma_wait3A_212 = tpu.memref_slice %arg37[%dma_wait3A_210, %dma_wait3A_211] : memref<10000x128xf32, #tpu.memory_space<vmem_shared>> -> memref<10000x128xf32, #tpu.memory_space<vmem_shared>>
      tpu.wait_indirect_dma semaphore(%arg35 : memref<!tpu.dma_semaphore, #tpu.memory_space<semaphore_mem>>) src(%arg19 : memref<80x128xf32, #tpu.memory_space<vmem>>) dst(%dma_wait3A_212 : memref<10000x128xf32, #tpu.memory_space<vmem_shared>>)
      %lt3A_213 = arith.constant 30 : i32
      %lt3A_214 = arith.cmpi slt, %scan3A_123, %lt3A_213 : i32
      %convert_element_type3A_215 = arith.extui %lt3A_214 : i1 to i32
      %cond3A_216 = arith.constant 0 : i32
      %cond3A_217 = arith.cmpi ne, %convert_element_type3A_215, %cond3A_216 : i32
      scf.if %cond3A_217 {
        %add3A_226 = arith.constant 4 : i32
        %add3A_227 = arith.addi %mul3A_125, %add3A_226 : i32
        %add3A_228 = arith.constant 2 : i32
        %add3A_229 = arith.addi %add3A_227, %add3A_228 : i32
        %mul3A_230 = arith.constant 80 : i32
        %mul3A_231 = arith.muli %add3A_229, %mul3A_230 : i32
        %add3A_232 = arith.addi %add3A, %mul3A_231 : i32
        %dma_start3A_233 = tpu.memref_slice %arg2[%add3A_232] : memref<320000xi32, #tpu.memory_space<hbm>> -> memref<80xi32, #tpu.memory_space<hbm>>
        %dma_start3A_234 = tpu.memref_slice %arg2[%add3A_232] : memref<320000xi32, #tpu.memory_space<hbm>> -> memref<80xi32, #tpu.memory_space<hbm>>
        tpu.enqueue_dma source(%dma_start3A_234 : memref<80xi32, #tpu.memory_space<hbm>>) target(%arg11 : memref<80xi32, #tpu.memory_space<vmem>>) target_semaphore(%arg23 : memref<!tpu.dma_semaphore, #tpu.memory_space<semaphore_mem>>)
        %add3A_235 = arith.constant 4 : i32
        %add3A_236 = arith.addi %mul3A_125, %add3A_235 : i32
        %add3A_237 = arith.constant 2 : i32
        %add3A_238 = arith.addi %add3A_236, %add3A_237 : i32
        %mul3A_239 = arith.constant 80 : i32
        %mul3A_240 = arith.muli %add3A_238, %mul3A_239 : i32
        %add3A_241 = arith.addi %add3A, %mul3A_240 : i32
        %dma_start3A_242 = tpu.memref_slice %arg3[%add3A_241] : memref<320000xi32, #tpu.memory_space<hbm>> -> memref<80xi32, #tpu.memory_space<hbm>>
        %dma_start3A_243 = tpu.memref_slice %arg3[%add3A_241] : memref<320000xi32, #tpu.memory_space<hbm>> -> memref<80xi32, #tpu.memory_space<hbm>>
        tpu.enqueue_dma source(%dma_start3A_243 : memref<80xi32, #tpu.memory_space<hbm>>) target(%arg15 : memref<80xi32, #tpu.memory_space<vmem>>) target_semaphore(%arg27 : memref<!tpu.dma_semaphore, #tpu.memory_space<semaphore_mem>>)
      } else {
      }
      %dma_wait3A_218 = arith.constant 0 : i32
      %dma_wait3A_219 = arith.constant 0 : i32
      %dma_wait3A_220 = tpu.memref_slice %arg37[%dma_wait3A_218, %dma_wait3A_219] : memref<10000x128xf32, #tpu.memory_space<vmem_shared>> -> memref<10000x128xf32, #tpu.memory_space<vmem_shared>>
      tpu.wait_indirect_dma semaphore(%arg36 : memref<!tpu.dma_semaphore, #tpu.memory_space<semaphore_mem>>) src(%arg20 : memref<80x128xf32, #tpu.memory_space<vmem>>) dst(%dma_wait3A_220 : memref<10000x128xf32, #tpu.memory_space<vmem_shared>>)
      %lt3A_221 = arith.constant 30 : i32
      %lt3A_222 = arith.cmpi slt, %scan3A_123, %lt3A_221 : i32
      %convert_element_type3A_223 = arith.extui %lt3A_222 : i1 to i32
      %cond3A_224 = arith.constant 0 : i32
      %cond3A_225 = arith.cmpi ne, %convert_element_type3A_223, %cond3A_224 : i32
      scf.if %cond3A_225 {
        %add3A_226 = arith.constant 4 : i32
        %add3A_227 = arith.addi %mul3A_125, %add3A_226 : i32
        %add3A_228 = arith.constant 3 : i32
        %add3A_229 = arith.addi %add3A_227, %add3A_228 : i32
        %mul3A_230 = arith.constant 80 : i32
        %mul3A_231 = arith.muli %add3A_229, %mul3A_230 : i32
        %add3A_232 = arith.addi %add3A, %mul3A_231 : i32
        %dma_start3A_233 = tpu.memref_slice %arg2[%add3A_232] : memref<320000xi32, #tpu.memory_space<hbm>> -> memref<80xi32, #tpu.memory_space<hbm>>
        %dma_start3A_234 = tpu.memref_slice %arg2[%add3A_232] : memref<320000xi32, #tpu.memory_space<hbm>> -> memref<80xi32, #tpu.memory_space<hbm>>
        tpu.enqueue_dma source(%dma_start3A_234 : memref<80xi32, #tpu.memory_space<hbm>>) target(%arg12 : memref<80xi32, #tpu.memory_space<vmem>>) target_semaphore(%arg24 : memref<!tpu.dma_semaphore, #tpu.memory_space<semaphore_mem>>)
        %add3A_235 = arith.constant 4 : i32
        %add3A_236 = arith.addi %mul3A_125, %add3A_235 : i32
        %add3A_237 = arith.constant 3 : i32
        %add3A_238 = arith.addi %add3A_236, %add3A_237 : i32
        %mul3A_239 = arith.constant 80 : i32
        %mul3A_240 = arith.muli %add3A_238, %mul3A_239 : i32
        %add3A_241 = arith.addi %add3A, %mul3A_240 : i32
        %dma_start3A_242 = tpu.memref_slice %arg3[%add3A_241] : memref<320000xi32, #tpu.memory_space<hbm>> -> memref<80xi32, #tpu.memory_space<hbm>>
        %dma_start3A_243 = tpu.memref_slice %arg3[%add3A_241] : memref<320000xi32, #tpu.memory_space<hbm>> -> memref<80xi32, #tpu.memory_space<hbm>>
        tpu.enqueue_dma source(%dma_start3A_243 : memref<80xi32, #tpu.memory_space<hbm>>) target(%arg16 : memref<80xi32, #tpu.memory_space<vmem>>) target_semaphore(%arg28 : memref<!tpu.dma_semaphore, #tpu.memory_space<semaphore_mem>>)
      } else {
      }
    }
    %scan3A_42 = arith.constant 31 : i32
    %add3A_43 = arith.constant 9920 : i32
    %add3A_44 = arith.addi %add3A, %add3A_43 : i32
    %dma_start3A_45 = tpu.memref_slice %arg2[%add3A_44] : memref<320000xi32, #tpu.memory_space<hbm>> -> memref<80xi32, #tpu.memory_space<hbm>>
    %dma_start3A_46 = tpu.memref_slice %arg2[%add3A_44] : memref<320000xi32, #tpu.memory_space<hbm>> -> memref<80xi32, #tpu.memory_space<hbm>>
    tpu.enqueue_dma source(%dma_start3A_46 : memref<80xi32, #tpu.memory_space<hbm>>) target(%arg9 : memref<80xi32, #tpu.memory_space<vmem>>) target_semaphore(%arg21 : memref<!tpu.dma_semaphore, #tpu.memory_space<semaphore_mem>>)
    %dma_wait3A = tpu.memref_slice %arg2[%add3A_44] : memref<320000xi32, #tpu.memory_space<hbm>> -> memref<80xi32, #tpu.memory_space<hbm>>
    %dma_wait3A_47 = tpu.memref_slice %arg2[%add3A_44] : memref<320000xi32, #tpu.memory_space<hbm>> -> memref<80xi32, #tpu.memory_space<hbm>>
    tpu.wait_dma2 semaphore(%arg21 : memref<!tpu.dma_semaphore, #tpu.memory_space<semaphore_mem>>) src(%dma_wait3A_47 : memref<80xi32, #tpu.memory_space<hbm>>) dst(%arg9 : memref<80xi32, #tpu.memory_space<vmem>>)
    %add3A_48 = arith.constant 9920 : i32
    %add3A_49 = arith.addi %add3A, %add3A_48 : i32
    %dma_start3A_50 = tpu.memref_slice %arg3[%add3A_49] : memref<320000xi32, #tpu.memory_space<hbm>> -> memref<80xi32, #tpu.memory_space<hbm>>
    %dma_start3A_51 = tpu.memref_slice %arg3[%add3A_49] : memref<320000xi32, #tpu.memory_space<hbm>> -> memref<80xi32, #tpu.memory_space<hbm>>
    tpu.enqueue_dma source(%dma_start3A_51 : memref<80xi32, #tpu.memory_space<hbm>>) target(%arg13 : memref<80xi32, #tpu.memory_space<vmem>>) target_semaphore(%arg25 : memref<!tpu.dma_semaphore, #tpu.memory_space<semaphore_mem>>)
    %dma_wait3A_52 = tpu.memref_slice %arg3[%add3A_49] : memref<320000xi32, #tpu.memory_space<hbm>> -> memref<80xi32, #tpu.memory_space<hbm>>
    %dma_wait3A_53 = tpu.memref_slice %arg3[%add3A_49] : memref<320000xi32, #tpu.memory_space<hbm>> -> memref<80xi32, #tpu.memory_space<hbm>>
    tpu.wait_dma2 semaphore(%arg25 : memref<!tpu.dma_semaphore, #tpu.memory_space<semaphore_mem>>) src(%dma_wait3A_53 : memref<80xi32, #tpu.memory_space<hbm>>) dst(%arg13 : memref<80xi32, #tpu.memory_space<vmem>>)
    %dma_start3A_54 = arith.constant 0 : i32
    %dma_start3A_55 = arith.constant 0 : i32
    %dma_start3A_56 = tpu.memref_slice %arg4[%dma_start3A_54, %dma_start3A_55] : memref<10000x128xf32, #tpu.memory_space<hbm>> -> memref<10000x128xf32, #tpu.memory_space<hbm>>
    tpu.enqueue_indirect_dma source(%dma_start3A_56 : memref<10000x128xf32, #tpu.memory_space<hbm>>) target(%arg17 : memref<80x128xf32, #tpu.memory_space<vmem>>) offsets(%arg9 : memref<80xi32, #tpu.memory_space<vmem>>) semaphore(%arg29 : memref<!tpu.dma_semaphore, #tpu.memory_space<semaphore_mem>>)
    %dma_wait3A_57 = arith.constant 0 : i32
    %dma_wait3A_58 = arith.constant 0 : i32
    %dma_wait3A_59 = tpu.memref_slice %arg4[%dma_wait3A_57, %dma_wait3A_58] : memref<10000x128xf32, #tpu.memory_space<hbm>> -> memref<10000x128xf32, #tpu.memory_space<hbm>>
    tpu.wait_indirect_dma semaphore(%arg29 : memref<!tpu.dma_semaphore, #tpu.memory_space<semaphore_mem>>) src(%dma_wait3A_59 : memref<10000x128xf32, #tpu.memory_space<hbm>>) dst(%arg17 : memref<80x128xf32, #tpu.memory_space<vmem>>)
    %dma_start3A_60 = arith.constant 0 : i32
    %dma_start3A_61 = arith.constant 0 : i32
    %dma_start3A_62 = tpu.memref_slice %arg37[%dma_start3A_60, %dma_start3A_61] : memref<10000x128xf32, #tpu.memory_space<vmem_shared>> -> memref<10000x128xf32, #tpu.memory_space<vmem_shared>>
    tpu.enqueue_indirect_dma source(%arg17 : memref<80x128xf32, #tpu.memory_space<vmem>>) target(%dma_start3A_62 : memref<10000x128xf32, #tpu.memory_space<vmem_shared>>) offsets(%arg13 : memref<80xi32, #tpu.memory_space<vmem>>) semaphore(%arg33 : memref<!tpu.dma_semaphore, #tpu.memory_space<semaphore_mem>>) {add = true}
    %dma_wait3A_63 = arith.constant 0 : i32
    %dma_wait3A_64 = arith.constant 0 : i32
    %dma_wait3A_65 = tpu.memref_slice %arg37[%dma_wait3A_63, %dma_wait3A_64] : memref<10000x128xf32, #tpu.memory_space<vmem_shared>> -> memref<10000x128xf32, #tpu.memory_space<vmem_shared>>
    tpu.wait_indirect_dma semaphore(%arg33 : memref<!tpu.dma_semaphore, #tpu.memory_space<semaphore_mem>>) src(%arg17 : memref<80x128xf32, #tpu.memory_space<vmem>>) dst(%dma_wait3A_65 : memref<10000x128xf32, #tpu.memory_space<vmem_shared>>)
    %lt3A_66 = arith.constant 0 : i32
    %lt3A_67 = arith.cmpi slt, %arg1, %lt3A_66 : i32
    %convert_element_type3A_68 = arith.extui %lt3A_67 : i1 to i32
    %cond3A_69 = arith.constant 0 : i32
    %cond3A_70 = arith.cmpi ne, %convert_element_type3A_68, %cond3A_69 : i32
    scf.if %cond3A_70 {
      %mul3A_123 = arith.constant 160000 : i32
      %mul3A_124 = arith.muli %arg0, %mul3A_123 : i32
      %add3A_125 = arith.constant 2000 : i32
      %add3A_126 = arith.addi %add3A_125, %arg1 : i32
      %mul3A_127 = arith.constant 80 : i32
      %mul3A_128 = arith.muli %add3A_126, %mul3A_127 : i32
      %add3A_129 = arith.addi %mul3A_124, %mul3A_128 : i32
      %dma_start3A_130 = tpu.memref_slice %arg2[%add3A_129] : memref<320000xi32, #tpu.memory_space<hbm>> -> memref<80xi32, #tpu.memory_space<hbm>>
      %dma_start3A_131 = tpu.memref_slice %arg2[%add3A_129] : memref<320000xi32, #tpu.memory_space<hbm>> -> memref<80xi32, #tpu.memory_space<hbm>>
      tpu.enqueue_dma source(%dma_start3A_131 : memref<80xi32, #tpu.memory_space<hbm>>) target(%arg9 : memref<80xi32, #tpu.memory_space<vmem>>) target_semaphore(%arg21 : memref<!tpu.dma_semaphore, #tpu.memory_space<semaphore_mem>>)
      %dma_wait3A_132 = tpu.memref_slice %arg2[%add3A_129] : memref<320000xi32, #tpu.memory_space<hbm>> -> memref<80xi32, #tpu.memory_space<hbm>>
      %dma_wait3A_133 = tpu.memref_slice %arg2[%add3A_129] : memref<320000xi32, #tpu.memory_space<hbm>> -> memref<80xi32, #tpu.memory_space<hbm>>
      tpu.wait_dma2 semaphore(%arg21 : memref<!tpu.dma_semaphore, #tpu.memory_space<semaphore_mem>>) src(%dma_wait3A_133 : memref<80xi32, #tpu.memory_space<hbm>>) dst(%arg9 : memref<80xi32, #tpu.memory_space<vmem>>)
      %dma_start3A_134 = tpu.memref_slice %arg3[%add3A_129] : memref<320000xi32, #tpu.memory_space<hbm>> -> memref<80xi32, #tpu.memory_space<hbm>>
      %dma_start3A_135 = tpu.memref_slice %arg3[%add3A_129] : memref<320000xi32, #tpu.memory_space<hbm>> -> memref<80xi32, #tpu.memory_space<hbm>>
      tpu.enqueue_dma source(%dma_start3A_135 : memref<80xi32, #tpu.memory_space<hbm>>) target(%arg13 : memref<80xi32, #tpu.memory_space<vmem>>) target_semaphore(%arg25 : memref<!tpu.dma_semaphore, #tpu.memory_space<semaphore_mem>>)
      %dma_wait3A_136 = tpu.memref_slice %arg3[%add3A_129] : memref<320000xi32, #tpu.memory_space<hbm>> -> memref<80xi32, #tpu.memory_space<hbm>>
      %dma_wait3A_137 = tpu.memref_slice %arg3[%add3A_129] : memref<320000xi32, #tpu.memory_space<hbm>> -> memref<80xi32, #tpu.memory_space<hbm>>
      tpu.wait_dma2 semaphore(%arg25 : memref<!tpu.dma_semaphore, #tpu.memory_space<semaphore_mem>>) src(%dma_wait3A_137 : memref<80xi32, #tpu.memory_space<hbm>>) dst(%arg13 : memref<80xi32, #tpu.memory_space<vmem>>)
      %dma_start3A_138 = arith.constant 0 : i32
      %dma_start3A_139 = arith.constant 0 : i32
      %dma_start3A_140 = tpu.memref_slice %arg4[%dma_start3A_138, %dma_start3A_139] : memref<10000x128xf32, #tpu.memory_space<hbm>> -> memref<10000x128xf32, #tpu.memory_space<hbm>>
      tpu.enqueue_indirect_dma source(%dma_start3A_140 : memref<10000x128xf32, #tpu.memory_space<hbm>>) target(%arg17 : memref<80x128xf32, #tpu.memory_space<vmem>>) offsets(%arg9 : memref<80xi32, #tpu.memory_space<vmem>>) semaphore(%arg29 : memref<!tpu.dma_semaphore, #tpu.memory_space<semaphore_mem>>)
      %dma_wait3A_141 = arith.constant 0 : i32
      %dma_wait3A_142 = arith.constant 0 : i32
      %dma_wait3A_143 = tpu.memref_slice %arg4[%dma_wait3A_141, %dma_wait3A_142] : memref<10000x128xf32, #tpu.memory_space<hbm>> -> memref<10000x128xf32, #tpu.memory_space<hbm>>
      tpu.wait_indirect_dma semaphore(%arg29 : memref<!tpu.dma_semaphore, #tpu.memory_space<semaphore_mem>>) src(%dma_wait3A_143 : memref<10000x128xf32, #tpu.memory_space<hbm>>) dst(%arg17 : memref<80x128xf32, #tpu.memory_space<vmem>>)
      %dma_start3A_144 = arith.constant 0 : i32
      %dma_start3A_145 = arith.constant 0 : i32
      %dma_start3A_146 = tpu.memref_slice %arg37[%dma_start3A_144, %dma_start3A_145] : memref<10000x128xf32, #tpu.memory_space<vmem_shared>> -> memref<10000x128xf32, #tpu.memory_space<vmem_shared>>
      tpu.enqueue_indirect_dma source(%arg17 : memref<80x128xf32, #tpu.memory_space<vmem>>) target(%dma_start3A_146 : memref<10000x128xf32, #tpu.memory_space<vmem_shared>>) offsets(%arg13 : memref<80xi32, #tpu.memory_space<vmem>>) semaphore(%arg33 : memref<!tpu.dma_semaphore, #tpu.memory_space<semaphore_mem>>) {add = true}
      %dma_wait3A_147 = arith.constant 0 : i32
      %dma_wait3A_148 = arith.constant 0 : i32
      %dma_wait3A_149 = tpu.memref_slice %arg37[%dma_wait3A_147, %dma_wait3A_148] : memref<10000x128xf32, #tpu.memory_space<vmem_shared>> -> memref<10000x128xf32, #tpu.memory_space<vmem_shared>>
      tpu.wait_indirect_dma semaphore(%arg33 : memref<!tpu.dma_semaphore, #tpu.memory_space<semaphore_mem>>) src(%arg17 : memref<80x128xf32, #tpu.memory_space<vmem>>) dst(%dma_wait3A_149 : memref<10000x128xf32, #tpu.memory_space<vmem_shared>>)
    } else {
    }
    %barrier3A_71 = arith.constant 0 : index
    tpu.barrier barrier_id(%barrier3A_71)
    %lt3A_72 = arith.constant 10 : i32
    %lt3A_73 = arith.cmpi slt, %arg1, %lt3A_72 : i32
    %convert_element_type3A_74 = arith.extui %lt3A_73 : i1 to i32
    %cond3A_75 = arith.constant 0 : i32
    %cond3A_76 = arith.cmpi ne, %convert_element_type3A_74, %cond3A_75 : i32
    scf.if %cond3A_76 {
      %mul3A_123 = arith.constant 10000 : i32
      %mul3A_124 = arith.muli %arg0, %mul3A_123 : i32
      %add3A_125 = arith.addi %mul3A_124, %mul3A_0 : i32
      "tpu.region"() ({
        %run_scoped3A = tpu.sem_alloc : memref<!tpu.dma_semaphore, #tpu.memory_space<semaphore_mem>>
        %dma_start3A_126 = arith.constant 0 : i32
        %dma_start3A_127 = tpu.memref_slice %arg7[%add3A_125, %dma_start3A_126] : memref<20000x128xf32, #tpu.memory_space<hbm>> -> memref<1000x128xf32, #tpu.memory_space<hbm>>
        %dma_start3A_128 = arith.constant 0 : i32
        %dma_start3A_129 = tpu.memref_slice %arg37[%mul3A_0, %dma_start3A_128] : memref<10000x128xf32, #tpu.memory_space<vmem_shared>> -> memref<1000x128xf32, #tpu.memory_space<vmem_shared>>
        tpu.enqueue_dma source(%dma_start3A_129 : memref<1000x128xf32, #tpu.memory_space<vmem_shared>>) target(%dma_start3A_127 : memref<1000x128xf32, #tpu.memory_space<hbm>>) target_semaphore(%run_scoped3A : memref<!tpu.dma_semaphore, #tpu.memory_space<semaphore_mem>>)
        %dma_wait3A_130 = arith.constant 0 : i32
        %dma_wait3A_131 = tpu.memref_slice %arg7[%add3A_125, %dma_wait3A_130] : memref<20000x128xf32, #tpu.memory_space<hbm>> -> memref<1000x128xf32, #tpu.memory_space<hbm>>
        %dma_wait3A_132 = arith.constant 0 : i32
        %dma_wait3A_133 = tpu.memref_slice %arg37[%mul3A_0, %dma_wait3A_132] : memref<10000x128xf32, #tpu.memory_space<vmem_shared>> -> memref<1000x128xf32, #tpu.memory_space<vmem_shared>>
        tpu.wait_dma2 semaphore(%run_scoped3A : memref<!tpu.dma_semaphore, #tpu.memory_space<semaphore_mem>>) src(%dma_wait3A_133 : memref<1000x128xf32, #tpu.memory_space<vmem_shared>>) dst(%dma_wait3A_131 : memref<1000x128xf32, #tpu.memory_space<hbm>>)
        tpu.yield
      }) : () -> ()
      "tpu.region"() ({
        %run_scoped3A = tpu.sem_alloc : memref<!tpu.dma_semaphore, #tpu.memory_space<semaphore_mem>>
        %dma_start3A_126 = arith.constant 0 : i32
        %dma_start3A_127 = tpu.memref_slice %arg37[%mul3A_0, %dma_start3A_126] : memref<10000x128xf32, #tpu.memory_space<vmem_shared>> -> memref<1000x128xf32, #tpu.memory_space<vmem_shared>>
        tpu.enqueue_dma source(%arg5 : memref<1000x128xf32, #tpu.memory_space<hbm>>) target(%dma_start3A_127 : memref<1000x128xf32, #tpu.memory_space<vmem_shared>>) target_semaphore(%run_scoped3A : memref<!tpu.dma_semaphore, #tpu.memory_space<semaphore_mem>>)
        %dma_wait3A_128 = arith.constant 0 : i32
        %dma_wait3A_129 = tpu.memref_slice %arg37[%mul3A_0, %dma_wait3A_128] : memref<10000x128xf32, #tpu.memory_space<vmem_shared>> -> memref<1000x128xf32, #tpu.memory_space<vmem_shared>>
        tpu.wait_dma2 semaphore(%run_scoped3A : memref<!tpu.dma_semaphore, #tpu.memory_space<semaphore_mem>>) src(%arg5 : memref<1000x128xf32, #tpu.memory_space<hbm>>) dst(%dma_wait3A_129 : memref<1000x128xf32, #tpu.memory_space<vmem_shared>>)
        tpu.yield
      }) : () -> ()
    } else {
    }
    "tpu.region"() ({
      %run_scoped3A = tpu.sem_alloc : memref<!tpu.dma_semaphore, #tpu.memory_space<semaphore_mem>>
      tpu.enqueue_dma source(%arg6 : memref<80x128xf32, #tpu.memory_space<hbm>>) target(%arg17 : memref<80x128xf32, #tpu.memory_space<vmem>>) target_semaphore(%run_scoped3A : memref<!tpu.dma_semaphore, #tpu.memory_space<semaphore_mem>>)
      tpu.wait_dma2 semaphore(%run_scoped3A : memref<!tpu.dma_semaphore, #tpu.memory_space<semaphore_mem>>) src(%arg6 : memref<80x128xf32, #tpu.memory_space<hbm>>) dst(%arg17 : memref<80x128xf32, #tpu.memory_space<vmem>>)
      tpu.yield
    }) : () -> ()
    %barrier3A_77 = arith.constant 0 : index
    tpu.barrier barrier_id(%barrier3A_77)
    %add3A_78 = arith.constant 0 : i32
    %add3A_79 = arith.addi %add3A, %add3A_78 : i32
    %dma_start3A_80 = tpu.memref_slice %arg3[%add3A_79] : memref<320000xi32, #tpu.memory_space<hbm>> -> memref<80xi32, #tpu.memory_space<hbm>>
    %dma_start3A_81 = tpu.memref_slice %arg3[%add3A_79] : memref<320000xi32, #tpu.memory_space<hbm>> -> memref<80xi32, #tpu.memory_space<hbm>>
    tpu.enqueue_dma source(%dma_start3A_81 : memref<80xi32, #tpu.memory_space<hbm>>) target(%arg13 : memref<80xi32, #tpu.memory_space<vmem>>) target_semaphore(%arg25 : memref<!tpu.dma_semaphore, #tpu.memory_space<semaphore_mem>>)
    %add3A_82 = arith.constant 80 : i32
    %add3A_83 = arith.addi %add3A, %add3A_82 : i32
    %dma_start3A_84 = tpu.memref_slice %arg3[%add3A_83] : memref<320000xi32, #tpu.memory_space<hbm>> -> memref<80xi32, #tpu.memory_space<hbm>>
    %dma_start3A_85 = tpu.memref_slice %arg3[%add3A_83] : memref<320000xi32, #tpu.memory_space<hbm>> -> memref<80xi32, #tpu.memory_space<hbm>>
    tpu.enqueue_dma source(%dma_start3A_85 : memref<80xi32, #tpu.memory_space<hbm>>) target(%arg14 : memref<80xi32, #tpu.memory_space<vmem>>) target_semaphore(%arg26 : memref<!tpu.dma_semaphore, #tpu.memory_space<semaphore_mem>>)
    %add3A_86 = arith.constant 160 : i32
    %add3A_87 = arith.addi %add3A, %add3A_86 : i32
    %dma_start3A_88 = tpu.memref_slice %arg3[%add3A_87] : memref<320000xi32, #tpu.memory_space<hbm>> -> memref<80xi32, #tpu.memory_space<hbm>>
    %dma_start3A_89 = tpu.memref_slice %arg3[%add3A_87] : memref<320000xi32, #tpu.memory_space<hbm>> -> memref<80xi32, #tpu.memory_space<hbm>>
    tpu.enqueue_dma source(%dma_start3A_89 : memref<80xi32, #tpu.memory_space<hbm>>) target(%arg15 : memref<80xi32, #tpu.memory_space<vmem>>) target_semaphore(%arg27 : memref<!tpu.dma_semaphore, #tpu.memory_space<semaphore_mem>>)
    %add3A_90 = arith.constant 240 : i32
    %add3A_91 = arith.addi %add3A, %add3A_90 : i32
    %dma_start3A_92 = tpu.memref_slice %arg3[%add3A_91] : memref<320000xi32, #tpu.memory_space<hbm>> -> memref<80xi32, #tpu.memory_space<hbm>>
    %dma_start3A_93 = tpu.memref_slice %arg3[%add3A_91] : memref<320000xi32, #tpu.memory_space<hbm>> -> memref<80xi32, #tpu.memory_space<hbm>>
    tpu.enqueue_dma source(%dma_start3A_93 : memref<80xi32, #tpu.memory_space<hbm>>) target(%arg16 : memref<80xi32, #tpu.memory_space<vmem>>) target_semaphore(%arg28 : memref<!tpu.dma_semaphore, #tpu.memory_space<semaphore_mem>>)
    %scan3A_94 = arith.constant 0 : i32
    %scan3A_95 = arith.constant 0 : i32
    %scan3A_96 = arith.constant 31 : i32
    %scan3A_97 = arith.addi %scan3A_95, %scan3A_96 : i32
    %scan3A_98 = arith.constant 1 : i32
    scf.for %scan3A_123 = %scan3A_95 to %scan3A_97 step %scan3A_98  : i32 {
      %dma_wait3A_124 = arith.constant 0 : i32
      %dma_wait3A_125 = tpu.memref_slice %arg3[%dma_wait3A_124] : memref<320000xi32, #tpu.memory_space<hbm>> -> memref<80xi32, #tpu.memory_space<hbm>>
      %dma_wait3A_126 = arith.constant 0 : i32
      %dma_wait3A_127 = tpu.memref_slice %arg3[%dma_wait3A_126] : memref<320000xi32, #tpu.memory_space<hbm>> -> memref<80xi32, #tpu.memory_space<hbm>>
      tpu.wait_dma2 semaphore(%arg25 : memref<!tpu.dma_semaphore, #tpu.memory_space<semaphore_mem>>) src(%dma_wait3A_127 : memref<80xi32, #tpu.memory_space<hbm>>) dst(%arg13 : memref<80xi32, #tpu.memory_space<vmem>>)
      %dma_start3A_128 = arith.constant 0 : i32
      %dma_start3A_129 = arith.constant 0 : i32
      %dma_start3A_130 = tpu.memref_slice %arg37[%dma_start3A_128, %dma_start3A_129] : memref<10000x128xf32, #tpu.memory_space<vmem_shared>> -> memref<10000x128xf32, #tpu.memory_space<vmem_shared>>
      tpu.enqueue_indirect_dma source(%arg17 : memref<80x128xf32, #tpu.memory_space<vmem>>) target(%dma_start3A_130 : memref<10000x128xf32, #tpu.memory_space<vmem_shared>>) offsets(%arg13 : memref<80xi32, #tpu.memory_space<vmem>>) semaphore(%arg33 : memref<!tpu.dma_semaphore, #tpu.memory_space<semaphore_mem>>) {add = true}
      %dma_wait3A_131 = arith.constant 0 : i32
      %dma_wait3A_132 = tpu.memref_slice %arg3[%dma_wait3A_131] : memref<320000xi32, #tpu.memory_space<hbm>> -> memref<80xi32, #tpu.memory_space<hbm>>
      %dma_wait3A_133 = arith.constant 0 : i32
      %dma_wait3A_134 = tpu.memref_slice %arg3[%dma_wait3A_133] : memref<320000xi32, #tpu.memory_space<hbm>> -> memref<80xi32, #tpu.memory_space<hbm>>
      tpu.wait_dma2 semaphore(%arg26 : memref<!tpu.dma_semaphore, #tpu.memory_space<semaphore_mem>>) src(%dma_wait3A_134 : memref<80xi32, #tpu.memory_space<hbm>>) dst(%arg14 : memref<80xi32, #tpu.memory_space<vmem>>)
      %dma_start3A_135 = arith.constant 0 : i32
      %dma_start3A_136 = arith.constant 0 : i32
      %dma_start3A_137 = tpu.memref_slice %arg37[%dma_start3A_135, %dma_start3A_136] : memref<10000x128xf32, #tpu.memory_space<vmem_shared>> -> memref<10000x128xf32, #tpu.memory_space<vmem_shared>>
      tpu.enqueue_indirect_dma source(%arg17 : memref<80x128xf32, #tpu.memory_space<vmem>>) target(%dma_start3A_137 : memref<10000x128xf32, #tpu.memory_space<vmem_shared>>) offsets(%arg14 : memref<80xi32, #tpu.memory_space<vmem>>) semaphore(%arg34 : memref<!tpu.dma_semaphore, #tpu.memory_space<semaphore_mem>>) {add = true}
      %dma_wait3A_138 = arith.constant 0 : i32
      %dma_wait3A_139 = tpu.memref_slice %arg3[%dma_wait3A_138] : memref<320000xi32, #tpu.memory_space<hbm>> -> memref<80xi32, #tpu.memory_space<hbm>>
      %dma_wait3A_140 = arith.constant 0 : i32
      %dma_wait3A_141 = tpu.memref_slice %arg3[%dma_wait3A_140] : memref<320000xi32, #tpu.memory_space<hbm>> -> memref<80xi32, #tpu.memory_space<hbm>>
      tpu.wait_dma2 semaphore(%arg27 : memref<!tpu.dma_semaphore, #tpu.memory_space<semaphore_mem>>) src(%dma_wait3A_141 : memref<80xi32, #tpu.memory_space<hbm>>) dst(%arg15 : memref<80xi32, #tpu.memory_space<vmem>>)
      %dma_start3A_142 = arith.constant 0 : i32
      %dma_start3A_143 = arith.constant 0 : i32
      %dma_start3A_144 = tpu.memref_slice %arg37[%dma_start3A_142, %dma_start3A_143] : memref<10000x128xf32, #tpu.memory_space<vmem_shared>> -> memref<10000x128xf32, #tpu.memory_space<vmem_shared>>
      tpu.enqueue_indirect_dma source(%arg17 : memref<80x128xf32, #tpu.memory_space<vmem>>) target(%dma_start3A_144 : memref<10000x128xf32, #tpu.memory_space<vmem_shared>>) offsets(%arg15 : memref<80xi32, #tpu.memory_space<vmem>>) semaphore(%arg35 : memref<!tpu.dma_semaphore, #tpu.memory_space<semaphore_mem>>) {add = true}
      %dma_wait3A_145 = arith.constant 0 : i32
      %dma_wait3A_146 = tpu.memref_slice %arg3[%dma_wait3A_145] : memref<320000xi32, #tpu.memory_space<hbm>> -> memref<80xi32, #tpu.memory_space<hbm>>
      %dma_wait3A_147 = arith.constant 0 : i32
      %dma_wait3A_148 = tpu.memref_slice %arg3[%dma_wait3A_147] : memref<320000xi32, #tpu.memory_space<hbm>> -> memref<80xi32, #tpu.memory_space<hbm>>
      tpu.wait_dma2 semaphore(%arg28 : memref<!tpu.dma_semaphore, #tpu.memory_space<semaphore_mem>>) src(%dma_wait3A_148 : memref<80xi32, #tpu.memory_space<hbm>>) dst(%arg16 : memref<80xi32, #tpu.memory_space<vmem>>)
      %dma_start3A_149 = arith.constant 0 : i32
      %dma_start3A_150 = arith.constant 0 : i32
      %dma_start3A_151 = tpu.memref_slice %arg37[%dma_start3A_149, %dma_start3A_150] : memref<10000x128xf32, #tpu.memory_space<vmem_shared>> -> memref<10000x128xf32, #tpu.memory_space<vmem_shared>>
      tpu.enqueue_indirect_dma source(%arg17 : memref<80x128xf32, #tpu.memory_space<vmem>>) target(%dma_start3A_151 : memref<10000x128xf32, #tpu.memory_space<vmem_shared>>) offsets(%arg16 : memref<80xi32, #tpu.memory_space<vmem>>) semaphore(%arg36 : memref<!tpu.dma_semaphore, #tpu.memory_space<semaphore_mem>>) {add = true}
      %dma_wait3A_152 = arith.constant 0 : i32
      %dma_wait3A_153 = arith.constant 0 : i32
      %dma_wait3A_154 = tpu.memref_slice %arg37[%dma_wait3A_152, %dma_wait3A_153] : memref<10000x128xf32, #tpu.memory_space<vmem_shared>> -> memref<10000x128xf32, #tpu.memory_space<vmem_shared>>
      tpu.wait_indirect_dma semaphore(%arg33 : memref<!tpu.dma_semaphore, #tpu.memory_space<semaphore_mem>>) src(%arg17 : memref<80x128xf32, #tpu.memory_space<vmem>>) dst(%dma_wait3A_154 : memref<10000x128xf32, #tpu.memory_space<vmem_shared>>)
      %lt3A_155 = arith.constant 30 : i32
      %lt3A_156 = arith.cmpi slt, %scan3A_123, %lt3A_155 : i32
      %convert_element_type3A_157 = arith.extui %lt3A_156 : i1 to i32
      %cond3A_158 = arith.constant 0 : i32
      %cond3A_159 = arith.cmpi ne, %convert_element_type3A_157, %cond3A_158 : i32
      scf.if %cond3A_159 {
        %mul3A_184 = arith.constant 4 : i32
        %mul3A_185 = arith.muli %scan3A_123, %mul3A_184 : i32
        %add3A_186 = arith.constant 4 : i32
        %add3A_187 = arith.addi %mul3A_185, %add3A_186 : i32
        %add3A_188 = arith.constant 0 : i32
        %add3A_189 = arith.addi %add3A_187, %add3A_188 : i32
        %mul3A_190 = arith.constant 80 : i32
        %mul3A_191 = arith.muli %add3A_189, %mul3A_190 : i32
        %add3A_192 = arith.addi %add3A, %mul3A_191 : i32
        %dma_start3A_193 = tpu.memref_slice %arg3[%add3A_192] : memref<320000xi32, #tpu.memory_space<hbm>> -> memref<80xi32, #tpu.memory_space<hbm>>
        %dma_start3A_194 = tpu.memref_slice %arg3[%add3A_192] : memref<320000xi32, #tpu.memory_space<hbm>> -> memref<80xi32, #tpu.memory_space<hbm>>
        tpu.enqueue_dma source(%dma_start3A_194 : memref<80xi32, #tpu.memory_space<hbm>>) target(%arg13 : memref<80xi32, #tpu.memory_space<vmem>>) target_semaphore(%arg25 : memref<!tpu.dma_semaphore, #tpu.memory_space<semaphore_mem>>)
      } else {
      }
      %dma_wait3A_160 = arith.constant 0 : i32
      %dma_wait3A_161 = arith.constant 0 : i32
      %dma_wait3A_162 = tpu.memref_slice %arg37[%dma_wait3A_160, %dma_wait3A_161] : memref<10000x128xf32, #tpu.memory_space<vmem_shared>> -> memref<10000x128xf32, #tpu.memory_space<vmem_shared>>
      tpu.wait_indirect_dma semaphore(%arg34 : memref<!tpu.dma_semaphore, #tpu.memory_space<semaphore_mem>>) src(%arg17 : memref<80x128xf32, #tpu.memory_space<vmem>>) dst(%dma_wait3A_162 : memref<10000x128xf32, #tpu.memory_space<vmem_shared>>)
      %lt3A_163 = arith.constant 30 : i32
      %lt3A_164 = arith.cmpi slt, %scan3A_123, %lt3A_163 : i32
      %convert_element_type3A_165 = arith.extui %lt3A_164 : i1 to i32
      %cond3A_166 = arith.constant 0 : i32
      %cond3A_167 = arith.cmpi ne, %convert_element_type3A_165, %cond3A_166 : i32
      scf.if %cond3A_167 {
        %mul3A_184 = arith.constant 4 : i32
        %mul3A_185 = arith.muli %scan3A_123, %mul3A_184 : i32
        %add3A_186 = arith.constant 4 : i32
        %add3A_187 = arith.addi %mul3A_185, %add3A_186 : i32
        %add3A_188 = arith.constant 1 : i32
        %add3A_189 = arith.addi %add3A_187, %add3A_188 : i32
        %mul3A_190 = arith.constant 80 : i32
        %mul3A_191 = arith.muli %add3A_189, %mul3A_190 : i32
        %add3A_192 = arith.addi %add3A, %mul3A_191 : i32
        %dma_start3A_193 = tpu.memref_slice %arg3[%add3A_192] : memref<320000xi32, #tpu.memory_space<hbm>> -> memref<80xi32, #tpu.memory_space<hbm>>
        %dma_start3A_194 = tpu.memref_slice %arg3[%add3A_192] : memref<320000xi32, #tpu.memory_space<hbm>> -> memref<80xi32, #tpu.memory_space<hbm>>
        tpu.enqueue_dma source(%dma_start3A_194 : memref<80xi32, #tpu.memory_space<hbm>>) target(%arg14 : memref<80xi32, #tpu.memory_space<vmem>>) target_semaphore(%arg26 : memref<!tpu.dma_semaphore, #tpu.memory_space<semaphore_mem>>)
      } else {
      }
      %dma_wait3A_168 = arith.constant 0 : i32
      %dma_wait3A_169 = arith.constant 0 : i32
      %dma_wait3A_170 = tpu.memref_slice %arg37[%dma_wait3A_168, %dma_wait3A_169] : memref<10000x128xf32, #tpu.memory_space<vmem_shared>> -> memref<10000x128xf32, #tpu.memory_space<vmem_shared>>
      tpu.wait_indirect_dma semaphore(%arg35 : memref<!tpu.dma_semaphore, #tpu.memory_space<semaphore_mem>>) src(%arg17 : memref<80x128xf32, #tpu.memory_space<vmem>>) dst(%dma_wait3A_170 : memref<10000x128xf32, #tpu.memory_space<vmem_shared>>)
      %lt3A_171 = arith.constant 30 : i32
      %lt3A_172 = arith.cmpi slt, %scan3A_123, %lt3A_171 : i32
      %convert_element_type3A_173 = arith.extui %lt3A_172 : i1 to i32
      %cond3A_174 = arith.constant 0 : i32
      %cond3A_175 = arith.cmpi ne, %convert_element_type3A_173, %cond3A_174 : i32
      scf.if %cond3A_175 {
        %mul3A_184 = arith.constant 4 : i32
        %mul3A_185 = arith.muli %scan3A_123, %mul3A_184 : i32
        %add3A_186 = arith.constant 4 : i32
        %add3A_187 = arith.addi %mul3A_185, %add3A_186 : i32
        %add3A_188 = arith.constant 2 : i32
        %add3A_189 = arith.addi %add3A_187, %add3A_188 : i32
        %mul3A_190 = arith.constant 80 : i32
        %mul3A_191 = arith.muli %add3A_189, %mul3A_190 : i32
        %add3A_192 = arith.addi %add3A, %mul3A_191 : i32
        %dma_start3A_193 = tpu.memref_slice %arg3[%add3A_192] : memref<320000xi32, #tpu.memory_space<hbm>> -> memref<80xi32, #tpu.memory_space<hbm>>
        %dma_start3A_194 = tpu.memref_slice %arg3[%add3A_192] : memref<320000xi32, #tpu.memory_space<hbm>> -> memref<80xi32, #tpu.memory_space<hbm>>
        tpu.enqueue_dma source(%dma_start3A_194 : memref<80xi32, #tpu.memory_space<hbm>>) target(%arg15 : memref<80xi32, #tpu.memory_space<vmem>>) target_semaphore(%arg27 : memref<!tpu.dma_semaphore, #tpu.memory_space<semaphore_mem>>)
      } else {
      }
      %dma_wait3A_176 = arith.constant 0 : i32
      %dma_wait3A_177 = arith.constant 0 : i32
      %dma_wait3A_178 = tpu.memref_slice %arg37[%dma_wait3A_176, %dma_wait3A_177] : memref<10000x128xf32, #tpu.memory_space<vmem_shared>> -> memref<10000x128xf32, #tpu.memory_space<vmem_shared>>
      tpu.wait_indirect_dma semaphore(%arg36 : memref<!tpu.dma_semaphore, #tpu.memory_space<semaphore_mem>>) src(%arg17 : memref<80x128xf32, #tpu.memory_space<vmem>>) dst(%dma_wait3A_178 : memref<10000x128xf32, #tpu.memory_space<vmem_shared>>)
      %lt3A_179 = arith.constant 30 : i32
      %lt3A_180 = arith.cmpi slt, %scan3A_123, %lt3A_179 : i32
      %convert_element_type3A_181 = arith.extui %lt3A_180 : i1 to i32
      %cond3A_182 = arith.constant 0 : i32
      %cond3A_183 = arith.cmpi ne, %convert_element_type3A_181, %cond3A_182 : i32
      scf.if %cond3A_183 {
        %mul3A_184 = arith.constant 4 : i32
        %mul3A_185 = arith.muli %scan3A_123, %mul3A_184 : i32
        %add3A_186 = arith.constant 4 : i32
        %add3A_187 = arith.addi %mul3A_185, %add3A_186 : i32
        %add3A_188 = arith.constant 3 : i32
        %add3A_189 = arith.addi %add3A_187, %add3A_188 : i32
        %mul3A_190 = arith.constant 80 : i32
        %mul3A_191 = arith.muli %add3A_189, %mul3A_190 : i32
        %add3A_192 = arith.addi %add3A, %mul3A_191 : i32
        %dma_start3A_193 = tpu.memref_slice %arg3[%add3A_192] : memref<320000xi32, #tpu.memory_space<hbm>> -> memref<80xi32, #tpu.memory_space<hbm>>
        %dma_start3A_194 = tpu.memref_slice %arg3[%add3A_192] : memref<320000xi32, #tpu.memory_space<hbm>> -> memref<80xi32, #tpu.memory_space<hbm>>
        tpu.enqueue_dma source(%dma_start3A_194 : memref<80xi32, #tpu.memory_space<hbm>>) target(%arg16 : memref<80xi32, #tpu.memory_space<vmem>>) target_semaphore(%arg28 : memref<!tpu.dma_semaphore, #tpu.memory_space<semaphore_mem>>)
      } else {
      }
    }
    %scan3A_99 = arith.constant 31 : i32
    %add3A_100 = arith.constant 9920 : i32
    %add3A_101 = arith.addi %add3A, %add3A_100 : i32
    %dma_start3A_102 = tpu.memref_slice %arg3[%add3A_101] : memref<320000xi32, #tpu.memory_space<hbm>> -> memref<80xi32, #tpu.memory_space<hbm>>
    %dma_start3A_103 = tpu.memref_slice %arg3[%add3A_101] : memref<320000xi32, #tpu.memory_space<hbm>> -> memref<80xi32, #tpu.memory_space<hbm>>
    tpu.enqueue_dma source(%dma_start3A_103 : memref<80xi32, #tpu.memory_space<hbm>>) target(%arg13 : memref<80xi32, #tpu.memory_space<vmem>>) target_semaphore(%arg25 : memref<!tpu.dma_semaphore, #tpu.memory_space<semaphore_mem>>)
    %dma_wait3A_104 = tpu.memref_slice %arg3[%add3A_101] : memref<320000xi32, #tpu.memory_space<hbm>> -> memref<80xi32, #tpu.memory_space<hbm>>
    %dma_wait3A_105 = tpu.memref_slice %arg3[%add3A_101] : memref<320000xi32, #tpu.memory_space<hbm>> -> memref<80xi32, #tpu.memory_space<hbm>>
    tpu.wait_dma2 semaphore(%arg25 : memref<!tpu.dma_semaphore, #tpu.memory_space<semaphore_mem>>) src(%dma_wait3A_105 : memref<80xi32, #tpu.memory_space<hbm>>) dst(%arg13 : memref<80xi32, #tpu.memory_space<vmem>>)
    %dma_start3A_106 = arith.constant 0 : i32
    %dma_start3A_107 = arith.constant 0 : i32
    %dma_start3A_108 = tpu.memref_slice %arg37[%dma_start3A_106, %dma_start3A_107] : memref<10000x128xf32, #tpu.memory_space<vmem_shared>> -> memref<10000x128xf32, #tpu.memory_space<vmem_shared>>
    tpu.enqueue_indirect_dma source(%arg17 : memref<80x128xf32, #tpu.memory_space<vmem>>) target(%dma_start3A_108 : memref<10000x128xf32, #tpu.memory_space<vmem_shared>>) offsets(%arg13 : memref<80xi32, #tpu.memory_space<vmem>>) semaphore(%arg33 : memref<!tpu.dma_semaphore, #tpu.memory_space<semaphore_mem>>) {add = true}
    %dma_wait3A_109 = arith.constant 0 : i32
    %dma_wait3A_110 = arith.constant 0 : i32
    %dma_wait3A_111 = tpu.memref_slice %arg37[%dma_wait3A_109, %dma_wait3A_110] : memref<10000x128xf32, #tpu.memory_space<vmem_shared>> -> memref<10000x128xf32, #tpu.memory_space<vmem_shared>>
    tpu.wait_indirect_dma semaphore(%arg33 : memref<!tpu.dma_semaphore, #tpu.memory_space<semaphore_mem>>) src(%arg17 : memref<80x128xf32, #tpu.memory_space<vmem>>) dst(%dma_wait3A_111 : memref<10000x128xf32, #tpu.memory_space<vmem_shared>>)
    %lt3A_112 = arith.constant 0 : i32
    %lt3A_113 = arith.cmpi slt, %arg1, %lt3A_112 : i32
    %convert_element_type3A_114 = arith.extui %lt3A_113 : i1 to i32
    %cond3A_115 = arith.constant 0 : i32
    %cond3A_116 = arith.cmpi ne, %convert_element_type3A_114, %cond3A_115 : i32
    scf.if %cond3A_116 {
      %mul3A_123 = arith.constant 160000 : i32
      %mul3A_124 = arith.muli %arg0, %mul3A_123 : i32
      %add3A_125 = arith.constant 2000 : i32
      %add3A_126 = arith.addi %add3A_125, %arg1 : i32
      %mul3A_127 = arith.constant 80 : i32
      %mul3A_128 = arith.muli %add3A_126, %mul3A_127 : i32
      %add3A_129 = arith.addi %mul3A_124, %mul3A_128 : i32
      %dma_start3A_130 = tpu.memref_slice %arg3[%add3A_129] : memref<320000xi32, #tpu.memory_space<hbm>> -> memref<80xi32, #tpu.memory_space<hbm>>
      %dma_start3A_131 = tpu.memref_slice %arg3[%add3A_129] : memref<320000xi32, #tpu.memory_space<hbm>> -> memref<80xi32, #tpu.memory_space<hbm>>
      tpu.enqueue_dma source(%dma_start3A_131 : memref<80xi32, #tpu.memory_space<hbm>>) target(%arg14 : memref<80xi32, #tpu.memory_space<vmem>>) target_semaphore(%arg26 : memref<!tpu.dma_semaphore, #tpu.memory_space<semaphore_mem>>)
      %dma_wait3A_132 = tpu.memref_slice %arg3[%add3A_129] : memref<320000xi32, #tpu.memory_space<hbm>> -> memref<80xi32, #tpu.memory_space<hbm>>
      %dma_wait3A_133 = tpu.memref_slice %arg3[%add3A_129] : memref<320000xi32, #tpu.memory_space<hbm>> -> memref<80xi32, #tpu.memory_space<hbm>>
      tpu.wait_dma2 semaphore(%arg26 : memref<!tpu.dma_semaphore, #tpu.memory_space<semaphore_mem>>) src(%dma_wait3A_133 : memref<80xi32, #tpu.memory_space<hbm>>) dst(%arg14 : memref<80xi32, #tpu.memory_space<vmem>>)
      %dma_start3A_134 = arith.constant 0 : i32
      %dma_start3A_135 = arith.constant 0 : i32
      %dma_start3A_136 = tpu.memref_slice %arg37[%dma_start3A_134, %dma_start3A_135] : memref<10000x128xf32, #tpu.memory_space<vmem_shared>> -> memref<10000x128xf32, #tpu.memory_space<vmem_shared>>
      tpu.enqueue_indirect_dma source(%arg17 : memref<80x128xf32, #tpu.memory_space<vmem>>) target(%dma_start3A_136 : memref<10000x128xf32, #tpu.memory_space<vmem_shared>>) offsets(%arg14 : memref<80xi32, #tpu.memory_space<vmem>>) semaphore(%arg34 : memref<!tpu.dma_semaphore, #tpu.memory_space<semaphore_mem>>) {add = true}
      %dma_wait3A_137 = arith.constant 0 : i32
      %dma_wait3A_138 = arith.constant 0 : i32
      %dma_wait3A_139 = tpu.memref_slice %arg37[%dma_wait3A_137, %dma_wait3A_138] : memref<10000x128xf32, #tpu.memory_space<vmem_shared>> -> memref<10000x128xf32, #tpu.memory_space<vmem_shared>>
      tpu.wait_indirect_dma semaphore(%arg34 : memref<!tpu.dma_semaphore, #tpu.memory_space<semaphore_mem>>) src(%arg17 : memref<80x128xf32, #tpu.memory_space<vmem>>) dst(%dma_wait3A_139 : memref<10000x128xf32, #tpu.memory_space<vmem_shared>>)
    } else {
    }
    %barrier3A_117 = arith.constant 0 : index
    tpu.barrier barrier_id(%barrier3A_117)
    %lt3A_118 = arith.constant 10 : i32
    %lt3A_119 = arith.cmpi slt, %arg1, %lt3A_118 : i32
    %convert_element_type3A_120 = arith.extui %lt3A_119 : i1 to i32
    %cond3A_121 = arith.constant 0 : i32
    %cond3A_122 = arith.cmpi ne, %convert_element_type3A_120, %cond3A_121 : i32
    scf.if %cond3A_122 {
      %mul3A_123 = arith.constant 10000 : i32
      %mul3A_124 = arith.muli %arg0, %mul3A_123 : i32
      %add3A_125 = arith.addi %mul3A_124, %mul3A_0 : i32
      "tpu.region"() ({
        %run_scoped3A = tpu.sem_alloc : memref<!tpu.dma_semaphore, #tpu.memory_space<semaphore_mem>>
        %dma_start3A_126 = arith.constant 0 : i32
        %dma_start3A_127 = tpu.memref_slice %arg8[%add3A_125, %dma_start3A_126] : memref<20000x128xf32, #tpu.memory_space<hbm>> -> memref<1000x128xf32, #tpu.memory_space<hbm>>
        %dma_start3A_128 = arith.constant 0 : i32
        %dma_start3A_129 = tpu.memref_slice %arg37[%mul3A_0, %dma_start3A_128] : memref<10000x128xf32, #tpu.memory_space<vmem_shared>> -> memref<1000x128xf32, #tpu.memory_space<vmem_shared>>
        tpu.enqueue_dma source(%dma_start3A_129 : memref<1000x128xf32, #tpu.memory_space<vmem_shared>>) target(%dma_start3A_127 : memref<1000x128xf32, #tpu.memory_space<hbm>>) target_semaphore(%run_scoped3A : memref<!tpu.dma_semaphore, #tpu.memory_space<semaphore_mem>>)
        %dma_wait3A_130 = arith.constant 0 : i32
        %dma_wait3A_131 = tpu.memref_slice %arg8[%add3A_125, %dma_wait3A_130] : memref<20000x128xf32, #tpu.memory_space<hbm>> -> memref<1000x128xf32, #tpu.memory_space<hbm>>
        %dma_wait3A_132 = arith.constant 0 : i32
        %dma_wait3A_133 = tpu.memref_slice %arg37[%mul3A_0, %dma_wait3A_132] : memref<10000x128xf32, #tpu.memory_space<vmem_shared>> -> memref<1000x128xf32, #tpu.memory_space<vmem_shared>>
        tpu.wait_dma2 semaphore(%run_scoped3A : memref<!tpu.dma_semaphore, #tpu.memory_space<semaphore_mem>>) src(%dma_wait3A_133 : memref<1000x128xf32, #tpu.memory_space<vmem_shared>>) dst(%dma_wait3A_131 : memref<1000x128xf32, #tpu.memory_space<hbm>>)
        tpu.yield
      }) : () -> ()
    } else {
    }
    return
  }
}

#map = affine_map<(d0, d1) -> (0)>
#map1 = affine_map<(d0, d1) -> (0, 0)>
module attributes {stable_mosaic.version = 14 : i64} {
  func.func @_segsum_body(%arg0: i32, %arg1: i32, %arg2: memref<1280000xi32, #tpu.memory_space<hbm>>, %arg3: memref<320000xi32, #tpu.memory_space<hbm>>, %arg4: memref<40000x128xf32, #tpu.memory_space<hbm>>, %arg5: memref<1000x128xf32, #tpu.memory_space<hbm>>, %arg6: memref<40000x128xf32, #tpu.memory_space<hbm>>, %arg7: memref<80xi32, #tpu.memory_space<vmem>>, %arg8: memref<80xi32, #tpu.memory_space<vmem>>, %arg9: memref<80xi32, #tpu.memory_space<vmem>>, %arg10: memref<80xi32, #tpu.memory_space<vmem>>, %arg11: memref<80xi32, #tpu.memory_space<vmem>>, %arg12: memref<80xi32, #tpu.memory_space<vmem>>, %arg13: memref<80xi32, #tpu.memory_space<vmem>>, %arg14: memref<80xi32, #tpu.memory_space<vmem>>, %arg15: memref<80x128xf32, #tpu.memory_space<vmem>>, %arg16: memref<80x128xf32, #tpu.memory_space<vmem>>, %arg17: memref<80x128xf32, #tpu.memory_space<vmem>>, %arg18: memref<80x128xf32, #tpu.memory_space<vmem>>, %arg19: memref<!tpu.dma_semaphore, #tpu.memory_space<semaphore_mem>>, %arg20: memref<!tpu.dma_semaphore, #tpu.memory_space<semaphore_mem>>, %arg21: memref<!tpu.dma_semaphore, #tpu.memory_space<semaphore_mem>>, %arg22: memref<!tpu.dma_semaphore, #tpu.memory_space<semaphore_mem>>, %arg23: memref<!tpu.dma_semaphore, #tpu.memory_space<semaphore_mem>>, %arg24: memref<!tpu.dma_semaphore, #tpu.memory_space<semaphore_mem>>, %arg25: memref<!tpu.dma_semaphore, #tpu.memory_space<semaphore_mem>>, %arg26: memref<!tpu.dma_semaphore, #tpu.memory_space<semaphore_mem>>, %arg27: memref<!tpu.dma_semaphore, #tpu.memory_space<semaphore_mem>>, %arg28: memref<!tpu.dma_semaphore, #tpu.memory_space<semaphore_mem>>, %arg29: memref<!tpu.dma_semaphore, #tpu.memory_space<semaphore_mem>>, %arg30: memref<!tpu.dma_semaphore, #tpu.memory_space<semaphore_mem>>, %arg31: memref<!tpu.dma_semaphore, #tpu.memory_space<semaphore_mem>>, %arg32: memref<!tpu.dma_semaphore, #tpu.memory_space<semaphore_mem>>, %arg33: memref<!tpu.dma_semaphore, #tpu.memory_space<semaphore_mem>>, %arg34: memref<!tpu.dma_semaphore, #tpu.memory_space<semaphore_mem>>, %arg35: memref<10000x128xf32, #tpu.memory_space<vmem_shared>>) attributes {dimension_semantics = [#tpu.dimension_semantics<core_parallel>, #tpu.dimension_semantics<subcore_parallel>], iteration_bounds = array<i64: 2, 16>, scalar_prefetch = 0 : i64, scratch_operands = 29 : i64, tpu.core_type = #tpu.core_type<sc_vector_subcore>, window_params = [{transform_indices = #map}, {transform_indices = #map}, {transform_indices = #map1}, {transform_indices = #map1}, {transform_indices = #map1}]} {
    %mul3A = arith.constant 1000 : i32
    %mul3A_0 = arith.muli %arg1, %mul3A : i32
    %add3A = arith.constant 0 : i32
    %add3A_1 = arith.addi %add3A, %arg0 : i32
    %lt3A = arith.constant 10 : i32
    %lt3A_2 = arith.cmpi slt, %arg1, %lt3A : i32
    %convert_element_type3A = arith.extui %lt3A_2 : i1 to i32
    %cond3A = arith.constant 0 : i32
    %cond3A_3 = arith.cmpi ne, %convert_element_type3A, %cond3A : i32
    scf.if %cond3A_3 {
      "tpu.region"() ({
        %run_scoped3A = tpu.sem_alloc : memref<!tpu.dma_semaphore, #tpu.memory_space<semaphore_mem>>
        %dma_start3A_219 = arith.constant 0 : i32
        %dma_start3A_220 = tpu.memref_slice %arg35[%mul3A_0, %dma_start3A_219] : memref<10000x128xf32, #tpu.memory_space<vmem_shared>> -> memref<1000x128xf32, #tpu.memory_space<vmem_shared>>
        tpu.enqueue_dma source(%arg5 : memref<1000x128xf32, #tpu.memory_space<hbm>>) target(%dma_start3A_220 : memref<1000x128xf32, #tpu.memory_space<vmem_shared>>) target_semaphore(%run_scoped3A : memref<!tpu.dma_semaphore, #tpu.memory_space<semaphore_mem>>)
        %dma_wait3A_221 = arith.constant 0 : i32
        %dma_wait3A_222 = tpu.memref_slice %arg35[%mul3A_0, %dma_wait3A_221] : memref<10000x128xf32, #tpu.memory_space<vmem_shared>> -> memref<1000x128xf32, #tpu.memory_space<vmem_shared>>
        tpu.wait_dma2 semaphore(%run_scoped3A : memref<!tpu.dma_semaphore, #tpu.memory_space<semaphore_mem>>) src(%arg5 : memref<1000x128xf32, #tpu.memory_space<hbm>>) dst(%dma_wait3A_222 : memref<1000x128xf32, #tpu.memory_space<vmem_shared>>)
        tpu.yield
      }) : () -> ()
    } else {
    }
    %barrier3A = arith.constant 0 : index
    tpu.barrier barrier_id(%barrier3A)
    %mul3A_4 = arith.constant 320000 : i32
    %mul3A_5 = arith.muli %add3A_1, %mul3A_4 : i32
    %mul3A_6 = arith.constant 20000 : i32
    %mul3A_7 = arith.muli %arg1, %mul3A_6 : i32
    %add3A_8 = arith.addi %mul3A_5, %mul3A_7 : i32
    %mul3A_9 = arith.constant 20000 : i32
    %mul3A_10 = arith.muli %arg1, %mul3A_9 : i32
    %add3A_11 = arith.constant 0 : i32
    %add3A_12 = arith.addi %add3A_8, %add3A_11 : i32
    %dma_start3A = tpu.memref_slice %arg2[%add3A_12] : memref<1280000xi32, #tpu.memory_space<hbm>> -> memref<80xi32, #tpu.memory_space<hbm>>
    %dma_start3A_13 = tpu.memref_slice %arg2[%add3A_12] : memref<1280000xi32, #tpu.memory_space<hbm>> -> memref<80xi32, #tpu.memory_space<hbm>>
    tpu.enqueue_dma source(%dma_start3A_13 : memref<80xi32, #tpu.memory_space<hbm>>) target(%arg7 : memref<80xi32, #tpu.memory_space<vmem>>) target_semaphore(%arg19 : memref<!tpu.dma_semaphore, #tpu.memory_space<semaphore_mem>>)
    %add3A_14 = arith.constant 0 : i32
    %add3A_15 = arith.addi %mul3A_10, %add3A_14 : i32
    %dma_start3A_16 = tpu.memref_slice %arg3[%add3A_15] : memref<320000xi32, #tpu.memory_space<hbm>> -> memref<80xi32, #tpu.memory_space<hbm>>
    %dma_start3A_17 = tpu.memref_slice %arg3[%add3A_15] : memref<320000xi32, #tpu.memory_space<hbm>> -> memref<80xi32, #tpu.memory_space<hbm>>
    tpu.enqueue_dma source(%dma_start3A_17 : memref<80xi32, #tpu.memory_space<hbm>>) target(%arg11 : memref<80xi32, #tpu.memory_space<vmem>>) target_semaphore(%arg23 : memref<!tpu.dma_semaphore, #tpu.memory_space<semaphore_mem>>)
    %add3A_18 = arith.constant 80 : i32
    %add3A_19 = arith.addi %add3A_8, %add3A_18 : i32
    %dma_start3A_20 = tpu.memref_slice %arg2[%add3A_19] : memref<1280000xi32, #tpu.memory_space<hbm>> -> memref<80xi32, #tpu.memory_space<hbm>>
    %dma_start3A_21 = tpu.memref_slice %arg2[%add3A_19] : memref<1280000xi32, #tpu.memory_space<hbm>> -> memref<80xi32, #tpu.memory_space<hbm>>
    tpu.enqueue_dma source(%dma_start3A_21 : memref<80xi32, #tpu.memory_space<hbm>>) target(%arg8 : memref<80xi32, #tpu.memory_space<vmem>>) target_semaphore(%arg20 : memref<!tpu.dma_semaphore, #tpu.memory_space<semaphore_mem>>)
    %add3A_22 = arith.constant 80 : i32
    %add3A_23 = arith.addi %mul3A_10, %add3A_22 : i32
    %dma_start3A_24 = tpu.memref_slice %arg3[%add3A_23] : memref<320000xi32, #tpu.memory_space<hbm>> -> memref<80xi32, #tpu.memory_space<hbm>>
    %dma_start3A_25 = tpu.memref_slice %arg3[%add3A_23] : memref<320000xi32, #tpu.memory_space<hbm>> -> memref<80xi32, #tpu.memory_space<hbm>>
    tpu.enqueue_dma source(%dma_start3A_25 : memref<80xi32, #tpu.memory_space<hbm>>) target(%arg12 : memref<80xi32, #tpu.memory_space<vmem>>) target_semaphore(%arg24 : memref<!tpu.dma_semaphore, #tpu.memory_space<semaphore_mem>>)
    %add3A_26 = arith.constant 160 : i32
    %add3A_27 = arith.addi %add3A_8, %add3A_26 : i32
    %dma_start3A_28 = tpu.memref_slice %arg2[%add3A_27] : memref<1280000xi32, #tpu.memory_space<hbm>> -> memref<80xi32, #tpu.memory_space<hbm>>
    %dma_start3A_29 = tpu.memref_slice %arg2[%add3A_27] : memref<1280000xi32, #tpu.memory_space<hbm>> -> memref<80xi32, #tpu.memory_space<hbm>>
    tpu.enqueue_dma source(%dma_start3A_29 : memref<80xi32, #tpu.memory_space<hbm>>) target(%arg9 : memref<80xi32, #tpu.memory_space<vmem>>) target_semaphore(%arg21 : memref<!tpu.dma_semaphore, #tpu.memory_space<semaphore_mem>>)
    %add3A_30 = arith.constant 160 : i32
    %add3A_31 = arith.addi %mul3A_10, %add3A_30 : i32
    %dma_start3A_32 = tpu.memref_slice %arg3[%add3A_31] : memref<320000xi32, #tpu.memory_space<hbm>> -> memref<80xi32, #tpu.memory_space<hbm>>
    %dma_start3A_33 = tpu.memref_slice %arg3[%add3A_31] : memref<320000xi32, #tpu.memory_space<hbm>> -> memref<80xi32, #tpu.memory_space<hbm>>
    tpu.enqueue_dma source(%dma_start3A_33 : memref<80xi32, #tpu.memory_space<hbm>>) target(%arg13 : memref<80xi32, #tpu.memory_space<vmem>>) target_semaphore(%arg25 : memref<!tpu.dma_semaphore, #tpu.memory_space<semaphore_mem>>)
    %add3A_34 = arith.constant 240 : i32
    %add3A_35 = arith.addi %add3A_8, %add3A_34 : i32
    %dma_start3A_36 = tpu.memref_slice %arg2[%add3A_35] : memref<1280000xi32, #tpu.memory_space<hbm>> -> memref<80xi32, #tpu.memory_space<hbm>>
    %dma_start3A_37 = tpu.memref_slice %arg2[%add3A_35] : memref<1280000xi32, #tpu.memory_space<hbm>> -> memref<80xi32, #tpu.memory_space<hbm>>
    tpu.enqueue_dma source(%dma_start3A_37 : memref<80xi32, #tpu.memory_space<hbm>>) target(%arg10 : memref<80xi32, #tpu.memory_space<vmem>>) target_semaphore(%arg22 : memref<!tpu.dma_semaphore, #tpu.memory_space<semaphore_mem>>)
    %add3A_38 = arith.constant 240 : i32
    %add3A_39 = arith.addi %mul3A_10, %add3A_38 : i32
    %dma_start3A_40 = tpu.memref_slice %arg3[%add3A_39] : memref<320000xi32, #tpu.memory_space<hbm>> -> memref<80xi32, #tpu.memory_space<hbm>>
    %dma_start3A_41 = tpu.memref_slice %arg3[%add3A_39] : memref<320000xi32, #tpu.memory_space<hbm>> -> memref<80xi32, #tpu.memory_space<hbm>>
    tpu.enqueue_dma source(%dma_start3A_41 : memref<80xi32, #tpu.memory_space<hbm>>) target(%arg14 : memref<80xi32, #tpu.memory_space<vmem>>) target_semaphore(%arg26 : memref<!tpu.dma_semaphore, #tpu.memory_space<semaphore_mem>>)
    %scan3A = arith.constant 0 : i32
    %scan3A_42 = arith.constant 0 : i32
    %scan3A_43 = arith.constant 62 : i32
    %scan3A_44 = arith.addi %scan3A_42, %scan3A_43 : i32
    %scan3A_45 = arith.constant 1 : i32
    scf.for %scan3A_219 = %scan3A_42 to %scan3A_44 step %scan3A_45  : i32 {
      %mul3A_220 = arith.constant 4 : i32
      %mul3A_221 = arith.muli %scan3A_219, %mul3A_220 : i32
      %dma_wait3A_222 = arith.constant 0 : i32
      %dma_wait3A_223 = tpu.memref_slice %arg2[%dma_wait3A_222] : memref<1280000xi32, #tpu.memory_space<hbm>> -> memref<80xi32, #tpu.memory_space<hbm>>
      %dma_wait3A_224 = arith.constant 0 : i32
      %dma_wait3A_225 = tpu.memref_slice %arg2[%dma_wait3A_224] : memref<1280000xi32, #tpu.memory_space<hbm>> -> memref<80xi32, #tpu.memory_space<hbm>>
      tpu.wait_dma2 semaphore(%arg19 : memref<!tpu.dma_semaphore, #tpu.memory_space<semaphore_mem>>) src(%dma_wait3A_225 : memref<80xi32, #tpu.memory_space<hbm>>) dst(%arg7 : memref<80xi32, #tpu.memory_space<vmem>>)
      %dma_start3A_226 = arith.constant 0 : i32
      %dma_start3A_227 = arith.constant 0 : i32
      %dma_start3A_228 = tpu.memref_slice %arg4[%dma_start3A_226, %dma_start3A_227] : memref<40000x128xf32, #tpu.memory_space<hbm>> -> memref<40000x128xf32, #tpu.memory_space<hbm>>
      tpu.enqueue_indirect_dma source(%dma_start3A_228 : memref<40000x128xf32, #tpu.memory_space<hbm>>) target(%arg15 : memref<80x128xf32, #tpu.memory_space<vmem>>) offsets(%arg7 : memref<80xi32, #tpu.memory_space<vmem>>) semaphore(%arg27 : memref<!tpu.dma_semaphore, #tpu.memory_space<semaphore_mem>>)
      %dma_wait3A_229 = arith.constant 0 : i32
      %dma_wait3A_230 = tpu.memref_slice %arg2[%dma_wait3A_229] : memref<1280000xi32, #tpu.memory_space<hbm>> -> memref<80xi32, #tpu.memory_space<hbm>>
      %dma_wait3A_231 = arith.constant 0 : i32
      %dma_wait3A_232 = tpu.memref_slice %arg2[%dma_wait3A_231] : memref<1280000xi32, #tpu.memory_space<hbm>> -> memref<80xi32, #tpu.memory_space<hbm>>
      tpu.wait_dma2 semaphore(%arg20 : memref<!tpu.dma_semaphore, #tpu.memory_space<semaphore_mem>>) src(%dma_wait3A_232 : memref<80xi32, #tpu.memory_space<hbm>>) dst(%arg8 : memref<80xi32, #tpu.memory_space<vmem>>)
      %dma_start3A_233 = arith.constant 0 : i32
      %dma_start3A_234 = arith.constant 0 : i32
      %dma_start3A_235 = tpu.memref_slice %arg4[%dma_start3A_233, %dma_start3A_234] : memref<40000x128xf32, #tpu.memory_space<hbm>> -> memref<40000x128xf32, #tpu.memory_space<hbm>>
      tpu.enqueue_indirect_dma source(%dma_start3A_235 : memref<40000x128xf32, #tpu.memory_space<hbm>>) target(%arg16 : memref<80x128xf32, #tpu.memory_space<vmem>>) offsets(%arg8 : memref<80xi32, #tpu.memory_space<vmem>>) semaphore(%arg28 : memref<!tpu.dma_semaphore, #tpu.memory_space<semaphore_mem>>)
      %dma_wait3A_236 = arith.constant 0 : i32
      %dma_wait3A_237 = tpu.memref_slice %arg2[%dma_wait3A_236] : memref<1280000xi32, #tpu.memory_space<hbm>> -> memref<80xi32, #tpu.memory_space<hbm>>
      %dma_wait3A_238 = arith.constant 0 : i32
      %dma_wait3A_239 = tpu.memref_slice %arg2[%dma_wait3A_238] : memref<1280000xi32, #tpu.memory_space<hbm>> -> memref<80xi32, #tpu.memory_space<hbm>>
      tpu.wait_dma2 semaphore(%arg21 : memref<!tpu.dma_semaphore, #tpu.memory_space<semaphore_mem>>) src(%dma_wait3A_239 : memref<80xi32, #tpu.memory_space<hbm>>) dst(%arg9 : memref<80xi32, #tpu.memory_space<vmem>>)
      %dma_start3A_240 = arith.constant 0 : i32
      %dma_start3A_241 = arith.constant 0 : i32
      %dma_start3A_242 = tpu.memref_slice %arg4[%dma_start3A_240, %dma_start3A_241] : memref<40000x128xf32, #tpu.memory_space<hbm>> -> memref<40000x128xf32, #tpu.memory_space<hbm>>
      tpu.enqueue_indirect_dma source(%dma_start3A_242 : memref<40000x128xf32, #tpu.memory_space<hbm>>) target(%arg17 : memref<80x128xf32, #tpu.memory_space<vmem>>) offsets(%arg9 : memref<80xi32, #tpu.memory_space<vmem>>) semaphore(%arg29 : memref<!tpu.dma_semaphore, #tpu.memory_space<semaphore_mem>>)
      %dma_wait3A_243 = arith.constant 0 : i32
      %dma_wait3A_244 = tpu.memref_slice %arg2[%dma_wait3A_243] : memref<1280000xi32, #tpu.memory_space<hbm>> -> memref<80xi32, #tpu.memory_space<hbm>>
      %dma_wait3A_245 = arith.constant 0 : i32
      %dma_wait3A_246 = tpu.memref_slice %arg2[%dma_wait3A_245] : memref<1280000xi32, #tpu.memory_space<hbm>> -> memref<80xi32, #tpu.memory_space<hbm>>
      tpu.wait_dma2 semaphore(%arg22 : memref<!tpu.dma_semaphore, #tpu.memory_space<semaphore_mem>>) src(%dma_wait3A_246 : memref<80xi32, #tpu.memory_space<hbm>>) dst(%arg10 : memref<80xi32, #tpu.memory_space<vmem>>)
      %dma_start3A_247 = arith.constant 0 : i32
      %dma_start3A_248 = arith.constant 0 : i32
      %dma_start3A_249 = tpu.memref_slice %arg4[%dma_start3A_247, %dma_start3A_248] : memref<40000x128xf32, #tpu.memory_space<hbm>> -> memref<40000x128xf32, #tpu.memory_space<hbm>>
      tpu.enqueue_indirect_dma source(%dma_start3A_249 : memref<40000x128xf32, #tpu.memory_space<hbm>>) target(%arg18 : memref<80x128xf32, #tpu.memory_space<vmem>>) offsets(%arg10 : memref<80xi32, #tpu.memory_space<vmem>>) semaphore(%arg30 : memref<!tpu.dma_semaphore, #tpu.memory_space<semaphore_mem>>)
      %dma_wait3A_250 = arith.constant 0 : i32
      %dma_wait3A_251 = arith.constant 0 : i32
      %dma_wait3A_252 = tpu.memref_slice %arg4[%dma_wait3A_250, %dma_wait3A_251] : memref<40000x128xf32, #tpu.memory_space<hbm>> -> memref<40000x128xf32, #tpu.memory_space<hbm>>
      tpu.wait_indirect_dma semaphore(%arg27 : memref<!tpu.dma_semaphore, #tpu.memory_space<semaphore_mem>>) src(%dma_wait3A_252 : memref<40000x128xf32, #tpu.memory_space<hbm>>) dst(%arg15 : memref<80x128xf32, #tpu.memory_space<vmem>>)
      %dma_wait3A_253 = arith.constant 0 : i32
      %dma_wait3A_254 = tpu.memref_slice %arg3[%dma_wait3A_253] : memref<320000xi32, #tpu.memory_space<hbm>> -> memref<80xi32, #tpu.memory_space<hbm>>
      %dma_wait3A_255 = arith.constant 0 : i32
      %dma_wait3A_256 = tpu.memref_slice %arg3[%dma_wait3A_255] : memref<320000xi32, #tpu.memory_space<hbm>> -> memref<80xi32, #tpu.memory_space<hbm>>
      tpu.wait_dma2 semaphore(%arg23 : memref<!tpu.dma_semaphore, #tpu.memory_space<semaphore_mem>>) src(%dma_wait3A_256 : memref<80xi32, #tpu.memory_space<hbm>>) dst(%arg11 : memref<80xi32, #tpu.memory_space<vmem>>)
      %dma_start3A_257 = arith.constant 0 : i32
      %dma_start3A_258 = arith.constant 0 : i32
      %dma_start3A_259 = tpu.memref_slice %arg35[%dma_start3A_257, %dma_start3A_258] : memref<10000x128xf32, #tpu.memory_space<vmem_shared>> -> memref<10000x128xf32, #tpu.memory_space<vmem_shared>>
      tpu.enqueue_indirect_dma source(%arg15 : memref<80x128xf32, #tpu.memory_space<vmem>>) target(%dma_start3A_259 : memref<10000x128xf32, #tpu.memory_space<vmem_shared>>) offsets(%arg11 : memref<80xi32, #tpu.memory_space<vmem>>) semaphore(%arg31 : memref<!tpu.dma_semaphore, #tpu.memory_space<semaphore_mem>>) {add = true}
      %dma_wait3A_260 = arith.constant 0 : i32
      %dma_wait3A_261 = arith.constant 0 : i32
      %dma_wait3A_262 = tpu.memref_slice %arg4[%dma_wait3A_260, %dma_wait3A_261] : memref<40000x128xf32, #tpu.memory_space<hbm>> -> memref<40000x128xf32, #tpu.memory_space<hbm>>
      tpu.wait_indirect_dma semaphore(%arg28 : memref<!tpu.dma_semaphore, #tpu.memory_space<semaphore_mem>>) src(%dma_wait3A_262 : memref<40000x128xf32, #tpu.memory_space<hbm>>) dst(%arg16 : memref<80x128xf32, #tpu.memory_space<vmem>>)
      %dma_wait3A_263 = arith.constant 0 : i32
      %dma_wait3A_264 = tpu.memref_slice %arg3[%dma_wait3A_263] : memref<320000xi32, #tpu.memory_space<hbm>> -> memref<80xi32, #tpu.memory_space<hbm>>
      %dma_wait3A_265 = arith.constant 0 : i32
      %dma_wait3A_266 = tpu.memref_slice %arg3[%dma_wait3A_265] : memref<320000xi32, #tpu.memory_space<hbm>> -> memref<80xi32, #tpu.memory_space<hbm>>
      tpu.wait_dma2 semaphore(%arg24 : memref<!tpu.dma_semaphore, #tpu.memory_space<semaphore_mem>>) src(%dma_wait3A_266 : memref<80xi32, #tpu.memory_space<hbm>>) dst(%arg12 : memref<80xi32, #tpu.memory_space<vmem>>)
      %dma_start3A_267 = arith.constant 0 : i32
      %dma_start3A_268 = arith.constant 0 : i32
      %dma_start3A_269 = tpu.memref_slice %arg35[%dma_start3A_267, %dma_start3A_268] : memref<10000x128xf32, #tpu.memory_space<vmem_shared>> -> memref<10000x128xf32, #tpu.memory_space<vmem_shared>>
      tpu.enqueue_indirect_dma source(%arg16 : memref<80x128xf32, #tpu.memory_space<vmem>>) target(%dma_start3A_269 : memref<10000x128xf32, #tpu.memory_space<vmem_shared>>) offsets(%arg12 : memref<80xi32, #tpu.memory_space<vmem>>) semaphore(%arg32 : memref<!tpu.dma_semaphore, #tpu.memory_space<semaphore_mem>>) {add = true}
      %dma_wait3A_270 = arith.constant 0 : i32
      %dma_wait3A_271 = arith.constant 0 : i32
      %dma_wait3A_272 = tpu.memref_slice %arg4[%dma_wait3A_270, %dma_wait3A_271] : memref<40000x128xf32, #tpu.memory_space<hbm>> -> memref<40000x128xf32, #tpu.memory_space<hbm>>
      tpu.wait_indirect_dma semaphore(%arg29 : memref<!tpu.dma_semaphore, #tpu.memory_space<semaphore_mem>>) src(%dma_wait3A_272 : memref<40000x128xf32, #tpu.memory_space<hbm>>) dst(%arg17 : memref<80x128xf32, #tpu.memory_space<vmem>>)
      %dma_wait3A_273 = arith.constant 0 : i32
      %dma_wait3A_274 = tpu.memref_slice %arg3[%dma_wait3A_273] : memref<320000xi32, #tpu.memory_space<hbm>> -> memref<80xi32, #tpu.memory_space<hbm>>
      %dma_wait3A_275 = arith.constant 0 : i32
      %dma_wait3A_276 = tpu.memref_slice %arg3[%dma_wait3A_275] : memref<320000xi32, #tpu.memory_space<hbm>> -> memref<80xi32, #tpu.memory_space<hbm>>
      tpu.wait_dma2 semaphore(%arg25 : memref<!tpu.dma_semaphore, #tpu.memory_space<semaphore_mem>>) src(%dma_wait3A_276 : memref<80xi32, #tpu.memory_space<hbm>>) dst(%arg13 : memref<80xi32, #tpu.memory_space<vmem>>)
      %dma_start3A_277 = arith.constant 0 : i32
      %dma_start3A_278 = arith.constant 0 : i32
      %dma_start3A_279 = tpu.memref_slice %arg35[%dma_start3A_277, %dma_start3A_278] : memref<10000x128xf32, #tpu.memory_space<vmem_shared>> -> memref<10000x128xf32, #tpu.memory_space<vmem_shared>>
      tpu.enqueue_indirect_dma source(%arg17 : memref<80x128xf32, #tpu.memory_space<vmem>>) target(%dma_start3A_279 : memref<10000x128xf32, #tpu.memory_space<vmem_shared>>) offsets(%arg13 : memref<80xi32, #tpu.memory_space<vmem>>) semaphore(%arg33 : memref<!tpu.dma_semaphore, #tpu.memory_space<semaphore_mem>>) {add = true}
      %dma_wait3A_280 = arith.constant 0 : i32
      %dma_wait3A_281 = arith.constant 0 : i32
      %dma_wait3A_282 = tpu.memref_slice %arg4[%dma_wait3A_280, %dma_wait3A_281] : memref<40000x128xf32, #tpu.memory_space<hbm>> -> memref<40000x128xf32, #tpu.memory_space<hbm>>
      tpu.wait_indirect_dma semaphore(%arg30 : memref<!tpu.dma_semaphore, #tpu.memory_space<semaphore_mem>>) src(%dma_wait3A_282 : memref<40000x128xf32, #tpu.memory_space<hbm>>) dst(%arg18 : memref<80x128xf32, #tpu.memory_space<vmem>>)
      %dma_wait3A_283 = arith.constant 0 : i32
      %dma_wait3A_284 = tpu.memref_slice %arg3[%dma_wait3A_283] : memref<320000xi32, #tpu.memory_space<hbm>> -> memref<80xi32, #tpu.memory_space<hbm>>
      %dma_wait3A_285 = arith.constant 0 : i32
      %dma_wait3A_286 = tpu.memref_slice %arg3[%dma_wait3A_285] : memref<320000xi32, #tpu.memory_space<hbm>> -> memref<80xi32, #tpu.memory_space<hbm>>
      tpu.wait_dma2 semaphore(%arg26 : memref<!tpu.dma_semaphore, #tpu.memory_space<semaphore_mem>>) src(%dma_wait3A_286 : memref<80xi32, #tpu.memory_space<hbm>>) dst(%arg14 : memref<80xi32, #tpu.memory_space<vmem>>)
      %dma_start3A_287 = arith.constant 0 : i32
      %dma_start3A_288 = arith.constant 0 : i32
      %dma_start3A_289 = tpu.memref_slice %arg35[%dma_start3A_287, %dma_start3A_288] : memref<10000x128xf32, #tpu.memory_space<vmem_shared>> -> memref<10000x128xf32, #tpu.memory_space<vmem_shared>>
      tpu.enqueue_indirect_dma source(%arg18 : memref<80x128xf32, #tpu.memory_space<vmem>>) target(%dma_start3A_289 : memref<10000x128xf32, #tpu.memory_space<vmem_shared>>) offsets(%arg14 : memref<80xi32, #tpu.memory_space<vmem>>) semaphore(%arg34 : memref<!tpu.dma_semaphore, #tpu.memory_space<semaphore_mem>>) {add = true}
      %dma_wait3A_290 = arith.constant 0 : i32
      %dma_wait3A_291 = arith.constant 0 : i32
      %dma_wait3A_292 = tpu.memref_slice %arg35[%dma_wait3A_290, %dma_wait3A_291] : memref<10000x128xf32, #tpu.memory_space<vmem_shared>> -> memref<10000x128xf32, #tpu.memory_space<vmem_shared>>
      tpu.wait_indirect_dma semaphore(%arg31 : memref<!tpu.dma_semaphore, #tpu.memory_space<semaphore_mem>>) src(%arg15 : memref<80x128xf32, #tpu.memory_space<vmem>>) dst(%dma_wait3A_292 : memref<10000x128xf32, #tpu.memory_space<vmem_shared>>)
      %lt3A_293 = arith.constant 61 : i32
      %lt3A_294 = arith.cmpi slt, %scan3A_219, %lt3A_293 : i32
      %convert_element_type3A_295 = arith.extui %lt3A_294 : i1 to i32
      %cond3A_296 = arith.constant 0 : i32
      %cond3A_297 = arith.cmpi ne, %convert_element_type3A_295, %cond3A_296 : i32
      scf.if %cond3A_297 {
        %add3A_322 = arith.constant 4 : i32
        %add3A_323 = arith.addi %mul3A_221, %add3A_322 : i32
        %add3A_324 = arith.constant 0 : i32
        %add3A_325 = arith.addi %add3A_323, %add3A_324 : i32
        %mul3A_326 = arith.constant 80 : i32
        %mul3A_327 = arith.muli %add3A_325, %mul3A_326 : i32
        %add3A_328 = arith.addi %add3A_8, %mul3A_327 : i32
        %dma_start3A_329 = tpu.memref_slice %arg2[%add3A_328] : memref<1280000xi32, #tpu.memory_space<hbm>> -> memref<80xi32, #tpu.memory_space<hbm>>
        %dma_start3A_330 = tpu.memref_slice %arg2[%add3A_328] : memref<1280000xi32, #tpu.memory_space<hbm>> -> memref<80xi32, #tpu.memory_space<hbm>>
        tpu.enqueue_dma source(%dma_start3A_330 : memref<80xi32, #tpu.memory_space<hbm>>) target(%arg7 : memref<80xi32, #tpu.memory_space<vmem>>) target_semaphore(%arg19 : memref<!tpu.dma_semaphore, #tpu.memory_space<semaphore_mem>>)
        %add3A_331 = arith.constant 4 : i32
        %add3A_332 = arith.addi %mul3A_221, %add3A_331 : i32
        %add3A_333 = arith.constant 0 : i32
        %add3A_334 = arith.addi %add3A_332, %add3A_333 : i32
        %mul3A_335 = arith.constant 80 : i32
        %mul3A_336 = arith.muli %add3A_334, %mul3A_335 : i32
        %add3A_337 = arith.addi %mul3A_10, %mul3A_336 : i32
        %dma_start3A_338 = tpu.memref_slice %arg3[%add3A_337] : memref<320000xi32, #tpu.memory_space<hbm>> -> memref<80xi32, #tpu.memory_space<hbm>>
        %dma_start3A_339 = tpu.memref_slice %arg3[%add3A_337] : memref<320000xi32, #tpu.memory_space<hbm>> -> memref<80xi32, #tpu.memory_space<hbm>>
        tpu.enqueue_dma source(%dma_start3A_339 : memref<80xi32, #tpu.memory_space<hbm>>) target(%arg11 : memref<80xi32, #tpu.memory_space<vmem>>) target_semaphore(%arg23 : memref<!tpu.dma_semaphore, #tpu.memory_space<semaphore_mem>>)
      } else {
      }
      %dma_wait3A_298 = arith.constant 0 : i32
      %dma_wait3A_299 = arith.constant 0 : i32
      %dma_wait3A_300 = tpu.memref_slice %arg35[%dma_wait3A_298, %dma_wait3A_299] : memref<10000x128xf32, #tpu.memory_space<vmem_shared>> -> memref<10000x128xf32, #tpu.memory_space<vmem_shared>>
      tpu.wait_indirect_dma semaphore(%arg32 : memref<!tpu.dma_semaphore, #tpu.memory_space<semaphore_mem>>) src(%arg16 : memref<80x128xf32, #tpu.memory_space<vmem>>) dst(%dma_wait3A_300 : memref<10000x128xf32, #tpu.memory_space<vmem_shared>>)
      %lt3A_301 = arith.constant 61 : i32
      %lt3A_302 = arith.cmpi slt, %scan3A_219, %lt3A_301 : i32
      %convert_element_type3A_303 = arith.extui %lt3A_302 : i1 to i32
      %cond3A_304 = arith.constant 0 : i32
      %cond3A_305 = arith.cmpi ne, %convert_element_type3A_303, %cond3A_304 : i32
      scf.if %cond3A_305 {
        %add3A_322 = arith.constant 4 : i32
        %add3A_323 = arith.addi %mul3A_221, %add3A_322 : i32
        %add3A_324 = arith.constant 1 : i32
        %add3A_325 = arith.addi %add3A_323, %add3A_324 : i32
        %mul3A_326 = arith.constant 80 : i32
        %mul3A_327 = arith.muli %add3A_325, %mul3A_326 : i32
        %add3A_328 = arith.addi %add3A_8, %mul3A_327 : i32
        %dma_start3A_329 = tpu.memref_slice %arg2[%add3A_328] : memref<1280000xi32, #tpu.memory_space<hbm>> -> memref<80xi32, #tpu.memory_space<hbm>>
        %dma_start3A_330 = tpu.memref_slice %arg2[%add3A_328] : memref<1280000xi32, #tpu.memory_space<hbm>> -> memref<80xi32, #tpu.memory_space<hbm>>
        tpu.enqueue_dma source(%dma_start3A_330 : memref<80xi32, #tpu.memory_space<hbm>>) target(%arg8 : memref<80xi32, #tpu.memory_space<vmem>>) target_semaphore(%arg20 : memref<!tpu.dma_semaphore, #tpu.memory_space<semaphore_mem>>)
        %add3A_331 = arith.constant 4 : i32
        %add3A_332 = arith.addi %mul3A_221, %add3A_331 : i32
        %add3A_333 = arith.constant 1 : i32
        %add3A_334 = arith.addi %add3A_332, %add3A_333 : i32
        %mul3A_335 = arith.constant 80 : i32
        %mul3A_336 = arith.muli %add3A_334, %mul3A_335 : i32
        %add3A_337 = arith.addi %mul3A_10, %mul3A_336 : i32
        %dma_start3A_338 = tpu.memref_slice %arg3[%add3A_337] : memref<320000xi32, #tpu.memory_space<hbm>> -> memref<80xi32, #tpu.memory_space<hbm>>
        %dma_start3A_339 = tpu.memref_slice %arg3[%add3A_337] : memref<320000xi32, #tpu.memory_space<hbm>> -> memref<80xi32, #tpu.memory_space<hbm>>
        tpu.enqueue_dma source(%dma_start3A_339 : memref<80xi32, #tpu.memory_space<hbm>>) target(%arg12 : memref<80xi32, #tpu.memory_space<vmem>>) target_semaphore(%arg24 : memref<!tpu.dma_semaphore, #tpu.memory_space<semaphore_mem>>)
      } else {
      }
      %dma_wait3A_306 = arith.constant 0 : i32
      %dma_wait3A_307 = arith.constant 0 : i32
      %dma_wait3A_308 = tpu.memref_slice %arg35[%dma_wait3A_306, %dma_wait3A_307] : memref<10000x128xf32, #tpu.memory_space<vmem_shared>> -> memref<10000x128xf32, #tpu.memory_space<vmem_shared>>
      tpu.wait_indirect_dma semaphore(%arg33 : memref<!tpu.dma_semaphore, #tpu.memory_space<semaphore_mem>>) src(%arg17 : memref<80x128xf32, #tpu.memory_space<vmem>>) dst(%dma_wait3A_308 : memref<10000x128xf32, #tpu.memory_space<vmem_shared>>)
      %lt3A_309 = arith.constant 61 : i32
      %lt3A_310 = arith.cmpi slt, %scan3A_219, %lt3A_309 : i32
      %convert_element_type3A_311 = arith.extui %lt3A_310 : i1 to i32
      %cond3A_312 = arith.constant 0 : i32
      %cond3A_313 = arith.cmpi ne, %convert_element_type3A_311, %cond3A_312 : i32
      scf.if %cond3A_313 {
        %add3A_322 = arith.constant 4 : i32
        %add3A_323 = arith.addi %mul3A_221, %add3A_322 : i32
        %add3A_324 = arith.constant 2 : i32
        %add3A_325 = arith.addi %add3A_323, %add3A_324 : i32
        %mul3A_326 = arith.constant 80 : i32
        %mul3A_327 = arith.muli %add3A_325, %mul3A_326 : i32
        %add3A_328 = arith.addi %add3A_8, %mul3A_327 : i32
        %dma_start3A_329 = tpu.memref_slice %arg2[%add3A_328] : memref<1280000xi32, #tpu.memory_space<hbm>> -> memref<80xi32, #tpu.memory_space<hbm>>
        %dma_start3A_330 = tpu.memref_slice %arg2[%add3A_328] : memref<1280000xi32, #tpu.memory_space<hbm>> -> memref<80xi32, #tpu.memory_space<hbm>>
        tpu.enqueue_dma source(%dma_start3A_330 : memref<80xi32, #tpu.memory_space<hbm>>) target(%arg9 : memref<80xi32, #tpu.memory_space<vmem>>) target_semaphore(%arg21 : memref<!tpu.dma_semaphore, #tpu.memory_space<semaphore_mem>>)
        %add3A_331 = arith.constant 4 : i32
        %add3A_332 = arith.addi %mul3A_221, %add3A_331 : i32
        %add3A_333 = arith.constant 2 : i32
        %add3A_334 = arith.addi %add3A_332, %add3A_333 : i32
        %mul3A_335 = arith.constant 80 : i32
        %mul3A_336 = arith.muli %add3A_334, %mul3A_335 : i32
        %add3A_337 = arith.addi %mul3A_10, %mul3A_336 : i32
        %dma_start3A_338 = tpu.memref_slice %arg3[%add3A_337] : memref<320000xi32, #tpu.memory_space<hbm>> -> memref<80xi32, #tpu.memory_space<hbm>>
        %dma_start3A_339 = tpu.memref_slice %arg3[%add3A_337] : memref<320000xi32, #tpu.memory_space<hbm>> -> memref<80xi32, #tpu.memory_space<hbm>>
        tpu.enqueue_dma source(%dma_start3A_339 : memref<80xi32, #tpu.memory_space<hbm>>) target(%arg13 : memref<80xi32, #tpu.memory_space<vmem>>) target_semaphore(%arg25 : memref<!tpu.dma_semaphore, #tpu.memory_space<semaphore_mem>>)
      } else {
      }
      %dma_wait3A_314 = arith.constant 0 : i32
      %dma_wait3A_315 = arith.constant 0 : i32
      %dma_wait3A_316 = tpu.memref_slice %arg35[%dma_wait3A_314, %dma_wait3A_315] : memref<10000x128xf32, #tpu.memory_space<vmem_shared>> -> memref<10000x128xf32, #tpu.memory_space<vmem_shared>>
      tpu.wait_indirect_dma semaphore(%arg34 : memref<!tpu.dma_semaphore, #tpu.memory_space<semaphore_mem>>) src(%arg18 : memref<80x128xf32, #tpu.memory_space<vmem>>) dst(%dma_wait3A_316 : memref<10000x128xf32, #tpu.memory_space<vmem_shared>>)
      %lt3A_317 = arith.constant 61 : i32
      %lt3A_318 = arith.cmpi slt, %scan3A_219, %lt3A_317 : i32
      %convert_element_type3A_319 = arith.extui %lt3A_318 : i1 to i32
      %cond3A_320 = arith.constant 0 : i32
      %cond3A_321 = arith.cmpi ne, %convert_element_type3A_319, %cond3A_320 : i32
      scf.if %cond3A_321 {
        %add3A_322 = arith.constant 4 : i32
        %add3A_323 = arith.addi %mul3A_221, %add3A_322 : i32
        %add3A_324 = arith.constant 3 : i32
        %add3A_325 = arith.addi %add3A_323, %add3A_324 : i32
        %mul3A_326 = arith.constant 80 : i32
        %mul3A_327 = arith.muli %add3A_325, %mul3A_326 : i32
        %add3A_328 = arith.addi %add3A_8, %mul3A_327 : i32
        %dma_start3A_329 = tpu.memref_slice %arg2[%add3A_328] : memref<1280000xi32, #tpu.memory_space<hbm>> -> memref<80xi32, #tpu.memory_space<hbm>>
        %dma_start3A_330 = tpu.memref_slice %arg2[%add3A_328] : memref<1280000xi32, #tpu.memory_space<hbm>> -> memref<80xi32, #tpu.memory_space<hbm>>
        tpu.enqueue_dma source(%dma_start3A_330 : memref<80xi32, #tpu.memory_space<hbm>>) target(%arg10 : memref<80xi32, #tpu.memory_space<vmem>>) target_semaphore(%arg22 : memref<!tpu.dma_semaphore, #tpu.memory_space<semaphore_mem>>)
        %add3A_331 = arith.constant 4 : i32
        %add3A_332 = arith.addi %mul3A_221, %add3A_331 : i32
        %add3A_333 = arith.constant 3 : i32
        %add3A_334 = arith.addi %add3A_332, %add3A_333 : i32
        %mul3A_335 = arith.constant 80 : i32
        %mul3A_336 = arith.muli %add3A_334, %mul3A_335 : i32
        %add3A_337 = arith.addi %mul3A_10, %mul3A_336 : i32
        %dma_start3A_338 = tpu.memref_slice %arg3[%add3A_337] : memref<320000xi32, #tpu.memory_space<hbm>> -> memref<80xi32, #tpu.memory_space<hbm>>
        %dma_start3A_339 = tpu.memref_slice %arg3[%add3A_337] : memref<320000xi32, #tpu.memory_space<hbm>> -> memref<80xi32, #tpu.memory_space<hbm>>
        tpu.enqueue_dma source(%dma_start3A_339 : memref<80xi32, #tpu.memory_space<hbm>>) target(%arg14 : memref<80xi32, #tpu.memory_space<vmem>>) target_semaphore(%arg26 : memref<!tpu.dma_semaphore, #tpu.memory_space<semaphore_mem>>)
      } else {
      }
    }
    %scan3A_46 = arith.constant 62 : i32
    %add3A_47 = arith.constant 19840 : i32
    %add3A_48 = arith.addi %add3A_8, %add3A_47 : i32
    %dma_start3A_49 = tpu.memref_slice %arg2[%add3A_48] : memref<1280000xi32, #tpu.memory_space<hbm>> -> memref<80xi32, #tpu.memory_space<hbm>>
    %dma_start3A_50 = tpu.memref_slice %arg2[%add3A_48] : memref<1280000xi32, #tpu.memory_space<hbm>> -> memref<80xi32, #tpu.memory_space<hbm>>
    tpu.enqueue_dma source(%dma_start3A_50 : memref<80xi32, #tpu.memory_space<hbm>>) target(%arg7 : memref<80xi32, #tpu.memory_space<vmem>>) target_semaphore(%arg19 : memref<!tpu.dma_semaphore, #tpu.memory_space<semaphore_mem>>)
    %dma_wait3A = tpu.memref_slice %arg2[%add3A_48] : memref<1280000xi32, #tpu.memory_space<hbm>> -> memref<80xi32, #tpu.memory_space<hbm>>
    %dma_wait3A_51 = tpu.memref_slice %arg2[%add3A_48] : memref<1280000xi32, #tpu.memory_space<hbm>> -> memref<80xi32, #tpu.memory_space<hbm>>
    tpu.wait_dma2 semaphore(%arg19 : memref<!tpu.dma_semaphore, #tpu.memory_space<semaphore_mem>>) src(%dma_wait3A_51 : memref<80xi32, #tpu.memory_space<hbm>>) dst(%arg7 : memref<80xi32, #tpu.memory_space<vmem>>)
    %add3A_52 = arith.constant 19840 : i32
    %add3A_53 = arith.addi %mul3A_10, %add3A_52 : i32
    %dma_start3A_54 = tpu.memref_slice %arg3[%add3A_53] : memref<320000xi32, #tpu.memory_space<hbm>> -> memref<80xi32, #tpu.memory_space<hbm>>
    %dma_start3A_55 = tpu.memref_slice %arg3[%add3A_53] : memref<320000xi32, #tpu.memory_space<hbm>> -> memref<80xi32, #tpu.memory_space<hbm>>
    tpu.enqueue_dma source(%dma_start3A_55 : memref<80xi32, #tpu.memory_space<hbm>>) target(%arg11 : memref<80xi32, #tpu.memory_space<vmem>>) target_semaphore(%arg23 : memref<!tpu.dma_semaphore, #tpu.memory_space<semaphore_mem>>)
    %dma_wait3A_56 = tpu.memref_slice %arg3[%add3A_53] : memref<320000xi32, #tpu.memory_space<hbm>> -> memref<80xi32, #tpu.memory_space<hbm>>
    %dma_wait3A_57 = tpu.memref_slice %arg3[%add3A_53] : memref<320000xi32, #tpu.memory_space<hbm>> -> memref<80xi32, #tpu.memory_space<hbm>>
    tpu.wait_dma2 semaphore(%arg23 : memref<!tpu.dma_semaphore, #tpu.memory_space<semaphore_mem>>) src(%dma_wait3A_57 : memref<80xi32, #tpu.memory_space<hbm>>) dst(%arg11 : memref<80xi32, #tpu.memory_space<vmem>>)
    %dma_start3A_58 = arith.constant 0 : i32
    %dma_start3A_59 = arith.constant 0 : i32
    %dma_start3A_60 = tpu.memref_slice %arg4[%dma_start3A_58, %dma_start3A_59] : memref<40000x128xf32, #tpu.memory_space<hbm>> -> memref<40000x128xf32, #tpu.memory_space<hbm>>
    tpu.enqueue_indirect_dma source(%dma_start3A_60 : memref<40000x128xf32, #tpu.memory_space<hbm>>) target(%arg15 : memref<80x128xf32, #tpu.memory_space<vmem>>) offsets(%arg7 : memref<80xi32, #tpu.memory_space<vmem>>) semaphore(%arg27 : memref<!tpu.dma_semaphore, #tpu.memory_space<semaphore_mem>>)
    %dma_wait3A_61 = arith.constant 0 : i32
    %dma_wait3A_62 = arith.constant 0 : i32
    %dma_wait3A_63 = tpu.memref_slice %arg4[%dma_wait3A_61, %dma_wait3A_62] : memref<40000x128xf32, #tpu.memory_space<hbm>> -> memref<40000x128xf32, #tpu.memory_space<hbm>>
    tpu.wait_indirect_dma semaphore(%arg27 : memref<!tpu.dma_semaphore, #tpu.memory_space<semaphore_mem>>) src(%dma_wait3A_63 : memref<40000x128xf32, #tpu.memory_space<hbm>>) dst(%arg15 : memref<80x128xf32, #tpu.memory_space<vmem>>)
    %dma_start3A_64 = arith.constant 0 : i32
    %dma_start3A_65 = arith.constant 0 : i32
    %dma_start3A_66 = tpu.memref_slice %arg35[%dma_start3A_64, %dma_start3A_65] : memref<10000x128xf32, #tpu.memory_space<vmem_shared>> -> memref<10000x128xf32, #tpu.memory_space<vmem_shared>>
    tpu.enqueue_indirect_dma source(%arg15 : memref<80x128xf32, #tpu.memory_space<vmem>>) target(%dma_start3A_66 : memref<10000x128xf32, #tpu.memory_space<vmem_shared>>) offsets(%arg11 : memref<80xi32, #tpu.memory_space<vmem>>) semaphore(%arg31 : memref<!tpu.dma_semaphore, #tpu.memory_space<semaphore_mem>>) {add = true}
    %dma_wait3A_67 = arith.constant 0 : i32
    %dma_wait3A_68 = arith.constant 0 : i32
    %dma_wait3A_69 = tpu.memref_slice %arg35[%dma_wait3A_67, %dma_wait3A_68] : memref<10000x128xf32, #tpu.memory_space<vmem_shared>> -> memref<10000x128xf32, #tpu.memory_space<vmem_shared>>
    tpu.wait_indirect_dma semaphore(%arg31 : memref<!tpu.dma_semaphore, #tpu.memory_space<semaphore_mem>>) src(%arg15 : memref<80x128xf32, #tpu.memory_space<vmem>>) dst(%dma_wait3A_69 : memref<10000x128xf32, #tpu.memory_space<vmem_shared>>)
    %add3A_70 = arith.constant 19920 : i32
    %add3A_71 = arith.addi %add3A_8, %add3A_70 : i32
    %dma_start3A_72 = tpu.memref_slice %arg2[%add3A_71] : memref<1280000xi32, #tpu.memory_space<hbm>> -> memref<80xi32, #tpu.memory_space<hbm>>
    %dma_start3A_73 = tpu.memref_slice %arg2[%add3A_71] : memref<1280000xi32, #tpu.memory_space<hbm>> -> memref<80xi32, #tpu.memory_space<hbm>>
    tpu.enqueue_dma source(%dma_start3A_73 : memref<80xi32, #tpu.memory_space<hbm>>) target(%arg8 : memref<80xi32, #tpu.memory_space<vmem>>) target_semaphore(%arg20 : memref<!tpu.dma_semaphore, #tpu.memory_space<semaphore_mem>>)
    %dma_wait3A_74 = tpu.memref_slice %arg2[%add3A_71] : memref<1280000xi32, #tpu.memory_space<hbm>> -> memref<80xi32, #tpu.memory_space<hbm>>
    %dma_wait3A_75 = tpu.memref_slice %arg2[%add3A_71] : memref<1280000xi32, #tpu.memory_space<hbm>> -> memref<80xi32, #tpu.memory_space<hbm>>
    tpu.wait_dma2 semaphore(%arg20 : memref<!tpu.dma_semaphore, #tpu.memory_space<semaphore_mem>>) src(%dma_wait3A_75 : memref<80xi32, #tpu.memory_space<hbm>>) dst(%arg8 : memref<80xi32, #tpu.memory_space<vmem>>)
    %add3A_76 = arith.constant 19920 : i32
    %add3A_77 = arith.addi %mul3A_10, %add3A_76 : i32
    %dma_start3A_78 = tpu.memref_slice %arg3[%add3A_77] : memref<320000xi32, #tpu.memory_space<hbm>> -> memref<80xi32, #tpu.memory_space<hbm>>
    %dma_start3A_79 = tpu.memref_slice %arg3[%add3A_77] : memref<320000xi32, #tpu.memory_space<hbm>> -> memref<80xi32, #tpu.memory_space<hbm>>
    tpu.enqueue_dma source(%dma_start3A_79 : memref<80xi32, #tpu.memory_space<hbm>>) target(%arg12 : memref<80xi32, #tpu.memory_space<vmem>>) target_semaphore(%arg24 : memref<!tpu.dma_semaphore, #tpu.memory_space<semaphore_mem>>)
    %dma_wait3A_80 = tpu.memref_slice %arg3[%add3A_77] : memref<320000xi32, #tpu.memory_space<hbm>> -> memref<80xi32, #tpu.memory_space<hbm>>
    %dma_wait3A_81 = tpu.memref_slice %arg3[%add3A_77] : memref<320000xi32, #tpu.memory_space<hbm>> -> memref<80xi32, #tpu.memory_space<hbm>>
    tpu.wait_dma2 semaphore(%arg24 : memref<!tpu.dma_semaphore, #tpu.memory_space<semaphore_mem>>) src(%dma_wait3A_81 : memref<80xi32, #tpu.memory_space<hbm>>) dst(%arg12 : memref<80xi32, #tpu.memory_space<vmem>>)
    %dma_start3A_82 = arith.constant 0 : i32
    %dma_start3A_83 = arith.constant 0 : i32
    %dma_start3A_84 = tpu.memref_slice %arg4[%dma_start3A_82, %dma_start3A_83] : memref<40000x128xf32, #tpu.memory_space<hbm>> -> memref<40000x128xf32, #tpu.memory_space<hbm>>
    tpu.enqueue_indirect_dma source(%dma_start3A_84 : memref<40000x128xf32, #tpu.memory_space<hbm>>) target(%arg16 : memref<80x128xf32, #tpu.memory_space<vmem>>) offsets(%arg8 : memref<80xi32, #tpu.memory_space<vmem>>) semaphore(%arg28 : memref<!tpu.dma_semaphore, #tpu.memory_space<semaphore_mem>>)
    %dma_wait3A_85 = arith.constant 0 : i32
    %dma_wait3A_86 = arith.constant 0 : i32
    %dma_wait3A_87 = tpu.memref_slice %arg4[%dma_wait3A_85, %dma_wait3A_86] : memref<40000x128xf32, #tpu.memory_space<hbm>> -> memref<40000x128xf32, #tpu.memory_space<hbm>>
    tpu.wait_indirect_dma semaphore(%arg28 : memref<!tpu.dma_semaphore, #tpu.memory_space<semaphore_mem>>) src(%dma_wait3A_87 : memref<40000x128xf32, #tpu.memory_space<hbm>>) dst(%arg16 : memref<80x128xf32, #tpu.memory_space<vmem>>)
    %dma_start3A_88 = arith.constant 0 : i32
    %dma_start3A_89 = arith.constant 0 : i32
    %dma_start3A_90 = tpu.memref_slice %arg35[%dma_start3A_88, %dma_start3A_89] : memref<10000x128xf32, #tpu.memory_space<vmem_shared>> -> memref<10000x128xf32, #tpu.memory_space<vmem_shared>>
    tpu.enqueue_indirect_dma source(%arg16 : memref<80x128xf32, #tpu.memory_space<vmem>>) target(%dma_start3A_90 : memref<10000x128xf32, #tpu.memory_space<vmem_shared>>) offsets(%arg12 : memref<80xi32, #tpu.memory_space<vmem>>) semaphore(%arg32 : memref<!tpu.dma_semaphore, #tpu.memory_space<semaphore_mem>>) {add = true}
    %dma_wait3A_91 = arith.constant 0 : i32
    %dma_wait3A_92 = arith.constant 0 : i32
    %dma_wait3A_93 = tpu.memref_slice %arg35[%dma_wait3A_91, %dma_wait3A_92] : memref<10000x128xf32, #tpu.memory_space<vmem_shared>> -> memref<10000x128xf32, #tpu.memory_space<vmem_shared>>
    tpu.wait_indirect_dma semaphore(%arg32 : memref<!tpu.dma_semaphore, #tpu.memory_space<semaphore_mem>>) src(%arg16 : memref<80x128xf32, #tpu.memory_space<vmem>>) dst(%dma_wait3A_93 : memref<10000x128xf32, #tpu.memory_space<vmem_shared>>)
    %lt3A_94 = arith.constant 0 : i32
    %lt3A_95 = arith.cmpi slt, %arg1, %lt3A_94 : i32
    %convert_element_type3A_96 = arith.extui %lt3A_95 : i1 to i32
    %cond3A_97 = arith.constant 0 : i32
    %cond3A_98 = arith.cmpi ne, %convert_element_type3A_96, %cond3A_97 : i32
    scf.if %cond3A_98 {
      %add3A_219 = arith.constant 4000 : i32
      %add3A_220 = arith.addi %add3A_219, %arg1 : i32
      %mul3A_221 = arith.constant 320000 : i32
      %mul3A_222 = arith.muli %add3A_1, %mul3A_221 : i32
      %mul3A_223 = arith.constant 80 : i32
      %mul3A_224 = arith.muli %add3A_220, %mul3A_223 : i32
      %add3A_225 = arith.addi %mul3A_222, %mul3A_224 : i32
      %mul3A_226 = arith.constant 80 : i32
      %mul3A_227 = arith.muli %add3A_220, %mul3A_226 : i32
      %dma_start3A_228 = tpu.memref_slice %arg2[%add3A_225] : memref<1280000xi32, #tpu.memory_space<hbm>> -> memref<80xi32, #tpu.memory_space<hbm>>
      %dma_start3A_229 = tpu.memref_slice %arg2[%add3A_225] : memref<1280000xi32, #tpu.memory_space<hbm>> -> memref<80xi32, #tpu.memory_space<hbm>>
      tpu.enqueue_dma source(%dma_start3A_229 : memref<80xi32, #tpu.memory_space<hbm>>) target(%arg7 : memref<80xi32, #tpu.memory_space<vmem>>) target_semaphore(%arg19 : memref<!tpu.dma_semaphore, #tpu.memory_space<semaphore_mem>>)
      %dma_wait3A_230 = tpu.memref_slice %arg2[%add3A_225] : memref<1280000xi32, #tpu.memory_space<hbm>> -> memref<80xi32, #tpu.memory_space<hbm>>
      %dma_wait3A_231 = tpu.memref_slice %arg2[%add3A_225] : memref<1280000xi32, #tpu.memory_space<hbm>> -> memref<80xi32, #tpu.memory_space<hbm>>
      tpu.wait_dma2 semaphore(%arg19 : memref<!tpu.dma_semaphore, #tpu.memory_space<semaphore_mem>>) src(%dma_wait3A_231 : memref<80xi32, #tpu.memory_space<hbm>>) dst(%arg7 : memref<80xi32, #tpu.memory_space<vmem>>)
      %dma_start3A_232 = tpu.memref_slice %arg3[%mul3A_227] : memref<320000xi32, #tpu.memory_space<hbm>> -> memref<80xi32, #tpu.memory_space<hbm>>
      %dma_start3A_233 = tpu.memref_slice %arg3[%mul3A_227] : memref<320000xi32, #tpu.memory_space<hbm>> -> memref<80xi32, #tpu.memory_space<hbm>>
      tpu.enqueue_dma source(%dma_start3A_233 : memref<80xi32, #tpu.memory_space<hbm>>) target(%arg11 : memref<80xi32, #tpu.memory_space<vmem>>) target_semaphore(%arg23 : memref<!tpu.dma_semaphore, #tpu.memory_space<semaphore_mem>>)
      %dma_wait3A_234 = tpu.memref_slice %arg3[%mul3A_227] : memref<320000xi32, #tpu.memory_space<hbm>> -> memref<80xi32, #tpu.memory_space<hbm>>
      %dma_wait3A_235 = tpu.memref_slice %arg3[%mul3A_227] : memref<320000xi32, #tpu.memory_space<hbm>> -> memref<80xi32, #tpu.memory_space<hbm>>
      tpu.wait_dma2 semaphore(%arg23 : memref<!tpu.dma_semaphore, #tpu.memory_space<semaphore_mem>>) src(%dma_wait3A_235 : memref<80xi32, #tpu.memory_space<hbm>>) dst(%arg11 : memref<80xi32, #tpu.memory_space<vmem>>)
      %dma_start3A_236 = arith.constant 0 : i32
      %dma_start3A_237 = arith.constant 0 : i32
      %dma_start3A_238 = tpu.memref_slice %arg4[%dma_start3A_236, %dma_start3A_237] : memref<40000x128xf32, #tpu.memory_space<hbm>> -> memref<40000x128xf32, #tpu.memory_space<hbm>>
      tpu.enqueue_indirect_dma source(%dma_start3A_238 : memref<40000x128xf32, #tpu.memory_space<hbm>>) target(%arg15 : memref<80x128xf32, #tpu.memory_space<vmem>>) offsets(%arg7 : memref<80xi32, #tpu.memory_space<vmem>>) semaphore(%arg27 : memref<!tpu.dma_semaphore, #tpu.memory_space<semaphore_mem>>)
      %dma_wait3A_239 = arith.constant 0 : i32
      %dma_wait3A_240 = arith.constant 0 : i32
      %dma_wait3A_241 = tpu.memref_slice %arg4[%dma_wait3A_239, %dma_wait3A_240] : memref<40000x128xf32, #tpu.memory_space<hbm>> -> memref<40000x128xf32, #tpu.memory_space<hbm>>
      tpu.wait_indirect_dma semaphore(%arg27 : memref<!tpu.dma_semaphore, #tpu.memory_space<semaphore_mem>>) src(%dma_wait3A_241 : memref<40000x128xf32, #tpu.memory_space<hbm>>) dst(%arg15 : memref<80x128xf32, #tpu.memory_space<vmem>>)
      %dma_start3A_242 = arith.constant 0 : i32
      %dma_start3A_243 = arith.constant 0 : i32
      %dma_start3A_244 = tpu.memref_slice %arg35[%dma_start3A_242, %dma_start3A_243] : memref<10000x128xf32, #tpu.memory_space<vmem_shared>> -> memref<10000x128xf32, #tpu.memory_space<vmem_shared>>
      tpu.enqueue_indirect_dma source(%arg15 : memref<80x128xf32, #tpu.memory_space<vmem>>) target(%dma_start3A_244 : memref<10000x128xf32, #tpu.memory_space<vmem_shared>>) offsets(%arg11 : memref<80xi32, #tpu.memory_space<vmem>>) semaphore(%arg31 : memref<!tpu.dma_semaphore, #tpu.memory_space<semaphore_mem>>) {add = true}
      %dma_wait3A_245 = arith.constant 0 : i32
      %dma_wait3A_246 = arith.constant 0 : i32
      %dma_wait3A_247 = tpu.memref_slice %arg35[%dma_wait3A_245, %dma_wait3A_246] : memref<10000x128xf32, #tpu.memory_space<vmem_shared>> -> memref<10000x128xf32, #tpu.memory_space<vmem_shared>>
      tpu.wait_indirect_dma semaphore(%arg31 : memref<!tpu.dma_semaphore, #tpu.memory_space<semaphore_mem>>) src(%arg15 : memref<80x128xf32, #tpu.memory_space<vmem>>) dst(%dma_wait3A_247 : memref<10000x128xf32, #tpu.memory_space<vmem_shared>>)
    } else {
    }
    %barrier3A_99 = arith.constant 0 : index
    tpu.barrier barrier_id(%barrier3A_99)
    %lt3A_100 = arith.constant 10 : i32
    %lt3A_101 = arith.cmpi slt, %arg1, %lt3A_100 : i32
    %convert_element_type3A_102 = arith.extui %lt3A_101 : i1 to i32
    %cond3A_103 = arith.constant 0 : i32
    %cond3A_104 = arith.cmpi ne, %convert_element_type3A_102, %cond3A_103 : i32
    scf.if %cond3A_104 {
      %mul3A_219 = arith.constant 10000 : i32
      %mul3A_220 = arith.muli %add3A_1, %mul3A_219 : i32
      %add3A_221 = arith.addi %mul3A_220, %mul3A_0 : i32
      "tpu.region"() ({
        %run_scoped3A = tpu.sem_alloc : memref<!tpu.dma_semaphore, #tpu.memory_space<semaphore_mem>>
        %dma_start3A_222 = arith.constant 0 : i32
        %dma_start3A_223 = tpu.memref_slice %arg6[%add3A_221, %dma_start3A_222] : memref<40000x128xf32, #tpu.memory_space<hbm>> -> memref<1000x128xf32, #tpu.memory_space<hbm>>
        %dma_start3A_224 = arith.constant 0 : i32
        %dma_start3A_225 = tpu.memref_slice %arg35[%mul3A_0, %dma_start3A_224] : memref<10000x128xf32, #tpu.memory_space<vmem_shared>> -> memref<1000x128xf32, #tpu.memory_space<vmem_shared>>
        tpu.enqueue_dma source(%dma_start3A_225 : memref<1000x128xf32, #tpu.memory_space<vmem_shared>>) target(%dma_start3A_223 : memref<1000x128xf32, #tpu.memory_space<hbm>>) target_semaphore(%run_scoped3A : memref<!tpu.dma_semaphore, #tpu.memory_space<semaphore_mem>>)
        %dma_wait3A_226 = arith.constant 0 : i32
        %dma_wait3A_227 = tpu.memref_slice %arg6[%add3A_221, %dma_wait3A_226] : memref<40000x128xf32, #tpu.memory_space<hbm>> -> memref<1000x128xf32, #tpu.memory_space<hbm>>
        %dma_wait3A_228 = arith.constant 0 : i32
        %dma_wait3A_229 = tpu.memref_slice %arg35[%mul3A_0, %dma_wait3A_228] : memref<10000x128xf32, #tpu.memory_space<vmem_shared>> -> memref<1000x128xf32, #tpu.memory_space<vmem_shared>>
        tpu.wait_dma2 semaphore(%run_scoped3A : memref<!tpu.dma_semaphore, #tpu.memory_space<semaphore_mem>>) src(%dma_wait3A_229 : memref<1000x128xf32, #tpu.memory_space<vmem_shared>>) dst(%dma_wait3A_227 : memref<1000x128xf32, #tpu.memory_space<hbm>>)
        tpu.yield
      }) : () -> ()
    } else {
    }
    %barrier3A_105 = arith.constant 0 : index
    tpu.barrier barrier_id(%barrier3A_105)
    %add3A_106 = arith.constant 2 : i32
    %add3A_107 = arith.addi %add3A_106, %arg0 : i32
    %lt3A_108 = arith.constant 10 : i32
    %lt3A_109 = arith.cmpi slt, %arg1, %lt3A_108 : i32
    %convert_element_type3A_110 = arith.extui %lt3A_109 : i1 to i32
    %cond3A_111 = arith.constant 0 : i32
    %cond3A_112 = arith.cmpi ne, %convert_element_type3A_110, %cond3A_111 : i32
    scf.if %cond3A_112 {
      "tpu.region"() ({
        %run_scoped3A = tpu.sem_alloc : memref<!tpu.dma_semaphore, #tpu.memory_space<semaphore_mem>>
        %dma_start3A_219 = arith.constant 0 : i32
        %dma_start3A_220 = tpu.memref_slice %arg35[%mul3A_0, %dma_start3A_219] : memref<10000x128xf32, #tpu.memory_space<vmem_shared>> -> memref<1000x128xf32, #tpu.memory_space<vmem_shared>>
        tpu.enqueue_dma source(%arg5 : memref<1000x128xf32, #tpu.memory_space<hbm>>) target(%dma_start3A_220 : memref<1000x128xf32, #tpu.memory_space<vmem_shared>>) target_semaphore(%run_scoped3A : memref<!tpu.dma_semaphore, #tpu.memory_space<semaphore_mem>>)
        %dma_wait3A_221 = arith.constant 0 : i32
        %dma_wait3A_222 = tpu.memref_slice %arg35[%mul3A_0, %dma_wait3A_221] : memref<10000x128xf32, #tpu.memory_space<vmem_shared>> -> memref<1000x128xf32, #tpu.memory_space<vmem_shared>>
        tpu.wait_dma2 semaphore(%run_scoped3A : memref<!tpu.dma_semaphore, #tpu.memory_space<semaphore_mem>>) src(%arg5 : memref<1000x128xf32, #tpu.memory_space<hbm>>) dst(%dma_wait3A_222 : memref<1000x128xf32, #tpu.memory_space<vmem_shared>>)
        tpu.yield
      }) : () -> ()
    } else {
    }
    %barrier3A_113 = arith.constant 0 : index
    tpu.barrier barrier_id(%barrier3A_113)
    %mul3A_114 = arith.constant 320000 : i32
    %mul3A_115 = arith.muli %add3A_107, %mul3A_114 : i32
    %mul3A_116 = arith.constant 20000 : i32
    %mul3A_117 = arith.muli %arg1, %mul3A_116 : i32
    %add3A_118 = arith.addi %mul3A_115, %mul3A_117 : i32
    %mul3A_119 = arith.constant 20000 : i32
    %mul3A_120 = arith.muli %arg1, %mul3A_119 : i32
    %add3A_121 = arith.constant 0 : i32
    %add3A_122 = arith.addi %add3A_118, %add3A_121 : i32
    %dma_start3A_123 = tpu.memref_slice %arg2[%add3A_122] : memref<1280000xi32, #tpu.memory_space<hbm>> -> memref<80xi32, #tpu.memory_space<hbm>>
    %dma_start3A_124 = tpu.memref_slice %arg2[%add3A_122] : memref<1280000xi32, #tpu.memory_space<hbm>> -> memref<80xi32, #tpu.memory_space<hbm>>
    tpu.enqueue_dma source(%dma_start3A_124 : memref<80xi32, #tpu.memory_space<hbm>>) target(%arg7 : memref<80xi32, #tpu.memory_space<vmem>>) target_semaphore(%arg19 : memref<!tpu.dma_semaphore, #tpu.memory_space<semaphore_mem>>)
    %add3A_125 = arith.constant 0 : i32
    %add3A_126 = arith.addi %mul3A_120, %add3A_125 : i32
    %dma_start3A_127 = tpu.memref_slice %arg3[%add3A_126] : memref<320000xi32, #tpu.memory_space<hbm>> -> memref<80xi32, #tpu.memory_space<hbm>>
    %dma_start3A_128 = tpu.memref_slice %arg3[%add3A_126] : memref<320000xi32, #tpu.memory_space<hbm>> -> memref<80xi32, #tpu.memory_space<hbm>>
    tpu.enqueue_dma source(%dma_start3A_128 : memref<80xi32, #tpu.memory_space<hbm>>) target(%arg11 : memref<80xi32, #tpu.memory_space<vmem>>) target_semaphore(%arg23 : memref<!tpu.dma_semaphore, #tpu.memory_space<semaphore_mem>>)
    %add3A_129 = arith.constant 80 : i32
    %add3A_130 = arith.addi %add3A_118, %add3A_129 : i32
    %dma_start3A_131 = tpu.memref_slice %arg2[%add3A_130] : memref<1280000xi32, #tpu.memory_space<hbm>> -> memref<80xi32, #tpu.memory_space<hbm>>
    %dma_start3A_132 = tpu.memref_slice %arg2[%add3A_130] : memref<1280000xi32, #tpu.memory_space<hbm>> -> memref<80xi32, #tpu.memory_space<hbm>>
    tpu.enqueue_dma source(%dma_start3A_132 : memref<80xi32, #tpu.memory_space<hbm>>) target(%arg8 : memref<80xi32, #tpu.memory_space<vmem>>) target_semaphore(%arg20 : memref<!tpu.dma_semaphore, #tpu.memory_space<semaphore_mem>>)
    %add3A_133 = arith.constant 80 : i32
    %add3A_134 = arith.addi %mul3A_120, %add3A_133 : i32
    %dma_start3A_135 = tpu.memref_slice %arg3[%add3A_134] : memref<320000xi32, #tpu.memory_space<hbm>> -> memref<80xi32, #tpu.memory_space<hbm>>
    %dma_start3A_136 = tpu.memref_slice %arg3[%add3A_134] : memref<320000xi32, #tpu.memory_space<hbm>> -> memref<80xi32, #tpu.memory_space<hbm>>
    tpu.enqueue_dma source(%dma_start3A_136 : memref<80xi32, #tpu.memory_space<hbm>>) target(%arg12 : memref<80xi32, #tpu.memory_space<vmem>>) target_semaphore(%arg24 : memref<!tpu.dma_semaphore, #tpu.memory_space<semaphore_mem>>)
    %add3A_137 = arith.constant 160 : i32
    %add3A_138 = arith.addi %add3A_118, %add3A_137 : i32
    %dma_start3A_139 = tpu.memref_slice %arg2[%add3A_138] : memref<1280000xi32, #tpu.memory_space<hbm>> -> memref<80xi32, #tpu.memory_space<hbm>>
    %dma_start3A_140 = tpu.memref_slice %arg2[%add3A_138] : memref<1280000xi32, #tpu.memory_space<hbm>> -> memref<80xi32, #tpu.memory_space<hbm>>
    tpu.enqueue_dma source(%dma_start3A_140 : memref<80xi32, #tpu.memory_space<hbm>>) target(%arg9 : memref<80xi32, #tpu.memory_space<vmem>>) target_semaphore(%arg21 : memref<!tpu.dma_semaphore, #tpu.memory_space<semaphore_mem>>)
    %add3A_141 = arith.constant 160 : i32
    %add3A_142 = arith.addi %mul3A_120, %add3A_141 : i32
    %dma_start3A_143 = tpu.memref_slice %arg3[%add3A_142] : memref<320000xi32, #tpu.memory_space<hbm>> -> memref<80xi32, #tpu.memory_space<hbm>>
    %dma_start3A_144 = tpu.memref_slice %arg3[%add3A_142] : memref<320000xi32, #tpu.memory_space<hbm>> -> memref<80xi32, #tpu.memory_space<hbm>>
    tpu.enqueue_dma source(%dma_start3A_144 : memref<80xi32, #tpu.memory_space<hbm>>) target(%arg13 : memref<80xi32, #tpu.memory_space<vmem>>) target_semaphore(%arg25 : memref<!tpu.dma_semaphore, #tpu.memory_space<semaphore_mem>>)
    %add3A_145 = arith.constant 240 : i32
    %add3A_146 = arith.addi %add3A_118, %add3A_145 : i32
    %dma_start3A_147 = tpu.memref_slice %arg2[%add3A_146] : memref<1280000xi32, #tpu.memory_space<hbm>> -> memref<80xi32, #tpu.memory_space<hbm>>
    %dma_start3A_148 = tpu.memref_slice %arg2[%add3A_146] : memref<1280000xi32, #tpu.memory_space<hbm>> -> memref<80xi32, #tpu.memory_space<hbm>>
    tpu.enqueue_dma source(%dma_start3A_148 : memref<80xi32, #tpu.memory_space<hbm>>) target(%arg10 : memref<80xi32, #tpu.memory_space<vmem>>) target_semaphore(%arg22 : memref<!tpu.dma_semaphore, #tpu.memory_space<semaphore_mem>>)
    %add3A_149 = arith.constant 240 : i32
    %add3A_150 = arith.addi %mul3A_120, %add3A_149 : i32
    %dma_start3A_151 = tpu.memref_slice %arg3[%add3A_150] : memref<320000xi32, #tpu.memory_space<hbm>> -> memref<80xi32, #tpu.memory_space<hbm>>
    %dma_start3A_152 = tpu.memref_slice %arg3[%add3A_150] : memref<320000xi32, #tpu.memory_space<hbm>> -> memref<80xi32, #tpu.memory_space<hbm>>
    tpu.enqueue_dma source(%dma_start3A_152 : memref<80xi32, #tpu.memory_space<hbm>>) target(%arg14 : memref<80xi32, #tpu.memory_space<vmem>>) target_semaphore(%arg26 : memref<!tpu.dma_semaphore, #tpu.memory_space<semaphore_mem>>)
    %scan3A_153 = arith.constant 0 : i32
    %scan3A_154 = arith.constant 0 : i32
    %scan3A_155 = arith.constant 62 : i32
    %scan3A_156 = arith.addi %scan3A_154, %scan3A_155 : i32
    %scan3A_157 = arith.constant 1 : i32
    scf.for %scan3A_219 = %scan3A_154 to %scan3A_156 step %scan3A_157  : i32 {
      %mul3A_220 = arith.constant 4 : i32
      %mul3A_221 = arith.muli %scan3A_219, %mul3A_220 : i32
      %dma_wait3A_222 = arith.constant 0 : i32
      %dma_wait3A_223 = tpu.memref_slice %arg2[%dma_wait3A_222] : memref<1280000xi32, #tpu.memory_space<hbm>> -> memref<80xi32, #tpu.memory_space<hbm>>
      %dma_wait3A_224 = arith.constant 0 : i32
      %dma_wait3A_225 = tpu.memref_slice %arg2[%dma_wait3A_224] : memref<1280000xi32, #tpu.memory_space<hbm>> -> memref<80xi32, #tpu.memory_space<hbm>>
      tpu.wait_dma2 semaphore(%arg19 : memref<!tpu.dma_semaphore, #tpu.memory_space<semaphore_mem>>) src(%dma_wait3A_225 : memref<80xi32, #tpu.memory_space<hbm>>) dst(%arg7 : memref<80xi32, #tpu.memory_space<vmem>>)
      %dma_start3A_226 = arith.constant 0 : i32
      %dma_start3A_227 = arith.constant 0 : i32
      %dma_start3A_228 = tpu.memref_slice %arg4[%dma_start3A_226, %dma_start3A_227] : memref<40000x128xf32, #tpu.memory_space<hbm>> -> memref<40000x128xf32, #tpu.memory_space<hbm>>
      tpu.enqueue_indirect_dma source(%dma_start3A_228 : memref<40000x128xf32, #tpu.memory_space<hbm>>) target(%arg15 : memref<80x128xf32, #tpu.memory_space<vmem>>) offsets(%arg7 : memref<80xi32, #tpu.memory_space<vmem>>) semaphore(%arg27 : memref<!tpu.dma_semaphore, #tpu.memory_space<semaphore_mem>>)
      %dma_wait3A_229 = arith.constant 0 : i32
      %dma_wait3A_230 = tpu.memref_slice %arg2[%dma_wait3A_229] : memref<1280000xi32, #tpu.memory_space<hbm>> -> memref<80xi32, #tpu.memory_space<hbm>>
      %dma_wait3A_231 = arith.constant 0 : i32
      %dma_wait3A_232 = tpu.memref_slice %arg2[%dma_wait3A_231] : memref<1280000xi32, #tpu.memory_space<hbm>> -> memref<80xi32, #tpu.memory_space<hbm>>
      tpu.wait_dma2 semaphore(%arg20 : memref<!tpu.dma_semaphore, #tpu.memory_space<semaphore_mem>>) src(%dma_wait3A_232 : memref<80xi32, #tpu.memory_space<hbm>>) dst(%arg8 : memref<80xi32, #tpu.memory_space<vmem>>)
      %dma_start3A_233 = arith.constant 0 : i32
      %dma_start3A_234 = arith.constant 0 : i32
      %dma_start3A_235 = tpu.memref_slice %arg4[%dma_start3A_233, %dma_start3A_234] : memref<40000x128xf32, #tpu.memory_space<hbm>> -> memref<40000x128xf32, #tpu.memory_space<hbm>>
      tpu.enqueue_indirect_dma source(%dma_start3A_235 : memref<40000x128xf32, #tpu.memory_space<hbm>>) target(%arg16 : memref<80x128xf32, #tpu.memory_space<vmem>>) offsets(%arg8 : memref<80xi32, #tpu.memory_space<vmem>>) semaphore(%arg28 : memref<!tpu.dma_semaphore, #tpu.memory_space<semaphore_mem>>)
      %dma_wait3A_236 = arith.constant 0 : i32
      %dma_wait3A_237 = tpu.memref_slice %arg2[%dma_wait3A_236] : memref<1280000xi32, #tpu.memory_space<hbm>> -> memref<80xi32, #tpu.memory_space<hbm>>
      %dma_wait3A_238 = arith.constant 0 : i32
      %dma_wait3A_239 = tpu.memref_slice %arg2[%dma_wait3A_238] : memref<1280000xi32, #tpu.memory_space<hbm>> -> memref<80xi32, #tpu.memory_space<hbm>>
      tpu.wait_dma2 semaphore(%arg21 : memref<!tpu.dma_semaphore, #tpu.memory_space<semaphore_mem>>) src(%dma_wait3A_239 : memref<80xi32, #tpu.memory_space<hbm>>) dst(%arg9 : memref<80xi32, #tpu.memory_space<vmem>>)
      %dma_start3A_240 = arith.constant 0 : i32
      %dma_start3A_241 = arith.constant 0 : i32
      %dma_start3A_242 = tpu.memref_slice %arg4[%dma_start3A_240, %dma_start3A_241] : memref<40000x128xf32, #tpu.memory_space<hbm>> -> memref<40000x128xf32, #tpu.memory_space<hbm>>
      tpu.enqueue_indirect_dma source(%dma_start3A_242 : memref<40000x128xf32, #tpu.memory_space<hbm>>) target(%arg17 : memref<80x128xf32, #tpu.memory_space<vmem>>) offsets(%arg9 : memref<80xi32, #tpu.memory_space<vmem>>) semaphore(%arg29 : memref<!tpu.dma_semaphore, #tpu.memory_space<semaphore_mem>>)
      %dma_wait3A_243 = arith.constant 0 : i32
      %dma_wait3A_244 = tpu.memref_slice %arg2[%dma_wait3A_243] : memref<1280000xi32, #tpu.memory_space<hbm>> -> memref<80xi32, #tpu.memory_space<hbm>>
      %dma_wait3A_245 = arith.constant 0 : i32
      %dma_wait3A_246 = tpu.memref_slice %arg2[%dma_wait3A_245] : memref<1280000xi32, #tpu.memory_space<hbm>> -> memref<80xi32, #tpu.memory_space<hbm>>
      tpu.wait_dma2 semaphore(%arg22 : memref<!tpu.dma_semaphore, #tpu.memory_space<semaphore_mem>>) src(%dma_wait3A_246 : memref<80xi32, #tpu.memory_space<hbm>>) dst(%arg10 : memref<80xi32, #tpu.memory_space<vmem>>)
      %dma_start3A_247 = arith.constant 0 : i32
      %dma_start3A_248 = arith.constant 0 : i32
      %dma_start3A_249 = tpu.memref_slice %arg4[%dma_start3A_247, %dma_start3A_248] : memref<40000x128xf32, #tpu.memory_space<hbm>> -> memref<40000x128xf32, #tpu.memory_space<hbm>>
      tpu.enqueue_indirect_dma source(%dma_start3A_249 : memref<40000x128xf32, #tpu.memory_space<hbm>>) target(%arg18 : memref<80x128xf32, #tpu.memory_space<vmem>>) offsets(%arg10 : memref<80xi32, #tpu.memory_space<vmem>>) semaphore(%arg30 : memref<!tpu.dma_semaphore, #tpu.memory_space<semaphore_mem>>)
      %dma_wait3A_250 = arith.constant 0 : i32
      %dma_wait3A_251 = arith.constant 0 : i32
      %dma_wait3A_252 = tpu.memref_slice %arg4[%dma_wait3A_250, %dma_wait3A_251] : memref<40000x128xf32, #tpu.memory_space<hbm>> -> memref<40000x128xf32, #tpu.memory_space<hbm>>
      tpu.wait_indirect_dma semaphore(%arg27 : memref<!tpu.dma_semaphore, #tpu.memory_space<semaphore_mem>>) src(%dma_wait3A_252 : memref<40000x128xf32, #tpu.memory_space<hbm>>) dst(%arg15 : memref<80x128xf32, #tpu.memory_space<vmem>>)
      %dma_wait3A_253 = arith.constant 0 : i32
      %dma_wait3A_254 = tpu.memref_slice %arg3[%dma_wait3A_253] : memref<320000xi32, #tpu.memory_space<hbm>> -> memref<80xi32, #tpu.memory_space<hbm>>
      %dma_wait3A_255 = arith.constant 0 : i32
      %dma_wait3A_256 = tpu.memref_slice %arg3[%dma_wait3A_255] : memref<320000xi32, #tpu.memory_space<hbm>> -> memref<80xi32, #tpu.memory_space<hbm>>
      tpu.wait_dma2 semaphore(%arg23 : memref<!tpu.dma_semaphore, #tpu.memory_space<semaphore_mem>>) src(%dma_wait3A_256 : memref<80xi32, #tpu.memory_space<hbm>>) dst(%arg11 : memref<80xi32, #tpu.memory_space<vmem>>)
      %dma_start3A_257 = arith.constant 0 : i32
      %dma_start3A_258 = arith.constant 0 : i32
      %dma_start3A_259 = tpu.memref_slice %arg35[%dma_start3A_257, %dma_start3A_258] : memref<10000x128xf32, #tpu.memory_space<vmem_shared>> -> memref<10000x128xf32, #tpu.memory_space<vmem_shared>>
      tpu.enqueue_indirect_dma source(%arg15 : memref<80x128xf32, #tpu.memory_space<vmem>>) target(%dma_start3A_259 : memref<10000x128xf32, #tpu.memory_space<vmem_shared>>) offsets(%arg11 : memref<80xi32, #tpu.memory_space<vmem>>) semaphore(%arg31 : memref<!tpu.dma_semaphore, #tpu.memory_space<semaphore_mem>>) {add = true}
      %dma_wait3A_260 = arith.constant 0 : i32
      %dma_wait3A_261 = arith.constant 0 : i32
      %dma_wait3A_262 = tpu.memref_slice %arg4[%dma_wait3A_260, %dma_wait3A_261] : memref<40000x128xf32, #tpu.memory_space<hbm>> -> memref<40000x128xf32, #tpu.memory_space<hbm>>
      tpu.wait_indirect_dma semaphore(%arg28 : memref<!tpu.dma_semaphore, #tpu.memory_space<semaphore_mem>>) src(%dma_wait3A_262 : memref<40000x128xf32, #tpu.memory_space<hbm>>) dst(%arg16 : memref<80x128xf32, #tpu.memory_space<vmem>>)
      %dma_wait3A_263 = arith.constant 0 : i32
      %dma_wait3A_264 = tpu.memref_slice %arg3[%dma_wait3A_263] : memref<320000xi32, #tpu.memory_space<hbm>> -> memref<80xi32, #tpu.memory_space<hbm>>
      %dma_wait3A_265 = arith.constant 0 : i32
      %dma_wait3A_266 = tpu.memref_slice %arg3[%dma_wait3A_265] : memref<320000xi32, #tpu.memory_space<hbm>> -> memref<80xi32, #tpu.memory_space<hbm>>
      tpu.wait_dma2 semaphore(%arg24 : memref<!tpu.dma_semaphore, #tpu.memory_space<semaphore_mem>>) src(%dma_wait3A_266 : memref<80xi32, #tpu.memory_space<hbm>>) dst(%arg12 : memref<80xi32, #tpu.memory_space<vmem>>)
      %dma_start3A_267 = arith.constant 0 : i32
      %dma_start3A_268 = arith.constant 0 : i32
      %dma_start3A_269 = tpu.memref_slice %arg35[%dma_start3A_267, %dma_start3A_268] : memref<10000x128xf32, #tpu.memory_space<vmem_shared>> -> memref<10000x128xf32, #tpu.memory_space<vmem_shared>>
      tpu.enqueue_indirect_dma source(%arg16 : memref<80x128xf32, #tpu.memory_space<vmem>>) target(%dma_start3A_269 : memref<10000x128xf32, #tpu.memory_space<vmem_shared>>) offsets(%arg12 : memref<80xi32, #tpu.memory_space<vmem>>) semaphore(%arg32 : memref<!tpu.dma_semaphore, #tpu.memory_space<semaphore_mem>>) {add = true}
      %dma_wait3A_270 = arith.constant 0 : i32
      %dma_wait3A_271 = arith.constant 0 : i32
      %dma_wait3A_272 = tpu.memref_slice %arg4[%dma_wait3A_270, %dma_wait3A_271] : memref<40000x128xf32, #tpu.memory_space<hbm>> -> memref<40000x128xf32, #tpu.memory_space<hbm>>
      tpu.wait_indirect_dma semaphore(%arg29 : memref<!tpu.dma_semaphore, #tpu.memory_space<semaphore_mem>>) src(%dma_wait3A_272 : memref<40000x128xf32, #tpu.memory_space<hbm>>) dst(%arg17 : memref<80x128xf32, #tpu.memory_space<vmem>>)
      %dma_wait3A_273 = arith.constant 0 : i32
      %dma_wait3A_274 = tpu.memref_slice %arg3[%dma_wait3A_273] : memref<320000xi32, #tpu.memory_space<hbm>> -> memref<80xi32, #tpu.memory_space<hbm>>
      %dma_wait3A_275 = arith.constant 0 : i32
      %dma_wait3A_276 = tpu.memref_slice %arg3[%dma_wait3A_275] : memref<320000xi32, #tpu.memory_space<hbm>> -> memref<80xi32, #tpu.memory_space<hbm>>
      tpu.wait_dma2 semaphore(%arg25 : memref<!tpu.dma_semaphore, #tpu.memory_space<semaphore_mem>>) src(%dma_wait3A_276 : memref<80xi32, #tpu.memory_space<hbm>>) dst(%arg13 : memref<80xi32, #tpu.memory_space<vmem>>)
      %dma_start3A_277 = arith.constant 0 : i32
      %dma_start3A_278 = arith.constant 0 : i32
      %dma_start3A_279 = tpu.memref_slice %arg35[%dma_start3A_277, %dma_start3A_278] : memref<10000x128xf32, #tpu.memory_space<vmem_shared>> -> memref<10000x128xf32, #tpu.memory_space<vmem_shared>>
      tpu.enqueue_indirect_dma source(%arg17 : memref<80x128xf32, #tpu.memory_space<vmem>>) target(%dma_start3A_279 : memref<10000x128xf32, #tpu.memory_space<vmem_shared>>) offsets(%arg13 : memref<80xi32, #tpu.memory_space<vmem>>) semaphore(%arg33 : memref<!tpu.dma_semaphore, #tpu.memory_space<semaphore_mem>>) {add = true}
      %dma_wait3A_280 = arith.constant 0 : i32
      %dma_wait3A_281 = arith.constant 0 : i32
      %dma_wait3A_282 = tpu.memref_slice %arg4[%dma_wait3A_280, %dma_wait3A_281] : memref<40000x128xf32, #tpu.memory_space<hbm>> -> memref<40000x128xf32, #tpu.memory_space<hbm>>
      tpu.wait_indirect_dma semaphore(%arg30 : memref<!tpu.dma_semaphore, #tpu.memory_space<semaphore_mem>>) src(%dma_wait3A_282 : memref<40000x128xf32, #tpu.memory_space<hbm>>) dst(%arg18 : memref<80x128xf32, #tpu.memory_space<vmem>>)
      %dma_wait3A_283 = arith.constant 0 : i32
      %dma_wait3A_284 = tpu.memref_slice %arg3[%dma_wait3A_283] : memref<320000xi32, #tpu.memory_space<hbm>> -> memref<80xi32, #tpu.memory_space<hbm>>
      %dma_wait3A_285 = arith.constant 0 : i32
      %dma_wait3A_286 = tpu.memref_slice %arg3[%dma_wait3A_285] : memref<320000xi32, #tpu.memory_space<hbm>> -> memref<80xi32, #tpu.memory_space<hbm>>
      tpu.wait_dma2 semaphore(%arg26 : memref<!tpu.dma_semaphore, #tpu.memory_space<semaphore_mem>>) src(%dma_wait3A_286 : memref<80xi32, #tpu.memory_space<hbm>>) dst(%arg14 : memref<80xi32, #tpu.memory_space<vmem>>)
      %dma_start3A_287 = arith.constant 0 : i32
      %dma_start3A_288 = arith.constant 0 : i32
      %dma_start3A_289 = tpu.memref_slice %arg35[%dma_start3A_287, %dma_start3A_288] : memref<10000x128xf32, #tpu.memory_space<vmem_shared>> -> memref<10000x128xf32, #tpu.memory_space<vmem_shared>>
      tpu.enqueue_indirect_dma source(%arg18 : memref<80x128xf32, #tpu.memory_space<vmem>>) target(%dma_start3A_289 : memref<10000x128xf32, #tpu.memory_space<vmem_shared>>) offsets(%arg14 : memref<80xi32, #tpu.memory_space<vmem>>) semaphore(%arg34 : memref<!tpu.dma_semaphore, #tpu.memory_space<semaphore_mem>>) {add = true}
      %dma_wait3A_290 = arith.constant 0 : i32
      %dma_wait3A_291 = arith.constant 0 : i32
      %dma_wait3A_292 = tpu.memref_slice %arg35[%dma_wait3A_290, %dma_wait3A_291] : memref<10000x128xf32, #tpu.memory_space<vmem_shared>> -> memref<10000x128xf32, #tpu.memory_space<vmem_shared>>
      tpu.wait_indirect_dma semaphore(%arg31 : memref<!tpu.dma_semaphore, #tpu.memory_space<semaphore_mem>>) src(%arg15 : memref<80x128xf32, #tpu.memory_space<vmem>>) dst(%dma_wait3A_292 : memref<10000x128xf32, #tpu.memory_space<vmem_shared>>)
      %lt3A_293 = arith.constant 61 : i32
      %lt3A_294 = arith.cmpi slt, %scan3A_219, %lt3A_293 : i32
      %convert_element_type3A_295 = arith.extui %lt3A_294 : i1 to i32
      %cond3A_296 = arith.constant 0 : i32
      %cond3A_297 = arith.cmpi ne, %convert_element_type3A_295, %cond3A_296 : i32
      scf.if %cond3A_297 {
        %add3A_322 = arith.constant 4 : i32
        %add3A_323 = arith.addi %mul3A_221, %add3A_322 : i32
        %add3A_324 = arith.constant 0 : i32
        %add3A_325 = arith.addi %add3A_323, %add3A_324 : i32
        %mul3A_326 = arith.constant 80 : i32
        %mul3A_327 = arith.muli %add3A_325, %mul3A_326 : i32
        %add3A_328 = arith.addi %add3A_118, %mul3A_327 : i32
        %dma_start3A_329 = tpu.memref_slice %arg2[%add3A_328] : memref<1280000xi32, #tpu.memory_space<hbm>> -> memref<80xi32, #tpu.memory_space<hbm>>
        %dma_start3A_330 = tpu.memref_slice %arg2[%add3A_328] : memref<1280000xi32, #tpu.memory_space<hbm>> -> memref<80xi32, #tpu.memory_space<hbm>>
        tpu.enqueue_dma source(%dma_start3A_330 : memref<80xi32, #tpu.memory_space<hbm>>) target(%arg7 : memref<80xi32, #tpu.memory_space<vmem>>) target_semaphore(%arg19 : memref<!tpu.dma_semaphore, #tpu.memory_space<semaphore_mem>>)
        %add3A_331 = arith.constant 4 : i32
        %add3A_332 = arith.addi %mul3A_221, %add3A_331 : i32
        %add3A_333 = arith.constant 0 : i32
        %add3A_334 = arith.addi %add3A_332, %add3A_333 : i32
        %mul3A_335 = arith.constant 80 : i32
        %mul3A_336 = arith.muli %add3A_334, %mul3A_335 : i32
        %add3A_337 = arith.addi %mul3A_120, %mul3A_336 : i32
        %dma_start3A_338 = tpu.memref_slice %arg3[%add3A_337] : memref<320000xi32, #tpu.memory_space<hbm>> -> memref<80xi32, #tpu.memory_space<hbm>>
        %dma_start3A_339 = tpu.memref_slice %arg3[%add3A_337] : memref<320000xi32, #tpu.memory_space<hbm>> -> memref<80xi32, #tpu.memory_space<hbm>>
        tpu.enqueue_dma source(%dma_start3A_339 : memref<80xi32, #tpu.memory_space<hbm>>) target(%arg11 : memref<80xi32, #tpu.memory_space<vmem>>) target_semaphore(%arg23 : memref<!tpu.dma_semaphore, #tpu.memory_space<semaphore_mem>>)
      } else {
      }
      %dma_wait3A_298 = arith.constant 0 : i32
      %dma_wait3A_299 = arith.constant 0 : i32
      %dma_wait3A_300 = tpu.memref_slice %arg35[%dma_wait3A_298, %dma_wait3A_299] : memref<10000x128xf32, #tpu.memory_space<vmem_shared>> -> memref<10000x128xf32, #tpu.memory_space<vmem_shared>>
      tpu.wait_indirect_dma semaphore(%arg32 : memref<!tpu.dma_semaphore, #tpu.memory_space<semaphore_mem>>) src(%arg16 : memref<80x128xf32, #tpu.memory_space<vmem>>) dst(%dma_wait3A_300 : memref<10000x128xf32, #tpu.memory_space<vmem_shared>>)
      %lt3A_301 = arith.constant 61 : i32
      %lt3A_302 = arith.cmpi slt, %scan3A_219, %lt3A_301 : i32
      %convert_element_type3A_303 = arith.extui %lt3A_302 : i1 to i32
      %cond3A_304 = arith.constant 0 : i32
      %cond3A_305 = arith.cmpi ne, %convert_element_type3A_303, %cond3A_304 : i32
      scf.if %cond3A_305 {
        %add3A_322 = arith.constant 4 : i32
        %add3A_323 = arith.addi %mul3A_221, %add3A_322 : i32
        %add3A_324 = arith.constant 1 : i32
        %add3A_325 = arith.addi %add3A_323, %add3A_324 : i32
        %mul3A_326 = arith.constant 80 : i32
        %mul3A_327 = arith.muli %add3A_325, %mul3A_326 : i32
        %add3A_328 = arith.addi %add3A_118, %mul3A_327 : i32
        %dma_start3A_329 = tpu.memref_slice %arg2[%add3A_328] : memref<1280000xi32, #tpu.memory_space<hbm>> -> memref<80xi32, #tpu.memory_space<hbm>>
        %dma_start3A_330 = tpu.memref_slice %arg2[%add3A_328] : memref<1280000xi32, #tpu.memory_space<hbm>> -> memref<80xi32, #tpu.memory_space<hbm>>
        tpu.enqueue_dma source(%dma_start3A_330 : memref<80xi32, #tpu.memory_space<hbm>>) target(%arg8 : memref<80xi32, #tpu.memory_space<vmem>>) target_semaphore(%arg20 : memref<!tpu.dma_semaphore, #tpu.memory_space<semaphore_mem>>)
        %add3A_331 = arith.constant 4 : i32
        %add3A_332 = arith.addi %mul3A_221, %add3A_331 : i32
        %add3A_333 = arith.constant 1 : i32
        %add3A_334 = arith.addi %add3A_332, %add3A_333 : i32
        %mul3A_335 = arith.constant 80 : i32
        %mul3A_336 = arith.muli %add3A_334, %mul3A_335 : i32
        %add3A_337 = arith.addi %mul3A_120, %mul3A_336 : i32
        %dma_start3A_338 = tpu.memref_slice %arg3[%add3A_337] : memref<320000xi32, #tpu.memory_space<hbm>> -> memref<80xi32, #tpu.memory_space<hbm>>
        %dma_start3A_339 = tpu.memref_slice %arg3[%add3A_337] : memref<320000xi32, #tpu.memory_space<hbm>> -> memref<80xi32, #tpu.memory_space<hbm>>
        tpu.enqueue_dma source(%dma_start3A_339 : memref<80xi32, #tpu.memory_space<hbm>>) target(%arg12 : memref<80xi32, #tpu.memory_space<vmem>>) target_semaphore(%arg24 : memref<!tpu.dma_semaphore, #tpu.memory_space<semaphore_mem>>)
      } else {
      }
      %dma_wait3A_306 = arith.constant 0 : i32
      %dma_wait3A_307 = arith.constant 0 : i32
      %dma_wait3A_308 = tpu.memref_slice %arg35[%dma_wait3A_306, %dma_wait3A_307] : memref<10000x128xf32, #tpu.memory_space<vmem_shared>> -> memref<10000x128xf32, #tpu.memory_space<vmem_shared>>
      tpu.wait_indirect_dma semaphore(%arg33 : memref<!tpu.dma_semaphore, #tpu.memory_space<semaphore_mem>>) src(%arg17 : memref<80x128xf32, #tpu.memory_space<vmem>>) dst(%dma_wait3A_308 : memref<10000x128xf32, #tpu.memory_space<vmem_shared>>)
      %lt3A_309 = arith.constant 61 : i32
      %lt3A_310 = arith.cmpi slt, %scan3A_219, %lt3A_309 : i32
      %convert_element_type3A_311 = arith.extui %lt3A_310 : i1 to i32
      %cond3A_312 = arith.constant 0 : i32
      %cond3A_313 = arith.cmpi ne, %convert_element_type3A_311, %cond3A_312 : i32
      scf.if %cond3A_313 {
        %add3A_322 = arith.constant 4 : i32
        %add3A_323 = arith.addi %mul3A_221, %add3A_322 : i32
        %add3A_324 = arith.constant 2 : i32
        %add3A_325 = arith.addi %add3A_323, %add3A_324 : i32
        %mul3A_326 = arith.constant 80 : i32
        %mul3A_327 = arith.muli %add3A_325, %mul3A_326 : i32
        %add3A_328 = arith.addi %add3A_118, %mul3A_327 : i32
        %dma_start3A_329 = tpu.memref_slice %arg2[%add3A_328] : memref<1280000xi32, #tpu.memory_space<hbm>> -> memref<80xi32, #tpu.memory_space<hbm>>
        %dma_start3A_330 = tpu.memref_slice %arg2[%add3A_328] : memref<1280000xi32, #tpu.memory_space<hbm>> -> memref<80xi32, #tpu.memory_space<hbm>>
        tpu.enqueue_dma source(%dma_start3A_330 : memref<80xi32, #tpu.memory_space<hbm>>) target(%arg9 : memref<80xi32, #tpu.memory_space<vmem>>) target_semaphore(%arg21 : memref<!tpu.dma_semaphore, #tpu.memory_space<semaphore_mem>>)
        %add3A_331 = arith.constant 4 : i32
        %add3A_332 = arith.addi %mul3A_221, %add3A_331 : i32
        %add3A_333 = arith.constant 2 : i32
        %add3A_334 = arith.addi %add3A_332, %add3A_333 : i32
        %mul3A_335 = arith.constant 80 : i32
        %mul3A_336 = arith.muli %add3A_334, %mul3A_335 : i32
        %add3A_337 = arith.addi %mul3A_120, %mul3A_336 : i32
        %dma_start3A_338 = tpu.memref_slice %arg3[%add3A_337] : memref<320000xi32, #tpu.memory_space<hbm>> -> memref<80xi32, #tpu.memory_space<hbm>>
        %dma_start3A_339 = tpu.memref_slice %arg3[%add3A_337] : memref<320000xi32, #tpu.memory_space<hbm>> -> memref<80xi32, #tpu.memory_space<hbm>>
        tpu.enqueue_dma source(%dma_start3A_339 : memref<80xi32, #tpu.memory_space<hbm>>) target(%arg13 : memref<80xi32, #tpu.memory_space<vmem>>) target_semaphore(%arg25 : memref<!tpu.dma_semaphore, #tpu.memory_space<semaphore_mem>>)
      } else {
      }
      %dma_wait3A_314 = arith.constant 0 : i32
      %dma_wait3A_315 = arith.constant 0 : i32
      %dma_wait3A_316 = tpu.memref_slice %arg35[%dma_wait3A_314, %dma_wait3A_315] : memref<10000x128xf32, #tpu.memory_space<vmem_shared>> -> memref<10000x128xf32, #tpu.memory_space<vmem_shared>>
      tpu.wait_indirect_dma semaphore(%arg34 : memref<!tpu.dma_semaphore, #tpu.memory_space<semaphore_mem>>) src(%arg18 : memref<80x128xf32, #tpu.memory_space<vmem>>) dst(%dma_wait3A_316 : memref<10000x128xf32, #tpu.memory_space<vmem_shared>>)
      %lt3A_317 = arith.constant 61 : i32
      %lt3A_318 = arith.cmpi slt, %scan3A_219, %lt3A_317 : i32
      %convert_element_type3A_319 = arith.extui %lt3A_318 : i1 to i32
      %cond3A_320 = arith.constant 0 : i32
      %cond3A_321 = arith.cmpi ne, %convert_element_type3A_319, %cond3A_320 : i32
      scf.if %cond3A_321 {
        %add3A_322 = arith.constant 4 : i32
        %add3A_323 = arith.addi %mul3A_221, %add3A_322 : i32
        %add3A_324 = arith.constant 3 : i32
        %add3A_325 = arith.addi %add3A_323, %add3A_324 : i32
        %mul3A_326 = arith.constant 80 : i32
        %mul3A_327 = arith.muli %add3A_325, %mul3A_326 : i32
        %add3A_328 = arith.addi %add3A_118, %mul3A_327 : i32
        %dma_start3A_329 = tpu.memref_slice %arg2[%add3A_328] : memref<1280000xi32, #tpu.memory_space<hbm>> -> memref<80xi32, #tpu.memory_space<hbm>>
        %dma_start3A_330 = tpu.memref_slice %arg2[%add3A_328] : memref<1280000xi32, #tpu.memory_space<hbm>> -> memref<80xi32, #tpu.memory_space<hbm>>
        tpu.enqueue_dma source(%dma_start3A_330 : memref<80xi32, #tpu.memory_space<hbm>>) target(%arg10 : memref<80xi32, #tpu.memory_space<vmem>>) target_semaphore(%arg22 : memref<!tpu.dma_semaphore, #tpu.memory_space<semaphore_mem>>)
        %add3A_331 = arith.constant 4 : i32
        %add3A_332 = arith.addi %mul3A_221, %add3A_331 : i32
        %add3A_333 = arith.constant 3 : i32
        %add3A_334 = arith.addi %add3A_332, %add3A_333 : i32
        %mul3A_335 = arith.constant 80 : i32
        %mul3A_336 = arith.muli %add3A_334, %mul3A_335 : i32
        %add3A_337 = arith.addi %mul3A_120, %mul3A_336 : i32
        %dma_start3A_338 = tpu.memref_slice %arg3[%add3A_337] : memref<320000xi32, #tpu.memory_space<hbm>> -> memref<80xi32, #tpu.memory_space<hbm>>
        %dma_start3A_339 = tpu.memref_slice %arg3[%add3A_337] : memref<320000xi32, #tpu.memory_space<hbm>> -> memref<80xi32, #tpu.memory_space<hbm>>
        tpu.enqueue_dma source(%dma_start3A_339 : memref<80xi32, #tpu.memory_space<hbm>>) target(%arg14 : memref<80xi32, #tpu.memory_space<vmem>>) target_semaphore(%arg26 : memref<!tpu.dma_semaphore, #tpu.memory_space<semaphore_mem>>)
      } else {
      }
    }
    %scan3A_158 = arith.constant 62 : i32
    %add3A_159 = arith.constant 19840 : i32
    %add3A_160 = arith.addi %add3A_118, %add3A_159 : i32
    %dma_start3A_161 = tpu.memref_slice %arg2[%add3A_160] : memref<1280000xi32, #tpu.memory_space<hbm>> -> memref<80xi32, #tpu.memory_space<hbm>>
    %dma_start3A_162 = tpu.memref_slice %arg2[%add3A_160] : memref<1280000xi32, #tpu.memory_space<hbm>> -> memref<80xi32, #tpu.memory_space<hbm>>
    tpu.enqueue_dma source(%dma_start3A_162 : memref<80xi32, #tpu.memory_space<hbm>>) target(%arg7 : memref<80xi32, #tpu.memory_space<vmem>>) target_semaphore(%arg19 : memref<!tpu.dma_semaphore, #tpu.memory_space<semaphore_mem>>)
    %dma_wait3A_163 = tpu.memref_slice %arg2[%add3A_160] : memref<1280000xi32, #tpu.memory_space<hbm>> -> memref<80xi32, #tpu.memory_space<hbm>>
    %dma_wait3A_164 = tpu.memref_slice %arg2[%add3A_160] : memref<1280000xi32, #tpu.memory_space<hbm>> -> memref<80xi32, #tpu.memory_space<hbm>>
    tpu.wait_dma2 semaphore(%arg19 : memref<!tpu.dma_semaphore, #tpu.memory_space<semaphore_mem>>) src(%dma_wait3A_164 : memref<80xi32, #tpu.memory_space<hbm>>) dst(%arg7 : memref<80xi32, #tpu.memory_space<vmem>>)
    %add3A_165 = arith.constant 19840 : i32
    %add3A_166 = arith.addi %mul3A_120, %add3A_165 : i32
    %dma_start3A_167 = tpu.memref_slice %arg3[%add3A_166] : memref<320000xi32, #tpu.memory_space<hbm>> -> memref<80xi32, #tpu.memory_space<hbm>>
    %dma_start3A_168 = tpu.memref_slice %arg3[%add3A_166] : memref<320000xi32, #tpu.memory_space<hbm>> -> memref<80xi32, #tpu.memory_space<hbm>>
    tpu.enqueue_dma source(%dma_start3A_168 : memref<80xi32, #tpu.memory_space<hbm>>) target(%arg11 : memref<80xi32, #tpu.memory_space<vmem>>) target_semaphore(%arg23 : memref<!tpu.dma_semaphore, #tpu.memory_space<semaphore_mem>>)
    %dma_wait3A_169 = tpu.memref_slice %arg3[%add3A_166] : memref<320000xi32, #tpu.memory_space<hbm>> -> memref<80xi32, #tpu.memory_space<hbm>>
    %dma_wait3A_170 = tpu.memref_slice %arg3[%add3A_166] : memref<320000xi32, #tpu.memory_space<hbm>> -> memref<80xi32, #tpu.memory_space<hbm>>
    tpu.wait_dma2 semaphore(%arg23 : memref<!tpu.dma_semaphore, #tpu.memory_space<semaphore_mem>>) src(%dma_wait3A_170 : memref<80xi32, #tpu.memory_space<hbm>>) dst(%arg11 : memref<80xi32, #tpu.memory_space<vmem>>)
    %dma_start3A_171 = arith.constant 0 : i32
    %dma_start3A_172 = arith.constant 0 : i32
    %dma_start3A_173 = tpu.memref_slice %arg4[%dma_start3A_171, %dma_start3A_172] : memref<40000x128xf32, #tpu.memory_space<hbm>> -> memref<40000x128xf32, #tpu.memory_space<hbm>>
    tpu.enqueue_indirect_dma source(%dma_start3A_173 : memref<40000x128xf32, #tpu.memory_space<hbm>>) target(%arg15 : memref<80x128xf32, #tpu.memory_space<vmem>>) offsets(%arg7 : memref<80xi32, #tpu.memory_space<vmem>>) semaphore(%arg27 : memref<!tpu.dma_semaphore, #tpu.memory_space<semaphore_mem>>)
    %dma_wait3A_174 = arith.constant 0 : i32
    %dma_wait3A_175 = arith.constant 0 : i32
    %dma_wait3A_176 = tpu.memref_slice %arg4[%dma_wait3A_174, %dma_wait3A_175] : memref<40000x128xf32, #tpu.memory_space<hbm>> -> memref<40000x128xf32, #tpu.memory_space<hbm>>
    tpu.wait_indirect_dma semaphore(%arg27 : memref<!tpu.dma_semaphore, #tpu.memory_space<semaphore_mem>>) src(%dma_wait3A_176 : memref<40000x128xf32, #tpu.memory_space<hbm>>) dst(%arg15 : memref<80x128xf32, #tpu.memory_space<vmem>>)
    %dma_start3A_177 = arith.constant 0 : i32
    %dma_start3A_178 = arith.constant 0 : i32
    %dma_start3A_179 = tpu.memref_slice %arg35[%dma_start3A_177, %dma_start3A_178] : memref<10000x128xf32, #tpu.memory_space<vmem_shared>> -> memref<10000x128xf32, #tpu.memory_space<vmem_shared>>
    tpu.enqueue_indirect_dma source(%arg15 : memref<80x128xf32, #tpu.memory_space<vmem>>) target(%dma_start3A_179 : memref<10000x128xf32, #tpu.memory_space<vmem_shared>>) offsets(%arg11 : memref<80xi32, #tpu.memory_space<vmem>>) semaphore(%arg31 : memref<!tpu.dma_semaphore, #tpu.memory_space<semaphore_mem>>) {add = true}
    %dma_wait3A_180 = arith.constant 0 : i32
    %dma_wait3A_181 = arith.constant 0 : i32
    %dma_wait3A_182 = tpu.memref_slice %arg35[%dma_wait3A_180, %dma_wait3A_181] : memref<10000x128xf32, #tpu.memory_space<vmem_shared>> -> memref<10000x128xf32, #tpu.memory_space<vmem_shared>>
    tpu.wait_indirect_dma semaphore(%arg31 : memref<!tpu.dma_semaphore, #tpu.memory_space<semaphore_mem>>) src(%arg15 : memref<80x128xf32, #tpu.memory_space<vmem>>) dst(%dma_wait3A_182 : memref<10000x128xf32, #tpu.memory_space<vmem_shared>>)
    %add3A_183 = arith.constant 19920 : i32
    %add3A_184 = arith.addi %add3A_118, %add3A_183 : i32
    %dma_start3A_185 = tpu.memref_slice %arg2[%add3A_184] : memref<1280000xi32, #tpu.memory_space<hbm>> -> memref<80xi32, #tpu.memory_space<hbm>>
    %dma_start3A_186 = tpu.memref_slice %arg2[%add3A_184] : memref<1280000xi32, #tpu.memory_space<hbm>> -> memref<80xi32, #tpu.memory_space<hbm>>
    tpu.enqueue_dma source(%dma_start3A_186 : memref<80xi32, #tpu.memory_space<hbm>>) target(%arg8 : memref<80xi32, #tpu.memory_space<vmem>>) target_semaphore(%arg20 : memref<!tpu.dma_semaphore, #tpu.memory_space<semaphore_mem>>)
    %dma_wait3A_187 = tpu.memref_slice %arg2[%add3A_184] : memref<1280000xi32, #tpu.memory_space<hbm>> -> memref<80xi32, #tpu.memory_space<hbm>>
    %dma_wait3A_188 = tpu.memref_slice %arg2[%add3A_184] : memref<1280000xi32, #tpu.memory_space<hbm>> -> memref<80xi32, #tpu.memory_space<hbm>>
    tpu.wait_dma2 semaphore(%arg20 : memref<!tpu.dma_semaphore, #tpu.memory_space<semaphore_mem>>) src(%dma_wait3A_188 : memref<80xi32, #tpu.memory_space<hbm>>) dst(%arg8 : memref<80xi32, #tpu.memory_space<vmem>>)
    %add3A_189 = arith.constant 19920 : i32
    %add3A_190 = arith.addi %mul3A_120, %add3A_189 : i32
    %dma_start3A_191 = tpu.memref_slice %arg3[%add3A_190] : memref<320000xi32, #tpu.memory_space<hbm>> -> memref<80xi32, #tpu.memory_space<hbm>>
    %dma_start3A_192 = tpu.memref_slice %arg3[%add3A_190] : memref<320000xi32, #tpu.memory_space<hbm>> -> memref<80xi32, #tpu.memory_space<hbm>>
    tpu.enqueue_dma source(%dma_start3A_192 : memref<80xi32, #tpu.memory_space<hbm>>) target(%arg12 : memref<80xi32, #tpu.memory_space<vmem>>) target_semaphore(%arg24 : memref<!tpu.dma_semaphore, #tpu.memory_space<semaphore_mem>>)
    %dma_wait3A_193 = tpu.memref_slice %arg3[%add3A_190] : memref<320000xi32, #tpu.memory_space<hbm>> -> memref<80xi32, #tpu.memory_space<hbm>>
    %dma_wait3A_194 = tpu.memref_slice %arg3[%add3A_190] : memref<320000xi32, #tpu.memory_space<hbm>> -> memref<80xi32, #tpu.memory_space<hbm>>
    tpu.wait_dma2 semaphore(%arg24 : memref<!tpu.dma_semaphore, #tpu.memory_space<semaphore_mem>>) src(%dma_wait3A_194 : memref<80xi32, #tpu.memory_space<hbm>>) dst(%arg12 : memref<80xi32, #tpu.memory_space<vmem>>)
    %dma_start3A_195 = arith.constant 0 : i32
    %dma_start3A_196 = arith.constant 0 : i32
    %dma_start3A_197 = tpu.memref_slice %arg4[%dma_start3A_195, %dma_start3A_196] : memref<40000x128xf32, #tpu.memory_space<hbm>> -> memref<40000x128xf32, #tpu.memory_space<hbm>>
    tpu.enqueue_indirect_dma source(%dma_start3A_197 : memref<40000x128xf32, #tpu.memory_space<hbm>>) target(%arg16 : memref<80x128xf32, #tpu.memory_space<vmem>>) offsets(%arg8 : memref<80xi32, #tpu.memory_space<vmem>>) semaphore(%arg28 : memref<!tpu.dma_semaphore, #tpu.memory_space<semaphore_mem>>)
    %dma_wait3A_198 = arith.constant 0 : i32
    %dma_wait3A_199 = arith.constant 0 : i32
    %dma_wait3A_200 = tpu.memref_slice %arg4[%dma_wait3A_198, %dma_wait3A_199] : memref<40000x128xf32, #tpu.memory_space<hbm>> -> memref<40000x128xf32, #tpu.memory_space<hbm>>
    tpu.wait_indirect_dma semaphore(%arg28 : memref<!tpu.dma_semaphore, #tpu.memory_space<semaphore_mem>>) src(%dma_wait3A_200 : memref<40000x128xf32, #tpu.memory_space<hbm>>) dst(%arg16 : memref<80x128xf32, #tpu.memory_space<vmem>>)
    %dma_start3A_201 = arith.constant 0 : i32
    %dma_start3A_202 = arith.constant 0 : i32
    %dma_start3A_203 = tpu.memref_slice %arg35[%dma_start3A_201, %dma_start3A_202] : memref<10000x128xf32, #tpu.memory_space<vmem_shared>> -> memref<10000x128xf32, #tpu.memory_space<vmem_shared>>
    tpu.enqueue_indirect_dma source(%arg16 : memref<80x128xf32, #tpu.memory_space<vmem>>) target(%dma_start3A_203 : memref<10000x128xf32, #tpu.memory_space<vmem_shared>>) offsets(%arg12 : memref<80xi32, #tpu.memory_space<vmem>>) semaphore(%arg32 : memref<!tpu.dma_semaphore, #tpu.memory_space<semaphore_mem>>) {add = true}
    %dma_wait3A_204 = arith.constant 0 : i32
    %dma_wait3A_205 = arith.constant 0 : i32
    %dma_wait3A_206 = tpu.memref_slice %arg35[%dma_wait3A_204, %dma_wait3A_205] : memref<10000x128xf32, #tpu.memory_space<vmem_shared>> -> memref<10000x128xf32, #tpu.memory_space<vmem_shared>>
    tpu.wait_indirect_dma semaphore(%arg32 : memref<!tpu.dma_semaphore, #tpu.memory_space<semaphore_mem>>) src(%arg16 : memref<80x128xf32, #tpu.memory_space<vmem>>) dst(%dma_wait3A_206 : memref<10000x128xf32, #tpu.memory_space<vmem_shared>>)
    %lt3A_207 = arith.constant 0 : i32
    %lt3A_208 = arith.cmpi slt, %arg1, %lt3A_207 : i32
    %convert_element_type3A_209 = arith.extui %lt3A_208 : i1 to i32
    %cond3A_210 = arith.constant 0 : i32
    %cond3A_211 = arith.cmpi ne, %convert_element_type3A_209, %cond3A_210 : i32
    scf.if %cond3A_211 {
      %add3A_219 = arith.constant 4000 : i32
      %add3A_220 = arith.addi %add3A_219, %arg1 : i32
      %mul3A_221 = arith.constant 320000 : i32
      %mul3A_222 = arith.muli %add3A_107, %mul3A_221 : i32
      %mul3A_223 = arith.constant 80 : i32
      %mul3A_224 = arith.muli %add3A_220, %mul3A_223 : i32
      %add3A_225 = arith.addi %mul3A_222, %mul3A_224 : i32
      %mul3A_226 = arith.constant 80 : i32
      %mul3A_227 = arith.muli %add3A_220, %mul3A_226 : i32
      %dma_start3A_228 = tpu.memref_slice %arg2[%add3A_225] : memref<1280000xi32, #tpu.memory_space<hbm>> -> memref<80xi32, #tpu.memory_space<hbm>>
      %dma_start3A_229 = tpu.memref_slice %arg2[%add3A_225] : memref<1280000xi32, #tpu.memory_space<hbm>> -> memref<80xi32, #tpu.memory_space<hbm>>
      tpu.enqueue_dma source(%dma_start3A_229 : memref<80xi32, #tpu.memory_space<hbm>>) target(%arg7 : memref<80xi32, #tpu.memory_space<vmem>>) target_semaphore(%arg19 : memref<!tpu.dma_semaphore, #tpu.memory_space<semaphore_mem>>)
      %dma_wait3A_230 = tpu.memref_slice %arg2[%add3A_225] : memref<1280000xi32, #tpu.memory_space<hbm>> -> memref<80xi32, #tpu.memory_space<hbm>>
      %dma_wait3A_231 = tpu.memref_slice %arg2[%add3A_225] : memref<1280000xi32, #tpu.memory_space<hbm>> -> memref<80xi32, #tpu.memory_space<hbm>>
      tpu.wait_dma2 semaphore(%arg19 : memref<!tpu.dma_semaphore, #tpu.memory_space<semaphore_mem>>) src(%dma_wait3A_231 : memref<80xi32, #tpu.memory_space<hbm>>) dst(%arg7 : memref<80xi32, #tpu.memory_space<vmem>>)
      %dma_start3A_232 = tpu.memref_slice %arg3[%mul3A_227] : memref<320000xi32, #tpu.memory_space<hbm>> -> memref<80xi32, #tpu.memory_space<hbm>>
      %dma_start3A_233 = tpu.memref_slice %arg3[%mul3A_227] : memref<320000xi32, #tpu.memory_space<hbm>> -> memref<80xi32, #tpu.memory_space<hbm>>
      tpu.enqueue_dma source(%dma_start3A_233 : memref<80xi32, #tpu.memory_space<hbm>>) target(%arg11 : memref<80xi32, #tpu.memory_space<vmem>>) target_semaphore(%arg23 : memref<!tpu.dma_semaphore, #tpu.memory_space<semaphore_mem>>)
      %dma_wait3A_234 = tpu.memref_slice %arg3[%mul3A_227] : memref<320000xi32, #tpu.memory_space<hbm>> -> memref<80xi32, #tpu.memory_space<hbm>>
      %dma_wait3A_235 = tpu.memref_slice %arg3[%mul3A_227] : memref<320000xi32, #tpu.memory_space<hbm>> -> memref<80xi32, #tpu.memory_space<hbm>>
      tpu.wait_dma2 semaphore(%arg23 : memref<!tpu.dma_semaphore, #tpu.memory_space<semaphore_mem>>) src(%dma_wait3A_235 : memref<80xi32, #tpu.memory_space<hbm>>) dst(%arg11 : memref<80xi32, #tpu.memory_space<vmem>>)
      %dma_start3A_236 = arith.constant 0 : i32
      %dma_start3A_237 = arith.constant 0 : i32
      %dma_start3A_238 = tpu.memref_slice %arg4[%dma_start3A_236, %dma_start3A_237] : memref<40000x128xf32, #tpu.memory_space<hbm>> -> memref<40000x128xf32, #tpu.memory_space<hbm>>
      tpu.enqueue_indirect_dma source(%dma_start3A_238 : memref<40000x128xf32, #tpu.memory_space<hbm>>) target(%arg15 : memref<80x128xf32, #tpu.memory_space<vmem>>) offsets(%arg7 : memref<80xi32, #tpu.memory_space<vmem>>) semaphore(%arg27 : memref<!tpu.dma_semaphore, #tpu.memory_space<semaphore_mem>>)
      %dma_wait3A_239 = arith.constant 0 : i32
      %dma_wait3A_240 = arith.constant 0 : i32
      %dma_wait3A_241 = tpu.memref_slice %arg4[%dma_wait3A_239, %dma_wait3A_240] : memref<40000x128xf32, #tpu.memory_space<hbm>> -> memref<40000x128xf32, #tpu.memory_space<hbm>>
      tpu.wait_indirect_dma semaphore(%arg27 : memref<!tpu.dma_semaphore, #tpu.memory_space<semaphore_mem>>) src(%dma_wait3A_241 : memref<40000x128xf32, #tpu.memory_space<hbm>>) dst(%arg15 : memref<80x128xf32, #tpu.memory_space<vmem>>)
      %dma_start3A_242 = arith.constant 0 : i32
      %dma_start3A_243 = arith.constant 0 : i32
      %dma_start3A_244 = tpu.memref_slice %arg35[%dma_start3A_242, %dma_start3A_243] : memref<10000x128xf32, #tpu.memory_space<vmem_shared>> -> memref<10000x128xf32, #tpu.memory_space<vmem_shared>>
      tpu.enqueue_indirect_dma source(%arg15 : memref<80x128xf32, #tpu.memory_space<vmem>>) target(%dma_start3A_244 : memref<10000x128xf32, #tpu.memory_space<vmem_shared>>) offsets(%arg11 : memref<80xi32, #tpu.memory_space<vmem>>) semaphore(%arg31 : memref<!tpu.dma_semaphore, #tpu.memory_space<semaphore_mem>>) {add = true}
      %dma_wait3A_245 = arith.constant 0 : i32
      %dma_wait3A_246 = arith.constant 0 : i32
      %dma_wait3A_247 = tpu.memref_slice %arg35[%dma_wait3A_245, %dma_wait3A_246] : memref<10000x128xf32, #tpu.memory_space<vmem_shared>> -> memref<10000x128xf32, #tpu.memory_space<vmem_shared>>
      tpu.wait_indirect_dma semaphore(%arg31 : memref<!tpu.dma_semaphore, #tpu.memory_space<semaphore_mem>>) src(%arg15 : memref<80x128xf32, #tpu.memory_space<vmem>>) dst(%dma_wait3A_247 : memref<10000x128xf32, #tpu.memory_space<vmem_shared>>)
    } else {
    }
    %barrier3A_212 = arith.constant 0 : index
    tpu.barrier barrier_id(%barrier3A_212)
    %lt3A_213 = arith.constant 10 : i32
    %lt3A_214 = arith.cmpi slt, %arg1, %lt3A_213 : i32
    %convert_element_type3A_215 = arith.extui %lt3A_214 : i1 to i32
    %cond3A_216 = arith.constant 0 : i32
    %cond3A_217 = arith.cmpi ne, %convert_element_type3A_215, %cond3A_216 : i32
    scf.if %cond3A_217 {
      %mul3A_219 = arith.constant 10000 : i32
      %mul3A_220 = arith.muli %add3A_107, %mul3A_219 : i32
      %add3A_221 = arith.addi %mul3A_220, %mul3A_0 : i32
      "tpu.region"() ({
        %run_scoped3A = tpu.sem_alloc : memref<!tpu.dma_semaphore, #tpu.memory_space<semaphore_mem>>
        %dma_start3A_222 = arith.constant 0 : i32
        %dma_start3A_223 = tpu.memref_slice %arg6[%add3A_221, %dma_start3A_222] : memref<40000x128xf32, #tpu.memory_space<hbm>> -> memref<1000x128xf32, #tpu.memory_space<hbm>>
        %dma_start3A_224 = arith.constant 0 : i32
        %dma_start3A_225 = tpu.memref_slice %arg35[%mul3A_0, %dma_start3A_224] : memref<10000x128xf32, #tpu.memory_space<vmem_shared>> -> memref<1000x128xf32, #tpu.memory_space<vmem_shared>>
        tpu.enqueue_dma source(%dma_start3A_225 : memref<1000x128xf32, #tpu.memory_space<vmem_shared>>) target(%dma_start3A_223 : memref<1000x128xf32, #tpu.memory_space<hbm>>) target_semaphore(%run_scoped3A : memref<!tpu.dma_semaphore, #tpu.memory_space<semaphore_mem>>)
        %dma_wait3A_226 = arith.constant 0 : i32
        %dma_wait3A_227 = tpu.memref_slice %arg6[%add3A_221, %dma_wait3A_226] : memref<40000x128xf32, #tpu.memory_space<hbm>> -> memref<1000x128xf32, #tpu.memory_space<hbm>>
        %dma_wait3A_228 = arith.constant 0 : i32
        %dma_wait3A_229 = tpu.memref_slice %arg35[%mul3A_0, %dma_wait3A_228] : memref<10000x128xf32, #tpu.memory_space<vmem_shared>> -> memref<1000x128xf32, #tpu.memory_space<vmem_shared>>
        tpu.wait_dma2 semaphore(%run_scoped3A : memref<!tpu.dma_semaphore, #tpu.memory_space<semaphore_mem>>) src(%dma_wait3A_229 : memref<1000x128xf32, #tpu.memory_space<vmem_shared>>) dst(%dma_wait3A_227 : memref<1000x128xf32, #tpu.memory_space<hbm>>)
        tpu.yield
      }) : () -> ()
    } else {
    }
    %barrier3A_218 = arith.constant 0 : index
    tpu.barrier barrier_id(%barrier3A_218)
    return
  }
}

#map = affine_map<(d0, d1) -> (0)>
#map1 = affine_map<(d0, d1) -> (0, 0)>
module attributes {stable_mosaic.version = 14 : i64} {
  func.func @_segsum_body(%arg0: i32, %arg1: i32, %arg2: memref<640000xi32, #tpu.memory_space<hbm>>, %arg3: memref<320000xi32, #tpu.memory_space<hbm>>, %arg4: memref<20000x128xf32, #tpu.memory_space<hbm>>, %arg5: memref<1000x128xf32, #tpu.memory_space<hbm>>, %arg6: memref<20000x128xf32, #tpu.memory_space<hbm>>, %arg7: memref<80xi32, #tpu.memory_space<vmem>>, %arg8: memref<80xi32, #tpu.memory_space<vmem>>, %arg9: memref<80xi32, #tpu.memory_space<vmem>>, %arg10: memref<80xi32, #tpu.memory_space<vmem>>, %arg11: memref<80xi32, #tpu.memory_space<vmem>>, %arg12: memref<80xi32, #tpu.memory_space<vmem>>, %arg13: memref<80xi32, #tpu.memory_space<vmem>>, %arg14: memref<80xi32, #tpu.memory_space<vmem>>, %arg15: memref<80x128xf32, #tpu.memory_space<vmem>>, %arg16: memref<80x128xf32, #tpu.memory_space<vmem>>, %arg17: memref<80x128xf32, #tpu.memory_space<vmem>>, %arg18: memref<80x128xf32, #tpu.memory_space<vmem>>, %arg19: memref<!tpu.dma_semaphore, #tpu.memory_space<semaphore_mem>>, %arg20: memref<!tpu.dma_semaphore, #tpu.memory_space<semaphore_mem>>, %arg21: memref<!tpu.dma_semaphore, #tpu.memory_space<semaphore_mem>>, %arg22: memref<!tpu.dma_semaphore, #tpu.memory_space<semaphore_mem>>, %arg23: memref<!tpu.dma_semaphore, #tpu.memory_space<semaphore_mem>>, %arg24: memref<!tpu.dma_semaphore, #tpu.memory_space<semaphore_mem>>, %arg25: memref<!tpu.dma_semaphore, #tpu.memory_space<semaphore_mem>>, %arg26: memref<!tpu.dma_semaphore, #tpu.memory_space<semaphore_mem>>, %arg27: memref<!tpu.dma_semaphore, #tpu.memory_space<semaphore_mem>>, %arg28: memref<!tpu.dma_semaphore, #tpu.memory_space<semaphore_mem>>, %arg29: memref<!tpu.dma_semaphore, #tpu.memory_space<semaphore_mem>>, %arg30: memref<!tpu.dma_semaphore, #tpu.memory_space<semaphore_mem>>, %arg31: memref<!tpu.dma_semaphore, #tpu.memory_space<semaphore_mem>>, %arg32: memref<!tpu.dma_semaphore, #tpu.memory_space<semaphore_mem>>, %arg33: memref<!tpu.dma_semaphore, #tpu.memory_space<semaphore_mem>>, %arg34: memref<!tpu.dma_semaphore, #tpu.memory_space<semaphore_mem>>, %arg35: memref<10000x128xf32, #tpu.memory_space<vmem_shared>>) attributes {dimension_semantics = [#tpu.dimension_semantics<core_parallel>, #tpu.dimension_semantics<subcore_parallel>], iteration_bounds = array<i64: 2, 16>, scalar_prefetch = 0 : i64, scratch_operands = 29 : i64, tpu.core_type = #tpu.core_type<sc_vector_subcore>, window_params = [{transform_indices = #map}, {transform_indices = #map}, {transform_indices = #map1}, {transform_indices = #map1}, {transform_indices = #map1}]} {
    %mul3A = arith.constant 1000 : i32
    %mul3A_0 = arith.muli %arg1, %mul3A : i32
    %add3A = arith.constant 0 : i32
    %add3A_1 = arith.addi %add3A, %arg0 : i32
    %lt3A = arith.constant 10 : i32
    %lt3A_2 = arith.cmpi slt, %arg1, %lt3A : i32
    %convert_element_type3A = arith.extui %lt3A_2 : i1 to i32
    %cond3A = arith.constant 0 : i32
    %cond3A_3 = arith.cmpi ne, %convert_element_type3A, %cond3A : i32
    scf.if %cond3A_3 {
      "tpu.region"() ({
        %run_scoped3A = tpu.sem_alloc : memref<!tpu.dma_semaphore, #tpu.memory_space<semaphore_mem>>
        %dma_start3A_106 = arith.constant 0 : i32
        %dma_start3A_107 = tpu.memref_slice %arg35[%mul3A_0, %dma_start3A_106] : memref<10000x128xf32, #tpu.memory_space<vmem_shared>> -> memref<1000x128xf32, #tpu.memory_space<vmem_shared>>
        tpu.enqueue_dma source(%arg5 : memref<1000x128xf32, #tpu.memory_space<hbm>>) target(%dma_start3A_107 : memref<1000x128xf32, #tpu.memory_space<vmem_shared>>) target_semaphore(%run_scoped3A : memref<!tpu.dma_semaphore, #tpu.memory_space<semaphore_mem>>)
        %dma_wait3A_108 = arith.constant 0 : i32
        %dma_wait3A_109 = tpu.memref_slice %arg35[%mul3A_0, %dma_wait3A_108] : memref<10000x128xf32, #tpu.memory_space<vmem_shared>> -> memref<1000x128xf32, #tpu.memory_space<vmem_shared>>
        tpu.wait_dma2 semaphore(%run_scoped3A : memref<!tpu.dma_semaphore, #tpu.memory_space<semaphore_mem>>) src(%arg5 : memref<1000x128xf32, #tpu.memory_space<hbm>>) dst(%dma_wait3A_109 : memref<1000x128xf32, #tpu.memory_space<vmem_shared>>)
        tpu.yield
      }) : () -> ()
    } else {
    }
    %barrier3A = arith.constant 0 : index
    tpu.barrier barrier_id(%barrier3A)
    %mul3A_4 = arith.constant 320000 : i32
    %mul3A_5 = arith.muli %add3A_1, %mul3A_4 : i32
    %mul3A_6 = arith.constant 20000 : i32
    %mul3A_7 = arith.muli %arg1, %mul3A_6 : i32
    %add3A_8 = arith.addi %mul3A_5, %mul3A_7 : i32
    %mul3A_9 = arith.constant 20000 : i32
    %mul3A_10 = arith.muli %arg1, %mul3A_9 : i32
    %add3A_11 = arith.constant 0 : i32
    %add3A_12 = arith.addi %add3A_8, %add3A_11 : i32
    %dma_start3A = tpu.memref_slice %arg2[%add3A_12] : memref<640000xi32, #tpu.memory_space<hbm>> -> memref<80xi32, #tpu.memory_space<hbm>>
    %dma_start3A_13 = tpu.memref_slice %arg2[%add3A_12] : memref<640000xi32, #tpu.memory_space<hbm>> -> memref<80xi32, #tpu.memory_space<hbm>>
    tpu.enqueue_dma source(%dma_start3A_13 : memref<80xi32, #tpu.memory_space<hbm>>) target(%arg7 : memref<80xi32, #tpu.memory_space<vmem>>) target_semaphore(%arg19 : memref<!tpu.dma_semaphore, #tpu.memory_space<semaphore_mem>>)
    %add3A_14 = arith.constant 0 : i32
    %add3A_15 = arith.addi %mul3A_10, %add3A_14 : i32
    %dma_start3A_16 = tpu.memref_slice %arg3[%add3A_15] : memref<320000xi32, #tpu.memory_space<hbm>> -> memref<80xi32, #tpu.memory_space<hbm>>
    %dma_start3A_17 = tpu.memref_slice %arg3[%add3A_15] : memref<320000xi32, #tpu.memory_space<hbm>> -> memref<80xi32, #tpu.memory_space<hbm>>
    tpu.enqueue_dma source(%dma_start3A_17 : memref<80xi32, #tpu.memory_space<hbm>>) target(%arg11 : memref<80xi32, #tpu.memory_space<vmem>>) target_semaphore(%arg23 : memref<!tpu.dma_semaphore, #tpu.memory_space<semaphore_mem>>)
    %add3A_18 = arith.constant 80 : i32
    %add3A_19 = arith.addi %add3A_8, %add3A_18 : i32
    %dma_start3A_20 = tpu.memref_slice %arg2[%add3A_19] : memref<640000xi32, #tpu.memory_space<hbm>> -> memref<80xi32, #tpu.memory_space<hbm>>
    %dma_start3A_21 = tpu.memref_slice %arg2[%add3A_19] : memref<640000xi32, #tpu.memory_space<hbm>> -> memref<80xi32, #tpu.memory_space<hbm>>
    tpu.enqueue_dma source(%dma_start3A_21 : memref<80xi32, #tpu.memory_space<hbm>>) target(%arg8 : memref<80xi32, #tpu.memory_space<vmem>>) target_semaphore(%arg20 : memref<!tpu.dma_semaphore, #tpu.memory_space<semaphore_mem>>)
    %add3A_22 = arith.constant 80 : i32
    %add3A_23 = arith.addi %mul3A_10, %add3A_22 : i32
    %dma_start3A_24 = tpu.memref_slice %arg3[%add3A_23] : memref<320000xi32, #tpu.memory_space<hbm>> -> memref<80xi32, #tpu.memory_space<hbm>>
    %dma_start3A_25 = tpu.memref_slice %arg3[%add3A_23] : memref<320000xi32, #tpu.memory_space<hbm>> -> memref<80xi32, #tpu.memory_space<hbm>>
    tpu.enqueue_dma source(%dma_start3A_25 : memref<80xi32, #tpu.memory_space<hbm>>) target(%arg12 : memref<80xi32, #tpu.memory_space<vmem>>) target_semaphore(%arg24 : memref<!tpu.dma_semaphore, #tpu.memory_space<semaphore_mem>>)
    %add3A_26 = arith.constant 160 : i32
    %add3A_27 = arith.addi %add3A_8, %add3A_26 : i32
    %dma_start3A_28 = tpu.memref_slice %arg2[%add3A_27] : memref<640000xi32, #tpu.memory_space<hbm>> -> memref<80xi32, #tpu.memory_space<hbm>>
    %dma_start3A_29 = tpu.memref_slice %arg2[%add3A_27] : memref<640000xi32, #tpu.memory_space<hbm>> -> memref<80xi32, #tpu.memory_space<hbm>>
    tpu.enqueue_dma source(%dma_start3A_29 : memref<80xi32, #tpu.memory_space<hbm>>) target(%arg9 : memref<80xi32, #tpu.memory_space<vmem>>) target_semaphore(%arg21 : memref<!tpu.dma_semaphore, #tpu.memory_space<semaphore_mem>>)
    %add3A_30 = arith.constant 160 : i32
    %add3A_31 = arith.addi %mul3A_10, %add3A_30 : i32
    %dma_start3A_32 = tpu.memref_slice %arg3[%add3A_31] : memref<320000xi32, #tpu.memory_space<hbm>> -> memref<80xi32, #tpu.memory_space<hbm>>
    %dma_start3A_33 = tpu.memref_slice %arg3[%add3A_31] : memref<320000xi32, #tpu.memory_space<hbm>> -> memref<80xi32, #tpu.memory_space<hbm>>
    tpu.enqueue_dma source(%dma_start3A_33 : memref<80xi32, #tpu.memory_space<hbm>>) target(%arg13 : memref<80xi32, #tpu.memory_space<vmem>>) target_semaphore(%arg25 : memref<!tpu.dma_semaphore, #tpu.memory_space<semaphore_mem>>)
    %add3A_34 = arith.constant 240 : i32
    %add3A_35 = arith.addi %add3A_8, %add3A_34 : i32
    %dma_start3A_36 = tpu.memref_slice %arg2[%add3A_35] : memref<640000xi32, #tpu.memory_space<hbm>> -> memref<80xi32, #tpu.memory_space<hbm>>
    %dma_start3A_37 = tpu.memref_slice %arg2[%add3A_35] : memref<640000xi32, #tpu.memory_space<hbm>> -> memref<80xi32, #tpu.memory_space<hbm>>
    tpu.enqueue_dma source(%dma_start3A_37 : memref<80xi32, #tpu.memory_space<hbm>>) target(%arg10 : memref<80xi32, #tpu.memory_space<vmem>>) target_semaphore(%arg22 : memref<!tpu.dma_semaphore, #tpu.memory_space<semaphore_mem>>)
    %add3A_38 = arith.constant 240 : i32
    %add3A_39 = arith.addi %mul3A_10, %add3A_38 : i32
    %dma_start3A_40 = tpu.memref_slice %arg3[%add3A_39] : memref<320000xi32, #tpu.memory_space<hbm>> -> memref<80xi32, #tpu.memory_space<hbm>>
    %dma_start3A_41 = tpu.memref_slice %arg3[%add3A_39] : memref<320000xi32, #tpu.memory_space<hbm>> -> memref<80xi32, #tpu.memory_space<hbm>>
    tpu.enqueue_dma source(%dma_start3A_41 : memref<80xi32, #tpu.memory_space<hbm>>) target(%arg14 : memref<80xi32, #tpu.memory_space<vmem>>) target_semaphore(%arg26 : memref<!tpu.dma_semaphore, #tpu.memory_space<semaphore_mem>>)
    %scan3A = arith.constant 0 : i32
    %scan3A_42 = arith.constant 0 : i32
    %scan3A_43 = arith.constant 62 : i32
    %scan3A_44 = arith.addi %scan3A_42, %scan3A_43 : i32
    %scan3A_45 = arith.constant 1 : i32
    scf.for %scan3A_106 = %scan3A_42 to %scan3A_44 step %scan3A_45  : i32 {
      %mul3A_107 = arith.constant 4 : i32
      %mul3A_108 = arith.muli %scan3A_106, %mul3A_107 : i32
      %dma_wait3A_109 = arith.constant 0 : i32
      %dma_wait3A_110 = tpu.memref_slice %arg2[%dma_wait3A_109] : memref<640000xi32, #tpu.memory_space<hbm>> -> memref<80xi32, #tpu.memory_space<hbm>>
      %dma_wait3A_111 = arith.constant 0 : i32
      %dma_wait3A_112 = tpu.memref_slice %arg2[%dma_wait3A_111] : memref<640000xi32, #tpu.memory_space<hbm>> -> memref<80xi32, #tpu.memory_space<hbm>>
      tpu.wait_dma2 semaphore(%arg19 : memref<!tpu.dma_semaphore, #tpu.memory_space<semaphore_mem>>) src(%dma_wait3A_112 : memref<80xi32, #tpu.memory_space<hbm>>) dst(%arg7 : memref<80xi32, #tpu.memory_space<vmem>>)
      %dma_start3A_113 = arith.constant 0 : i32
      %dma_start3A_114 = arith.constant 0 : i32
      %dma_start3A_115 = tpu.memref_slice %arg4[%dma_start3A_113, %dma_start3A_114] : memref<20000x128xf32, #tpu.memory_space<hbm>> -> memref<20000x128xf32, #tpu.memory_space<hbm>>
      tpu.enqueue_indirect_dma source(%dma_start3A_115 : memref<20000x128xf32, #tpu.memory_space<hbm>>) target(%arg15 : memref<80x128xf32, #tpu.memory_space<vmem>>) offsets(%arg7 : memref<80xi32, #tpu.memory_space<vmem>>) semaphore(%arg27 : memref<!tpu.dma_semaphore, #tpu.memory_space<semaphore_mem>>)
      %dma_wait3A_116 = arith.constant 0 : i32
      %dma_wait3A_117 = tpu.memref_slice %arg2[%dma_wait3A_116] : memref<640000xi32, #tpu.memory_space<hbm>> -> memref<80xi32, #tpu.memory_space<hbm>>
      %dma_wait3A_118 = arith.constant 0 : i32
      %dma_wait3A_119 = tpu.memref_slice %arg2[%dma_wait3A_118] : memref<640000xi32, #tpu.memory_space<hbm>> -> memref<80xi32, #tpu.memory_space<hbm>>
      tpu.wait_dma2 semaphore(%arg20 : memref<!tpu.dma_semaphore, #tpu.memory_space<semaphore_mem>>) src(%dma_wait3A_119 : memref<80xi32, #tpu.memory_space<hbm>>) dst(%arg8 : memref<80xi32, #tpu.memory_space<vmem>>)
      %dma_start3A_120 = arith.constant 0 : i32
      %dma_start3A_121 = arith.constant 0 : i32
      %dma_start3A_122 = tpu.memref_slice %arg4[%dma_start3A_120, %dma_start3A_121] : memref<20000x128xf32, #tpu.memory_space<hbm>> -> memref<20000x128xf32, #tpu.memory_space<hbm>>
      tpu.enqueue_indirect_dma source(%dma_start3A_122 : memref<20000x128xf32, #tpu.memory_space<hbm>>) target(%arg16 : memref<80x128xf32, #tpu.memory_space<vmem>>) offsets(%arg8 : memref<80xi32, #tpu.memory_space<vmem>>) semaphore(%arg28 : memref<!tpu.dma_semaphore, #tpu.memory_space<semaphore_mem>>)
      %dma_wait3A_123 = arith.constant 0 : i32
      %dma_wait3A_124 = tpu.memref_slice %arg2[%dma_wait3A_123] : memref<640000xi32, #tpu.memory_space<hbm>> -> memref<80xi32, #tpu.memory_space<hbm>>
      %dma_wait3A_125 = arith.constant 0 : i32
      %dma_wait3A_126 = tpu.memref_slice %arg2[%dma_wait3A_125] : memref<640000xi32, #tpu.memory_space<hbm>> -> memref<80xi32, #tpu.memory_space<hbm>>
      tpu.wait_dma2 semaphore(%arg21 : memref<!tpu.dma_semaphore, #tpu.memory_space<semaphore_mem>>) src(%dma_wait3A_126 : memref<80xi32, #tpu.memory_space<hbm>>) dst(%arg9 : memref<80xi32, #tpu.memory_space<vmem>>)
      %dma_start3A_127 = arith.constant 0 : i32
      %dma_start3A_128 = arith.constant 0 : i32
      %dma_start3A_129 = tpu.memref_slice %arg4[%dma_start3A_127, %dma_start3A_128] : memref<20000x128xf32, #tpu.memory_space<hbm>> -> memref<20000x128xf32, #tpu.memory_space<hbm>>
      tpu.enqueue_indirect_dma source(%dma_start3A_129 : memref<20000x128xf32, #tpu.memory_space<hbm>>) target(%arg17 : memref<80x128xf32, #tpu.memory_space<vmem>>) offsets(%arg9 : memref<80xi32, #tpu.memory_space<vmem>>) semaphore(%arg29 : memref<!tpu.dma_semaphore, #tpu.memory_space<semaphore_mem>>)
      %dma_wait3A_130 = arith.constant 0 : i32
      %dma_wait3A_131 = tpu.memref_slice %arg2[%dma_wait3A_130] : memref<640000xi32, #tpu.memory_space<hbm>> -> memref<80xi32, #tpu.memory_space<hbm>>
      %dma_wait3A_132 = arith.constant 0 : i32
      %dma_wait3A_133 = tpu.memref_slice %arg2[%dma_wait3A_132] : memref<640000xi32, #tpu.memory_space<hbm>> -> memref<80xi32, #tpu.memory_space<hbm>>
      tpu.wait_dma2 semaphore(%arg22 : memref<!tpu.dma_semaphore, #tpu.memory_space<semaphore_mem>>) src(%dma_wait3A_133 : memref<80xi32, #tpu.memory_space<hbm>>) dst(%arg10 : memref<80xi32, #tpu.memory_space<vmem>>)
      %dma_start3A_134 = arith.constant 0 : i32
      %dma_start3A_135 = arith.constant 0 : i32
      %dma_start3A_136 = tpu.memref_slice %arg4[%dma_start3A_134, %dma_start3A_135] : memref<20000x128xf32, #tpu.memory_space<hbm>> -> memref<20000x128xf32, #tpu.memory_space<hbm>>
      tpu.enqueue_indirect_dma source(%dma_start3A_136 : memref<20000x128xf32, #tpu.memory_space<hbm>>) target(%arg18 : memref<80x128xf32, #tpu.memory_space<vmem>>) offsets(%arg10 : memref<80xi32, #tpu.memory_space<vmem>>) semaphore(%arg30 : memref<!tpu.dma_semaphore, #tpu.memory_space<semaphore_mem>>)
      %dma_wait3A_137 = arith.constant 0 : i32
      %dma_wait3A_138 = arith.constant 0 : i32
      %dma_wait3A_139 = tpu.memref_slice %arg4[%dma_wait3A_137, %dma_wait3A_138] : memref<20000x128xf32, #tpu.memory_space<hbm>> -> memref<20000x128xf32, #tpu.memory_space<hbm>>
      tpu.wait_indirect_dma semaphore(%arg27 : memref<!tpu.dma_semaphore, #tpu.memory_space<semaphore_mem>>) src(%dma_wait3A_139 : memref<20000x128xf32, #tpu.memory_space<hbm>>) dst(%arg15 : memref<80x128xf32, #tpu.memory_space<vmem>>)
      %dma_wait3A_140 = arith.constant 0 : i32
      %dma_wait3A_141 = tpu.memref_slice %arg3[%dma_wait3A_140] : memref<320000xi32, #tpu.memory_space<hbm>> -> memref<80xi32, #tpu.memory_space<hbm>>
      %dma_wait3A_142 = arith.constant 0 : i32
      %dma_wait3A_143 = tpu.memref_slice %arg3[%dma_wait3A_142] : memref<320000xi32, #tpu.memory_space<hbm>> -> memref<80xi32, #tpu.memory_space<hbm>>
      tpu.wait_dma2 semaphore(%arg23 : memref<!tpu.dma_semaphore, #tpu.memory_space<semaphore_mem>>) src(%dma_wait3A_143 : memref<80xi32, #tpu.memory_space<hbm>>) dst(%arg11 : memref<80xi32, #tpu.memory_space<vmem>>)
      %dma_start3A_144 = arith.constant 0 : i32
      %dma_start3A_145 = arith.constant 0 : i32
      %dma_start3A_146 = tpu.memref_slice %arg35[%dma_start3A_144, %dma_start3A_145] : memref<10000x128xf32, #tpu.memory_space<vmem_shared>> -> memref<10000x128xf32, #tpu.memory_space<vmem_shared>>
      tpu.enqueue_indirect_dma source(%arg15 : memref<80x128xf32, #tpu.memory_space<vmem>>) target(%dma_start3A_146 : memref<10000x128xf32, #tpu.memory_space<vmem_shared>>) offsets(%arg11 : memref<80xi32, #tpu.memory_space<vmem>>) semaphore(%arg31 : memref<!tpu.dma_semaphore, #tpu.memory_space<semaphore_mem>>) {add = true}
      %dma_wait3A_147 = arith.constant 0 : i32
      %dma_wait3A_148 = arith.constant 0 : i32
      %dma_wait3A_149 = tpu.memref_slice %arg4[%dma_wait3A_147, %dma_wait3A_148] : memref<20000x128xf32, #tpu.memory_space<hbm>> -> memref<20000x128xf32, #tpu.memory_space<hbm>>
      tpu.wait_indirect_dma semaphore(%arg28 : memref<!tpu.dma_semaphore, #tpu.memory_space<semaphore_mem>>) src(%dma_wait3A_149 : memref<20000x128xf32, #tpu.memory_space<hbm>>) dst(%arg16 : memref<80x128xf32, #tpu.memory_space<vmem>>)
      %dma_wait3A_150 = arith.constant 0 : i32
      %dma_wait3A_151 = tpu.memref_slice %arg3[%dma_wait3A_150] : memref<320000xi32, #tpu.memory_space<hbm>> -> memref<80xi32, #tpu.memory_space<hbm>>
      %dma_wait3A_152 = arith.constant 0 : i32
      %dma_wait3A_153 = tpu.memref_slice %arg3[%dma_wait3A_152] : memref<320000xi32, #tpu.memory_space<hbm>> -> memref<80xi32, #tpu.memory_space<hbm>>
      tpu.wait_dma2 semaphore(%arg24 : memref<!tpu.dma_semaphore, #tpu.memory_space<semaphore_mem>>) src(%dma_wait3A_153 : memref<80xi32, #tpu.memory_space<hbm>>) dst(%arg12 : memref<80xi32, #tpu.memory_space<vmem>>)
      %dma_start3A_154 = arith.constant 0 : i32
      %dma_start3A_155 = arith.constant 0 : i32
      %dma_start3A_156 = tpu.memref_slice %arg35[%dma_start3A_154, %dma_start3A_155] : memref<10000x128xf32, #tpu.memory_space<vmem_shared>> -> memref<10000x128xf32, #tpu.memory_space<vmem_shared>>
      tpu.enqueue_indirect_dma source(%arg16 : memref<80x128xf32, #tpu.memory_space<vmem>>) target(%dma_start3A_156 : memref<10000x128xf32, #tpu.memory_space<vmem_shared>>) offsets(%arg12 : memref<80xi32, #tpu.memory_space<vmem>>) semaphore(%arg32 : memref<!tpu.dma_semaphore, #tpu.memory_space<semaphore_mem>>) {add = true}
      %dma_wait3A_157 = arith.constant 0 : i32
      %dma_wait3A_158 = arith.constant 0 : i32
      %dma_wait3A_159 = tpu.memref_slice %arg4[%dma_wait3A_157, %dma_wait3A_158] : memref<20000x128xf32, #tpu.memory_space<hbm>> -> memref<20000x128xf32, #tpu.memory_space<hbm>>
      tpu.wait_indirect_dma semaphore(%arg29 : memref<!tpu.dma_semaphore, #tpu.memory_space<semaphore_mem>>) src(%dma_wait3A_159 : memref<20000x128xf32, #tpu.memory_space<hbm>>) dst(%arg17 : memref<80x128xf32, #tpu.memory_space<vmem>>)
      %dma_wait3A_160 = arith.constant 0 : i32
      %dma_wait3A_161 = tpu.memref_slice %arg3[%dma_wait3A_160] : memref<320000xi32, #tpu.memory_space<hbm>> -> memref<80xi32, #tpu.memory_space<hbm>>
      %dma_wait3A_162 = arith.constant 0 : i32
      %dma_wait3A_163 = tpu.memref_slice %arg3[%dma_wait3A_162] : memref<320000xi32, #tpu.memory_space<hbm>> -> memref<80xi32, #tpu.memory_space<hbm>>
      tpu.wait_dma2 semaphore(%arg25 : memref<!tpu.dma_semaphore, #tpu.memory_space<semaphore_mem>>) src(%dma_wait3A_163 : memref<80xi32, #tpu.memory_space<hbm>>) dst(%arg13 : memref<80xi32, #tpu.memory_space<vmem>>)
      %dma_start3A_164 = arith.constant 0 : i32
      %dma_start3A_165 = arith.constant 0 : i32
      %dma_start3A_166 = tpu.memref_slice %arg35[%dma_start3A_164, %dma_start3A_165] : memref<10000x128xf32, #tpu.memory_space<vmem_shared>> -> memref<10000x128xf32, #tpu.memory_space<vmem_shared>>
      tpu.enqueue_indirect_dma source(%arg17 : memref<80x128xf32, #tpu.memory_space<vmem>>) target(%dma_start3A_166 : memref<10000x128xf32, #tpu.memory_space<vmem_shared>>) offsets(%arg13 : memref<80xi32, #tpu.memory_space<vmem>>) semaphore(%arg33 : memref<!tpu.dma_semaphore, #tpu.memory_space<semaphore_mem>>) {add = true}
      %dma_wait3A_167 = arith.constant 0 : i32
      %dma_wait3A_168 = arith.constant 0 : i32
      %dma_wait3A_169 = tpu.memref_slice %arg4[%dma_wait3A_167, %dma_wait3A_168] : memref<20000x128xf32, #tpu.memory_space<hbm>> -> memref<20000x128xf32, #tpu.memory_space<hbm>>
      tpu.wait_indirect_dma semaphore(%arg30 : memref<!tpu.dma_semaphore, #tpu.memory_space<semaphore_mem>>) src(%dma_wait3A_169 : memref<20000x128xf32, #tpu.memory_space<hbm>>) dst(%arg18 : memref<80x128xf32, #tpu.memory_space<vmem>>)
      %dma_wait3A_170 = arith.constant 0 : i32
      %dma_wait3A_171 = tpu.memref_slice %arg3[%dma_wait3A_170] : memref<320000xi32, #tpu.memory_space<hbm>> -> memref<80xi32, #tpu.memory_space<hbm>>
      %dma_wait3A_172 = arith.constant 0 : i32
      %dma_wait3A_173 = tpu.memref_slice %arg3[%dma_wait3A_172] : memref<320000xi32, #tpu.memory_space<hbm>> -> memref<80xi32, #tpu.memory_space<hbm>>
      tpu.wait_dma2 semaphore(%arg26 : memref<!tpu.dma_semaphore, #tpu.memory_space<semaphore_mem>>) src(%dma_wait3A_173 : memref<80xi32, #tpu.memory_space<hbm>>) dst(%arg14 : memref<80xi32, #tpu.memory_space<vmem>>)
      %dma_start3A_174 = arith.constant 0 : i32
      %dma_start3A_175 = arith.constant 0 : i32
      %dma_start3A_176 = tpu.memref_slice %arg35[%dma_start3A_174, %dma_start3A_175] : memref<10000x128xf32, #tpu.memory_space<vmem_shared>> -> memref<10000x128xf32, #tpu.memory_space<vmem_shared>>
      tpu.enqueue_indirect_dma source(%arg18 : memref<80x128xf32, #tpu.memory_space<vmem>>) target(%dma_start3A_176 : memref<10000x128xf32, #tpu.memory_space<vmem_shared>>) offsets(%arg14 : memref<80xi32, #tpu.memory_space<vmem>>) semaphore(%arg34 : memref<!tpu.dma_semaphore, #tpu.memory_space<semaphore_mem>>) {add = true}
      %dma_wait3A_177 = arith.constant 0 : i32
      %dma_wait3A_178 = arith.constant 0 : i32
      %dma_wait3A_179 = tpu.memref_slice %arg35[%dma_wait3A_177, %dma_wait3A_178] : memref<10000x128xf32, #tpu.memory_space<vmem_shared>> -> memref<10000x128xf32, #tpu.memory_space<vmem_shared>>
      tpu.wait_indirect_dma semaphore(%arg31 : memref<!tpu.dma_semaphore, #tpu.memory_space<semaphore_mem>>) src(%arg15 : memref<80x128xf32, #tpu.memory_space<vmem>>) dst(%dma_wait3A_179 : memref<10000x128xf32, #tpu.memory_space<vmem_shared>>)
      %lt3A_180 = arith.constant 61 : i32
      %lt3A_181 = arith.cmpi slt, %scan3A_106, %lt3A_180 : i32
      %convert_element_type3A_182 = arith.extui %lt3A_181 : i1 to i32
      %cond3A_183 = arith.constant 0 : i32
      %cond3A_184 = arith.cmpi ne, %convert_element_type3A_182, %cond3A_183 : i32
      scf.if %cond3A_184 {
        %add3A_209 = arith.constant 4 : i32
        %add3A_210 = arith.addi %mul3A_108, %add3A_209 : i32
        %add3A_211 = arith.constant 0 : i32
        %add3A_212 = arith.addi %add3A_210, %add3A_211 : i32
        %mul3A_213 = arith.constant 80 : i32
        %mul3A_214 = arith.muli %add3A_212, %mul3A_213 : i32
        %add3A_215 = arith.addi %add3A_8, %mul3A_214 : i32
        %dma_start3A_216 = tpu.memref_slice %arg2[%add3A_215] : memref<640000xi32, #tpu.memory_space<hbm>> -> memref<80xi32, #tpu.memory_space<hbm>>
        %dma_start3A_217 = tpu.memref_slice %arg2[%add3A_215] : memref<640000xi32, #tpu.memory_space<hbm>> -> memref<80xi32, #tpu.memory_space<hbm>>
        tpu.enqueue_dma source(%dma_start3A_217 : memref<80xi32, #tpu.memory_space<hbm>>) target(%arg7 : memref<80xi32, #tpu.memory_space<vmem>>) target_semaphore(%arg19 : memref<!tpu.dma_semaphore, #tpu.memory_space<semaphore_mem>>)
        %add3A_218 = arith.constant 4 : i32
        %add3A_219 = arith.addi %mul3A_108, %add3A_218 : i32
        %add3A_220 = arith.constant 0 : i32
        %add3A_221 = arith.addi %add3A_219, %add3A_220 : i32
        %mul3A_222 = arith.constant 80 : i32
        %mul3A_223 = arith.muli %add3A_221, %mul3A_222 : i32
        %add3A_224 = arith.addi %mul3A_10, %mul3A_223 : i32
        %dma_start3A_225 = tpu.memref_slice %arg3[%add3A_224] : memref<320000xi32, #tpu.memory_space<hbm>> -> memref<80xi32, #tpu.memory_space<hbm>>
        %dma_start3A_226 = tpu.memref_slice %arg3[%add3A_224] : memref<320000xi32, #tpu.memory_space<hbm>> -> memref<80xi32, #tpu.memory_space<hbm>>
        tpu.enqueue_dma source(%dma_start3A_226 : memref<80xi32, #tpu.memory_space<hbm>>) target(%arg11 : memref<80xi32, #tpu.memory_space<vmem>>) target_semaphore(%arg23 : memref<!tpu.dma_semaphore, #tpu.memory_space<semaphore_mem>>)
      } else {
      }
      %dma_wait3A_185 = arith.constant 0 : i32
      %dma_wait3A_186 = arith.constant 0 : i32
      %dma_wait3A_187 = tpu.memref_slice %arg35[%dma_wait3A_185, %dma_wait3A_186] : memref<10000x128xf32, #tpu.memory_space<vmem_shared>> -> memref<10000x128xf32, #tpu.memory_space<vmem_shared>>
      tpu.wait_indirect_dma semaphore(%arg32 : memref<!tpu.dma_semaphore, #tpu.memory_space<semaphore_mem>>) src(%arg16 : memref<80x128xf32, #tpu.memory_space<vmem>>) dst(%dma_wait3A_187 : memref<10000x128xf32, #tpu.memory_space<vmem_shared>>)
      %lt3A_188 = arith.constant 61 : i32
      %lt3A_189 = arith.cmpi slt, %scan3A_106, %lt3A_188 : i32
      %convert_element_type3A_190 = arith.extui %lt3A_189 : i1 to i32
      %cond3A_191 = arith.constant 0 : i32
      %cond3A_192 = arith.cmpi ne, %convert_element_type3A_190, %cond3A_191 : i32
      scf.if %cond3A_192 {
        %add3A_209 = arith.constant 4 : i32
        %add3A_210 = arith.addi %mul3A_108, %add3A_209 : i32
        %add3A_211 = arith.constant 1 : i32
        %add3A_212 = arith.addi %add3A_210, %add3A_211 : i32
        %mul3A_213 = arith.constant 80 : i32
        %mul3A_214 = arith.muli %add3A_212, %mul3A_213 : i32
        %add3A_215 = arith.addi %add3A_8, %mul3A_214 : i32
        %dma_start3A_216 = tpu.memref_slice %arg2[%add3A_215] : memref<640000xi32, #tpu.memory_space<hbm>> -> memref<80xi32, #tpu.memory_space<hbm>>
        %dma_start3A_217 = tpu.memref_slice %arg2[%add3A_215] : memref<640000xi32, #tpu.memory_space<hbm>> -> memref<80xi32, #tpu.memory_space<hbm>>
        tpu.enqueue_dma source(%dma_start3A_217 : memref<80xi32, #tpu.memory_space<hbm>>) target(%arg8 : memref<80xi32, #tpu.memory_space<vmem>>) target_semaphore(%arg20 : memref<!tpu.dma_semaphore, #tpu.memory_space<semaphore_mem>>)
        %add3A_218 = arith.constant 4 : i32
        %add3A_219 = arith.addi %mul3A_108, %add3A_218 : i32
        %add3A_220 = arith.constant 1 : i32
        %add3A_221 = arith.addi %add3A_219, %add3A_220 : i32
        %mul3A_222 = arith.constant 80 : i32
        %mul3A_223 = arith.muli %add3A_221, %mul3A_222 : i32
        %add3A_224 = arith.addi %mul3A_10, %mul3A_223 : i32
        %dma_start3A_225 = tpu.memref_slice %arg3[%add3A_224] : memref<320000xi32, #tpu.memory_space<hbm>> -> memref<80xi32, #tpu.memory_space<hbm>>
        %dma_start3A_226 = tpu.memref_slice %arg3[%add3A_224] : memref<320000xi32, #tpu.memory_space<hbm>> -> memref<80xi32, #tpu.memory_space<hbm>>
        tpu.enqueue_dma source(%dma_start3A_226 : memref<80xi32, #tpu.memory_space<hbm>>) target(%arg12 : memref<80xi32, #tpu.memory_space<vmem>>) target_semaphore(%arg24 : memref<!tpu.dma_semaphore, #tpu.memory_space<semaphore_mem>>)
      } else {
      }
      %dma_wait3A_193 = arith.constant 0 : i32
      %dma_wait3A_194 = arith.constant 0 : i32
      %dma_wait3A_195 = tpu.memref_slice %arg35[%dma_wait3A_193, %dma_wait3A_194] : memref<10000x128xf32, #tpu.memory_space<vmem_shared>> -> memref<10000x128xf32, #tpu.memory_space<vmem_shared>>
      tpu.wait_indirect_dma semaphore(%arg33 : memref<!tpu.dma_semaphore, #tpu.memory_space<semaphore_mem>>) src(%arg17 : memref<80x128xf32, #tpu.memory_space<vmem>>) dst(%dma_wait3A_195 : memref<10000x128xf32, #tpu.memory_space<vmem_shared>>)
      %lt3A_196 = arith.constant 61 : i32
      %lt3A_197 = arith.cmpi slt, %scan3A_106, %lt3A_196 : i32
      %convert_element_type3A_198 = arith.extui %lt3A_197 : i1 to i32
      %cond3A_199 = arith.constant 0 : i32
      %cond3A_200 = arith.cmpi ne, %convert_element_type3A_198, %cond3A_199 : i32
      scf.if %cond3A_200 {
        %add3A_209 = arith.constant 4 : i32
        %add3A_210 = arith.addi %mul3A_108, %add3A_209 : i32
        %add3A_211 = arith.constant 2 : i32
        %add3A_212 = arith.addi %add3A_210, %add3A_211 : i32
        %mul3A_213 = arith.constant 80 : i32
        %mul3A_214 = arith.muli %add3A_212, %mul3A_213 : i32
        %add3A_215 = arith.addi %add3A_8, %mul3A_214 : i32
        %dma_start3A_216 = tpu.memref_slice %arg2[%add3A_215] : memref<640000xi32, #tpu.memory_space<hbm>> -> memref<80xi32, #tpu.memory_space<hbm>>
        %dma_start3A_217 = tpu.memref_slice %arg2[%add3A_215] : memref<640000xi32, #tpu.memory_space<hbm>> -> memref<80xi32, #tpu.memory_space<hbm>>
        tpu.enqueue_dma source(%dma_start3A_217 : memref<80xi32, #tpu.memory_space<hbm>>) target(%arg9 : memref<80xi32, #tpu.memory_space<vmem>>) target_semaphore(%arg21 : memref<!tpu.dma_semaphore, #tpu.memory_space<semaphore_mem>>)
        %add3A_218 = arith.constant 4 : i32
        %add3A_219 = arith.addi %mul3A_108, %add3A_218 : i32
        %add3A_220 = arith.constant 2 : i32
        %add3A_221 = arith.addi %add3A_219, %add3A_220 : i32
        %mul3A_222 = arith.constant 80 : i32
        %mul3A_223 = arith.muli %add3A_221, %mul3A_222 : i32
        %add3A_224 = arith.addi %mul3A_10, %mul3A_223 : i32
        %dma_start3A_225 = tpu.memref_slice %arg3[%add3A_224] : memref<320000xi32, #tpu.memory_space<hbm>> -> memref<80xi32, #tpu.memory_space<hbm>>
        %dma_start3A_226 = tpu.memref_slice %arg3[%add3A_224] : memref<320000xi32, #tpu.memory_space<hbm>> -> memref<80xi32, #tpu.memory_space<hbm>>
        tpu.enqueue_dma source(%dma_start3A_226 : memref<80xi32, #tpu.memory_space<hbm>>) target(%arg13 : memref<80xi32, #tpu.memory_space<vmem>>) target_semaphore(%arg25 : memref<!tpu.dma_semaphore, #tpu.memory_space<semaphore_mem>>)
      } else {
      }
      %dma_wait3A_201 = arith.constant 0 : i32
      %dma_wait3A_202 = arith.constant 0 : i32
      %dma_wait3A_203 = tpu.memref_slice %arg35[%dma_wait3A_201, %dma_wait3A_202] : memref<10000x128xf32, #tpu.memory_space<vmem_shared>> -> memref<10000x128xf32, #tpu.memory_space<vmem_shared>>
      tpu.wait_indirect_dma semaphore(%arg34 : memref<!tpu.dma_semaphore, #tpu.memory_space<semaphore_mem>>) src(%arg18 : memref<80x128xf32, #tpu.memory_space<vmem>>) dst(%dma_wait3A_203 : memref<10000x128xf32, #tpu.memory_space<vmem_shared>>)
      %lt3A_204 = arith.constant 61 : i32
      %lt3A_205 = arith.cmpi slt, %scan3A_106, %lt3A_204 : i32
      %convert_element_type3A_206 = arith.extui %lt3A_205 : i1 to i32
      %cond3A_207 = arith.constant 0 : i32
      %cond3A_208 = arith.cmpi ne, %convert_element_type3A_206, %cond3A_207 : i32
      scf.if %cond3A_208 {
        %add3A_209 = arith.constant 4 : i32
        %add3A_210 = arith.addi %mul3A_108, %add3A_209 : i32
        %add3A_211 = arith.constant 3 : i32
        %add3A_212 = arith.addi %add3A_210, %add3A_211 : i32
        %mul3A_213 = arith.constant 80 : i32
        %mul3A_214 = arith.muli %add3A_212, %mul3A_213 : i32
        %add3A_215 = arith.addi %add3A_8, %mul3A_214 : i32
        %dma_start3A_216 = tpu.memref_slice %arg2[%add3A_215] : memref<640000xi32, #tpu.memory_space<hbm>> -> memref<80xi32, #tpu.memory_space<hbm>>
        %dma_start3A_217 = tpu.memref_slice %arg2[%add3A_215] : memref<640000xi32, #tpu.memory_space<hbm>> -> memref<80xi32, #tpu.memory_space<hbm>>
        tpu.enqueue_dma source(%dma_start3A_217 : memref<80xi32, #tpu.memory_space<hbm>>) target(%arg10 : memref<80xi32, #tpu.memory_space<vmem>>) target_semaphore(%arg22 : memref<!tpu.dma_semaphore, #tpu.memory_space<semaphore_mem>>)
        %add3A_218 = arith.constant 4 : i32
        %add3A_219 = arith.addi %mul3A_108, %add3A_218 : i32
        %add3A_220 = arith.constant 3 : i32
        %add3A_221 = arith.addi %add3A_219, %add3A_220 : i32
        %mul3A_222 = arith.constant 80 : i32
        %mul3A_223 = arith.muli %add3A_221, %mul3A_222 : i32
        %add3A_224 = arith.addi %mul3A_10, %mul3A_223 : i32
        %dma_start3A_225 = tpu.memref_slice %arg3[%add3A_224] : memref<320000xi32, #tpu.memory_space<hbm>> -> memref<80xi32, #tpu.memory_space<hbm>>
        %dma_start3A_226 = tpu.memref_slice %arg3[%add3A_224] : memref<320000xi32, #tpu.memory_space<hbm>> -> memref<80xi32, #tpu.memory_space<hbm>>
        tpu.enqueue_dma source(%dma_start3A_226 : memref<80xi32, #tpu.memory_space<hbm>>) target(%arg14 : memref<80xi32, #tpu.memory_space<vmem>>) target_semaphore(%arg26 : memref<!tpu.dma_semaphore, #tpu.memory_space<semaphore_mem>>)
      } else {
      }
    }
    %scan3A_46 = arith.constant 62 : i32
    %add3A_47 = arith.constant 19840 : i32
    %add3A_48 = arith.addi %add3A_8, %add3A_47 : i32
    %dma_start3A_49 = tpu.memref_slice %arg2[%add3A_48] : memref<640000xi32, #tpu.memory_space<hbm>> -> memref<80xi32, #tpu.memory_space<hbm>>
    %dma_start3A_50 = tpu.memref_slice %arg2[%add3A_48] : memref<640000xi32, #tpu.memory_space<hbm>> -> memref<80xi32, #tpu.memory_space<hbm>>
    tpu.enqueue_dma source(%dma_start3A_50 : memref<80xi32, #tpu.memory_space<hbm>>) target(%arg7 : memref<80xi32, #tpu.memory_space<vmem>>) target_semaphore(%arg19 : memref<!tpu.dma_semaphore, #tpu.memory_space<semaphore_mem>>)
    %dma_wait3A = tpu.memref_slice %arg2[%add3A_48] : memref<640000xi32, #tpu.memory_space<hbm>> -> memref<80xi32, #tpu.memory_space<hbm>>
    %dma_wait3A_51 = tpu.memref_slice %arg2[%add3A_48] : memref<640000xi32, #tpu.memory_space<hbm>> -> memref<80xi32, #tpu.memory_space<hbm>>
    tpu.wait_dma2 semaphore(%arg19 : memref<!tpu.dma_semaphore, #tpu.memory_space<semaphore_mem>>) src(%dma_wait3A_51 : memref<80xi32, #tpu.memory_space<hbm>>) dst(%arg7 : memref<80xi32, #tpu.memory_space<vmem>>)
    %add3A_52 = arith.constant 19840 : i32
    %add3A_53 = arith.addi %mul3A_10, %add3A_52 : i32
    %dma_start3A_54 = tpu.memref_slice %arg3[%add3A_53] : memref<320000xi32, #tpu.memory_space<hbm>> -> memref<80xi32, #tpu.memory_space<hbm>>
    %dma_start3A_55 = tpu.memref_slice %arg3[%add3A_53] : memref<320000xi32, #tpu.memory_space<hbm>> -> memref<80xi32, #tpu.memory_space<hbm>>
    tpu.enqueue_dma source(%dma_start3A_55 : memref<80xi32, #tpu.memory_space<hbm>>) target(%arg11 : memref<80xi32, #tpu.memory_space<vmem>>) target_semaphore(%arg23 : memref<!tpu.dma_semaphore, #tpu.memory_space<semaphore_mem>>)
    %dma_wait3A_56 = tpu.memref_slice %arg3[%add3A_53] : memref<320000xi32, #tpu.memory_space<hbm>> -> memref<80xi32, #tpu.memory_space<hbm>>
    %dma_wait3A_57 = tpu.memref_slice %arg3[%add3A_53] : memref<320000xi32, #tpu.memory_space<hbm>> -> memref<80xi32, #tpu.memory_space<hbm>>
    tpu.wait_dma2 semaphore(%arg23 : memref<!tpu.dma_semaphore, #tpu.memory_space<semaphore_mem>>) src(%dma_wait3A_57 : memref<80xi32, #tpu.memory_space<hbm>>) dst(%arg11 : memref<80xi32, #tpu.memory_space<vmem>>)
    %dma_start3A_58 = arith.constant 0 : i32
    %dma_start3A_59 = arith.constant 0 : i32
    %dma_start3A_60 = tpu.memref_slice %arg4[%dma_start3A_58, %dma_start3A_59] : memref<20000x128xf32, #tpu.memory_space<hbm>> -> memref<20000x128xf32, #tpu.memory_space<hbm>>
    tpu.enqueue_indirect_dma source(%dma_start3A_60 : memref<20000x128xf32, #tpu.memory_space<hbm>>) target(%arg15 : memref<80x128xf32, #tpu.memory_space<vmem>>) offsets(%arg7 : memref<80xi32, #tpu.memory_space<vmem>>) semaphore(%arg27 : memref<!tpu.dma_semaphore, #tpu.memory_space<semaphore_mem>>)
    %dma_wait3A_61 = arith.constant 0 : i32
    %dma_wait3A_62 = arith.constant 0 : i32
    %dma_wait3A_63 = tpu.memref_slice %arg4[%dma_wait3A_61, %dma_wait3A_62] : memref<20000x128xf32, #tpu.memory_space<hbm>> -> memref<20000x128xf32, #tpu.memory_space<hbm>>
    tpu.wait_indirect_dma semaphore(%arg27 : memref<!tpu.dma_semaphore, #tpu.memory_space<semaphore_mem>>) src(%dma_wait3A_63 : memref<20000x128xf32, #tpu.memory_space<hbm>>) dst(%arg15 : memref<80x128xf32, #tpu.memory_space<vmem>>)
    %dma_start3A_64 = arith.constant 0 : i32
    %dma_start3A_65 = arith.constant 0 : i32
    %dma_start3A_66 = tpu.memref_slice %arg35[%dma_start3A_64, %dma_start3A_65] : memref<10000x128xf32, #tpu.memory_space<vmem_shared>> -> memref<10000x128xf32, #tpu.memory_space<vmem_shared>>
    tpu.enqueue_indirect_dma source(%arg15 : memref<80x128xf32, #tpu.memory_space<vmem>>) target(%dma_start3A_66 : memref<10000x128xf32, #tpu.memory_space<vmem_shared>>) offsets(%arg11 : memref<80xi32, #tpu.memory_space<vmem>>) semaphore(%arg31 : memref<!tpu.dma_semaphore, #tpu.memory_space<semaphore_mem>>) {add = true}
    %dma_wait3A_67 = arith.constant 0 : i32
    %dma_wait3A_68 = arith.constant 0 : i32
    %dma_wait3A_69 = tpu.memref_slice %arg35[%dma_wait3A_67, %dma_wait3A_68] : memref<10000x128xf32, #tpu.memory_space<vmem_shared>> -> memref<10000x128xf32, #tpu.memory_space<vmem_shared>>
    tpu.wait_indirect_dma semaphore(%arg31 : memref<!tpu.dma_semaphore, #tpu.memory_space<semaphore_mem>>) src(%arg15 : memref<80x128xf32, #tpu.memory_space<vmem>>) dst(%dma_wait3A_69 : memref<10000x128xf32, #tpu.memory_space<vmem_shared>>)
    %add3A_70 = arith.constant 19920 : i32
    %add3A_71 = arith.addi %add3A_8, %add3A_70 : i32
    %dma_start3A_72 = tpu.memref_slice %arg2[%add3A_71] : memref<640000xi32, #tpu.memory_space<hbm>> -> memref<80xi32, #tpu.memory_space<hbm>>
    %dma_start3A_73 = tpu.memref_slice %arg2[%add3A_71] : memref<640000xi32, #tpu.memory_space<hbm>> -> memref<80xi32, #tpu.memory_space<hbm>>
    tpu.enqueue_dma source(%dma_start3A_73 : memref<80xi32, #tpu.memory_space<hbm>>) target(%arg8 : memref<80xi32, #tpu.memory_space<vmem>>) target_semaphore(%arg20 : memref<!tpu.dma_semaphore, #tpu.memory_space<semaphore_mem>>)
    %dma_wait3A_74 = tpu.memref_slice %arg2[%add3A_71] : memref<640000xi32, #tpu.memory_space<hbm>> -> memref<80xi32, #tpu.memory_space<hbm>>
    %dma_wait3A_75 = tpu.memref_slice %arg2[%add3A_71] : memref<640000xi32, #tpu.memory_space<hbm>> -> memref<80xi32, #tpu.memory_space<hbm>>
    tpu.wait_dma2 semaphore(%arg20 : memref<!tpu.dma_semaphore, #tpu.memory_space<semaphore_mem>>) src(%dma_wait3A_75 : memref<80xi32, #tpu.memory_space<hbm>>) dst(%arg8 : memref<80xi32, #tpu.memory_space<vmem>>)
    %add3A_76 = arith.constant 19920 : i32
    %add3A_77 = arith.addi %mul3A_10, %add3A_76 : i32
    %dma_start3A_78 = tpu.memref_slice %arg3[%add3A_77] : memref<320000xi32, #tpu.memory_space<hbm>> -> memref<80xi32, #tpu.memory_space<hbm>>
    %dma_start3A_79 = tpu.memref_slice %arg3[%add3A_77] : memref<320000xi32, #tpu.memory_space<hbm>> -> memref<80xi32, #tpu.memory_space<hbm>>
    tpu.enqueue_dma source(%dma_start3A_79 : memref<80xi32, #tpu.memory_space<hbm>>) target(%arg12 : memref<80xi32, #tpu.memory_space<vmem>>) target_semaphore(%arg24 : memref<!tpu.dma_semaphore, #tpu.memory_space<semaphore_mem>>)
    %dma_wait3A_80 = tpu.memref_slice %arg3[%add3A_77] : memref<320000xi32, #tpu.memory_space<hbm>> -> memref<80xi32, #tpu.memory_space<hbm>>
    %dma_wait3A_81 = tpu.memref_slice %arg3[%add3A_77] : memref<320000xi32, #tpu.memory_space<hbm>> -> memref<80xi32, #tpu.memory_space<hbm>>
    tpu.wait_dma2 semaphore(%arg24 : memref<!tpu.dma_semaphore, #tpu.memory_space<semaphore_mem>>) src(%dma_wait3A_81 : memref<80xi32, #tpu.memory_space<hbm>>) dst(%arg12 : memref<80xi32, #tpu.memory_space<vmem>>)
    %dma_start3A_82 = arith.constant 0 : i32
    %dma_start3A_83 = arith.constant 0 : i32
    %dma_start3A_84 = tpu.memref_slice %arg4[%dma_start3A_82, %dma_start3A_83] : memref<20000x128xf32, #tpu.memory_space<hbm>> -> memref<20000x128xf32, #tpu.memory_space<hbm>>
    tpu.enqueue_indirect_dma source(%dma_start3A_84 : memref<20000x128xf32, #tpu.memory_space<hbm>>) target(%arg16 : memref<80x128xf32, #tpu.memory_space<vmem>>) offsets(%arg8 : memref<80xi32, #tpu.memory_space<vmem>>) semaphore(%arg28 : memref<!tpu.dma_semaphore, #tpu.memory_space<semaphore_mem>>)
    %dma_wait3A_85 = arith.constant 0 : i32
    %dma_wait3A_86 = arith.constant 0 : i32
    %dma_wait3A_87 = tpu.memref_slice %arg4[%dma_wait3A_85, %dma_wait3A_86] : memref<20000x128xf32, #tpu.memory_space<hbm>> -> memref<20000x128xf32, #tpu.memory_space<hbm>>
    tpu.wait_indirect_dma semaphore(%arg28 : memref<!tpu.dma_semaphore, #tpu.memory_space<semaphore_mem>>) src(%dma_wait3A_87 : memref<20000x128xf32, #tpu.memory_space<hbm>>) dst(%arg16 : memref<80x128xf32, #tpu.memory_space<vmem>>)
    %dma_start3A_88 = arith.constant 0 : i32
    %dma_start3A_89 = arith.constant 0 : i32
    %dma_start3A_90 = tpu.memref_slice %arg35[%dma_start3A_88, %dma_start3A_89] : memref<10000x128xf32, #tpu.memory_space<vmem_shared>> -> memref<10000x128xf32, #tpu.memory_space<vmem_shared>>
    tpu.enqueue_indirect_dma source(%arg16 : memref<80x128xf32, #tpu.memory_space<vmem>>) target(%dma_start3A_90 : memref<10000x128xf32, #tpu.memory_space<vmem_shared>>) offsets(%arg12 : memref<80xi32, #tpu.memory_space<vmem>>) semaphore(%arg32 : memref<!tpu.dma_semaphore, #tpu.memory_space<semaphore_mem>>) {add = true}
    %dma_wait3A_91 = arith.constant 0 : i32
    %dma_wait3A_92 = arith.constant 0 : i32
    %dma_wait3A_93 = tpu.memref_slice %arg35[%dma_wait3A_91, %dma_wait3A_92] : memref<10000x128xf32, #tpu.memory_space<vmem_shared>> -> memref<10000x128xf32, #tpu.memory_space<vmem_shared>>
    tpu.wait_indirect_dma semaphore(%arg32 : memref<!tpu.dma_semaphore, #tpu.memory_space<semaphore_mem>>) src(%arg16 : memref<80x128xf32, #tpu.memory_space<vmem>>) dst(%dma_wait3A_93 : memref<10000x128xf32, #tpu.memory_space<vmem_shared>>)
    %lt3A_94 = arith.constant 0 : i32
    %lt3A_95 = arith.cmpi slt, %arg1, %lt3A_94 : i32
    %convert_element_type3A_96 = arith.extui %lt3A_95 : i1 to i32
    %cond3A_97 = arith.constant 0 : i32
    %cond3A_98 = arith.cmpi ne, %convert_element_type3A_96, %cond3A_97 : i32
    scf.if %cond3A_98 {
      %add3A_106 = arith.constant 4000 : i32
      %add3A_107 = arith.addi %add3A_106, %arg1 : i32
      %mul3A_108 = arith.constant 320000 : i32
      %mul3A_109 = arith.muli %add3A_1, %mul3A_108 : i32
      %mul3A_110 = arith.constant 80 : i32
      %mul3A_111 = arith.muli %add3A_107, %mul3A_110 : i32
      %add3A_112 = arith.addi %mul3A_109, %mul3A_111 : i32
      %mul3A_113 = arith.constant 80 : i32
      %mul3A_114 = arith.muli %add3A_107, %mul3A_113 : i32
      %dma_start3A_115 = tpu.memref_slice %arg2[%add3A_112] : memref<640000xi32, #tpu.memory_space<hbm>> -> memref<80xi32, #tpu.memory_space<hbm>>
      %dma_start3A_116 = tpu.memref_slice %arg2[%add3A_112] : memref<640000xi32, #tpu.memory_space<hbm>> -> memref<80xi32, #tpu.memory_space<hbm>>
      tpu.enqueue_dma source(%dma_start3A_116 : memref<80xi32, #tpu.memory_space<hbm>>) target(%arg7 : memref<80xi32, #tpu.memory_space<vmem>>) target_semaphore(%arg19 : memref<!tpu.dma_semaphore, #tpu.memory_space<semaphore_mem>>)
      %dma_wait3A_117 = tpu.memref_slice %arg2[%add3A_112] : memref<640000xi32, #tpu.memory_space<hbm>> -> memref<80xi32, #tpu.memory_space<hbm>>
      %dma_wait3A_118 = tpu.memref_slice %arg2[%add3A_112] : memref<640000xi32, #tpu.memory_space<hbm>> -> memref<80xi32, #tpu.memory_space<hbm>>
      tpu.wait_dma2 semaphore(%arg19 : memref<!tpu.dma_semaphore, #tpu.memory_space<semaphore_mem>>) src(%dma_wait3A_118 : memref<80xi32, #tpu.memory_space<hbm>>) dst(%arg7 : memref<80xi32, #tpu.memory_space<vmem>>)
      %dma_start3A_119 = tpu.memref_slice %arg3[%mul3A_114] : memref<320000xi32, #tpu.memory_space<hbm>> -> memref<80xi32, #tpu.memory_space<hbm>>
      %dma_start3A_120 = tpu.memref_slice %arg3[%mul3A_114] : memref<320000xi32, #tpu.memory_space<hbm>> -> memref<80xi32, #tpu.memory_space<hbm>>
      tpu.enqueue_dma source(%dma_start3A_120 : memref<80xi32, #tpu.memory_space<hbm>>) target(%arg11 : memref<80xi32, #tpu.memory_space<vmem>>) target_semaphore(%arg23 : memref<!tpu.dma_semaphore, #tpu.memory_space<semaphore_mem>>)
      %dma_wait3A_121 = tpu.memref_slice %arg3[%mul3A_114] : memref<320000xi32, #tpu.memory_space<hbm>> -> memref<80xi32, #tpu.memory_space<hbm>>
      %dma_wait3A_122 = tpu.memref_slice %arg3[%mul3A_114] : memref<320000xi32, #tpu.memory_space<hbm>> -> memref<80xi32, #tpu.memory_space<hbm>>
      tpu.wait_dma2 semaphore(%arg23 : memref<!tpu.dma_semaphore, #tpu.memory_space<semaphore_mem>>) src(%dma_wait3A_122 : memref<80xi32, #tpu.memory_space<hbm>>) dst(%arg11 : memref<80xi32, #tpu.memory_space<vmem>>)
      %dma_start3A_123 = arith.constant 0 : i32
      %dma_start3A_124 = arith.constant 0 : i32
      %dma_start3A_125 = tpu.memref_slice %arg4[%dma_start3A_123, %dma_start3A_124] : memref<20000x128xf32, #tpu.memory_space<hbm>> -> memref<20000x128xf32, #tpu.memory_space<hbm>>
      tpu.enqueue_indirect_dma source(%dma_start3A_125 : memref<20000x128xf32, #tpu.memory_space<hbm>>) target(%arg15 : memref<80x128xf32, #tpu.memory_space<vmem>>) offsets(%arg7 : memref<80xi32, #tpu.memory_space<vmem>>) semaphore(%arg27 : memref<!tpu.dma_semaphore, #tpu.memory_space<semaphore_mem>>)
      %dma_wait3A_126 = arith.constant 0 : i32
      %dma_wait3A_127 = arith.constant 0 : i32
      %dma_wait3A_128 = tpu.memref_slice %arg4[%dma_wait3A_126, %dma_wait3A_127] : memref<20000x128xf32, #tpu.memory_space<hbm>> -> memref<20000x128xf32, #tpu.memory_space<hbm>>
      tpu.wait_indirect_dma semaphore(%arg27 : memref<!tpu.dma_semaphore, #tpu.memory_space<semaphore_mem>>) src(%dma_wait3A_128 : memref<20000x128xf32, #tpu.memory_space<hbm>>) dst(%arg15 : memref<80x128xf32, #tpu.memory_space<vmem>>)
      %dma_start3A_129 = arith.constant 0 : i32
      %dma_start3A_130 = arith.constant 0 : i32
      %dma_start3A_131 = tpu.memref_slice %arg35[%dma_start3A_129, %dma_start3A_130] : memref<10000x128xf32, #tpu.memory_space<vmem_shared>> -> memref<10000x128xf32, #tpu.memory_space<vmem_shared>>
      tpu.enqueue_indirect_dma source(%arg15 : memref<80x128xf32, #tpu.memory_space<vmem>>) target(%dma_start3A_131 : memref<10000x128xf32, #tpu.memory_space<vmem_shared>>) offsets(%arg11 : memref<80xi32, #tpu.memory_space<vmem>>) semaphore(%arg31 : memref<!tpu.dma_semaphore, #tpu.memory_space<semaphore_mem>>) {add = true}
      %dma_wait3A_132 = arith.constant 0 : i32
      %dma_wait3A_133 = arith.constant 0 : i32
      %dma_wait3A_134 = tpu.memref_slice %arg35[%dma_wait3A_132, %dma_wait3A_133] : memref<10000x128xf32, #tpu.memory_space<vmem_shared>> -> memref<10000x128xf32, #tpu.memory_space<vmem_shared>>
      tpu.wait_indirect_dma semaphore(%arg31 : memref<!tpu.dma_semaphore, #tpu.memory_space<semaphore_mem>>) src(%arg15 : memref<80x128xf32, #tpu.memory_space<vmem>>) dst(%dma_wait3A_134 : memref<10000x128xf32, #tpu.memory_space<vmem_shared>>)
    } else {
    }
    %barrier3A_99 = arith.constant 0 : index
    tpu.barrier barrier_id(%barrier3A_99)
    %lt3A_100 = arith.constant 10 : i32
    %lt3A_101 = arith.cmpi slt, %arg1, %lt3A_100 : i32
    %convert_element_type3A_102 = arith.extui %lt3A_101 : i1 to i32
    %cond3A_103 = arith.constant 0 : i32
    %cond3A_104 = arith.cmpi ne, %convert_element_type3A_102, %cond3A_103 : i32
    scf.if %cond3A_104 {
      %mul3A_106 = arith.constant 10000 : i32
      %mul3A_107 = arith.muli %add3A_1, %mul3A_106 : i32
      %add3A_108 = arith.addi %mul3A_107, %mul3A_0 : i32
      "tpu.region"() ({
        %run_scoped3A = tpu.sem_alloc : memref<!tpu.dma_semaphore, #tpu.memory_space<semaphore_mem>>
        %dma_start3A_109 = arith.constant 0 : i32
        %dma_start3A_110 = tpu.memref_slice %arg6[%add3A_108, %dma_start3A_109] : memref<20000x128xf32, #tpu.memory_space<hbm>> -> memref<1000x128xf32, #tpu.memory_space<hbm>>
        %dma_start3A_111 = arith.constant 0 : i32
        %dma_start3A_112 = tpu.memref_slice %arg35[%mul3A_0, %dma_start3A_111] : memref<10000x128xf32, #tpu.memory_space<vmem_shared>> -> memref<1000x128xf32, #tpu.memory_space<vmem_shared>>
        tpu.enqueue_dma source(%dma_start3A_112 : memref<1000x128xf32, #tpu.memory_space<vmem_shared>>) target(%dma_start3A_110 : memref<1000x128xf32, #tpu.memory_space<hbm>>) target_semaphore(%run_scoped3A : memref<!tpu.dma_semaphore, #tpu.memory_space<semaphore_mem>>)
        %dma_wait3A_113 = arith.constant 0 : i32
        %dma_wait3A_114 = tpu.memref_slice %arg6[%add3A_108, %dma_wait3A_113] : memref<20000x128xf32, #tpu.memory_space<hbm>> -> memref<1000x128xf32, #tpu.memory_space<hbm>>
        %dma_wait3A_115 = arith.constant 0 : i32
        %dma_wait3A_116 = tpu.memref_slice %arg35[%mul3A_0, %dma_wait3A_115] : memref<10000x128xf32, #tpu.memory_space<vmem_shared>> -> memref<1000x128xf32, #tpu.memory_space<vmem_shared>>
        tpu.wait_dma2 semaphore(%run_scoped3A : memref<!tpu.dma_semaphore, #tpu.memory_space<semaphore_mem>>) src(%dma_wait3A_116 : memref<1000x128xf32, #tpu.memory_space<vmem_shared>>) dst(%dma_wait3A_114 : memref<1000x128xf32, #tpu.memory_space<hbm>>)
        tpu.yield
      }) : () -> ()
    } else {
    }
    %barrier3A_105 = arith.constant 0 : index
    tpu.barrier barrier_id(%barrier3A_105)
    return
  }
}

#map = affine_map<(d0, d1) -> (0)>
#map1 = affine_map<(d0, d1) -> (0, 0)>
module attributes {stable_mosaic.version = 14 : i64} {
  func.func @_segsum_body(%arg0: i32, %arg1: i32, %arg2: memref<1280000xi32, #tpu.memory_space<hbm>>, %arg3: memref<320000xi32, #tpu.memory_space<hbm>>, %arg4: memref<40000x128xf32, #tpu.memory_space<hbm>>, %arg5: memref<1000x128xf32, #tpu.memory_space<hbm>>, %arg6: memref<40000x128xf32, #tpu.memory_space<hbm>>, %arg7: memref<80xi32, #tpu.memory_space<vmem>>, %arg8: memref<80xi32, #tpu.memory_space<vmem>>, %arg9: memref<80xi32, #tpu.memory_space<vmem>>, %arg10: memref<80xi32, #tpu.memory_space<vmem>>, %arg11: memref<80xi32, #tpu.memory_space<vmem>>, %arg12: memref<80xi32, #tpu.memory_space<vmem>>, %arg13: memref<80xi32, #tpu.memory_space<vmem>>, %arg14: memref<80xi32, #tpu.memory_space<vmem>>, %arg15: memref<80x128xf32, #tpu.memory_space<vmem>>, %arg16: memref<80x128xf32, #tpu.memory_space<vmem>>, %arg17: memref<80x128xf32, #tpu.memory_space<vmem>>, %arg18: memref<80x128xf32, #tpu.memory_space<vmem>>, %arg19: memref<!tpu.dma_semaphore, #tpu.memory_space<semaphore_mem>>, %arg20: memref<!tpu.dma_semaphore, #tpu.memory_space<semaphore_mem>>, %arg21: memref<!tpu.dma_semaphore, #tpu.memory_space<semaphore_mem>>, %arg22: memref<!tpu.dma_semaphore, #tpu.memory_space<semaphore_mem>>, %arg23: memref<!tpu.dma_semaphore, #tpu.memory_space<semaphore_mem>>, %arg24: memref<!tpu.dma_semaphore, #tpu.memory_space<semaphore_mem>>, %arg25: memref<!tpu.dma_semaphore, #tpu.memory_space<semaphore_mem>>, %arg26: memref<!tpu.dma_semaphore, #tpu.memory_space<semaphore_mem>>, %arg27: memref<!tpu.dma_semaphore, #tpu.memory_space<semaphore_mem>>, %arg28: memref<!tpu.dma_semaphore, #tpu.memory_space<semaphore_mem>>, %arg29: memref<!tpu.dma_semaphore, #tpu.memory_space<semaphore_mem>>, %arg30: memref<!tpu.dma_semaphore, #tpu.memory_space<semaphore_mem>>, %arg31: memref<!tpu.dma_semaphore, #tpu.memory_space<semaphore_mem>>, %arg32: memref<!tpu.dma_semaphore, #tpu.memory_space<semaphore_mem>>, %arg33: memref<!tpu.dma_semaphore, #tpu.memory_space<semaphore_mem>>, %arg34: memref<!tpu.dma_semaphore, #tpu.memory_space<semaphore_mem>>, %arg35: memref<10000x128xf32, #tpu.memory_space<vmem_shared>>) attributes {dimension_semantics = [#tpu.dimension_semantics<core_parallel>, #tpu.dimension_semantics<subcore_parallel>], iteration_bounds = array<i64: 2, 16>, scalar_prefetch = 0 : i64, scratch_operands = 29 : i64, tpu.core_type = #tpu.core_type<sc_vector_subcore>, window_params = [{transform_indices = #map}, {transform_indices = #map}, {transform_indices = #map1}, {transform_indices = #map1}, {transform_indices = #map1}]} {
    %mul3A = arith.constant 1000 : i32
    %mul3A_0 = arith.muli %arg1, %mul3A : i32
    %add3A = arith.constant 0 : i32
    %add3A_1 = arith.addi %add3A, %arg0 : i32
    %lt3A = arith.constant 10 : i32
    %lt3A_2 = arith.cmpi slt, %arg1, %lt3A : i32
    %convert_element_type3A = arith.extui %lt3A_2 : i1 to i32
    %cond3A = arith.constant 0 : i32
    %cond3A_3 = arith.cmpi ne, %convert_element_type3A, %cond3A : i32
    scf.if %cond3A_3 {
      "tpu.region"() ({
        %run_scoped3A = tpu.sem_alloc : memref<!tpu.dma_semaphore, #tpu.memory_space<semaphore_mem>>
        %dma_start3A_219 = arith.constant 0 : i32
        %dma_start3A_220 = tpu.memref_slice %arg35[%mul3A_0, %dma_start3A_219] : memref<10000x128xf32, #tpu.memory_space<vmem_shared>> -> memref<1000x128xf32, #tpu.memory_space<vmem_shared>>
        tpu.enqueue_dma source(%arg5 : memref<1000x128xf32, #tpu.memory_space<hbm>>) target(%dma_start3A_220 : memref<1000x128xf32, #tpu.memory_space<vmem_shared>>) target_semaphore(%run_scoped3A : memref<!tpu.dma_semaphore, #tpu.memory_space<semaphore_mem>>)
        %dma_wait3A_221 = arith.constant 0 : i32
        %dma_wait3A_222 = tpu.memref_slice %arg35[%mul3A_0, %dma_wait3A_221] : memref<10000x128xf32, #tpu.memory_space<vmem_shared>> -> memref<1000x128xf32, #tpu.memory_space<vmem_shared>>
        tpu.wait_dma2 semaphore(%run_scoped3A : memref<!tpu.dma_semaphore, #tpu.memory_space<semaphore_mem>>) src(%arg5 : memref<1000x128xf32, #tpu.memory_space<hbm>>) dst(%dma_wait3A_222 : memref<1000x128xf32, #tpu.memory_space<vmem_shared>>)
        tpu.yield
      }) : () -> ()
    } else {
    }
    %barrier3A = arith.constant 0 : index
    tpu.barrier barrier_id(%barrier3A)
    %mul3A_4 = arith.constant 320000 : i32
    %mul3A_5 = arith.muli %add3A_1, %mul3A_4 : i32
    %mul3A_6 = arith.constant 20000 : i32
    %mul3A_7 = arith.muli %arg1, %mul3A_6 : i32
    %add3A_8 = arith.addi %mul3A_5, %mul3A_7 : i32
    %mul3A_9 = arith.constant 20000 : i32
    %mul3A_10 = arith.muli %arg1, %mul3A_9 : i32
    %add3A_11 = arith.constant 0 : i32
    %add3A_12 = arith.addi %add3A_8, %add3A_11 : i32
    %dma_start3A = tpu.memref_slice %arg2[%add3A_12] : memref<1280000xi32, #tpu.memory_space<hbm>> -> memref<80xi32, #tpu.memory_space<hbm>>
    %dma_start3A_13 = tpu.memref_slice %arg2[%add3A_12] : memref<1280000xi32, #tpu.memory_space<hbm>> -> memref<80xi32, #tpu.memory_space<hbm>>
    tpu.enqueue_dma source(%dma_start3A_13 : memref<80xi32, #tpu.memory_space<hbm>>) target(%arg7 : memref<80xi32, #tpu.memory_space<vmem>>) target_semaphore(%arg19 : memref<!tpu.dma_semaphore, #tpu.memory_space<semaphore_mem>>)
    %add3A_14 = arith.constant 0 : i32
    %add3A_15 = arith.addi %mul3A_10, %add3A_14 : i32
    %dma_start3A_16 = tpu.memref_slice %arg3[%add3A_15] : memref<320000xi32, #tpu.memory_space<hbm>> -> memref<80xi32, #tpu.memory_space<hbm>>
    %dma_start3A_17 = tpu.memref_slice %arg3[%add3A_15] : memref<320000xi32, #tpu.memory_space<hbm>> -> memref<80xi32, #tpu.memory_space<hbm>>
    tpu.enqueue_dma source(%dma_start3A_17 : memref<80xi32, #tpu.memory_space<hbm>>) target(%arg11 : memref<80xi32, #tpu.memory_space<vmem>>) target_semaphore(%arg23 : memref<!tpu.dma_semaphore, #tpu.memory_space<semaphore_mem>>)
    %add3A_18 = arith.constant 80 : i32
    %add3A_19 = arith.addi %add3A_8, %add3A_18 : i32
    %dma_start3A_20 = tpu.memref_slice %arg2[%add3A_19] : memref<1280000xi32, #tpu.memory_space<hbm>> -> memref<80xi32, #tpu.memory_space<hbm>>
    %dma_start3A_21 = tpu.memref_slice %arg2[%add3A_19] : memref<1280000xi32, #tpu.memory_space<hbm>> -> memref<80xi32, #tpu.memory_space<hbm>>
    tpu.enqueue_dma source(%dma_start3A_21 : memref<80xi32, #tpu.memory_space<hbm>>) target(%arg8 : memref<80xi32, #tpu.memory_space<vmem>>) target_semaphore(%arg20 : memref<!tpu.dma_semaphore, #tpu.memory_space<semaphore_mem>>)
    %add3A_22 = arith.constant 80 : i32
    %add3A_23 = arith.addi %mul3A_10, %add3A_22 : i32
    %dma_start3A_24 = tpu.memref_slice %arg3[%add3A_23] : memref<320000xi32, #tpu.memory_space<hbm>> -> memref<80xi32, #tpu.memory_space<hbm>>
    %dma_start3A_25 = tpu.memref_slice %arg3[%add3A_23] : memref<320000xi32, #tpu.memory_space<hbm>> -> memref<80xi32, #tpu.memory_space<hbm>>
    tpu.enqueue_dma source(%dma_start3A_25 : memref<80xi32, #tpu.memory_space<hbm>>) target(%arg12 : memref<80xi32, #tpu.memory_space<vmem>>) target_semaphore(%arg24 : memref<!tpu.dma_semaphore, #tpu.memory_space<semaphore_mem>>)
    %add3A_26 = arith.constant 160 : i32
    %add3A_27 = arith.addi %add3A_8, %add3A_26 : i32
    %dma_start3A_28 = tpu.memref_slice %arg2[%add3A_27] : memref<1280000xi32, #tpu.memory_space<hbm>> -> memref<80xi32, #tpu.memory_space<hbm>>
    %dma_start3A_29 = tpu.memref_slice %arg2[%add3A_27] : memref<1280000xi32, #tpu.memory_space<hbm>> -> memref<80xi32, #tpu.memory_space<hbm>>
    tpu.enqueue_dma source(%dma_start3A_29 : memref<80xi32, #tpu.memory_space<hbm>>) target(%arg9 : memref<80xi32, #tpu.memory_space<vmem>>) target_semaphore(%arg21 : memref<!tpu.dma_semaphore, #tpu.memory_space<semaphore_mem>>)
    %add3A_30 = arith.constant 160 : i32
    %add3A_31 = arith.addi %mul3A_10, %add3A_30 : i32
    %dma_start3A_32 = tpu.memref_slice %arg3[%add3A_31] : memref<320000xi32, #tpu.memory_space<hbm>> -> memref<80xi32, #tpu.memory_space<hbm>>
    %dma_start3A_33 = tpu.memref_slice %arg3[%add3A_31] : memref<320000xi32, #tpu.memory_space<hbm>> -> memref<80xi32, #tpu.memory_space<hbm>>
    tpu.enqueue_dma source(%dma_start3A_33 : memref<80xi32, #tpu.memory_space<hbm>>) target(%arg13 : memref<80xi32, #tpu.memory_space<vmem>>) target_semaphore(%arg25 : memref<!tpu.dma_semaphore, #tpu.memory_space<semaphore_mem>>)
    %add3A_34 = arith.constant 240 : i32
    %add3A_35 = arith.addi %add3A_8, %add3A_34 : i32
    %dma_start3A_36 = tpu.memref_slice %arg2[%add3A_35] : memref<1280000xi32, #tpu.memory_space<hbm>> -> memref<80xi32, #tpu.memory_space<hbm>>
    %dma_start3A_37 = tpu.memref_slice %arg2[%add3A_35] : memref<1280000xi32, #tpu.memory_space<hbm>> -> memref<80xi32, #tpu.memory_space<hbm>>
    tpu.enqueue_dma source(%dma_start3A_37 : memref<80xi32, #tpu.memory_space<hbm>>) target(%arg10 : memref<80xi32, #tpu.memory_space<vmem>>) target_semaphore(%arg22 : memref<!tpu.dma_semaphore, #tpu.memory_space<semaphore_mem>>)
    %add3A_38 = arith.constant 240 : i32
    %add3A_39 = arith.addi %mul3A_10, %add3A_38 : i32
    %dma_start3A_40 = tpu.memref_slice %arg3[%add3A_39] : memref<320000xi32, #tpu.memory_space<hbm>> -> memref<80xi32, #tpu.memory_space<hbm>>
    %dma_start3A_41 = tpu.memref_slice %arg3[%add3A_39] : memref<320000xi32, #tpu.memory_space<hbm>> -> memref<80xi32, #tpu.memory_space<hbm>>
    tpu.enqueue_dma source(%dma_start3A_41 : memref<80xi32, #tpu.memory_space<hbm>>) target(%arg14 : memref<80xi32, #tpu.memory_space<vmem>>) target_semaphore(%arg26 : memref<!tpu.dma_semaphore, #tpu.memory_space<semaphore_mem>>)
    %scan3A = arith.constant 0 : i32
    %scan3A_42 = arith.constant 0 : i32
    %scan3A_43 = arith.constant 62 : i32
    %scan3A_44 = arith.addi %scan3A_42, %scan3A_43 : i32
    %scan3A_45 = arith.constant 1 : i32
    scf.for %scan3A_219 = %scan3A_42 to %scan3A_44 step %scan3A_45  : i32 {
      %mul3A_220 = arith.constant 4 : i32
      %mul3A_221 = arith.muli %scan3A_219, %mul3A_220 : i32
      %dma_wait3A_222 = arith.constant 0 : i32
      %dma_wait3A_223 = tpu.memref_slice %arg2[%dma_wait3A_222] : memref<1280000xi32, #tpu.memory_space<hbm>> -> memref<80xi32, #tpu.memory_space<hbm>>
      %dma_wait3A_224 = arith.constant 0 : i32
      %dma_wait3A_225 = tpu.memref_slice %arg2[%dma_wait3A_224] : memref<1280000xi32, #tpu.memory_space<hbm>> -> memref<80xi32, #tpu.memory_space<hbm>>
      tpu.wait_dma2 semaphore(%arg19 : memref<!tpu.dma_semaphore, #tpu.memory_space<semaphore_mem>>) src(%dma_wait3A_225 : memref<80xi32, #tpu.memory_space<hbm>>) dst(%arg7 : memref<80xi32, #tpu.memory_space<vmem>>)
      %dma_start3A_226 = arith.constant 0 : i32
      %dma_start3A_227 = arith.constant 0 : i32
      %dma_start3A_228 = tpu.memref_slice %arg4[%dma_start3A_226, %dma_start3A_227] : memref<40000x128xf32, #tpu.memory_space<hbm>> -> memref<40000x128xf32, #tpu.memory_space<hbm>>
      tpu.enqueue_indirect_dma source(%dma_start3A_228 : memref<40000x128xf32, #tpu.memory_space<hbm>>) target(%arg15 : memref<80x128xf32, #tpu.memory_space<vmem>>) offsets(%arg7 : memref<80xi32, #tpu.memory_space<vmem>>) semaphore(%arg27 : memref<!tpu.dma_semaphore, #tpu.memory_space<semaphore_mem>>)
      %dma_wait3A_229 = arith.constant 0 : i32
      %dma_wait3A_230 = tpu.memref_slice %arg2[%dma_wait3A_229] : memref<1280000xi32, #tpu.memory_space<hbm>> -> memref<80xi32, #tpu.memory_space<hbm>>
      %dma_wait3A_231 = arith.constant 0 : i32
      %dma_wait3A_232 = tpu.memref_slice %arg2[%dma_wait3A_231] : memref<1280000xi32, #tpu.memory_space<hbm>> -> memref<80xi32, #tpu.memory_space<hbm>>
      tpu.wait_dma2 semaphore(%arg20 : memref<!tpu.dma_semaphore, #tpu.memory_space<semaphore_mem>>) src(%dma_wait3A_232 : memref<80xi32, #tpu.memory_space<hbm>>) dst(%arg8 : memref<80xi32, #tpu.memory_space<vmem>>)
      %dma_start3A_233 = arith.constant 0 : i32
      %dma_start3A_234 = arith.constant 0 : i32
      %dma_start3A_235 = tpu.memref_slice %arg4[%dma_start3A_233, %dma_start3A_234] : memref<40000x128xf32, #tpu.memory_space<hbm>> -> memref<40000x128xf32, #tpu.memory_space<hbm>>
      tpu.enqueue_indirect_dma source(%dma_start3A_235 : memref<40000x128xf32, #tpu.memory_space<hbm>>) target(%arg16 : memref<80x128xf32, #tpu.memory_space<vmem>>) offsets(%arg8 : memref<80xi32, #tpu.memory_space<vmem>>) semaphore(%arg28 : memref<!tpu.dma_semaphore, #tpu.memory_space<semaphore_mem>>)
      %dma_wait3A_236 = arith.constant 0 : i32
      %dma_wait3A_237 = tpu.memref_slice %arg2[%dma_wait3A_236] : memref<1280000xi32, #tpu.memory_space<hbm>> -> memref<80xi32, #tpu.memory_space<hbm>>
      %dma_wait3A_238 = arith.constant 0 : i32
      %dma_wait3A_239 = tpu.memref_slice %arg2[%dma_wait3A_238] : memref<1280000xi32, #tpu.memory_space<hbm>> -> memref<80xi32, #tpu.memory_space<hbm>>
      tpu.wait_dma2 semaphore(%arg21 : memref<!tpu.dma_semaphore, #tpu.memory_space<semaphore_mem>>) src(%dma_wait3A_239 : memref<80xi32, #tpu.memory_space<hbm>>) dst(%arg9 : memref<80xi32, #tpu.memory_space<vmem>>)
      %dma_start3A_240 = arith.constant 0 : i32
      %dma_start3A_241 = arith.constant 0 : i32
      %dma_start3A_242 = tpu.memref_slice %arg4[%dma_start3A_240, %dma_start3A_241] : memref<40000x128xf32, #tpu.memory_space<hbm>> -> memref<40000x128xf32, #tpu.memory_space<hbm>>
      tpu.enqueue_indirect_dma source(%dma_start3A_242 : memref<40000x128xf32, #tpu.memory_space<hbm>>) target(%arg17 : memref<80x128xf32, #tpu.memory_space<vmem>>) offsets(%arg9 : memref<80xi32, #tpu.memory_space<vmem>>) semaphore(%arg29 : memref<!tpu.dma_semaphore, #tpu.memory_space<semaphore_mem>>)
      %dma_wait3A_243 = arith.constant 0 : i32
      %dma_wait3A_244 = tpu.memref_slice %arg2[%dma_wait3A_243] : memref<1280000xi32, #tpu.memory_space<hbm>> -> memref<80xi32, #tpu.memory_space<hbm>>
      %dma_wait3A_245 = arith.constant 0 : i32
      %dma_wait3A_246 = tpu.memref_slice %arg2[%dma_wait3A_245] : memref<1280000xi32, #tpu.memory_space<hbm>> -> memref<80xi32, #tpu.memory_space<hbm>>
      tpu.wait_dma2 semaphore(%arg22 : memref<!tpu.dma_semaphore, #tpu.memory_space<semaphore_mem>>) src(%dma_wait3A_246 : memref<80xi32, #tpu.memory_space<hbm>>) dst(%arg10 : memref<80xi32, #tpu.memory_space<vmem>>)
      %dma_start3A_247 = arith.constant 0 : i32
      %dma_start3A_248 = arith.constant 0 : i32
      %dma_start3A_249 = tpu.memref_slice %arg4[%dma_start3A_247, %dma_start3A_248] : memref<40000x128xf32, #tpu.memory_space<hbm>> -> memref<40000x128xf32, #tpu.memory_space<hbm>>
      tpu.enqueue_indirect_dma source(%dma_start3A_249 : memref<40000x128xf32, #tpu.memory_space<hbm>>) target(%arg18 : memref<80x128xf32, #tpu.memory_space<vmem>>) offsets(%arg10 : memref<80xi32, #tpu.memory_space<vmem>>) semaphore(%arg30 : memref<!tpu.dma_semaphore, #tpu.memory_space<semaphore_mem>>)
      %dma_wait3A_250 = arith.constant 0 : i32
      %dma_wait3A_251 = arith.constant 0 : i32
      %dma_wait3A_252 = tpu.memref_slice %arg4[%dma_wait3A_250, %dma_wait3A_251] : memref<40000x128xf32, #tpu.memory_space<hbm>> -> memref<40000x128xf32, #tpu.memory_space<hbm>>
      tpu.wait_indirect_dma semaphore(%arg27 : memref<!tpu.dma_semaphore, #tpu.memory_space<semaphore_mem>>) src(%dma_wait3A_252 : memref<40000x128xf32, #tpu.memory_space<hbm>>) dst(%arg15 : memref<80x128xf32, #tpu.memory_space<vmem>>)
      %dma_wait3A_253 = arith.constant 0 : i32
      %dma_wait3A_254 = tpu.memref_slice %arg3[%dma_wait3A_253] : memref<320000xi32, #tpu.memory_space<hbm>> -> memref<80xi32, #tpu.memory_space<hbm>>
      %dma_wait3A_255 = arith.constant 0 : i32
      %dma_wait3A_256 = tpu.memref_slice %arg3[%dma_wait3A_255] : memref<320000xi32, #tpu.memory_space<hbm>> -> memref<80xi32, #tpu.memory_space<hbm>>
      tpu.wait_dma2 semaphore(%arg23 : memref<!tpu.dma_semaphore, #tpu.memory_space<semaphore_mem>>) src(%dma_wait3A_256 : memref<80xi32, #tpu.memory_space<hbm>>) dst(%arg11 : memref<80xi32, #tpu.memory_space<vmem>>)
      %dma_start3A_257 = arith.constant 0 : i32
      %dma_start3A_258 = arith.constant 0 : i32
      %dma_start3A_259 = tpu.memref_slice %arg35[%dma_start3A_257, %dma_start3A_258] : memref<10000x128xf32, #tpu.memory_space<vmem_shared>> -> memref<10000x128xf32, #tpu.memory_space<vmem_shared>>
      tpu.enqueue_indirect_dma source(%arg15 : memref<80x128xf32, #tpu.memory_space<vmem>>) target(%dma_start3A_259 : memref<10000x128xf32, #tpu.memory_space<vmem_shared>>) offsets(%arg11 : memref<80xi32, #tpu.memory_space<vmem>>) semaphore(%arg31 : memref<!tpu.dma_semaphore, #tpu.memory_space<semaphore_mem>>) {add = true}
      %dma_wait3A_260 = arith.constant 0 : i32
      %dma_wait3A_261 = arith.constant 0 : i32
      %dma_wait3A_262 = tpu.memref_slice %arg4[%dma_wait3A_260, %dma_wait3A_261] : memref<40000x128xf32, #tpu.memory_space<hbm>> -> memref<40000x128xf32, #tpu.memory_space<hbm>>
      tpu.wait_indirect_dma semaphore(%arg28 : memref<!tpu.dma_semaphore, #tpu.memory_space<semaphore_mem>>) src(%dma_wait3A_262 : memref<40000x128xf32, #tpu.memory_space<hbm>>) dst(%arg16 : memref<80x128xf32, #tpu.memory_space<vmem>>)
      %dma_wait3A_263 = arith.constant 0 : i32
      %dma_wait3A_264 = tpu.memref_slice %arg3[%dma_wait3A_263] : memref<320000xi32, #tpu.memory_space<hbm>> -> memref<80xi32, #tpu.memory_space<hbm>>
      %dma_wait3A_265 = arith.constant 0 : i32
      %dma_wait3A_266 = tpu.memref_slice %arg3[%dma_wait3A_265] : memref<320000xi32, #tpu.memory_space<hbm>> -> memref<80xi32, #tpu.memory_space<hbm>>
      tpu.wait_dma2 semaphore(%arg24 : memref<!tpu.dma_semaphore, #tpu.memory_space<semaphore_mem>>) src(%dma_wait3A_266 : memref<80xi32, #tpu.memory_space<hbm>>) dst(%arg12 : memref<80xi32, #tpu.memory_space<vmem>>)
      %dma_start3A_267 = arith.constant 0 : i32
      %dma_start3A_268 = arith.constant 0 : i32
      %dma_start3A_269 = tpu.memref_slice %arg35[%dma_start3A_267, %dma_start3A_268] : memref<10000x128xf32, #tpu.memory_space<vmem_shared>> -> memref<10000x128xf32, #tpu.memory_space<vmem_shared>>
      tpu.enqueue_indirect_dma source(%arg16 : memref<80x128xf32, #tpu.memory_space<vmem>>) target(%dma_start3A_269 : memref<10000x128xf32, #tpu.memory_space<vmem_shared>>) offsets(%arg12 : memref<80xi32, #tpu.memory_space<vmem>>) semaphore(%arg32 : memref<!tpu.dma_semaphore, #tpu.memory_space<semaphore_mem>>) {add = true}
      %dma_wait3A_270 = arith.constant 0 : i32
      %dma_wait3A_271 = arith.constant 0 : i32
      %dma_wait3A_272 = tpu.memref_slice %arg4[%dma_wait3A_270, %dma_wait3A_271] : memref<40000x128xf32, #tpu.memory_space<hbm>> -> memref<40000x128xf32, #tpu.memory_space<hbm>>
      tpu.wait_indirect_dma semaphore(%arg29 : memref<!tpu.dma_semaphore, #tpu.memory_space<semaphore_mem>>) src(%dma_wait3A_272 : memref<40000x128xf32, #tpu.memory_space<hbm>>) dst(%arg17 : memref<80x128xf32, #tpu.memory_space<vmem>>)
      %dma_wait3A_273 = arith.constant 0 : i32
      %dma_wait3A_274 = tpu.memref_slice %arg3[%dma_wait3A_273] : memref<320000xi32, #tpu.memory_space<hbm>> -> memref<80xi32, #tpu.memory_space<hbm>>
      %dma_wait3A_275 = arith.constant 0 : i32
      %dma_wait3A_276 = tpu.memref_slice %arg3[%dma_wait3A_275] : memref<320000xi32, #tpu.memory_space<hbm>> -> memref<80xi32, #tpu.memory_space<hbm>>
      tpu.wait_dma2 semaphore(%arg25 : memref<!tpu.dma_semaphore, #tpu.memory_space<semaphore_mem>>) src(%dma_wait3A_276 : memref<80xi32, #tpu.memory_space<hbm>>) dst(%arg13 : memref<80xi32, #tpu.memory_space<vmem>>)
      %dma_start3A_277 = arith.constant 0 : i32
      %dma_start3A_278 = arith.constant 0 : i32
      %dma_start3A_279 = tpu.memref_slice %arg35[%dma_start3A_277, %dma_start3A_278] : memref<10000x128xf32, #tpu.memory_space<vmem_shared>> -> memref<10000x128xf32, #tpu.memory_space<vmem_shared>>
      tpu.enqueue_indirect_dma source(%arg17 : memref<80x128xf32, #tpu.memory_space<vmem>>) target(%dma_start3A_279 : memref<10000x128xf32, #tpu.memory_space<vmem_shared>>) offsets(%arg13 : memref<80xi32, #tpu.memory_space<vmem>>) semaphore(%arg33 : memref<!tpu.dma_semaphore, #tpu.memory_space<semaphore_mem>>) {add = true}
      %dma_wait3A_280 = arith.constant 0 : i32
      %dma_wait3A_281 = arith.constant 0 : i32
      %dma_wait3A_282 = tpu.memref_slice %arg4[%dma_wait3A_280, %dma_wait3A_281] : memref<40000x128xf32, #tpu.memory_space<hbm>> -> memref<40000x128xf32, #tpu.memory_space<hbm>>
      tpu.wait_indirect_dma semaphore(%arg30 : memref<!tpu.dma_semaphore, #tpu.memory_space<semaphore_mem>>) src(%dma_wait3A_282 : memref<40000x128xf32, #tpu.memory_space<hbm>>) dst(%arg18 : memref<80x128xf32, #tpu.memory_space<vmem>>)
      %dma_wait3A_283 = arith.constant 0 : i32
      %dma_wait3A_284 = tpu.memref_slice %arg3[%dma_wait3A_283] : memref<320000xi32, #tpu.memory_space<hbm>> -> memref<80xi32, #tpu.memory_space<hbm>>
      %dma_wait3A_285 = arith.constant 0 : i32
      %dma_wait3A_286 = tpu.memref_slice %arg3[%dma_wait3A_285] : memref<320000xi32, #tpu.memory_space<hbm>> -> memref<80xi32, #tpu.memory_space<hbm>>
      tpu.wait_dma2 semaphore(%arg26 : memref<!tpu.dma_semaphore, #tpu.memory_space<semaphore_mem>>) src(%dma_wait3A_286 : memref<80xi32, #tpu.memory_space<hbm>>) dst(%arg14 : memref<80xi32, #tpu.memory_space<vmem>>)
      %dma_start3A_287 = arith.constant 0 : i32
      %dma_start3A_288 = arith.constant 0 : i32
      %dma_start3A_289 = tpu.memref_slice %arg35[%dma_start3A_287, %dma_start3A_288] : memref<10000x128xf32, #tpu.memory_space<vmem_shared>> -> memref<10000x128xf32, #tpu.memory_space<vmem_shared>>
      tpu.enqueue_indirect_dma source(%arg18 : memref<80x128xf32, #tpu.memory_space<vmem>>) target(%dma_start3A_289 : memref<10000x128xf32, #tpu.memory_space<vmem_shared>>) offsets(%arg14 : memref<80xi32, #tpu.memory_space<vmem>>) semaphore(%arg34 : memref<!tpu.dma_semaphore, #tpu.memory_space<semaphore_mem>>) {add = true}
      %dma_wait3A_290 = arith.constant 0 : i32
      %dma_wait3A_291 = arith.constant 0 : i32
      %dma_wait3A_292 = tpu.memref_slice %arg35[%dma_wait3A_290, %dma_wait3A_291] : memref<10000x128xf32, #tpu.memory_space<vmem_shared>> -> memref<10000x128xf32, #tpu.memory_space<vmem_shared>>
      tpu.wait_indirect_dma semaphore(%arg31 : memref<!tpu.dma_semaphore, #tpu.memory_space<semaphore_mem>>) src(%arg15 : memref<80x128xf32, #tpu.memory_space<vmem>>) dst(%dma_wait3A_292 : memref<10000x128xf32, #tpu.memory_space<vmem_shared>>)
      %lt3A_293 = arith.constant 61 : i32
      %lt3A_294 = arith.cmpi slt, %scan3A_219, %lt3A_293 : i32
      %convert_element_type3A_295 = arith.extui %lt3A_294 : i1 to i32
      %cond3A_296 = arith.constant 0 : i32
      %cond3A_297 = arith.cmpi ne, %convert_element_type3A_295, %cond3A_296 : i32
      scf.if %cond3A_297 {
        %add3A_322 = arith.constant 4 : i32
        %add3A_323 = arith.addi %mul3A_221, %add3A_322 : i32
        %add3A_324 = arith.constant 0 : i32
        %add3A_325 = arith.addi %add3A_323, %add3A_324 : i32
        %mul3A_326 = arith.constant 80 : i32
        %mul3A_327 = arith.muli %add3A_325, %mul3A_326 : i32
        %add3A_328 = arith.addi %add3A_8, %mul3A_327 : i32
        %dma_start3A_329 = tpu.memref_slice %arg2[%add3A_328] : memref<1280000xi32, #tpu.memory_space<hbm>> -> memref<80xi32, #tpu.memory_space<hbm>>
        %dma_start3A_330 = tpu.memref_slice %arg2[%add3A_328] : memref<1280000xi32, #tpu.memory_space<hbm>> -> memref<80xi32, #tpu.memory_space<hbm>>
        tpu.enqueue_dma source(%dma_start3A_330 : memref<80xi32, #tpu.memory_space<hbm>>) target(%arg7 : memref<80xi32, #tpu.memory_space<vmem>>) target_semaphore(%arg19 : memref<!tpu.dma_semaphore, #tpu.memory_space<semaphore_mem>>)
        %add3A_331 = arith.constant 4 : i32
        %add3A_332 = arith.addi %mul3A_221, %add3A_331 : i32
        %add3A_333 = arith.constant 0 : i32
        %add3A_334 = arith.addi %add3A_332, %add3A_333 : i32
        %mul3A_335 = arith.constant 80 : i32
        %mul3A_336 = arith.muli %add3A_334, %mul3A_335 : i32
        %add3A_337 = arith.addi %mul3A_10, %mul3A_336 : i32
        %dma_start3A_338 = tpu.memref_slice %arg3[%add3A_337] : memref<320000xi32, #tpu.memory_space<hbm>> -> memref<80xi32, #tpu.memory_space<hbm>>
        %dma_start3A_339 = tpu.memref_slice %arg3[%add3A_337] : memref<320000xi32, #tpu.memory_space<hbm>> -> memref<80xi32, #tpu.memory_space<hbm>>
        tpu.enqueue_dma source(%dma_start3A_339 : memref<80xi32, #tpu.memory_space<hbm>>) target(%arg11 : memref<80xi32, #tpu.memory_space<vmem>>) target_semaphore(%arg23 : memref<!tpu.dma_semaphore, #tpu.memory_space<semaphore_mem>>)
      } else {
      }
      %dma_wait3A_298 = arith.constant 0 : i32
      %dma_wait3A_299 = arith.constant 0 : i32
      %dma_wait3A_300 = tpu.memref_slice %arg35[%dma_wait3A_298, %dma_wait3A_299] : memref<10000x128xf32, #tpu.memory_space<vmem_shared>> -> memref<10000x128xf32, #tpu.memory_space<vmem_shared>>
      tpu.wait_indirect_dma semaphore(%arg32 : memref<!tpu.dma_semaphore, #tpu.memory_space<semaphore_mem>>) src(%arg16 : memref<80x128xf32, #tpu.memory_space<vmem>>) dst(%dma_wait3A_300 : memref<10000x128xf32, #tpu.memory_space<vmem_shared>>)
      %lt3A_301 = arith.constant 61 : i32
      %lt3A_302 = arith.cmpi slt, %scan3A_219, %lt3A_301 : i32
      %convert_element_type3A_303 = arith.extui %lt3A_302 : i1 to i32
      %cond3A_304 = arith.constant 0 : i32
      %cond3A_305 = arith.cmpi ne, %convert_element_type3A_303, %cond3A_304 : i32
      scf.if %cond3A_305 {
        %add3A_322 = arith.constant 4 : i32
        %add3A_323 = arith.addi %mul3A_221, %add3A_322 : i32
        %add3A_324 = arith.constant 1 : i32
        %add3A_325 = arith.addi %add3A_323, %add3A_324 : i32
        %mul3A_326 = arith.constant 80 : i32
        %mul3A_327 = arith.muli %add3A_325, %mul3A_326 : i32
        %add3A_328 = arith.addi %add3A_8, %mul3A_327 : i32
        %dma_start3A_329 = tpu.memref_slice %arg2[%add3A_328] : memref<1280000xi32, #tpu.memory_space<hbm>> -> memref<80xi32, #tpu.memory_space<hbm>>
        %dma_start3A_330 = tpu.memref_slice %arg2[%add3A_328] : memref<1280000xi32, #tpu.memory_space<hbm>> -> memref<80xi32, #tpu.memory_space<hbm>>
        tpu.enqueue_dma source(%dma_start3A_330 : memref<80xi32, #tpu.memory_space<hbm>>) target(%arg8 : memref<80xi32, #tpu.memory_space<vmem>>) target_semaphore(%arg20 : memref<!tpu.dma_semaphore, #tpu.memory_space<semaphore_mem>>)
        %add3A_331 = arith.constant 4 : i32
        %add3A_332 = arith.addi %mul3A_221, %add3A_331 : i32
        %add3A_333 = arith.constant 1 : i32
        %add3A_334 = arith.addi %add3A_332, %add3A_333 : i32
        %mul3A_335 = arith.constant 80 : i32
        %mul3A_336 = arith.muli %add3A_334, %mul3A_335 : i32
        %add3A_337 = arith.addi %mul3A_10, %mul3A_336 : i32
        %dma_start3A_338 = tpu.memref_slice %arg3[%add3A_337] : memref<320000xi32, #tpu.memory_space<hbm>> -> memref<80xi32, #tpu.memory_space<hbm>>
        %dma_start3A_339 = tpu.memref_slice %arg3[%add3A_337] : memref<320000xi32, #tpu.memory_space<hbm>> -> memref<80xi32, #tpu.memory_space<hbm>>
        tpu.enqueue_dma source(%dma_start3A_339 : memref<80xi32, #tpu.memory_space<hbm>>) target(%arg12 : memref<80xi32, #tpu.memory_space<vmem>>) target_semaphore(%arg24 : memref<!tpu.dma_semaphore, #tpu.memory_space<semaphore_mem>>)
      } else {
      }
      %dma_wait3A_306 = arith.constant 0 : i32
      %dma_wait3A_307 = arith.constant 0 : i32
      %dma_wait3A_308 = tpu.memref_slice %arg35[%dma_wait3A_306, %dma_wait3A_307] : memref<10000x128xf32, #tpu.memory_space<vmem_shared>> -> memref<10000x128xf32, #tpu.memory_space<vmem_shared>>
      tpu.wait_indirect_dma semaphore(%arg33 : memref<!tpu.dma_semaphore, #tpu.memory_space<semaphore_mem>>) src(%arg17 : memref<80x128xf32, #tpu.memory_space<vmem>>) dst(%dma_wait3A_308 : memref<10000x128xf32, #tpu.memory_space<vmem_shared>>)
      %lt3A_309 = arith.constant 61 : i32
      %lt3A_310 = arith.cmpi slt, %scan3A_219, %lt3A_309 : i32
      %convert_element_type3A_311 = arith.extui %lt3A_310 : i1 to i32
      %cond3A_312 = arith.constant 0 : i32
      %cond3A_313 = arith.cmpi ne, %convert_element_type3A_311, %cond3A_312 : i32
      scf.if %cond3A_313 {
        %add3A_322 = arith.constant 4 : i32
        %add3A_323 = arith.addi %mul3A_221, %add3A_322 : i32
        %add3A_324 = arith.constant 2 : i32
        %add3A_325 = arith.addi %add3A_323, %add3A_324 : i32
        %mul3A_326 = arith.constant 80 : i32
        %mul3A_327 = arith.muli %add3A_325, %mul3A_326 : i32
        %add3A_328 = arith.addi %add3A_8, %mul3A_327 : i32
        %dma_start3A_329 = tpu.memref_slice %arg2[%add3A_328] : memref<1280000xi32, #tpu.memory_space<hbm>> -> memref<80xi32, #tpu.memory_space<hbm>>
        %dma_start3A_330 = tpu.memref_slice %arg2[%add3A_328] : memref<1280000xi32, #tpu.memory_space<hbm>> -> memref<80xi32, #tpu.memory_space<hbm>>
        tpu.enqueue_dma source(%dma_start3A_330 : memref<80xi32, #tpu.memory_space<hbm>>) target(%arg9 : memref<80xi32, #tpu.memory_space<vmem>>) target_semaphore(%arg21 : memref<!tpu.dma_semaphore, #tpu.memory_space<semaphore_mem>>)
        %add3A_331 = arith.constant 4 : i32
        %add3A_332 = arith.addi %mul3A_221, %add3A_331 : i32
        %add3A_333 = arith.constant 2 : i32
        %add3A_334 = arith.addi %add3A_332, %add3A_333 : i32
        %mul3A_335 = arith.constant 80 : i32
        %mul3A_336 = arith.muli %add3A_334, %mul3A_335 : i32
        %add3A_337 = arith.addi %mul3A_10, %mul3A_336 : i32
        %dma_start3A_338 = tpu.memref_slice %arg3[%add3A_337] : memref<320000xi32, #tpu.memory_space<hbm>> -> memref<80xi32, #tpu.memory_space<hbm>>
        %dma_start3A_339 = tpu.memref_slice %arg3[%add3A_337] : memref<320000xi32, #tpu.memory_space<hbm>> -> memref<80xi32, #tpu.memory_space<hbm>>
        tpu.enqueue_dma source(%dma_start3A_339 : memref<80xi32, #tpu.memory_space<hbm>>) target(%arg13 : memref<80xi32, #tpu.memory_space<vmem>>) target_semaphore(%arg25 : memref<!tpu.dma_semaphore, #tpu.memory_space<semaphore_mem>>)
      } else {
      }
      %dma_wait3A_314 = arith.constant 0 : i32
      %dma_wait3A_315 = arith.constant 0 : i32
      %dma_wait3A_316 = tpu.memref_slice %arg35[%dma_wait3A_314, %dma_wait3A_315] : memref<10000x128xf32, #tpu.memory_space<vmem_shared>> -> memref<10000x128xf32, #tpu.memory_space<vmem_shared>>
      tpu.wait_indirect_dma semaphore(%arg34 : memref<!tpu.dma_semaphore, #tpu.memory_space<semaphore_mem>>) src(%arg18 : memref<80x128xf32, #tpu.memory_space<vmem>>) dst(%dma_wait3A_316 : memref<10000x128xf32, #tpu.memory_space<vmem_shared>>)
      %lt3A_317 = arith.constant 61 : i32
      %lt3A_318 = arith.cmpi slt, %scan3A_219, %lt3A_317 : i32
      %convert_element_type3A_319 = arith.extui %lt3A_318 : i1 to i32
      %cond3A_320 = arith.constant 0 : i32
      %cond3A_321 = arith.cmpi ne, %convert_element_type3A_319, %cond3A_320 : i32
      scf.if %cond3A_321 {
        %add3A_322 = arith.constant 4 : i32
        %add3A_323 = arith.addi %mul3A_221, %add3A_322 : i32
        %add3A_324 = arith.constant 3 : i32
        %add3A_325 = arith.addi %add3A_323, %add3A_324 : i32
        %mul3A_326 = arith.constant 80 : i32
        %mul3A_327 = arith.muli %add3A_325, %mul3A_326 : i32
        %add3A_328 = arith.addi %add3A_8, %mul3A_327 : i32
        %dma_start3A_329 = tpu.memref_slice %arg2[%add3A_328] : memref<1280000xi32, #tpu.memory_space<hbm>> -> memref<80xi32, #tpu.memory_space<hbm>>
        %dma_start3A_330 = tpu.memref_slice %arg2[%add3A_328] : memref<1280000xi32, #tpu.memory_space<hbm>> -> memref<80xi32, #tpu.memory_space<hbm>>
        tpu.enqueue_dma source(%dma_start3A_330 : memref<80xi32, #tpu.memory_space<hbm>>) target(%arg10 : memref<80xi32, #tpu.memory_space<vmem>>) target_semaphore(%arg22 : memref<!tpu.dma_semaphore, #tpu.memory_space<semaphore_mem>>)
        %add3A_331 = arith.constant 4 : i32
        %add3A_332 = arith.addi %mul3A_221, %add3A_331 : i32
        %add3A_333 = arith.constant 3 : i32
        %add3A_334 = arith.addi %add3A_332, %add3A_333 : i32
        %mul3A_335 = arith.constant 80 : i32
        %mul3A_336 = arith.muli %add3A_334, %mul3A_335 : i32
        %add3A_337 = arith.addi %mul3A_10, %mul3A_336 : i32
        %dma_start3A_338 = tpu.memref_slice %arg3[%add3A_337] : memref<320000xi32, #tpu.memory_space<hbm>> -> memref<80xi32, #tpu.memory_space<hbm>>
        %dma_start3A_339 = tpu.memref_slice %arg3[%add3A_337] : memref<320000xi32, #tpu.memory_space<hbm>> -> memref<80xi32, #tpu.memory_space<hbm>>
        tpu.enqueue_dma source(%dma_start3A_339 : memref<80xi32, #tpu.memory_space<hbm>>) target(%arg14 : memref<80xi32, #tpu.memory_space<vmem>>) target_semaphore(%arg26 : memref<!tpu.dma_semaphore, #tpu.memory_space<semaphore_mem>>)
      } else {
      }
    }
    %scan3A_46 = arith.constant 62 : i32
    %add3A_47 = arith.constant 19840 : i32
    %add3A_48 = arith.addi %add3A_8, %add3A_47 : i32
    %dma_start3A_49 = tpu.memref_slice %arg2[%add3A_48] : memref<1280000xi32, #tpu.memory_space<hbm>> -> memref<80xi32, #tpu.memory_space<hbm>>
    %dma_start3A_50 = tpu.memref_slice %arg2[%add3A_48] : memref<1280000xi32, #tpu.memory_space<hbm>> -> memref<80xi32, #tpu.memory_space<hbm>>
    tpu.enqueue_dma source(%dma_start3A_50 : memref<80xi32, #tpu.memory_space<hbm>>) target(%arg7 : memref<80xi32, #tpu.memory_space<vmem>>) target_semaphore(%arg19 : memref<!tpu.dma_semaphore, #tpu.memory_space<semaphore_mem>>)
    %dma_wait3A = tpu.memref_slice %arg2[%add3A_48] : memref<1280000xi32, #tpu.memory_space<hbm>> -> memref<80xi32, #tpu.memory_space<hbm>>
    %dma_wait3A_51 = tpu.memref_slice %arg2[%add3A_48] : memref<1280000xi32, #tpu.memory_space<hbm>> -> memref<80xi32, #tpu.memory_space<hbm>>
    tpu.wait_dma2 semaphore(%arg19 : memref<!tpu.dma_semaphore, #tpu.memory_space<semaphore_mem>>) src(%dma_wait3A_51 : memref<80xi32, #tpu.memory_space<hbm>>) dst(%arg7 : memref<80xi32, #tpu.memory_space<vmem>>)
    %add3A_52 = arith.constant 19840 : i32
    %add3A_53 = arith.addi %mul3A_10, %add3A_52 : i32
    %dma_start3A_54 = tpu.memref_slice %arg3[%add3A_53] : memref<320000xi32, #tpu.memory_space<hbm>> -> memref<80xi32, #tpu.memory_space<hbm>>
    %dma_start3A_55 = tpu.memref_slice %arg3[%add3A_53] : memref<320000xi32, #tpu.memory_space<hbm>> -> memref<80xi32, #tpu.memory_space<hbm>>
    tpu.enqueue_dma source(%dma_start3A_55 : memref<80xi32, #tpu.memory_space<hbm>>) target(%arg11 : memref<80xi32, #tpu.memory_space<vmem>>) target_semaphore(%arg23 : memref<!tpu.dma_semaphore, #tpu.memory_space<semaphore_mem>>)
    %dma_wait3A_56 = tpu.memref_slice %arg3[%add3A_53] : memref<320000xi32, #tpu.memory_space<hbm>> -> memref<80xi32, #tpu.memory_space<hbm>>
    %dma_wait3A_57 = tpu.memref_slice %arg3[%add3A_53] : memref<320000xi32, #tpu.memory_space<hbm>> -> memref<80xi32, #tpu.memory_space<hbm>>
    tpu.wait_dma2 semaphore(%arg23 : memref<!tpu.dma_semaphore, #tpu.memory_space<semaphore_mem>>) src(%dma_wait3A_57 : memref<80xi32, #tpu.memory_space<hbm>>) dst(%arg11 : memref<80xi32, #tpu.memory_space<vmem>>)
    %dma_start3A_58 = arith.constant 0 : i32
    %dma_start3A_59 = arith.constant 0 : i32
    %dma_start3A_60 = tpu.memref_slice %arg4[%dma_start3A_58, %dma_start3A_59] : memref<40000x128xf32, #tpu.memory_space<hbm>> -> memref<40000x128xf32, #tpu.memory_space<hbm>>
    tpu.enqueue_indirect_dma source(%dma_start3A_60 : memref<40000x128xf32, #tpu.memory_space<hbm>>) target(%arg15 : memref<80x128xf32, #tpu.memory_space<vmem>>) offsets(%arg7 : memref<80xi32, #tpu.memory_space<vmem>>) semaphore(%arg27 : memref<!tpu.dma_semaphore, #tpu.memory_space<semaphore_mem>>)
    %dma_wait3A_61 = arith.constant 0 : i32
    %dma_wait3A_62 = arith.constant 0 : i32
    %dma_wait3A_63 = tpu.memref_slice %arg4[%dma_wait3A_61, %dma_wait3A_62] : memref<40000x128xf32, #tpu.memory_space<hbm>> -> memref<40000x128xf32, #tpu.memory_space<hbm>>
    tpu.wait_indirect_dma semaphore(%arg27 : memref<!tpu.dma_semaphore, #tpu.memory_space<semaphore_mem>>) src(%dma_wait3A_63 : memref<40000x128xf32, #tpu.memory_space<hbm>>) dst(%arg15 : memref<80x128xf32, #tpu.memory_space<vmem>>)
    %dma_start3A_64 = arith.constant 0 : i32
    %dma_start3A_65 = arith.constant 0 : i32
    %dma_start3A_66 = tpu.memref_slice %arg35[%dma_start3A_64, %dma_start3A_65] : memref<10000x128xf32, #tpu.memory_space<vmem_shared>> -> memref<10000x128xf32, #tpu.memory_space<vmem_shared>>
    tpu.enqueue_indirect_dma source(%arg15 : memref<80x128xf32, #tpu.memory_space<vmem>>) target(%dma_start3A_66 : memref<10000x128xf32, #tpu.memory_space<vmem_shared>>) offsets(%arg11 : memref<80xi32, #tpu.memory_space<vmem>>) semaphore(%arg31 : memref<!tpu.dma_semaphore, #tpu.memory_space<semaphore_mem>>) {add = true}
    %dma_wait3A_67 = arith.constant 0 : i32
    %dma_wait3A_68 = arith.constant 0 : i32
    %dma_wait3A_69 = tpu.memref_slice %arg35[%dma_wait3A_67, %dma_wait3A_68] : memref<10000x128xf32, #tpu.memory_space<vmem_shared>> -> memref<10000x128xf32, #tpu.memory_space<vmem_shared>>
    tpu.wait_indirect_dma semaphore(%arg31 : memref<!tpu.dma_semaphore, #tpu.memory_space<semaphore_mem>>) src(%arg15 : memref<80x128xf32, #tpu.memory_space<vmem>>) dst(%dma_wait3A_69 : memref<10000x128xf32, #tpu.memory_space<vmem_shared>>)
    %add3A_70 = arith.constant 19920 : i32
    %add3A_71 = arith.addi %add3A_8, %add3A_70 : i32
    %dma_start3A_72 = tpu.memref_slice %arg2[%add3A_71] : memref<1280000xi32, #tpu.memory_space<hbm>> -> memref<80xi32, #tpu.memory_space<hbm>>
    %dma_start3A_73 = tpu.memref_slice %arg2[%add3A_71] : memref<1280000xi32, #tpu.memory_space<hbm>> -> memref<80xi32, #tpu.memory_space<hbm>>
    tpu.enqueue_dma source(%dma_start3A_73 : memref<80xi32, #tpu.memory_space<hbm>>) target(%arg8 : memref<80xi32, #tpu.memory_space<vmem>>) target_semaphore(%arg20 : memref<!tpu.dma_semaphore, #tpu.memory_space<semaphore_mem>>)
    %dma_wait3A_74 = tpu.memref_slice %arg2[%add3A_71] : memref<1280000xi32, #tpu.memory_space<hbm>> -> memref<80xi32, #tpu.memory_space<hbm>>
    %dma_wait3A_75 = tpu.memref_slice %arg2[%add3A_71] : memref<1280000xi32, #tpu.memory_space<hbm>> -> memref<80xi32, #tpu.memory_space<hbm>>
    tpu.wait_dma2 semaphore(%arg20 : memref<!tpu.dma_semaphore, #tpu.memory_space<semaphore_mem>>) src(%dma_wait3A_75 : memref<80xi32, #tpu.memory_space<hbm>>) dst(%arg8 : memref<80xi32, #tpu.memory_space<vmem>>)
    %add3A_76 = arith.constant 19920 : i32
    %add3A_77 = arith.addi %mul3A_10, %add3A_76 : i32
    %dma_start3A_78 = tpu.memref_slice %arg3[%add3A_77] : memref<320000xi32, #tpu.memory_space<hbm>> -> memref<80xi32, #tpu.memory_space<hbm>>
    %dma_start3A_79 = tpu.memref_slice %arg3[%add3A_77] : memref<320000xi32, #tpu.memory_space<hbm>> -> memref<80xi32, #tpu.memory_space<hbm>>
    tpu.enqueue_dma source(%dma_start3A_79 : memref<80xi32, #tpu.memory_space<hbm>>) target(%arg12 : memref<80xi32, #tpu.memory_space<vmem>>) target_semaphore(%arg24 : memref<!tpu.dma_semaphore, #tpu.memory_space<semaphore_mem>>)
    %dma_wait3A_80 = tpu.memref_slice %arg3[%add3A_77] : memref<320000xi32, #tpu.memory_space<hbm>> -> memref<80xi32, #tpu.memory_space<hbm>>
    %dma_wait3A_81 = tpu.memref_slice %arg3[%add3A_77] : memref<320000xi32, #tpu.memory_space<hbm>> -> memref<80xi32, #tpu.memory_space<hbm>>
    tpu.wait_dma2 semaphore(%arg24 : memref<!tpu.dma_semaphore, #tpu.memory_space<semaphore_mem>>) src(%dma_wait3A_81 : memref<80xi32, #tpu.memory_space<hbm>>) dst(%arg12 : memref<80xi32, #tpu.memory_space<vmem>>)
    %dma_start3A_82 = arith.constant 0 : i32
    %dma_start3A_83 = arith.constant 0 : i32
    %dma_start3A_84 = tpu.memref_slice %arg4[%dma_start3A_82, %dma_start3A_83] : memref<40000x128xf32, #tpu.memory_space<hbm>> -> memref<40000x128xf32, #tpu.memory_space<hbm>>
    tpu.enqueue_indirect_dma source(%dma_start3A_84 : memref<40000x128xf32, #tpu.memory_space<hbm>>) target(%arg16 : memref<80x128xf32, #tpu.memory_space<vmem>>) offsets(%arg8 : memref<80xi32, #tpu.memory_space<vmem>>) semaphore(%arg28 : memref<!tpu.dma_semaphore, #tpu.memory_space<semaphore_mem>>)
    %dma_wait3A_85 = arith.constant 0 : i32
    %dma_wait3A_86 = arith.constant 0 : i32
    %dma_wait3A_87 = tpu.memref_slice %arg4[%dma_wait3A_85, %dma_wait3A_86] : memref<40000x128xf32, #tpu.memory_space<hbm>> -> memref<40000x128xf32, #tpu.memory_space<hbm>>
    tpu.wait_indirect_dma semaphore(%arg28 : memref<!tpu.dma_semaphore, #tpu.memory_space<semaphore_mem>>) src(%dma_wait3A_87 : memref<40000x128xf32, #tpu.memory_space<hbm>>) dst(%arg16 : memref<80x128xf32, #tpu.memory_space<vmem>>)
    %dma_start3A_88 = arith.constant 0 : i32
    %dma_start3A_89 = arith.constant 0 : i32
    %dma_start3A_90 = tpu.memref_slice %arg35[%dma_start3A_88, %dma_start3A_89] : memref<10000x128xf32, #tpu.memory_space<vmem_shared>> -> memref<10000x128xf32, #tpu.memory_space<vmem_shared>>
    tpu.enqueue_indirect_dma source(%arg16 : memref<80x128xf32, #tpu.memory_space<vmem>>) target(%dma_start3A_90 : memref<10000x128xf32, #tpu.memory_space<vmem_shared>>) offsets(%arg12 : memref<80xi32, #tpu.memory_space<vmem>>) semaphore(%arg32 : memref<!tpu.dma_semaphore, #tpu.memory_space<semaphore_mem>>) {add = true}
    %dma_wait3A_91 = arith.constant 0 : i32
    %dma_wait3A_92 = arith.constant 0 : i32
    %dma_wait3A_93 = tpu.memref_slice %arg35[%dma_wait3A_91, %dma_wait3A_92] : memref<10000x128xf32, #tpu.memory_space<vmem_shared>> -> memref<10000x128xf32, #tpu.memory_space<vmem_shared>>
    tpu.wait_indirect_dma semaphore(%arg32 : memref<!tpu.dma_semaphore, #tpu.memory_space<semaphore_mem>>) src(%arg16 : memref<80x128xf32, #tpu.memory_space<vmem>>) dst(%dma_wait3A_93 : memref<10000x128xf32, #tpu.memory_space<vmem_shared>>)
    %lt3A_94 = arith.constant 0 : i32
    %lt3A_95 = arith.cmpi slt, %arg1, %lt3A_94 : i32
    %convert_element_type3A_96 = arith.extui %lt3A_95 : i1 to i32
    %cond3A_97 = arith.constant 0 : i32
    %cond3A_98 = arith.cmpi ne, %convert_element_type3A_96, %cond3A_97 : i32
    scf.if %cond3A_98 {
      %add3A_219 = arith.constant 4000 : i32
      %add3A_220 = arith.addi %add3A_219, %arg1 : i32
      %mul3A_221 = arith.constant 320000 : i32
      %mul3A_222 = arith.muli %add3A_1, %mul3A_221 : i32
      %mul3A_223 = arith.constant 80 : i32
      %mul3A_224 = arith.muli %add3A_220, %mul3A_223 : i32
      %add3A_225 = arith.addi %mul3A_222, %mul3A_224 : i32
      %mul3A_226 = arith.constant 80 : i32
      %mul3A_227 = arith.muli %add3A_220, %mul3A_226 : i32
      %dma_start3A_228 = tpu.memref_slice %arg2[%add3A_225] : memref<1280000xi32, #tpu.memory_space<hbm>> -> memref<80xi32, #tpu.memory_space<hbm>>
      %dma_start3A_229 = tpu.memref_slice %arg2[%add3A_225] : memref<1280000xi32, #tpu.memory_space<hbm>> -> memref<80xi32, #tpu.memory_space<hbm>>
      tpu.enqueue_dma source(%dma_start3A_229 : memref<80xi32, #tpu.memory_space<hbm>>) target(%arg7 : memref<80xi32, #tpu.memory_space<vmem>>) target_semaphore(%arg19 : memref<!tpu.dma_semaphore, #tpu.memory_space<semaphore_mem>>)
      %dma_wait3A_230 = tpu.memref_slice %arg2[%add3A_225] : memref<1280000xi32, #tpu.memory_space<hbm>> -> memref<80xi32, #tpu.memory_space<hbm>>
      %dma_wait3A_231 = tpu.memref_slice %arg2[%add3A_225] : memref<1280000xi32, #tpu.memory_space<hbm>> -> memref<80xi32, #tpu.memory_space<hbm>>
      tpu.wait_dma2 semaphore(%arg19 : memref<!tpu.dma_semaphore, #tpu.memory_space<semaphore_mem>>) src(%dma_wait3A_231 : memref<80xi32, #tpu.memory_space<hbm>>) dst(%arg7 : memref<80xi32, #tpu.memory_space<vmem>>)
      %dma_start3A_232 = tpu.memref_slice %arg3[%mul3A_227] : memref<320000xi32, #tpu.memory_space<hbm>> -> memref<80xi32, #tpu.memory_space<hbm>>
      %dma_start3A_233 = tpu.memref_slice %arg3[%mul3A_227] : memref<320000xi32, #tpu.memory_space<hbm>> -> memref<80xi32, #tpu.memory_space<hbm>>
      tpu.enqueue_dma source(%dma_start3A_233 : memref<80xi32, #tpu.memory_space<hbm>>) target(%arg11 : memref<80xi32, #tpu.memory_space<vmem>>) target_semaphore(%arg23 : memref<!tpu.dma_semaphore, #tpu.memory_space<semaphore_mem>>)
      %dma_wait3A_234 = tpu.memref_slice %arg3[%mul3A_227] : memref<320000xi32, #tpu.memory_space<hbm>> -> memref<80xi32, #tpu.memory_space<hbm>>
      %dma_wait3A_235 = tpu.memref_slice %arg3[%mul3A_227] : memref<320000xi32, #tpu.memory_space<hbm>> -> memref<80xi32, #tpu.memory_space<hbm>>
      tpu.wait_dma2 semaphore(%arg23 : memref<!tpu.dma_semaphore, #tpu.memory_space<semaphore_mem>>) src(%dma_wait3A_235 : memref<80xi32, #tpu.memory_space<hbm>>) dst(%arg11 : memref<80xi32, #tpu.memory_space<vmem>>)
      %dma_start3A_236 = arith.constant 0 : i32
      %dma_start3A_237 = arith.constant 0 : i32
      %dma_start3A_238 = tpu.memref_slice %arg4[%dma_start3A_236, %dma_start3A_237] : memref<40000x128xf32, #tpu.memory_space<hbm>> -> memref<40000x128xf32, #tpu.memory_space<hbm>>
      tpu.enqueue_indirect_dma source(%dma_start3A_238 : memref<40000x128xf32, #tpu.memory_space<hbm>>) target(%arg15 : memref<80x128xf32, #tpu.memory_space<vmem>>) offsets(%arg7 : memref<80xi32, #tpu.memory_space<vmem>>) semaphore(%arg27 : memref<!tpu.dma_semaphore, #tpu.memory_space<semaphore_mem>>)
      %dma_wait3A_239 = arith.constant 0 : i32
      %dma_wait3A_240 = arith.constant 0 : i32
      %dma_wait3A_241 = tpu.memref_slice %arg4[%dma_wait3A_239, %dma_wait3A_240] : memref<40000x128xf32, #tpu.memory_space<hbm>> -> memref<40000x128xf32, #tpu.memory_space<hbm>>
      tpu.wait_indirect_dma semaphore(%arg27 : memref<!tpu.dma_semaphore, #tpu.memory_space<semaphore_mem>>) src(%dma_wait3A_241 : memref<40000x128xf32, #tpu.memory_space<hbm>>) dst(%arg15 : memref<80x128xf32, #tpu.memory_space<vmem>>)
      %dma_start3A_242 = arith.constant 0 : i32
      %dma_start3A_243 = arith.constant 0 : i32
      %dma_start3A_244 = tpu.memref_slice %arg35[%dma_start3A_242, %dma_start3A_243] : memref<10000x128xf32, #tpu.memory_space<vmem_shared>> -> memref<10000x128xf32, #tpu.memory_space<vmem_shared>>
      tpu.enqueue_indirect_dma source(%arg15 : memref<80x128xf32, #tpu.memory_space<vmem>>) target(%dma_start3A_244 : memref<10000x128xf32, #tpu.memory_space<vmem_shared>>) offsets(%arg11 : memref<80xi32, #tpu.memory_space<vmem>>) semaphore(%arg31 : memref<!tpu.dma_semaphore, #tpu.memory_space<semaphore_mem>>) {add = true}
      %dma_wait3A_245 = arith.constant 0 : i32
      %dma_wait3A_246 = arith.constant 0 : i32
      %dma_wait3A_247 = tpu.memref_slice %arg35[%dma_wait3A_245, %dma_wait3A_246] : memref<10000x128xf32, #tpu.memory_space<vmem_shared>> -> memref<10000x128xf32, #tpu.memory_space<vmem_shared>>
      tpu.wait_indirect_dma semaphore(%arg31 : memref<!tpu.dma_semaphore, #tpu.memory_space<semaphore_mem>>) src(%arg15 : memref<80x128xf32, #tpu.memory_space<vmem>>) dst(%dma_wait3A_247 : memref<10000x128xf32, #tpu.memory_space<vmem_shared>>)
    } else {
    }
    %barrier3A_99 = arith.constant 0 : index
    tpu.barrier barrier_id(%barrier3A_99)
    %lt3A_100 = arith.constant 10 : i32
    %lt3A_101 = arith.cmpi slt, %arg1, %lt3A_100 : i32
    %convert_element_type3A_102 = arith.extui %lt3A_101 : i1 to i32
    %cond3A_103 = arith.constant 0 : i32
    %cond3A_104 = arith.cmpi ne, %convert_element_type3A_102, %cond3A_103 : i32
    scf.if %cond3A_104 {
      %mul3A_219 = arith.constant 10000 : i32
      %mul3A_220 = arith.muli %add3A_1, %mul3A_219 : i32
      %add3A_221 = arith.addi %mul3A_220, %mul3A_0 : i32
      "tpu.region"() ({
        %run_scoped3A = tpu.sem_alloc : memref<!tpu.dma_semaphore, #tpu.memory_space<semaphore_mem>>
        %dma_start3A_222 = arith.constant 0 : i32
        %dma_start3A_223 = tpu.memref_slice %arg6[%add3A_221, %dma_start3A_222] : memref<40000x128xf32, #tpu.memory_space<hbm>> -> memref<1000x128xf32, #tpu.memory_space<hbm>>
        %dma_start3A_224 = arith.constant 0 : i32
        %dma_start3A_225 = tpu.memref_slice %arg35[%mul3A_0, %dma_start3A_224] : memref<10000x128xf32, #tpu.memory_space<vmem_shared>> -> memref<1000x128xf32, #tpu.memory_space<vmem_shared>>
        tpu.enqueue_dma source(%dma_start3A_225 : memref<1000x128xf32, #tpu.memory_space<vmem_shared>>) target(%dma_start3A_223 : memref<1000x128xf32, #tpu.memory_space<hbm>>) target_semaphore(%run_scoped3A : memref<!tpu.dma_semaphore, #tpu.memory_space<semaphore_mem>>)
        %dma_wait3A_226 = arith.constant 0 : i32
        %dma_wait3A_227 = tpu.memref_slice %arg6[%add3A_221, %dma_wait3A_226] : memref<40000x128xf32, #tpu.memory_space<hbm>> -> memref<1000x128xf32, #tpu.memory_space<hbm>>
        %dma_wait3A_228 = arith.constant 0 : i32
        %dma_wait3A_229 = tpu.memref_slice %arg35[%mul3A_0, %dma_wait3A_228] : memref<10000x128xf32, #tpu.memory_space<vmem_shared>> -> memref<1000x128xf32, #tpu.memory_space<vmem_shared>>
        tpu.wait_dma2 semaphore(%run_scoped3A : memref<!tpu.dma_semaphore, #tpu.memory_space<semaphore_mem>>) src(%dma_wait3A_229 : memref<1000x128xf32, #tpu.memory_space<vmem_shared>>) dst(%dma_wait3A_227 : memref<1000x128xf32, #tpu.memory_space<hbm>>)
        tpu.yield
      }) : () -> ()
    } else {
    }
    %barrier3A_105 = arith.constant 0 : index
    tpu.barrier barrier_id(%barrier3A_105)
    %add3A_106 = arith.constant 2 : i32
    %add3A_107 = arith.addi %add3A_106, %arg0 : i32
    %lt3A_108 = arith.constant 10 : i32
    %lt3A_109 = arith.cmpi slt, %arg1, %lt3A_108 : i32
    %convert_element_type3A_110 = arith.extui %lt3A_109 : i1 to i32
    %cond3A_111 = arith.constant 0 : i32
    %cond3A_112 = arith.cmpi ne, %convert_element_type3A_110, %cond3A_111 : i32
    scf.if %cond3A_112 {
      "tpu.region"() ({
        %run_scoped3A = tpu.sem_alloc : memref<!tpu.dma_semaphore, #tpu.memory_space<semaphore_mem>>
        %dma_start3A_219 = arith.constant 0 : i32
        %dma_start3A_220 = tpu.memref_slice %arg35[%mul3A_0, %dma_start3A_219] : memref<10000x128xf32, #tpu.memory_space<vmem_shared>> -> memref<1000x128xf32, #tpu.memory_space<vmem_shared>>
        tpu.enqueue_dma source(%arg5 : memref<1000x128xf32, #tpu.memory_space<hbm>>) target(%dma_start3A_220 : memref<1000x128xf32, #tpu.memory_space<vmem_shared>>) target_semaphore(%run_scoped3A : memref<!tpu.dma_semaphore, #tpu.memory_space<semaphore_mem>>)
        %dma_wait3A_221 = arith.constant 0 : i32
        %dma_wait3A_222 = tpu.memref_slice %arg35[%mul3A_0, %dma_wait3A_221] : memref<10000x128xf32, #tpu.memory_space<vmem_shared>> -> memref<1000x128xf32, #tpu.memory_space<vmem_shared>>
        tpu.wait_dma2 semaphore(%run_scoped3A : memref<!tpu.dma_semaphore, #tpu.memory_space<semaphore_mem>>) src(%arg5 : memref<1000x128xf32, #tpu.memory_space<hbm>>) dst(%dma_wait3A_222 : memref<1000x128xf32, #tpu.memory_space<vmem_shared>>)
        tpu.yield
      }) : () -> ()
    } else {
    }
    %barrier3A_113 = arith.constant 0 : index
    tpu.barrier barrier_id(%barrier3A_113)
    %mul3A_114 = arith.constant 320000 : i32
    %mul3A_115 = arith.muli %add3A_107, %mul3A_114 : i32
    %mul3A_116 = arith.constant 20000 : i32
    %mul3A_117 = arith.muli %arg1, %mul3A_116 : i32
    %add3A_118 = arith.addi %mul3A_115, %mul3A_117 : i32
    %mul3A_119 = arith.constant 20000 : i32
    %mul3A_120 = arith.muli %arg1, %mul3A_119 : i32
    %add3A_121 = arith.constant 0 : i32
    %add3A_122 = arith.addi %add3A_118, %add3A_121 : i32
    %dma_start3A_123 = tpu.memref_slice %arg2[%add3A_122] : memref<1280000xi32, #tpu.memory_space<hbm>> -> memref<80xi32, #tpu.memory_space<hbm>>
    %dma_start3A_124 = tpu.memref_slice %arg2[%add3A_122] : memref<1280000xi32, #tpu.memory_space<hbm>> -> memref<80xi32, #tpu.memory_space<hbm>>
    tpu.enqueue_dma source(%dma_start3A_124 : memref<80xi32, #tpu.memory_space<hbm>>) target(%arg7 : memref<80xi32, #tpu.memory_space<vmem>>) target_semaphore(%arg19 : memref<!tpu.dma_semaphore, #tpu.memory_space<semaphore_mem>>)
    %add3A_125 = arith.constant 0 : i32
    %add3A_126 = arith.addi %mul3A_120, %add3A_125 : i32
    %dma_start3A_127 = tpu.memref_slice %arg3[%add3A_126] : memref<320000xi32, #tpu.memory_space<hbm>> -> memref<80xi32, #tpu.memory_space<hbm>>
    %dma_start3A_128 = tpu.memref_slice %arg3[%add3A_126] : memref<320000xi32, #tpu.memory_space<hbm>> -> memref<80xi32, #tpu.memory_space<hbm>>
    tpu.enqueue_dma source(%dma_start3A_128 : memref<80xi32, #tpu.memory_space<hbm>>) target(%arg11 : memref<80xi32, #tpu.memory_space<vmem>>) target_semaphore(%arg23 : memref<!tpu.dma_semaphore, #tpu.memory_space<semaphore_mem>>)
    %add3A_129 = arith.constant 80 : i32
    %add3A_130 = arith.addi %add3A_118, %add3A_129 : i32
    %dma_start3A_131 = tpu.memref_slice %arg2[%add3A_130] : memref<1280000xi32, #tpu.memory_space<hbm>> -> memref<80xi32, #tpu.memory_space<hbm>>
    %dma_start3A_132 = tpu.memref_slice %arg2[%add3A_130] : memref<1280000xi32, #tpu.memory_space<hbm>> -> memref<80xi32, #tpu.memory_space<hbm>>
    tpu.enqueue_dma source(%dma_start3A_132 : memref<80xi32, #tpu.memory_space<hbm>>) target(%arg8 : memref<80xi32, #tpu.memory_space<vmem>>) target_semaphore(%arg20 : memref<!tpu.dma_semaphore, #tpu.memory_space<semaphore_mem>>)
    %add3A_133 = arith.constant 80 : i32
    %add3A_134 = arith.addi %mul3A_120, %add3A_133 : i32
    %dma_start3A_135 = tpu.memref_slice %arg3[%add3A_134] : memref<320000xi32, #tpu.memory_space<hbm>> -> memref<80xi32, #tpu.memory_space<hbm>>
    %dma_start3A_136 = tpu.memref_slice %arg3[%add3A_134] : memref<320000xi32, #tpu.memory_space<hbm>> -> memref<80xi32, #tpu.memory_space<hbm>>
    tpu.enqueue_dma source(%dma_start3A_136 : memref<80xi32, #tpu.memory_space<hbm>>) target(%arg12 : memref<80xi32, #tpu.memory_space<vmem>>) target_semaphore(%arg24 : memref<!tpu.dma_semaphore, #tpu.memory_space<semaphore_mem>>)
    %add3A_137 = arith.constant 160 : i32
    %add3A_138 = arith.addi %add3A_118, %add3A_137 : i32
    %dma_start3A_139 = tpu.memref_slice %arg2[%add3A_138] : memref<1280000xi32, #tpu.memory_space<hbm>> -> memref<80xi32, #tpu.memory_space<hbm>>
    %dma_start3A_140 = tpu.memref_slice %arg2[%add3A_138] : memref<1280000xi32, #tpu.memory_space<hbm>> -> memref<80xi32, #tpu.memory_space<hbm>>
    tpu.enqueue_dma source(%dma_start3A_140 : memref<80xi32, #tpu.memory_space<hbm>>) target(%arg9 : memref<80xi32, #tpu.memory_space<vmem>>) target_semaphore(%arg21 : memref<!tpu.dma_semaphore, #tpu.memory_space<semaphore_mem>>)
    %add3A_141 = arith.constant 160 : i32
    %add3A_142 = arith.addi %mul3A_120, %add3A_141 : i32
    %dma_start3A_143 = tpu.memref_slice %arg3[%add3A_142] : memref<320000xi32, #tpu.memory_space<hbm>> -> memref<80xi32, #tpu.memory_space<hbm>>
    %dma_start3A_144 = tpu.memref_slice %arg3[%add3A_142] : memref<320000xi32, #tpu.memory_space<hbm>> -> memref<80xi32, #tpu.memory_space<hbm>>
    tpu.enqueue_dma source(%dma_start3A_144 : memref<80xi32, #tpu.memory_space<hbm>>) target(%arg13 : memref<80xi32, #tpu.memory_space<vmem>>) target_semaphore(%arg25 : memref<!tpu.dma_semaphore, #tpu.memory_space<semaphore_mem>>)
    %add3A_145 = arith.constant 240 : i32
    %add3A_146 = arith.addi %add3A_118, %add3A_145 : i32
    %dma_start3A_147 = tpu.memref_slice %arg2[%add3A_146] : memref<1280000xi32, #tpu.memory_space<hbm>> -> memref<80xi32, #tpu.memory_space<hbm>>
    %dma_start3A_148 = tpu.memref_slice %arg2[%add3A_146] : memref<1280000xi32, #tpu.memory_space<hbm>> -> memref<80xi32, #tpu.memory_space<hbm>>
    tpu.enqueue_dma source(%dma_start3A_148 : memref<80xi32, #tpu.memory_space<hbm>>) target(%arg10 : memref<80xi32, #tpu.memory_space<vmem>>) target_semaphore(%arg22 : memref<!tpu.dma_semaphore, #tpu.memory_space<semaphore_mem>>)
    %add3A_149 = arith.constant 240 : i32
    %add3A_150 = arith.addi %mul3A_120, %add3A_149 : i32
    %dma_start3A_151 = tpu.memref_slice %arg3[%add3A_150] : memref<320000xi32, #tpu.memory_space<hbm>> -> memref<80xi32, #tpu.memory_space<hbm>>
    %dma_start3A_152 = tpu.memref_slice %arg3[%add3A_150] : memref<320000xi32, #tpu.memory_space<hbm>> -> memref<80xi32, #tpu.memory_space<hbm>>
    tpu.enqueue_dma source(%dma_start3A_152 : memref<80xi32, #tpu.memory_space<hbm>>) target(%arg14 : memref<80xi32, #tpu.memory_space<vmem>>) target_semaphore(%arg26 : memref<!tpu.dma_semaphore, #tpu.memory_space<semaphore_mem>>)
    %scan3A_153 = arith.constant 0 : i32
    %scan3A_154 = arith.constant 0 : i32
    %scan3A_155 = arith.constant 62 : i32
    %scan3A_156 = arith.addi %scan3A_154, %scan3A_155 : i32
    %scan3A_157 = arith.constant 1 : i32
    scf.for %scan3A_219 = %scan3A_154 to %scan3A_156 step %scan3A_157  : i32 {
      %mul3A_220 = arith.constant 4 : i32
      %mul3A_221 = arith.muli %scan3A_219, %mul3A_220 : i32
      %dma_wait3A_222 = arith.constant 0 : i32
      %dma_wait3A_223 = tpu.memref_slice %arg2[%dma_wait3A_222] : memref<1280000xi32, #tpu.memory_space<hbm>> -> memref<80xi32, #tpu.memory_space<hbm>>
      %dma_wait3A_224 = arith.constant 0 : i32
      %dma_wait3A_225 = tpu.memref_slice %arg2[%dma_wait3A_224] : memref<1280000xi32, #tpu.memory_space<hbm>> -> memref<80xi32, #tpu.memory_space<hbm>>
      tpu.wait_dma2 semaphore(%arg19 : memref<!tpu.dma_semaphore, #tpu.memory_space<semaphore_mem>>) src(%dma_wait3A_225 : memref<80xi32, #tpu.memory_space<hbm>>) dst(%arg7 : memref<80xi32, #tpu.memory_space<vmem>>)
      %dma_start3A_226 = arith.constant 0 : i32
      %dma_start3A_227 = arith.constant 0 : i32
      %dma_start3A_228 = tpu.memref_slice %arg4[%dma_start3A_226, %dma_start3A_227] : memref<40000x128xf32, #tpu.memory_space<hbm>> -> memref<40000x128xf32, #tpu.memory_space<hbm>>
      tpu.enqueue_indirect_dma source(%dma_start3A_228 : memref<40000x128xf32, #tpu.memory_space<hbm>>) target(%arg15 : memref<80x128xf32, #tpu.memory_space<vmem>>) offsets(%arg7 : memref<80xi32, #tpu.memory_space<vmem>>) semaphore(%arg27 : memref<!tpu.dma_semaphore, #tpu.memory_space<semaphore_mem>>)
      %dma_wait3A_229 = arith.constant 0 : i32
      %dma_wait3A_230 = tpu.memref_slice %arg2[%dma_wait3A_229] : memref<1280000xi32, #tpu.memory_space<hbm>> -> memref<80xi32, #tpu.memory_space<hbm>>
      %dma_wait3A_231 = arith.constant 0 : i32
      %dma_wait3A_232 = tpu.memref_slice %arg2[%dma_wait3A_231] : memref<1280000xi32, #tpu.memory_space<hbm>> -> memref<80xi32, #tpu.memory_space<hbm>>
      tpu.wait_dma2 semaphore(%arg20 : memref<!tpu.dma_semaphore, #tpu.memory_space<semaphore_mem>>) src(%dma_wait3A_232 : memref<80xi32, #tpu.memory_space<hbm>>) dst(%arg8 : memref<80xi32, #tpu.memory_space<vmem>>)
      %dma_start3A_233 = arith.constant 0 : i32
      %dma_start3A_234 = arith.constant 0 : i32
      %dma_start3A_235 = tpu.memref_slice %arg4[%dma_start3A_233, %dma_start3A_234] : memref<40000x128xf32, #tpu.memory_space<hbm>> -> memref<40000x128xf32, #tpu.memory_space<hbm>>
      tpu.enqueue_indirect_dma source(%dma_start3A_235 : memref<40000x128xf32, #tpu.memory_space<hbm>>) target(%arg16 : memref<80x128xf32, #tpu.memory_space<vmem>>) offsets(%arg8 : memref<80xi32, #tpu.memory_space<vmem>>) semaphore(%arg28 : memref<!tpu.dma_semaphore, #tpu.memory_space<semaphore_mem>>)
      %dma_wait3A_236 = arith.constant 0 : i32
      %dma_wait3A_237 = tpu.memref_slice %arg2[%dma_wait3A_236] : memref<1280000xi32, #tpu.memory_space<hbm>> -> memref<80xi32, #tpu.memory_space<hbm>>
      %dma_wait3A_238 = arith.constant 0 : i32
      %dma_wait3A_239 = tpu.memref_slice %arg2[%dma_wait3A_238] : memref<1280000xi32, #tpu.memory_space<hbm>> -> memref<80xi32, #tpu.memory_space<hbm>>
      tpu.wait_dma2 semaphore(%arg21 : memref<!tpu.dma_semaphore, #tpu.memory_space<semaphore_mem>>) src(%dma_wait3A_239 : memref<80xi32, #tpu.memory_space<hbm>>) dst(%arg9 : memref<80xi32, #tpu.memory_space<vmem>>)
      %dma_start3A_240 = arith.constant 0 : i32
      %dma_start3A_241 = arith.constant 0 : i32
      %dma_start3A_242 = tpu.memref_slice %arg4[%dma_start3A_240, %dma_start3A_241] : memref<40000x128xf32, #tpu.memory_space<hbm>> -> memref<40000x128xf32, #tpu.memory_space<hbm>>
      tpu.enqueue_indirect_dma source(%dma_start3A_242 : memref<40000x128xf32, #tpu.memory_space<hbm>>) target(%arg17 : memref<80x128xf32, #tpu.memory_space<vmem>>) offsets(%arg9 : memref<80xi32, #tpu.memory_space<vmem>>) semaphore(%arg29 : memref<!tpu.dma_semaphore, #tpu.memory_space<semaphore_mem>>)
      %dma_wait3A_243 = arith.constant 0 : i32
      %dma_wait3A_244 = tpu.memref_slice %arg2[%dma_wait3A_243] : memref<1280000xi32, #tpu.memory_space<hbm>> -> memref<80xi32, #tpu.memory_space<hbm>>
      %dma_wait3A_245 = arith.constant 0 : i32
      %dma_wait3A_246 = tpu.memref_slice %arg2[%dma_wait3A_245] : memref<1280000xi32, #tpu.memory_space<hbm>> -> memref<80xi32, #tpu.memory_space<hbm>>
      tpu.wait_dma2 semaphore(%arg22 : memref<!tpu.dma_semaphore, #tpu.memory_space<semaphore_mem>>) src(%dma_wait3A_246 : memref<80xi32, #tpu.memory_space<hbm>>) dst(%arg10 : memref<80xi32, #tpu.memory_space<vmem>>)
      %dma_start3A_247 = arith.constant 0 : i32
      %dma_start3A_248 = arith.constant 0 : i32
      %dma_start3A_249 = tpu.memref_slice %arg4[%dma_start3A_247, %dma_start3A_248] : memref<40000x128xf32, #tpu.memory_space<hbm>> -> memref<40000x128xf32, #tpu.memory_space<hbm>>
      tpu.enqueue_indirect_dma source(%dma_start3A_249 : memref<40000x128xf32, #tpu.memory_space<hbm>>) target(%arg18 : memref<80x128xf32, #tpu.memory_space<vmem>>) offsets(%arg10 : memref<80xi32, #tpu.memory_space<vmem>>) semaphore(%arg30 : memref<!tpu.dma_semaphore, #tpu.memory_space<semaphore_mem>>)
      %dma_wait3A_250 = arith.constant 0 : i32
      %dma_wait3A_251 = arith.constant 0 : i32
      %dma_wait3A_252 = tpu.memref_slice %arg4[%dma_wait3A_250, %dma_wait3A_251] : memref<40000x128xf32, #tpu.memory_space<hbm>> -> memref<40000x128xf32, #tpu.memory_space<hbm>>
      tpu.wait_indirect_dma semaphore(%arg27 : memref<!tpu.dma_semaphore, #tpu.memory_space<semaphore_mem>>) src(%dma_wait3A_252 : memref<40000x128xf32, #tpu.memory_space<hbm>>) dst(%arg15 : memref<80x128xf32, #tpu.memory_space<vmem>>)
      %dma_wait3A_253 = arith.constant 0 : i32
      %dma_wait3A_254 = tpu.memref_slice %arg3[%dma_wait3A_253] : memref<320000xi32, #tpu.memory_space<hbm>> -> memref<80xi32, #tpu.memory_space<hbm>>
      %dma_wait3A_255 = arith.constant 0 : i32
      %dma_wait3A_256 = tpu.memref_slice %arg3[%dma_wait3A_255] : memref<320000xi32, #tpu.memory_space<hbm>> -> memref<80xi32, #tpu.memory_space<hbm>>
      tpu.wait_dma2 semaphore(%arg23 : memref<!tpu.dma_semaphore, #tpu.memory_space<semaphore_mem>>) src(%dma_wait3A_256 : memref<80xi32, #tpu.memory_space<hbm>>) dst(%arg11 : memref<80xi32, #tpu.memory_space<vmem>>)
      %dma_start3A_257 = arith.constant 0 : i32
      %dma_start3A_258 = arith.constant 0 : i32
      %dma_start3A_259 = tpu.memref_slice %arg35[%dma_start3A_257, %dma_start3A_258] : memref<10000x128xf32, #tpu.memory_space<vmem_shared>> -> memref<10000x128xf32, #tpu.memory_space<vmem_shared>>
      tpu.enqueue_indirect_dma source(%arg15 : memref<80x128xf32, #tpu.memory_space<vmem>>) target(%dma_start3A_259 : memref<10000x128xf32, #tpu.memory_space<vmem_shared>>) offsets(%arg11 : memref<80xi32, #tpu.memory_space<vmem>>) semaphore(%arg31 : memref<!tpu.dma_semaphore, #tpu.memory_space<semaphore_mem>>) {add = true}
      %dma_wait3A_260 = arith.constant 0 : i32
      %dma_wait3A_261 = arith.constant 0 : i32
      %dma_wait3A_262 = tpu.memref_slice %arg4[%dma_wait3A_260, %dma_wait3A_261] : memref<40000x128xf32, #tpu.memory_space<hbm>> -> memref<40000x128xf32, #tpu.memory_space<hbm>>
      tpu.wait_indirect_dma semaphore(%arg28 : memref<!tpu.dma_semaphore, #tpu.memory_space<semaphore_mem>>) src(%dma_wait3A_262 : memref<40000x128xf32, #tpu.memory_space<hbm>>) dst(%arg16 : memref<80x128xf32, #tpu.memory_space<vmem>>)
      %dma_wait3A_263 = arith.constant 0 : i32
      %dma_wait3A_264 = tpu.memref_slice %arg3[%dma_wait3A_263] : memref<320000xi32, #tpu.memory_space<hbm>> -> memref<80xi32, #tpu.memory_space<hbm>>
      %dma_wait3A_265 = arith.constant 0 : i32
      %dma_wait3A_266 = tpu.memref_slice %arg3[%dma_wait3A_265] : memref<320000xi32, #tpu.memory_space<hbm>> -> memref<80xi32, #tpu.memory_space<hbm>>
      tpu.wait_dma2 semaphore(%arg24 : memref<!tpu.dma_semaphore, #tpu.memory_space<semaphore_mem>>) src(%dma_wait3A_266 : memref<80xi32, #tpu.memory_space<hbm>>) dst(%arg12 : memref<80xi32, #tpu.memory_space<vmem>>)
      %dma_start3A_267 = arith.constant 0 : i32
      %dma_start3A_268 = arith.constant 0 : i32
      %dma_start3A_269 = tpu.memref_slice %arg35[%dma_start3A_267, %dma_start3A_268] : memref<10000x128xf32, #tpu.memory_space<vmem_shared>> -> memref<10000x128xf32, #tpu.memory_space<vmem_shared>>
      tpu.enqueue_indirect_dma source(%arg16 : memref<80x128xf32, #tpu.memory_space<vmem>>) target(%dma_start3A_269 : memref<10000x128xf32, #tpu.memory_space<vmem_shared>>) offsets(%arg12 : memref<80xi32, #tpu.memory_space<vmem>>) semaphore(%arg32 : memref<!tpu.dma_semaphore, #tpu.memory_space<semaphore_mem>>) {add = true}
      %dma_wait3A_270 = arith.constant 0 : i32
      %dma_wait3A_271 = arith.constant 0 : i32
      %dma_wait3A_272 = tpu.memref_slice %arg4[%dma_wait3A_270, %dma_wait3A_271] : memref<40000x128xf32, #tpu.memory_space<hbm>> -> memref<40000x128xf32, #tpu.memory_space<hbm>>
      tpu.wait_indirect_dma semaphore(%arg29 : memref<!tpu.dma_semaphore, #tpu.memory_space<semaphore_mem>>) src(%dma_wait3A_272 : memref<40000x128xf32, #tpu.memory_space<hbm>>) dst(%arg17 : memref<80x128xf32, #tpu.memory_space<vmem>>)
      %dma_wait3A_273 = arith.constant 0 : i32
      %dma_wait3A_274 = tpu.memref_slice %arg3[%dma_wait3A_273] : memref<320000xi32, #tpu.memory_space<hbm>> -> memref<80xi32, #tpu.memory_space<hbm>>
      %dma_wait3A_275 = arith.constant 0 : i32
      %dma_wait3A_276 = tpu.memref_slice %arg3[%dma_wait3A_275] : memref<320000xi32, #tpu.memory_space<hbm>> -> memref<80xi32, #tpu.memory_space<hbm>>
      tpu.wait_dma2 semaphore(%arg25 : memref<!tpu.dma_semaphore, #tpu.memory_space<semaphore_mem>>) src(%dma_wait3A_276 : memref<80xi32, #tpu.memory_space<hbm>>) dst(%arg13 : memref<80xi32, #tpu.memory_space<vmem>>)
      %dma_start3A_277 = arith.constant 0 : i32
      %dma_start3A_278 = arith.constant 0 : i32
      %dma_start3A_279 = tpu.memref_slice %arg35[%dma_start3A_277, %dma_start3A_278] : memref<10000x128xf32, #tpu.memory_space<vmem_shared>> -> memref<10000x128xf32, #tpu.memory_space<vmem_shared>>
      tpu.enqueue_indirect_dma source(%arg17 : memref<80x128xf32, #tpu.memory_space<vmem>>) target(%dma_start3A_279 : memref<10000x128xf32, #tpu.memory_space<vmem_shared>>) offsets(%arg13 : memref<80xi32, #tpu.memory_space<vmem>>) semaphore(%arg33 : memref<!tpu.dma_semaphore, #tpu.memory_space<semaphore_mem>>) {add = true}
      %dma_wait3A_280 = arith.constant 0 : i32
      %dma_wait3A_281 = arith.constant 0 : i32
      %dma_wait3A_282 = tpu.memref_slice %arg4[%dma_wait3A_280, %dma_wait3A_281] : memref<40000x128xf32, #tpu.memory_space<hbm>> -> memref<40000x128xf32, #tpu.memory_space<hbm>>
      tpu.wait_indirect_dma semaphore(%arg30 : memref<!tpu.dma_semaphore, #tpu.memory_space<semaphore_mem>>) src(%dma_wait3A_282 : memref<40000x128xf32, #tpu.memory_space<hbm>>) dst(%arg18 : memref<80x128xf32, #tpu.memory_space<vmem>>)
      %dma_wait3A_283 = arith.constant 0 : i32
      %dma_wait3A_284 = tpu.memref_slice %arg3[%dma_wait3A_283] : memref<320000xi32, #tpu.memory_space<hbm>> -> memref<80xi32, #tpu.memory_space<hbm>>
      %dma_wait3A_285 = arith.constant 0 : i32
      %dma_wait3A_286 = tpu.memref_slice %arg3[%dma_wait3A_285] : memref<320000xi32, #tpu.memory_space<hbm>> -> memref<80xi32, #tpu.memory_space<hbm>>
      tpu.wait_dma2 semaphore(%arg26 : memref<!tpu.dma_semaphore, #tpu.memory_space<semaphore_mem>>) src(%dma_wait3A_286 : memref<80xi32, #tpu.memory_space<hbm>>) dst(%arg14 : memref<80xi32, #tpu.memory_space<vmem>>)
      %dma_start3A_287 = arith.constant 0 : i32
      %dma_start3A_288 = arith.constant 0 : i32
      %dma_start3A_289 = tpu.memref_slice %arg35[%dma_start3A_287, %dma_start3A_288] : memref<10000x128xf32, #tpu.memory_space<vmem_shared>> -> memref<10000x128xf32, #tpu.memory_space<vmem_shared>>
      tpu.enqueue_indirect_dma source(%arg18 : memref<80x128xf32, #tpu.memory_space<vmem>>) target(%dma_start3A_289 : memref<10000x128xf32, #tpu.memory_space<vmem_shared>>) offsets(%arg14 : memref<80xi32, #tpu.memory_space<vmem>>) semaphore(%arg34 : memref<!tpu.dma_semaphore, #tpu.memory_space<semaphore_mem>>) {add = true}
      %dma_wait3A_290 = arith.constant 0 : i32
      %dma_wait3A_291 = arith.constant 0 : i32
      %dma_wait3A_292 = tpu.memref_slice %arg35[%dma_wait3A_290, %dma_wait3A_291] : memref<10000x128xf32, #tpu.memory_space<vmem_shared>> -> memref<10000x128xf32, #tpu.memory_space<vmem_shared>>
      tpu.wait_indirect_dma semaphore(%arg31 : memref<!tpu.dma_semaphore, #tpu.memory_space<semaphore_mem>>) src(%arg15 : memref<80x128xf32, #tpu.memory_space<vmem>>) dst(%dma_wait3A_292 : memref<10000x128xf32, #tpu.memory_space<vmem_shared>>)
      %lt3A_293 = arith.constant 61 : i32
      %lt3A_294 = arith.cmpi slt, %scan3A_219, %lt3A_293 : i32
      %convert_element_type3A_295 = arith.extui %lt3A_294 : i1 to i32
      %cond3A_296 = arith.constant 0 : i32
      %cond3A_297 = arith.cmpi ne, %convert_element_type3A_295, %cond3A_296 : i32
      scf.if %cond3A_297 {
        %add3A_322 = arith.constant 4 : i32
        %add3A_323 = arith.addi %mul3A_221, %add3A_322 : i32
        %add3A_324 = arith.constant 0 : i32
        %add3A_325 = arith.addi %add3A_323, %add3A_324 : i32
        %mul3A_326 = arith.constant 80 : i32
        %mul3A_327 = arith.muli %add3A_325, %mul3A_326 : i32
        %add3A_328 = arith.addi %add3A_118, %mul3A_327 : i32
        %dma_start3A_329 = tpu.memref_slice %arg2[%add3A_328] : memref<1280000xi32, #tpu.memory_space<hbm>> -> memref<80xi32, #tpu.memory_space<hbm>>
        %dma_start3A_330 = tpu.memref_slice %arg2[%add3A_328] : memref<1280000xi32, #tpu.memory_space<hbm>> -> memref<80xi32, #tpu.memory_space<hbm>>
        tpu.enqueue_dma source(%dma_start3A_330 : memref<80xi32, #tpu.memory_space<hbm>>) target(%arg7 : memref<80xi32, #tpu.memory_space<vmem>>) target_semaphore(%arg19 : memref<!tpu.dma_semaphore, #tpu.memory_space<semaphore_mem>>)
        %add3A_331 = arith.constant 4 : i32
        %add3A_332 = arith.addi %mul3A_221, %add3A_331 : i32
        %add3A_333 = arith.constant 0 : i32
        %add3A_334 = arith.addi %add3A_332, %add3A_333 : i32
        %mul3A_335 = arith.constant 80 : i32
        %mul3A_336 = arith.muli %add3A_334, %mul3A_335 : i32
        %add3A_337 = arith.addi %mul3A_120, %mul3A_336 : i32
        %dma_start3A_338 = tpu.memref_slice %arg3[%add3A_337] : memref<320000xi32, #tpu.memory_space<hbm>> -> memref<80xi32, #tpu.memory_space<hbm>>
        %dma_start3A_339 = tpu.memref_slice %arg3[%add3A_337] : memref<320000xi32, #tpu.memory_space<hbm>> -> memref<80xi32, #tpu.memory_space<hbm>>
        tpu.enqueue_dma source(%dma_start3A_339 : memref<80xi32, #tpu.memory_space<hbm>>) target(%arg11 : memref<80xi32, #tpu.memory_space<vmem>>) target_semaphore(%arg23 : memref<!tpu.dma_semaphore, #tpu.memory_space<semaphore_mem>>)
      } else {
      }
      %dma_wait3A_298 = arith.constant 0 : i32
      %dma_wait3A_299 = arith.constant 0 : i32
      %dma_wait3A_300 = tpu.memref_slice %arg35[%dma_wait3A_298, %dma_wait3A_299] : memref<10000x128xf32, #tpu.memory_space<vmem_shared>> -> memref<10000x128xf32, #tpu.memory_space<vmem_shared>>
      tpu.wait_indirect_dma semaphore(%arg32 : memref<!tpu.dma_semaphore, #tpu.memory_space<semaphore_mem>>) src(%arg16 : memref<80x128xf32, #tpu.memory_space<vmem>>) dst(%dma_wait3A_300 : memref<10000x128xf32, #tpu.memory_space<vmem_shared>>)
      %lt3A_301 = arith.constant 61 : i32
      %lt3A_302 = arith.cmpi slt, %scan3A_219, %lt3A_301 : i32
      %convert_element_type3A_303 = arith.extui %lt3A_302 : i1 to i32
      %cond3A_304 = arith.constant 0 : i32
      %cond3A_305 = arith.cmpi ne, %convert_element_type3A_303, %cond3A_304 : i32
      scf.if %cond3A_305 {
        %add3A_322 = arith.constant 4 : i32
        %add3A_323 = arith.addi %mul3A_221, %add3A_322 : i32
        %add3A_324 = arith.constant 1 : i32
        %add3A_325 = arith.addi %add3A_323, %add3A_324 : i32
        %mul3A_326 = arith.constant 80 : i32
        %mul3A_327 = arith.muli %add3A_325, %mul3A_326 : i32
        %add3A_328 = arith.addi %add3A_118, %mul3A_327 : i32
        %dma_start3A_329 = tpu.memref_slice %arg2[%add3A_328] : memref<1280000xi32, #tpu.memory_space<hbm>> -> memref<80xi32, #tpu.memory_space<hbm>>
        %dma_start3A_330 = tpu.memref_slice %arg2[%add3A_328] : memref<1280000xi32, #tpu.memory_space<hbm>> -> memref<80xi32, #tpu.memory_space<hbm>>
        tpu.enqueue_dma source(%dma_start3A_330 : memref<80xi32, #tpu.memory_space<hbm>>) target(%arg8 : memref<80xi32, #tpu.memory_space<vmem>>) target_semaphore(%arg20 : memref<!tpu.dma_semaphore, #tpu.memory_space<semaphore_mem>>)
        %add3A_331 = arith.constant 4 : i32
        %add3A_332 = arith.addi %mul3A_221, %add3A_331 : i32
        %add3A_333 = arith.constant 1 : i32
        %add3A_334 = arith.addi %add3A_332, %add3A_333 : i32
        %mul3A_335 = arith.constant 80 : i32
        %mul3A_336 = arith.muli %add3A_334, %mul3A_335 : i32
        %add3A_337 = arith.addi %mul3A_120, %mul3A_336 : i32
        %dma_start3A_338 = tpu.memref_slice %arg3[%add3A_337] : memref<320000xi32, #tpu.memory_space<hbm>> -> memref<80xi32, #tpu.memory_space<hbm>>
        %dma_start3A_339 = tpu.memref_slice %arg3[%add3A_337] : memref<320000xi32, #tpu.memory_space<hbm>> -> memref<80xi32, #tpu.memory_space<hbm>>
        tpu.enqueue_dma source(%dma_start3A_339 : memref<80xi32, #tpu.memory_space<hbm>>) target(%arg12 : memref<80xi32, #tpu.memory_space<vmem>>) target_semaphore(%arg24 : memref<!tpu.dma_semaphore, #tpu.memory_space<semaphore_mem>>)
      } else {
      }
      %dma_wait3A_306 = arith.constant 0 : i32
      %dma_wait3A_307 = arith.constant 0 : i32
      %dma_wait3A_308 = tpu.memref_slice %arg35[%dma_wait3A_306, %dma_wait3A_307] : memref<10000x128xf32, #tpu.memory_space<vmem_shared>> -> memref<10000x128xf32, #tpu.memory_space<vmem_shared>>
      tpu.wait_indirect_dma semaphore(%arg33 : memref<!tpu.dma_semaphore, #tpu.memory_space<semaphore_mem>>) src(%arg17 : memref<80x128xf32, #tpu.memory_space<vmem>>) dst(%dma_wait3A_308 : memref<10000x128xf32, #tpu.memory_space<vmem_shared>>)
      %lt3A_309 = arith.constant 61 : i32
      %lt3A_310 = arith.cmpi slt, %scan3A_219, %lt3A_309 : i32
      %convert_element_type3A_311 = arith.extui %lt3A_310 : i1 to i32
      %cond3A_312 = arith.constant 0 : i32
      %cond3A_313 = arith.cmpi ne, %convert_element_type3A_311, %cond3A_312 : i32
      scf.if %cond3A_313 {
        %add3A_322 = arith.constant 4 : i32
        %add3A_323 = arith.addi %mul3A_221, %add3A_322 : i32
        %add3A_324 = arith.constant 2 : i32
        %add3A_325 = arith.addi %add3A_323, %add3A_324 : i32
        %mul3A_326 = arith.constant 80 : i32
        %mul3A_327 = arith.muli %add3A_325, %mul3A_326 : i32
        %add3A_328 = arith.addi %add3A_118, %mul3A_327 : i32
        %dma_start3A_329 = tpu.memref_slice %arg2[%add3A_328] : memref<1280000xi32, #tpu.memory_space<hbm>> -> memref<80xi32, #tpu.memory_space<hbm>>
        %dma_start3A_330 = tpu.memref_slice %arg2[%add3A_328] : memref<1280000xi32, #tpu.memory_space<hbm>> -> memref<80xi32, #tpu.memory_space<hbm>>
        tpu.enqueue_dma source(%dma_start3A_330 : memref<80xi32, #tpu.memory_space<hbm>>) target(%arg9 : memref<80xi32, #tpu.memory_space<vmem>>) target_semaphore(%arg21 : memref<!tpu.dma_semaphore, #tpu.memory_space<semaphore_mem>>)
        %add3A_331 = arith.constant 4 : i32
        %add3A_332 = arith.addi %mul3A_221, %add3A_331 : i32
        %add3A_333 = arith.constant 2 : i32
        %add3A_334 = arith.addi %add3A_332, %add3A_333 : i32
        %mul3A_335 = arith.constant 80 : i32
        %mul3A_336 = arith.muli %add3A_334, %mul3A_335 : i32
        %add3A_337 = arith.addi %mul3A_120, %mul3A_336 : i32
        %dma_start3A_338 = tpu.memref_slice %arg3[%add3A_337] : memref<320000xi32, #tpu.memory_space<hbm>> -> memref<80xi32, #tpu.memory_space<hbm>>
        %dma_start3A_339 = tpu.memref_slice %arg3[%add3A_337] : memref<320000xi32, #tpu.memory_space<hbm>> -> memref<80xi32, #tpu.memory_space<hbm>>
        tpu.enqueue_dma source(%dma_start3A_339 : memref<80xi32, #tpu.memory_space<hbm>>) target(%arg13 : memref<80xi32, #tpu.memory_space<vmem>>) target_semaphore(%arg25 : memref<!tpu.dma_semaphore, #tpu.memory_space<semaphore_mem>>)
      } else {
      }
      %dma_wait3A_314 = arith.constant 0 : i32
      %dma_wait3A_315 = arith.constant 0 : i32
      %dma_wait3A_316 = tpu.memref_slice %arg35[%dma_wait3A_314, %dma_wait3A_315] : memref<10000x128xf32, #tpu.memory_space<vmem_shared>> -> memref<10000x128xf32, #tpu.memory_space<vmem_shared>>
      tpu.wait_indirect_dma semaphore(%arg34 : memref<!tpu.dma_semaphore, #tpu.memory_space<semaphore_mem>>) src(%arg18 : memref<80x128xf32, #tpu.memory_space<vmem>>) dst(%dma_wait3A_316 : memref<10000x128xf32, #tpu.memory_space<vmem_shared>>)
      %lt3A_317 = arith.constant 61 : i32
      %lt3A_318 = arith.cmpi slt, %scan3A_219, %lt3A_317 : i32
      %convert_element_type3A_319 = arith.extui %lt3A_318 : i1 to i32
      %cond3A_320 = arith.constant 0 : i32
      %cond3A_321 = arith.cmpi ne, %convert_element_type3A_319, %cond3A_320 : i32
      scf.if %cond3A_321 {
        %add3A_322 = arith.constant 4 : i32
        %add3A_323 = arith.addi %mul3A_221, %add3A_322 : i32
        %add3A_324 = arith.constant 3 : i32
        %add3A_325 = arith.addi %add3A_323, %add3A_324 : i32
        %mul3A_326 = arith.constant 80 : i32
        %mul3A_327 = arith.muli %add3A_325, %mul3A_326 : i32
        %add3A_328 = arith.addi %add3A_118, %mul3A_327 : i32
        %dma_start3A_329 = tpu.memref_slice %arg2[%add3A_328] : memref<1280000xi32, #tpu.memory_space<hbm>> -> memref<80xi32, #tpu.memory_space<hbm>>
        %dma_start3A_330 = tpu.memref_slice %arg2[%add3A_328] : memref<1280000xi32, #tpu.memory_space<hbm>> -> memref<80xi32, #tpu.memory_space<hbm>>
        tpu.enqueue_dma source(%dma_start3A_330 : memref<80xi32, #tpu.memory_space<hbm>>) target(%arg10 : memref<80xi32, #tpu.memory_space<vmem>>) target_semaphore(%arg22 : memref<!tpu.dma_semaphore, #tpu.memory_space<semaphore_mem>>)
        %add3A_331 = arith.constant 4 : i32
        %add3A_332 = arith.addi %mul3A_221, %add3A_331 : i32
        %add3A_333 = arith.constant 3 : i32
        %add3A_334 = arith.addi %add3A_332, %add3A_333 : i32
        %mul3A_335 = arith.constant 80 : i32
        %mul3A_336 = arith.muli %add3A_334, %mul3A_335 : i32
        %add3A_337 = arith.addi %mul3A_120, %mul3A_336 : i32
        %dma_start3A_338 = tpu.memref_slice %arg3[%add3A_337] : memref<320000xi32, #tpu.memory_space<hbm>> -> memref<80xi32, #tpu.memory_space<hbm>>
        %dma_start3A_339 = tpu.memref_slice %arg3[%add3A_337] : memref<320000xi32, #tpu.memory_space<hbm>> -> memref<80xi32, #tpu.memory_space<hbm>>
        tpu.enqueue_dma source(%dma_start3A_339 : memref<80xi32, #tpu.memory_space<hbm>>) target(%arg14 : memref<80xi32, #tpu.memory_space<vmem>>) target_semaphore(%arg26 : memref<!tpu.dma_semaphore, #tpu.memory_space<semaphore_mem>>)
      } else {
      }
    }
    %scan3A_158 = arith.constant 62 : i32
    %add3A_159 = arith.constant 19840 : i32
    %add3A_160 = arith.addi %add3A_118, %add3A_159 : i32
    %dma_start3A_161 = tpu.memref_slice %arg2[%add3A_160] : memref<1280000xi32, #tpu.memory_space<hbm>> -> memref<80xi32, #tpu.memory_space<hbm>>
    %dma_start3A_162 = tpu.memref_slice %arg2[%add3A_160] : memref<1280000xi32, #tpu.memory_space<hbm>> -> memref<80xi32, #tpu.memory_space<hbm>>
    tpu.enqueue_dma source(%dma_start3A_162 : memref<80xi32, #tpu.memory_space<hbm>>) target(%arg7 : memref<80xi32, #tpu.memory_space<vmem>>) target_semaphore(%arg19 : memref<!tpu.dma_semaphore, #tpu.memory_space<semaphore_mem>>)
    %dma_wait3A_163 = tpu.memref_slice %arg2[%add3A_160] : memref<1280000xi32, #tpu.memory_space<hbm>> -> memref<80xi32, #tpu.memory_space<hbm>>
    %dma_wait3A_164 = tpu.memref_slice %arg2[%add3A_160] : memref<1280000xi32, #tpu.memory_space<hbm>> -> memref<80xi32, #tpu.memory_space<hbm>>
    tpu.wait_dma2 semaphore(%arg19 : memref<!tpu.dma_semaphore, #tpu.memory_space<semaphore_mem>>) src(%dma_wait3A_164 : memref<80xi32, #tpu.memory_space<hbm>>) dst(%arg7 : memref<80xi32, #tpu.memory_space<vmem>>)
    %add3A_165 = arith.constant 19840 : i32
    %add3A_166 = arith.addi %mul3A_120, %add3A_165 : i32
    %dma_start3A_167 = tpu.memref_slice %arg3[%add3A_166] : memref<320000xi32, #tpu.memory_space<hbm>> -> memref<80xi32, #tpu.memory_space<hbm>>
    %dma_start3A_168 = tpu.memref_slice %arg3[%add3A_166] : memref<320000xi32, #tpu.memory_space<hbm>> -> memref<80xi32, #tpu.memory_space<hbm>>
    tpu.enqueue_dma source(%dma_start3A_168 : memref<80xi32, #tpu.memory_space<hbm>>) target(%arg11 : memref<80xi32, #tpu.memory_space<vmem>>) target_semaphore(%arg23 : memref<!tpu.dma_semaphore, #tpu.memory_space<semaphore_mem>>)
    %dma_wait3A_169 = tpu.memref_slice %arg3[%add3A_166] : memref<320000xi32, #tpu.memory_space<hbm>> -> memref<80xi32, #tpu.memory_space<hbm>>
    %dma_wait3A_170 = tpu.memref_slice %arg3[%add3A_166] : memref<320000xi32, #tpu.memory_space<hbm>> -> memref<80xi32, #tpu.memory_space<hbm>>
    tpu.wait_dma2 semaphore(%arg23 : memref<!tpu.dma_semaphore, #tpu.memory_space<semaphore_mem>>) src(%dma_wait3A_170 : memref<80xi32, #tpu.memory_space<hbm>>) dst(%arg11 : memref<80xi32, #tpu.memory_space<vmem>>)
    %dma_start3A_171 = arith.constant 0 : i32
    %dma_start3A_172 = arith.constant 0 : i32
    %dma_start3A_173 = tpu.memref_slice %arg4[%dma_start3A_171, %dma_start3A_172] : memref<40000x128xf32, #tpu.memory_space<hbm>> -> memref<40000x128xf32, #tpu.memory_space<hbm>>
    tpu.enqueue_indirect_dma source(%dma_start3A_173 : memref<40000x128xf32, #tpu.memory_space<hbm>>) target(%arg15 : memref<80x128xf32, #tpu.memory_space<vmem>>) offsets(%arg7 : memref<80xi32, #tpu.memory_space<vmem>>) semaphore(%arg27 : memref<!tpu.dma_semaphore, #tpu.memory_space<semaphore_mem>>)
    %dma_wait3A_174 = arith.constant 0 : i32
    %dma_wait3A_175 = arith.constant 0 : i32
    %dma_wait3A_176 = tpu.memref_slice %arg4[%dma_wait3A_174, %dma_wait3A_175] : memref<40000x128xf32, #tpu.memory_space<hbm>> -> memref<40000x128xf32, #tpu.memory_space<hbm>>
    tpu.wait_indirect_dma semaphore(%arg27 : memref<!tpu.dma_semaphore, #tpu.memory_space<semaphore_mem>>) src(%dma_wait3A_176 : memref<40000x128xf32, #tpu.memory_space<hbm>>) dst(%arg15 : memref<80x128xf32, #tpu.memory_space<vmem>>)
    %dma_start3A_177 = arith.constant 0 : i32
    %dma_start3A_178 = arith.constant 0 : i32
    %dma_start3A_179 = tpu.memref_slice %arg35[%dma_start3A_177, %dma_start3A_178] : memref<10000x128xf32, #tpu.memory_space<vmem_shared>> -> memref<10000x128xf32, #tpu.memory_space<vmem_shared>>
    tpu.enqueue_indirect_dma source(%arg15 : memref<80x128xf32, #tpu.memory_space<vmem>>) target(%dma_start3A_179 : memref<10000x128xf32, #tpu.memory_space<vmem_shared>>) offsets(%arg11 : memref<80xi32, #tpu.memory_space<vmem>>) semaphore(%arg31 : memref<!tpu.dma_semaphore, #tpu.memory_space<semaphore_mem>>) {add = true}
    %dma_wait3A_180 = arith.constant 0 : i32
    %dma_wait3A_181 = arith.constant 0 : i32
    %dma_wait3A_182 = tpu.memref_slice %arg35[%dma_wait3A_180, %dma_wait3A_181] : memref<10000x128xf32, #tpu.memory_space<vmem_shared>> -> memref<10000x128xf32, #tpu.memory_space<vmem_shared>>
    tpu.wait_indirect_dma semaphore(%arg31 : memref<!tpu.dma_semaphore, #tpu.memory_space<semaphore_mem>>) src(%arg15 : memref<80x128xf32, #tpu.memory_space<vmem>>) dst(%dma_wait3A_182 : memref<10000x128xf32, #tpu.memory_space<vmem_shared>>)
    %add3A_183 = arith.constant 19920 : i32
    %add3A_184 = arith.addi %add3A_118, %add3A_183 : i32
    %dma_start3A_185 = tpu.memref_slice %arg2[%add3A_184] : memref<1280000xi32, #tpu.memory_space<hbm>> -> memref<80xi32, #tpu.memory_space<hbm>>
    %dma_start3A_186 = tpu.memref_slice %arg2[%add3A_184] : memref<1280000xi32, #tpu.memory_space<hbm>> -> memref<80xi32, #tpu.memory_space<hbm>>
    tpu.enqueue_dma source(%dma_start3A_186 : memref<80xi32, #tpu.memory_space<hbm>>) target(%arg8 : memref<80xi32, #tpu.memory_space<vmem>>) target_semaphore(%arg20 : memref<!tpu.dma_semaphore, #tpu.memory_space<semaphore_mem>>)
    %dma_wait3A_187 = tpu.memref_slice %arg2[%add3A_184] : memref<1280000xi32, #tpu.memory_space<hbm>> -> memref<80xi32, #tpu.memory_space<hbm>>
    %dma_wait3A_188 = tpu.memref_slice %arg2[%add3A_184] : memref<1280000xi32, #tpu.memory_space<hbm>> -> memref<80xi32, #tpu.memory_space<hbm>>
    tpu.wait_dma2 semaphore(%arg20 : memref<!tpu.dma_semaphore, #tpu.memory_space<semaphore_mem>>) src(%dma_wait3A_188 : memref<80xi32, #tpu.memory_space<hbm>>) dst(%arg8 : memref<80xi32, #tpu.memory_space<vmem>>)
    %add3A_189 = arith.constant 19920 : i32
    %add3A_190 = arith.addi %mul3A_120, %add3A_189 : i32
    %dma_start3A_191 = tpu.memref_slice %arg3[%add3A_190] : memref<320000xi32, #tpu.memory_space<hbm>> -> memref<80xi32, #tpu.memory_space<hbm>>
    %dma_start3A_192 = tpu.memref_slice %arg3[%add3A_190] : memref<320000xi32, #tpu.memory_space<hbm>> -> memref<80xi32, #tpu.memory_space<hbm>>
    tpu.enqueue_dma source(%dma_start3A_192 : memref<80xi32, #tpu.memory_space<hbm>>) target(%arg12 : memref<80xi32, #tpu.memory_space<vmem>>) target_semaphore(%arg24 : memref<!tpu.dma_semaphore, #tpu.memory_space<semaphore_mem>>)
    %dma_wait3A_193 = tpu.memref_slice %arg3[%add3A_190] : memref<320000xi32, #tpu.memory_space<hbm>> -> memref<80xi32, #tpu.memory_space<hbm>>
    %dma_wait3A_194 = tpu.memref_slice %arg3[%add3A_190] : memref<320000xi32, #tpu.memory_space<hbm>> -> memref<80xi32, #tpu.memory_space<hbm>>
    tpu.wait_dma2 semaphore(%arg24 : memref<!tpu.dma_semaphore, #tpu.memory_space<semaphore_mem>>) src(%dma_wait3A_194 : memref<80xi32, #tpu.memory_space<hbm>>) dst(%arg12 : memref<80xi32, #tpu.memory_space<vmem>>)
    %dma_start3A_195 = arith.constant 0 : i32
    %dma_start3A_196 = arith.constant 0 : i32
    %dma_start3A_197 = tpu.memref_slice %arg4[%dma_start3A_195, %dma_start3A_196] : memref<40000x128xf32, #tpu.memory_space<hbm>> -> memref<40000x128xf32, #tpu.memory_space<hbm>>
    tpu.enqueue_indirect_dma source(%dma_start3A_197 : memref<40000x128xf32, #tpu.memory_space<hbm>>) target(%arg16 : memref<80x128xf32, #tpu.memory_space<vmem>>) offsets(%arg8 : memref<80xi32, #tpu.memory_space<vmem>>) semaphore(%arg28 : memref<!tpu.dma_semaphore, #tpu.memory_space<semaphore_mem>>)
    %dma_wait3A_198 = arith.constant 0 : i32
    %dma_wait3A_199 = arith.constant 0 : i32
    %dma_wait3A_200 = tpu.memref_slice %arg4[%dma_wait3A_198, %dma_wait3A_199] : memref<40000x128xf32, #tpu.memory_space<hbm>> -> memref<40000x128xf32, #tpu.memory_space<hbm>>
    tpu.wait_indirect_dma semaphore(%arg28 : memref<!tpu.dma_semaphore, #tpu.memory_space<semaphore_mem>>) src(%dma_wait3A_200 : memref<40000x128xf32, #tpu.memory_space<hbm>>) dst(%arg16 : memref<80x128xf32, #tpu.memory_space<vmem>>)
    %dma_start3A_201 = arith.constant 0 : i32
    %dma_start3A_202 = arith.constant 0 : i32
    %dma_start3A_203 = tpu.memref_slice %arg35[%dma_start3A_201, %dma_start3A_202] : memref<10000x128xf32, #tpu.memory_space<vmem_shared>> -> memref<10000x128xf32, #tpu.memory_space<vmem_shared>>
    tpu.enqueue_indirect_dma source(%arg16 : memref<80x128xf32, #tpu.memory_space<vmem>>) target(%dma_start3A_203 : memref<10000x128xf32, #tpu.memory_space<vmem_shared>>) offsets(%arg12 : memref<80xi32, #tpu.memory_space<vmem>>) semaphore(%arg32 : memref<!tpu.dma_semaphore, #tpu.memory_space<semaphore_mem>>) {add = true}
    %dma_wait3A_204 = arith.constant 0 : i32
    %dma_wait3A_205 = arith.constant 0 : i32
    %dma_wait3A_206 = tpu.memref_slice %arg35[%dma_wait3A_204, %dma_wait3A_205] : memref<10000x128xf32, #tpu.memory_space<vmem_shared>> -> memref<10000x128xf32, #tpu.memory_space<vmem_shared>>
    tpu.wait_indirect_dma semaphore(%arg32 : memref<!tpu.dma_semaphore, #tpu.memory_space<semaphore_mem>>) src(%arg16 : memref<80x128xf32, #tpu.memory_space<vmem>>) dst(%dma_wait3A_206 : memref<10000x128xf32, #tpu.memory_space<vmem_shared>>)
    %lt3A_207 = arith.constant 0 : i32
    %lt3A_208 = arith.cmpi slt, %arg1, %lt3A_207 : i32
    %convert_element_type3A_209 = arith.extui %lt3A_208 : i1 to i32
    %cond3A_210 = arith.constant 0 : i32
    %cond3A_211 = arith.cmpi ne, %convert_element_type3A_209, %cond3A_210 : i32
    scf.if %cond3A_211 {
      %add3A_219 = arith.constant 4000 : i32
      %add3A_220 = arith.addi %add3A_219, %arg1 : i32
      %mul3A_221 = arith.constant 320000 : i32
      %mul3A_222 = arith.muli %add3A_107, %mul3A_221 : i32
      %mul3A_223 = arith.constant 80 : i32
      %mul3A_224 = arith.muli %add3A_220, %mul3A_223 : i32
      %add3A_225 = arith.addi %mul3A_222, %mul3A_224 : i32
      %mul3A_226 = arith.constant 80 : i32
      %mul3A_227 = arith.muli %add3A_220, %mul3A_226 : i32
      %dma_start3A_228 = tpu.memref_slice %arg2[%add3A_225] : memref<1280000xi32, #tpu.memory_space<hbm>> -> memref<80xi32, #tpu.memory_space<hbm>>
      %dma_start3A_229 = tpu.memref_slice %arg2[%add3A_225] : memref<1280000xi32, #tpu.memory_space<hbm>> -> memref<80xi32, #tpu.memory_space<hbm>>
      tpu.enqueue_dma source(%dma_start3A_229 : memref<80xi32, #tpu.memory_space<hbm>>) target(%arg7 : memref<80xi32, #tpu.memory_space<vmem>>) target_semaphore(%arg19 : memref<!tpu.dma_semaphore, #tpu.memory_space<semaphore_mem>>)
      %dma_wait3A_230 = tpu.memref_slice %arg2[%add3A_225] : memref<1280000xi32, #tpu.memory_space<hbm>> -> memref<80xi32, #tpu.memory_space<hbm>>
      %dma_wait3A_231 = tpu.memref_slice %arg2[%add3A_225] : memref<1280000xi32, #tpu.memory_space<hbm>> -> memref<80xi32, #tpu.memory_space<hbm>>
      tpu.wait_dma2 semaphore(%arg19 : memref<!tpu.dma_semaphore, #tpu.memory_space<semaphore_mem>>) src(%dma_wait3A_231 : memref<80xi32, #tpu.memory_space<hbm>>) dst(%arg7 : memref<80xi32, #tpu.memory_space<vmem>>)
      %dma_start3A_232 = tpu.memref_slice %arg3[%mul3A_227] : memref<320000xi32, #tpu.memory_space<hbm>> -> memref<80xi32, #tpu.memory_space<hbm>>
      %dma_start3A_233 = tpu.memref_slice %arg3[%mul3A_227] : memref<320000xi32, #tpu.memory_space<hbm>> -> memref<80xi32, #tpu.memory_space<hbm>>
      tpu.enqueue_dma source(%dma_start3A_233 : memref<80xi32, #tpu.memory_space<hbm>>) target(%arg11 : memref<80xi32, #tpu.memory_space<vmem>>) target_semaphore(%arg23 : memref<!tpu.dma_semaphore, #tpu.memory_space<semaphore_mem>>)
      %dma_wait3A_234 = tpu.memref_slice %arg3[%mul3A_227] : memref<320000xi32, #tpu.memory_space<hbm>> -> memref<80xi32, #tpu.memory_space<hbm>>
      %dma_wait3A_235 = tpu.memref_slice %arg3[%mul3A_227] : memref<320000xi32, #tpu.memory_space<hbm>> -> memref<80xi32, #tpu.memory_space<hbm>>
      tpu.wait_dma2 semaphore(%arg23 : memref<!tpu.dma_semaphore, #tpu.memory_space<semaphore_mem>>) src(%dma_wait3A_235 : memref<80xi32, #tpu.memory_space<hbm>>) dst(%arg11 : memref<80xi32, #tpu.memory_space<vmem>>)
      %dma_start3A_236 = arith.constant 0 : i32
      %dma_start3A_237 = arith.constant 0 : i32
      %dma_start3A_238 = tpu.memref_slice %arg4[%dma_start3A_236, %dma_start3A_237] : memref<40000x128xf32, #tpu.memory_space<hbm>> -> memref<40000x128xf32, #tpu.memory_space<hbm>>
      tpu.enqueue_indirect_dma source(%dma_start3A_238 : memref<40000x128xf32, #tpu.memory_space<hbm>>) target(%arg15 : memref<80x128xf32, #tpu.memory_space<vmem>>) offsets(%arg7 : memref<80xi32, #tpu.memory_space<vmem>>) semaphore(%arg27 : memref<!tpu.dma_semaphore, #tpu.memory_space<semaphore_mem>>)
      %dma_wait3A_239 = arith.constant 0 : i32
      %dma_wait3A_240 = arith.constant 0 : i32
      %dma_wait3A_241 = tpu.memref_slice %arg4[%dma_wait3A_239, %dma_wait3A_240] : memref<40000x128xf32, #tpu.memory_space<hbm>> -> memref<40000x128xf32, #tpu.memory_space<hbm>>
      tpu.wait_indirect_dma semaphore(%arg27 : memref<!tpu.dma_semaphore, #tpu.memory_space<semaphore_mem>>) src(%dma_wait3A_241 : memref<40000x128xf32, #tpu.memory_space<hbm>>) dst(%arg15 : memref<80x128xf32, #tpu.memory_space<vmem>>)
      %dma_start3A_242 = arith.constant 0 : i32
      %dma_start3A_243 = arith.constant 0 : i32
      %dma_start3A_244 = tpu.memref_slice %arg35[%dma_start3A_242, %dma_start3A_243] : memref<10000x128xf32, #tpu.memory_space<vmem_shared>> -> memref<10000x128xf32, #tpu.memory_space<vmem_shared>>
      tpu.enqueue_indirect_dma source(%arg15 : memref<80x128xf32, #tpu.memory_space<vmem>>) target(%dma_start3A_244 : memref<10000x128xf32, #tpu.memory_space<vmem_shared>>) offsets(%arg11 : memref<80xi32, #tpu.memory_space<vmem>>) semaphore(%arg31 : memref<!tpu.dma_semaphore, #tpu.memory_space<semaphore_mem>>) {add = true}
      %dma_wait3A_245 = arith.constant 0 : i32
      %dma_wait3A_246 = arith.constant 0 : i32
      %dma_wait3A_247 = tpu.memref_slice %arg35[%dma_wait3A_245, %dma_wait3A_246] : memref<10000x128xf32, #tpu.memory_space<vmem_shared>> -> memref<10000x128xf32, #tpu.memory_space<vmem_shared>>
      tpu.wait_indirect_dma semaphore(%arg31 : memref<!tpu.dma_semaphore, #tpu.memory_space<semaphore_mem>>) src(%arg15 : memref<80x128xf32, #tpu.memory_space<vmem>>) dst(%dma_wait3A_247 : memref<10000x128xf32, #tpu.memory_space<vmem_shared>>)
    } else {
    }
    %barrier3A_212 = arith.constant 0 : index
    tpu.barrier barrier_id(%barrier3A_212)
    %lt3A_213 = arith.constant 10 : i32
    %lt3A_214 = arith.cmpi slt, %arg1, %lt3A_213 : i32
    %convert_element_type3A_215 = arith.extui %lt3A_214 : i1 to i32
    %cond3A_216 = arith.constant 0 : i32
    %cond3A_217 = arith.cmpi ne, %convert_element_type3A_215, %cond3A_216 : i32
    scf.if %cond3A_217 {
      %mul3A_219 = arith.constant 10000 : i32
      %mul3A_220 = arith.muli %add3A_107, %mul3A_219 : i32
      %add3A_221 = arith.addi %mul3A_220, %mul3A_0 : i32
      "tpu.region"() ({
        %run_scoped3A = tpu.sem_alloc : memref<!tpu.dma_semaphore, #tpu.memory_space<semaphore_mem>>
        %dma_start3A_222 = arith.constant 0 : i32
        %dma_start3A_223 = tpu.memref_slice %arg6[%add3A_221, %dma_start3A_222] : memref<40000x128xf32, #tpu.memory_space<hbm>> -> memref<1000x128xf32, #tpu.memory_space<hbm>>
        %dma_start3A_224 = arith.constant 0 : i32
        %dma_start3A_225 = tpu.memref_slice %arg35[%mul3A_0, %dma_start3A_224] : memref<10000x128xf32, #tpu.memory_space<vmem_shared>> -> memref<1000x128xf32, #tpu.memory_space<vmem_shared>>
        tpu.enqueue_dma source(%dma_start3A_225 : memref<1000x128xf32, #tpu.memory_space<vmem_shared>>) target(%dma_start3A_223 : memref<1000x128xf32, #tpu.memory_space<hbm>>) target_semaphore(%run_scoped3A : memref<!tpu.dma_semaphore, #tpu.memory_space<semaphore_mem>>)
        %dma_wait3A_226 = arith.constant 0 : i32
        %dma_wait3A_227 = tpu.memref_slice %arg6[%add3A_221, %dma_wait3A_226] : memref<40000x128xf32, #tpu.memory_space<hbm>> -> memref<1000x128xf32, #tpu.memory_space<hbm>>
        %dma_wait3A_228 = arith.constant 0 : i32
        %dma_wait3A_229 = tpu.memref_slice %arg35[%mul3A_0, %dma_wait3A_228] : memref<10000x128xf32, #tpu.memory_space<vmem_shared>> -> memref<1000x128xf32, #tpu.memory_space<vmem_shared>>
        tpu.wait_dma2 semaphore(%run_scoped3A : memref<!tpu.dma_semaphore, #tpu.memory_space<semaphore_mem>>) src(%dma_wait3A_229 : memref<1000x128xf32, #tpu.memory_space<vmem_shared>>) dst(%dma_wait3A_227 : memref<1000x128xf32, #tpu.memory_space<hbm>>)
        tpu.yield
      }) : () -> ()
    } else {
    }
    %barrier3A_218 = arith.constant 0 : index
    tpu.barrier barrier_id(%barrier3A_218)
    return
  }
}

module attributes {stable_mosaic.version = 14 : i64} {
  func.func @_layer0_body(%arg0: i32, %arg1: i32, %arg2: memref<400x128xf32, #tpu.memory_space<vmem>>, %arg3: memref<400x128xf32, #tpu.memory_space<vmem>>, %arg4: memref<400x128xf32, #tpu.memory_space<vmem>>, %arg5: memref<400x8xf32, #tpu.memory_space<vmem>>, %arg6: memref<400x8xf32, #tpu.memory_space<vmem>>, %arg7: memref<128x128xf32, #tpu.memory_space<vmem>>, %arg8: memref<1x128xf32, #tpu.memory_space<vmem>>, %arg9: memref<400x128xf32, #tpu.memory_space<vmem>>) attributes {dimension_semantics = [#tpu.dimension_semantics<arbitrary>, #tpu.dimension_semantics<arbitrary>], iteration_bounds = array<i64: 25, 2>, scalar_prefetch = 0 : i64, scratch_operands = 0 : i64, tpu.core_type = #tpu.core_type<tc>, window_params = [{transform_indices = @transform_0, window_bounds = array<i64: 400, 128>}, {transform_indices = @transform_1, window_bounds = array<i64: 400, 128>}, {transform_indices = @transform_2, window_bounds = array<i64: 400, 128>}, {transform_indices = @transform_3, window_bounds = array<i64: 400, 8>}, {transform_indices = @transform_4, window_bounds = array<i64: 400, 8>}, {transform_indices = @transform_5, window_bounds = array<i64: 128, 128>}, {transform_indices = @transform_6, window_bounds = array<i64: 1, 128>}, {transform_indices = @transform_7, window_bounds = array<i64: 400, 128>}]} {
    %get3A = arith.constant 0 : index
    %get3A_0 = arith.constant 0 : index
    %get3A_1 = vector.load %arg5[%get3A, %get3A_0] : memref<400x8xf32, #tpu.memory_space<vmem>>, vector<400x1xf32>
    %get3A_2 = arith.constant 0 : index
    %get3A_3 = arith.constant 0 : index
    %get3A_4 = vector.load %arg6[%get3A_2, %get3A_3] : memref<400x8xf32, #tpu.memory_space<vmem>>, vector<400x1xf32>
    %add3A = arith.addf %get3A_1, %get3A_4 : vector<400x1xf32>
    %max3A = arith.constant 1.000000e+00 : f32
    %max3A_5 = vector.broadcast %max3A : f32 to vector<400x1xf32>
    %max3A_6 = arith.maximumf %add3A, %max3A_5 : vector<400x1xf32>
    %div3A = arith.constant 1.000000e+00 : f32
    %div3A_7 = vector.broadcast %div3A : f32 to vector<400x1xf32>
    %div3A_8 = arith.divf %div3A_7, %max3A_6 : vector<400x1xf32>
    %get3A_9 = arith.constant 0 : index
    %get3A_10 = arith.constant 0 : index
    %get3A_11 = vector.load %arg2[%get3A_9, %get3A_10] : memref<400x128xf32, #tpu.memory_space<vmem>>, vector<400x128xf32>
    %get3A_12 = arith.constant 0 : index
    %get3A_13 = arith.constant 0 : index
    %get3A_14 = vector.load %arg3[%get3A_12, %get3A_13] : memref<400x128xf32, #tpu.memory_space<vmem>>, vector<400x128xf32>
    %get3A_15 = arith.constant 0 : index
    %get3A_16 = arith.constant 0 : index
    %get3A_17 = vector.load %arg4[%get3A_15, %get3A_16] : memref<400x128xf32, #tpu.memory_space<vmem>>, vector<400x128xf32>
    %add3A_18 = arith.addf %get3A_14, %get3A_17 : vector<400x128xf32>
    %mul3A = vector.broadcast %div3A_8 : vector<400x1xf32> to vector<400x128xf32>
    %mul3A_19 = arith.mulf %add3A_18, %mul3A : vector<400x128xf32>
    %add3A_20 = arith.addf %get3A_11, %mul3A_19 : vector<400x128xf32>
    %get3A_21 = arith.constant 0 : index
    %get3A_22 = arith.constant 0 : index
    %get3A_23 = vector.load %arg7[%get3A_21, %get3A_22] : memref<128x128xf32, #tpu.memory_space<vmem>>, vector<128x128xf32>
    %dot_general3A = arith.constant dense<0.000000e+00> : vector<400x128xf32>
    %dot_general3A_24 = tpu.matmul %add3A_20, %get3A_23, %dot_general3A {dimension_numbers = #tpu.dot_dimension_numbers<[1], [0], [0], [1], [0, 0, 1, 1], [], []>, transpose_lhs_hint = false} : vector<400x128xf32>, vector<128x128xf32>, vector<400x128xf32> -> vector<400x128xf32>
    %get3A_25 = arith.constant 0 : index
    %get3A_26 = arith.constant 0 : index
    %get3A_27 = vector.load %arg8[%get3A_25, %get3A_26] : memref<1x128xf32, #tpu.memory_space<vmem>>, vector<1x128xf32>
    %add3A_28 = vector.broadcast %get3A_27 : vector<1x128xf32> to vector<400x128xf32>
    %add3A_29 = arith.addf %dot_general3A_24, %add3A_28 : vector<400x128xf32>
    %max3A_30 = arith.constant 0.000000e+00 : f32
    %max3A_31 = vector.broadcast %max3A_30 : f32 to vector<400x128xf32>
    %max3A_32 = arith.maximumf %add3A_29, %max3A_31 : vector<400x128xf32>
    %swap3A = arith.constant 0 : index
    %swap3A_33 = arith.constant 0 : index
    %swap3A_34 = vector.load %arg9[%swap3A, %swap3A_33] : memref<400x128xf32, #tpu.memory_space<vmem>>, vector<400x128xf32>
    tpu.vector_store %arg9[%swap3A, %swap3A_33], %max3A_32 {strides = array<i32>} : memref<400x128xf32, #tpu.memory_space<vmem>>, vector<400x128xf32>,
    return
  }
  func.func @transform_0(%arg0: i32, %arg1: i32) -> (i32, i32) {
    %c0_i32 = arith.constant 0 : i32
    %c0_i32_0 = arith.constant 0 : i32
    return %arg0, %c0_i32 : i32, i32
  }
  func.func @transform_1(%arg0: i32, %arg1: i32) -> (i32, i32) {
    %c0_i32 = arith.constant 0 : i32
    %c0_i32_0 = arith.constant 0 : i32
    return %arg0, %c0_i32 : i32, i32
  }
  func.func @transform_2(%arg0: i32, %arg1: i32) -> (i32, i32) {
    %add3A = arith.constant 25 : i32
    %add3A_0 = arith.addi %add3A, %arg0 : i32
    %c0_i32 = arith.constant 0 : i32
    %c0_i32_1 = arith.constant 0 : i32
    return %add3A_0, %c0_i32 : i32, i32
  }
  func.func @transform_3(%arg0: i32, %arg1: i32) -> (i32, i32) {
    %c0_i32 = arith.constant 0 : i32
    %c0_i32_0 = arith.constant 0 : i32
    return %arg0, %c0_i32 : i32, i32
  }
  func.func @transform_4(%arg0: i32, %arg1: i32) -> (i32, i32) {
    %add3A = arith.constant 25 : i32
    %add3A_0 = arith.addi %add3A, %arg0 : i32
    %c0_i32 = arith.constant 0 : i32
    %c0_i32_1 = arith.constant 0 : i32
    return %add3A_0, %c0_i32 : i32, i32
  }
  func.func @transform_5(%arg0: i32, %arg1: i32) -> (i32, i32) {
    %c0_i32 = arith.constant 0 : i32
    %c0_i32_0 = arith.constant 0 : i32
    return %c0_i32, %arg1 : i32, i32
  }
  func.func @transform_6(%arg0: i32, %arg1: i32) -> (i32, i32) {
    %c0_i32 = arith.constant 0 : i32
    %c0_i32_0 = arith.constant 0 : i32
    return %c0_i32, %arg1 : i32, i32
  }
  func.func @transform_7(%arg0: i32, %arg1: i32) -> (i32, i32) {
    %mul3A = arith.constant 25 : i32
    %mul3A_0 = arith.muli %arg1, %mul3A : i32
    %add3A = arith.addi %mul3A_0, %arg0 : i32
    %c0_i32 = arith.constant 0 : i32
    %c0_i32_1 = arith.constant 0 : i32
    return %add3A, %c0_i32 : i32, i32
  }
}

module attributes {stable_mosaic.version = 14 : i64} {
  func.func @_layer_body(%arg0: i32, %arg1: i32, %arg2: memref<400x128xf32, #tpu.memory_space<vmem>>, %arg3: memref<400x128xf32, #tpu.memory_space<vmem>>, %arg4: memref<400x128xf32, #tpu.memory_space<vmem>>, %arg5: memref<400x128xf32, #tpu.memory_space<vmem>>, %arg6: memref<400x8xf32, #tpu.memory_space<vmem>>, %arg7: memref<400x8xf32, #tpu.memory_space<vmem>>, %arg8: memref<256x128xf32, #tpu.memory_space<vmem>>, %arg9: memref<1x128xf32, #tpu.memory_space<vmem>>, %arg10: memref<400x128xf32, #tpu.memory_space<vmem>>) attributes {dimension_semantics = [#tpu.dimension_semantics<arbitrary>, #tpu.dimension_semantics<arbitrary>], iteration_bounds = array<i64: 25, 4>, scalar_prefetch = 0 : i64, scratch_operands = 0 : i64, tpu.core_type = #tpu.core_type<tc>, window_params = [{transform_indices = @transform_0, window_bounds = array<i64: 400, 128>}, {transform_indices = @transform_1, window_bounds = array<i64: 400, 128>}, {transform_indices = @transform_2, window_bounds = array<i64: 400, 128>}, {transform_indices = @transform_3, window_bounds = array<i64: 400, 128>}, {transform_indices = @transform_4, window_bounds = array<i64: 400, 8>}, {transform_indices = @transform_5, window_bounds = array<i64: 400, 8>}, {transform_indices = @transform_6, window_bounds = array<i64: 256, 128>}, {transform_indices = @transform_7, window_bounds = array<i64: 1, 128>}, {transform_indices = @transform_8, window_bounds = array<i64: 400, 128>}]} {
    %get3A = arith.constant 0 : index
    %get3A_0 = arith.constant 0 : index
    %get3A_1 = vector.load %arg6[%get3A, %get3A_0] : memref<400x8xf32, #tpu.memory_space<vmem>>, vector<400x1xf32>
    %get3A_2 = arith.constant 0 : index
    %get3A_3 = arith.constant 0 : index
    %get3A_4 = vector.load %arg7[%get3A_2, %get3A_3] : memref<400x8xf32, #tpu.memory_space<vmem>>, vector<400x1xf32>
    %add3A = arith.addf %get3A_1, %get3A_4 : vector<400x1xf32>
    %max3A = arith.constant 1.000000e+00 : f32
    %max3A_5 = vector.broadcast %max3A : f32 to vector<400x1xf32>
    %max3A_6 = arith.maximumf %add3A, %max3A_5 : vector<400x1xf32>
    %div3A = arith.constant 1.000000e+00 : f32
    %div3A_7 = vector.broadcast %div3A : f32 to vector<400x1xf32>
    %div3A_8 = arith.divf %div3A_7, %max3A_6 : vector<400x1xf32>
    %get3A_9 = arith.constant 0 : index
    %get3A_10 = arith.constant 0 : index
    %get3A_11 = vector.load %arg2[%get3A_9, %get3A_10] : memref<400x128xf32, #tpu.memory_space<vmem>>, vector<400x128xf32>
    %get3A_12 = arith.constant 0 : index
    %get3A_13 = arith.constant 0 : index
    %get3A_14 = vector.load %arg4[%get3A_12, %get3A_13] : memref<400x128xf32, #tpu.memory_space<vmem>>, vector<400x128xf32>
    %mul3A = vector.broadcast %div3A_8 : vector<400x1xf32> to vector<400x128xf32>
    %mul3A_15 = arith.mulf %get3A_14, %mul3A : vector<400x128xf32>
    %add3A_16 = arith.addf %get3A_11, %mul3A_15 : vector<400x128xf32>
    %get3A_17 = arith.constant 0 : index
    %get3A_18 = arith.constant 0 : index
    %get3A_19 = vector.load %arg3[%get3A_17, %get3A_18] : memref<400x128xf32, #tpu.memory_space<vmem>>, vector<400x128xf32>
    %get3A_20 = arith.constant 0 : index
    %get3A_21 = arith.constant 0 : index
    %get3A_22 = vector.load %arg5[%get3A_20, %get3A_21] : memref<400x128xf32, #tpu.memory_space<vmem>>, vector<400x128xf32>
    %mul3A_23 = vector.broadcast %div3A_8 : vector<400x1xf32> to vector<400x128xf32>
    %mul3A_24 = arith.mulf %get3A_22, %mul3A_23 : vector<400x128xf32>
    %add3A_25 = arith.addf %get3A_19, %mul3A_24 : vector<400x128xf32>
    %concatenate3A = tpu.concatenate %add3A_16, %add3A_25 in 1 : vector<400x128xf32>, vector<400x128xf32> -> vector<400x256xf32>
    %get3A_26 = arith.constant 0 : index
    %get3A_27 = arith.constant 0 : index
    %get3A_28 = vector.load %arg8[%get3A_26, %get3A_27] : memref<256x128xf32, #tpu.memory_space<vmem>>, vector<256x128xf32>
    %dot_general3A = arith.constant dense<0.000000e+00> : vector<400x128xf32>
    %dot_general3A_29 = tpu.matmul %concatenate3A, %get3A_28, %dot_general3A {dimension_numbers = #tpu.dot_dimension_numbers<[1], [0], [0], [1], [0, 0, 1, 1], [], []>, transpose_lhs_hint = false} : vector<400x256xf32>, vector<256x128xf32>, vector<400x128xf32> -> vector<400x128xf32>
    %get3A_30 = arith.constant 0 : index
    %get3A_31 = arith.constant 0 : index
    %get3A_32 = vector.load %arg9[%get3A_30, %get3A_31] : memref<1x128xf32, #tpu.memory_space<vmem>>, vector<1x128xf32>
    %add3A_33 = vector.broadcast %get3A_32 : vector<1x128xf32> to vector<400x128xf32>
    %add3A_34 = arith.addf %dot_general3A_29, %add3A_33 : vector<400x128xf32>
    %max3A_35 = arith.constant 0.000000e+00 : f32
    %max3A_36 = vector.broadcast %max3A_35 : f32 to vector<400x128xf32>
    %max3A_37 = arith.maximumf %add3A_34, %max3A_36 : vector<400x128xf32>
    %swap3A = arith.constant 0 : index
    %swap3A_38 = arith.constant 0 : index
    %swap3A_39 = vector.load %arg10[%swap3A, %swap3A_38] : memref<400x128xf32, #tpu.memory_space<vmem>>, vector<400x128xf32>
    tpu.vector_store %arg10[%swap3A, %swap3A_38], %max3A_37 {strides = array<i32>} : memref<400x128xf32, #tpu.memory_space<vmem>>, vector<400x128xf32>,
    return
  }
  func.func @transform_0(%arg0: i32, %arg1: i32) -> (i32, i32) {
    %add3A = arith.constant 0 : i32
    %add3A_0 = arith.addi %add3A, %arg0 : i32
    %c0_i32 = arith.constant 0 : i32
    %c0_i32_1 = arith.constant 0 : i32
    return %add3A_0, %c0_i32 : i32, i32
  }
  func.func @transform_1(%arg0: i32, %arg1: i32) -> (i32, i32) {
    %add3A = arith.constant 25 : i32
    %add3A_0 = arith.addi %add3A, %arg0 : i32
    %c0_i32 = arith.constant 0 : i32
    %c0_i32_1 = arith.constant 0 : i32
    return %add3A_0, %c0_i32 : i32, i32
  }
  func.func @transform_2(%arg0: i32, %arg1: i32) -> (i32, i32) {
    %add3A = arith.constant 0 : i32
    %add3A_0 = arith.addi %add3A, %arg0 : i32
    %c0_i32 = arith.constant 0 : i32
    %c0_i32_1 = arith.constant 0 : i32
    return %add3A_0, %c0_i32 : i32, i32
  }
  func.func @transform_3(%arg0: i32, %arg1: i32) -> (i32, i32) {
    %add3A = arith.constant 25 : i32
    %add3A_0 = arith.addi %add3A, %arg0 : i32
    %c0_i32 = arith.constant 0 : i32
    %c0_i32_1 = arith.constant 0 : i32
    return %add3A_0, %c0_i32 : i32, i32
  }
  func.func @transform_4(%arg0: i32, %arg1: i32) -> (i32, i32) {
    %c0_i32 = arith.constant 0 : i32
    %c0_i32_0 = arith.constant 0 : i32
    return %arg0, %c0_i32 : i32, i32
  }
  func.func @transform_5(%arg0: i32, %arg1: i32) -> (i32, i32) {
    %add3A = arith.constant 25 : i32
    %add3A_0 = arith.addi %add3A, %arg0 : i32
    %c0_i32 = arith.constant 0 : i32
    %c0_i32_1 = arith.constant 0 : i32
    return %add3A_0, %c0_i32 : i32, i32
  }
  func.func @transform_6(%arg0: i32, %arg1: i32) -> (i32, i32) {
    %c0_i32 = arith.constant 0 : i32
    %c0_i32_0 = arith.constant 0 : i32
    return %c0_i32, %arg1 : i32, i32
  }
  func.func @transform_7(%arg0: i32, %arg1: i32) -> (i32, i32) {
    %c0_i32 = arith.constant 0 : i32
    %c0_i32_0 = arith.constant 0 : i32
    return %c0_i32, %arg1 : i32, i32
  }
  func.func @transform_8(%arg0: i32, %arg1: i32) -> (i32, i32) {
    %mul3A = arith.constant 25 : i32
    %mul3A_0 = arith.muli %arg1, %mul3A : i32
    %add3A = arith.addi %mul3A_0, %arg0 : i32
    %c0_i32 = arith.constant 0 : i32
    %c0_i32_1 = arith.constant 0 : i32
    return %add3A, %c0_i32 : i32, i32
  }
}

module attributes {stable_mosaic.version = 14 : i64} {
  func.func @_layer_body(%arg0: i32, %arg1: i32, %arg2: memref<400x128xf32, #tpu.memory_space<vmem>>, %arg3: memref<400x128xf32, #tpu.memory_space<vmem>>, %arg4: memref<400x128xf32, #tpu.memory_space<vmem>>, %arg5: memref<400x128xf32, #tpu.memory_space<vmem>>, %arg6: memref<400x128xf32, #tpu.memory_space<vmem>>, %arg7: memref<400x128xf32, #tpu.memory_space<vmem>>, %arg8: memref<400x128xf32, #tpu.memory_space<vmem>>, %arg9: memref<400x128xf32, #tpu.memory_space<vmem>>, %arg10: memref<400x8xf32, #tpu.memory_space<vmem>>, %arg11: memref<400x8xf32, #tpu.memory_space<vmem>>, %arg12: memref<512x128xf32, #tpu.memory_space<vmem>>, %arg13: memref<1x128xf32, #tpu.memory_space<vmem>>, %arg14: memref<400x128xf32, #tpu.memory_space<vmem>>) attributes {dimension_semantics = [#tpu.dimension_semantics<arbitrary>, #tpu.dimension_semantics<arbitrary>], iteration_bounds = array<i64: 25, 4>, scalar_prefetch = 0 : i64, scratch_operands = 0 : i64, tpu.core_type = #tpu.core_type<tc>, window_params = [{transform_indices = @transform_0, window_bounds = array<i64: 400, 128>}, {transform_indices = @transform_1, window_bounds = array<i64: 400, 128>}, {transform_indices = @transform_2, window_bounds = array<i64: 400, 128>}, {transform_indices = @transform_3, window_bounds = array<i64: 400, 128>}, {transform_indices = @transform_4, window_bounds = array<i64: 400, 128>}, {transform_indices = @transform_5, window_bounds = array<i64: 400, 128>}, {transform_indices = @transform_6, window_bounds = array<i64: 400, 128>}, {transform_indices = @transform_7, window_bounds = array<i64: 400, 128>}, {transform_indices = @transform_8, window_bounds = array<i64: 400, 8>}, {transform_indices = @transform_9, window_bounds = array<i64: 400, 8>}, {transform_indices = @transform_10, window_bounds = array<i64: 512, 128>}, {transform_indices = @transform_11, window_bounds = array<i64: 1, 128>}, {transform_indices = @transform_12, window_bounds = array<i64: 400, 128>}]} {
    %get3A = arith.constant 0 : index
    %get3A_0 = arith.constant 0 : index
    %get3A_1 = vector.load %arg10[%get3A, %get3A_0] : memref<400x8xf32, #tpu.memory_space<vmem>>, vector<400x1xf32>
    %get3A_2 = arith.constant 0 : index
    %get3A_3 = arith.constant 0 : index
    %get3A_4 = vector.load %arg11[%get3A_2, %get3A_3] : memref<400x8xf32, #tpu.memory_space<vmem>>, vector<400x1xf32>
    %add3A = arith.addf %get3A_1, %get3A_4 : vector<400x1xf32>
    %max3A = arith.constant 1.000000e+00 : f32
    %max3A_5 = vector.broadcast %max3A : f32 to vector<400x1xf32>
    %max3A_6 = arith.maximumf %add3A, %max3A_5 : vector<400x1xf32>
    %div3A = arith.constant 1.000000e+00 : f32
    %div3A_7 = vector.broadcast %div3A : f32 to vector<400x1xf32>
    %div3A_8 = arith.divf %div3A_7, %max3A_6 : vector<400x1xf32>
    %get3A_9 = arith.constant 0 : index
    %get3A_10 = arith.constant 0 : index
    %get3A_11 = vector.load %arg2[%get3A_9, %get3A_10] : memref<400x128xf32, #tpu.memory_space<vmem>>, vector<400x128xf32>
    %get3A_12 = arith.constant 0 : index
    %get3A_13 = arith.constant 0 : index
    %get3A_14 = vector.load %arg6[%get3A_12, %get3A_13] : memref<400x128xf32, #tpu.memory_space<vmem>>, vector<400x128xf32>
    %mul3A = vector.broadcast %div3A_8 : vector<400x1xf32> to vector<400x128xf32>
    %mul3A_15 = arith.mulf %get3A_14, %mul3A : vector<400x128xf32>
    %add3A_16 = arith.addf %get3A_11, %mul3A_15 : vector<400x128xf32>
    %get3A_17 = arith.constant 0 : index
    %get3A_18 = arith.constant 0 : index
    %get3A_19 = vector.load %arg3[%get3A_17, %get3A_18] : memref<400x128xf32, #tpu.memory_space<vmem>>, vector<400x128xf32>
    %get3A_20 = arith.constant 0 : index
    %get3A_21 = arith.constant 0 : index
    %get3A_22 = vector.load %arg7[%get3A_20, %get3A_21] : memref<400x128xf32, #tpu.memory_space<vmem>>, vector<400x128xf32>
    %mul3A_23 = vector.broadcast %div3A_8 : vector<400x1xf32> to vector<400x128xf32>
    %mul3A_24 = arith.mulf %get3A_22, %mul3A_23 : vector<400x128xf32>
    %add3A_25 = arith.addf %get3A_19, %mul3A_24 : vector<400x128xf32>
    %get3A_26 = arith.constant 0 : index
    %get3A_27 = arith.constant 0 : index
    %get3A_28 = vector.load %arg4[%get3A_26, %get3A_27] : memref<400x128xf32, #tpu.memory_space<vmem>>, vector<400x128xf32>
    %get3A_29 = arith.constant 0 : index
    %get3A_30 = arith.constant 0 : index
    %get3A_31 = vector.load %arg8[%get3A_29, %get3A_30] : memref<400x128xf32, #tpu.memory_space<vmem>>, vector<400x128xf32>
    %mul3A_32 = vector.broadcast %div3A_8 : vector<400x1xf32> to vector<400x128xf32>
    %mul3A_33 = arith.mulf %get3A_31, %mul3A_32 : vector<400x128xf32>
    %add3A_34 = arith.addf %get3A_28, %mul3A_33 : vector<400x128xf32>
    %get3A_35 = arith.constant 0 : index
    %get3A_36 = arith.constant 0 : index
    %get3A_37 = vector.load %arg5[%get3A_35, %get3A_36] : memref<400x128xf32, #tpu.memory_space<vmem>>, vector<400x128xf32>
    %get3A_38 = arith.constant 0 : index
    %get3A_39 = arith.constant 0 : index
    %get3A_40 = vector.load %arg9[%get3A_38, %get3A_39] : memref<400x128xf32, #tpu.memory_space<vmem>>, vector<400x128xf32>
    %mul3A_41 = vector.broadcast %div3A_8 : vector<400x1xf32> to vector<400x128xf32>
    %mul3A_42 = arith.mulf %get3A_40, %mul3A_41 : vector<400x128xf32>
    %add3A_43 = arith.addf %get3A_37, %mul3A_42 : vector<400x128xf32>
    %concatenate3A = tpu.concatenate %add3A_16, %add3A_25, %add3A_34, %add3A_43 in 1 : vector<400x128xf32>, vector<400x128xf32>, vector<400x128xf32>, vector<400x128xf32> -> vector<400x512xf32>
    %get3A_44 = arith.constant 0 : index
    %get3A_45 = arith.constant 0 : index
    %get3A_46 = vector.load %arg12[%get3A_44, %get3A_45] : memref<512x128xf32, #tpu.memory_space<vmem>>, vector<512x128xf32>
    %dot_general3A = arith.constant dense<0.000000e+00> : vector<400x128xf32>
    %dot_general3A_47 = tpu.matmul %concatenate3A, %get3A_46, %dot_general3A {dimension_numbers = #tpu.dot_dimension_numbers<[1], [0], [0], [1], [0, 0, 1, 1], [], []>, transpose_lhs_hint = false} : vector<400x512xf32>, vector<512x128xf32>, vector<400x128xf32> -> vector<400x128xf32>
    %get3A_48 = arith.constant 0 : index
    %get3A_49 = arith.constant 0 : index
    %get3A_50 = vector.load %arg13[%get3A_48, %get3A_49] : memref<1x128xf32, #tpu.memory_space<vmem>>, vector<1x128xf32>
    %add3A_51 = vector.broadcast %get3A_50 : vector<1x128xf32> to vector<400x128xf32>
    %add3A_52 = arith.addf %dot_general3A_47, %add3A_51 : vector<400x128xf32>
    %max3A_53 = arith.constant 0.000000e+00 : f32
    %max3A_54 = vector.broadcast %max3A_53 : f32 to vector<400x128xf32>
    %max3A_55 = arith.maximumf %add3A_52, %max3A_54 : vector<400x128xf32>
    %swap3A = arith.constant 0 : index
    %swap3A_56 = arith.constant 0 : index
    %swap3A_57 = vector.load %arg14[%swap3A, %swap3A_56] : memref<400x128xf32, #tpu.memory_space<vmem>>, vector<400x128xf32>
    tpu.vector_store %arg14[%swap3A, %swap3A_56], %max3A_55 {strides = array<i32>} : memref<400x128xf32, #tpu.memory_space<vmem>>, vector<400x128xf32>,
    return
  }
  func.func @transform_0(%arg0: i32, %arg1: i32) -> (i32, i32) {
    %add3A = arith.constant 0 : i32
    %add3A_0 = arith.addi %add3A, %arg0 : i32
    %c0_i32 = arith.constant 0 : i32
    %c0_i32_1 = arith.constant 0 : i32
    return %add3A_0, %c0_i32 : i32, i32
  }
  func.func @transform_1(%arg0: i32, %arg1: i32) -> (i32, i32) {
    %add3A = arith.constant 25 : i32
    %add3A_0 = arith.addi %add3A, %arg0 : i32
    %c0_i32 = arith.constant 0 : i32
    %c0_i32_1 = arith.constant 0 : i32
    return %add3A_0, %c0_i32 : i32, i32
  }
  func.func @transform_2(%arg0: i32, %arg1: i32) -> (i32, i32) {
    %add3A = arith.constant 50 : i32
    %add3A_0 = arith.addi %add3A, %arg0 : i32
    %c0_i32 = arith.constant 0 : i32
    %c0_i32_1 = arith.constant 0 : i32
    return %add3A_0, %c0_i32 : i32, i32
  }
  func.func @transform_3(%arg0: i32, %arg1: i32) -> (i32, i32) {
    %add3A = arith.constant 75 : i32
    %add3A_0 = arith.addi %add3A, %arg0 : i32
    %c0_i32 = arith.constant 0 : i32
    %c0_i32_1 = arith.constant 0 : i32
    return %add3A_0, %c0_i32 : i32, i32
  }
  func.func @transform_4(%arg0: i32, %arg1: i32) -> (i32, i32) {
    %add3A = arith.constant 0 : i32
    %add3A_0 = arith.addi %add3A, %arg0 : i32
    %c0_i32 = arith.constant 0 : i32
    %c0_i32_1 = arith.constant 0 : i32
    return %add3A_0, %c0_i32 : i32, i32
  }
  func.func @transform_5(%arg0: i32, %arg1: i32) -> (i32, i32) {
    %add3A = arith.constant 25 : i32
    %add3A_0 = arith.addi %add3A, %arg0 : i32
    %c0_i32 = arith.constant 0 : i32
    %c0_i32_1 = arith.constant 0 : i32
    return %add3A_0, %c0_i32 : i32, i32
  }
  func.func @transform_6(%arg0: i32, %arg1: i32) -> (i32, i32) {
    %add3A = arith.constant 50 : i32
    %add3A_0 = arith.addi %add3A, %arg0 : i32
    %c0_i32 = arith.constant 0 : i32
    %c0_i32_1 = arith.constant 0 : i32
    return %add3A_0, %c0_i32 : i32, i32
  }
  func.func @transform_7(%arg0: i32, %arg1: i32) -> (i32, i32) {
    %add3A = arith.constant 75 : i32
    %add3A_0 = arith.addi %add3A, %arg0 : i32
    %c0_i32 = arith.constant 0 : i32
    %c0_i32_1 = arith.constant 0 : i32
    return %add3A_0, %c0_i32 : i32, i32
  }
  func.func @transform_8(%arg0: i32, %arg1: i32) -> (i32, i32) {
    %c0_i32 = arith.constant 0 : i32
    %c0_i32_0 = arith.constant 0 : i32
    return %arg0, %c0_i32 : i32, i32
  }
  func.func @transform_9(%arg0: i32, %arg1: i32) -> (i32, i32) {
    %add3A = arith.constant 25 : i32
    %add3A_0 = arith.addi %add3A, %arg0 : i32
    %c0_i32 = arith.constant 0 : i32
    %c0_i32_1 = arith.constant 0 : i32
    return %add3A_0, %c0_i32 : i32, i32
  }
  func.func @transform_10(%arg0: i32, %arg1: i32) -> (i32, i32) {
    %c0_i32 = arith.constant 0 : i32
    %c0_i32_0 = arith.constant 0 : i32
    return %c0_i32, %arg1 : i32, i32
  }
  func.func @transform_11(%arg0: i32, %arg1: i32) -> (i32, i32) {
    %c0_i32 = arith.constant 0 : i32
    %c0_i32_0 = arith.constant 0 : i32
    return %c0_i32, %arg1 : i32, i32
  }
  func.func @transform_12(%arg0: i32, %arg1: i32) -> (i32, i32) {
    %mul3A = arith.constant 25 : i32
    %mul3A_0 = arith.muli %arg1, %mul3A : i32
    %add3A = arith.addi %mul3A_0, %arg0 : i32
    %c0_i32 = arith.constant 0 : i32
    %c0_i32_1 = arith.constant 0 : i32
    return %add3A, %c0_i32 : i32, i32
  }
}

module attributes {stable_mosaic.version = 14 : i64} {
  func.func @_layer_last_body(%arg0: i32, %arg1: i32, %arg2: memref<400x128xf32, #tpu.memory_space<vmem>>, %arg3: memref<400x128xf32, #tpu.memory_space<vmem>>, %arg4: memref<400x128xf32, #tpu.memory_space<vmem>>, %arg5: memref<400x128xf32, #tpu.memory_space<vmem>>, %arg6: memref<400x128xf32, #tpu.memory_space<vmem>>, %arg7: memref<400x128xf32, #tpu.memory_space<vmem>>, %arg8: memref<400x128xf32, #tpu.memory_space<vmem>>, %arg9: memref<400x128xf32, #tpu.memory_space<vmem>>, %arg10: memref<400x8xf32, #tpu.memory_space<vmem>>, %arg11: memref<400x8xf32, #tpu.memory_space<vmem>>, %arg12: memref<512x128xf32, #tpu.memory_space<vmem>>, %arg13: memref<1x128xf32, #tpu.memory_space<vmem>>, %arg14: memref<256x512xf32, #tpu.memory_space<vmem>>, %arg15: memref<1x512xf32, #tpu.memory_space<vmem>>, %arg16: memref<512x256xf32, #tpu.memory_space<vmem>>, %arg17: memref<1x256xf32, #tpu.memory_space<vmem>>, %arg18: memref<256x1024xf32, #tpu.memory_space<vmem>>, %arg19: memref<1x1024xf32, #tpu.memory_space<vmem>>, %arg20: memref<256x512xf32, #tpu.memory_space<vmem>>, %arg21: memref<1x512xf32, #tpu.memory_space<vmem>>, %arg22: memref<512x256xf32, #tpu.memory_space<vmem>>, %arg23: memref<1x256xf32, #tpu.memory_space<vmem>>, %arg24: memref<256x128xf32, #tpu.memory_space<vmem>>, %arg25: memref<1x128xf32, #tpu.memory_space<vmem>>, %arg26: memref<400x128xf32, #tpu.memory_space<vmem>>, %arg27: memref<1x1024xf32, #tpu.memory_space<vmem>>, %arg28: memref<1x128xf32, #tpu.memory_space<vmem>>, %arg29: memref<1x256xf32, #tpu.memory_space<vmem>>) attributes {dimension_semantics = [#tpu.dimension_semantics<arbitrary>, #tpu.dimension_semantics<arbitrary>], iteration_bounds = array<i64: 25, 2>, scalar_prefetch = 0 : i64, scratch_operands = 1 : i64, tpu.core_type = #tpu.core_type<tc>, window_params = [{transform_indices = @transform_0, window_bounds = array<i64: 400, 128>}, {transform_indices = @transform_1, window_bounds = array<i64: 400, 128>}, {transform_indices = @transform_2, window_bounds = array<i64: 400, 128>}, {transform_indices = @transform_3, window_bounds = array<i64: 400, 128>}, {transform_indices = @transform_4, window_bounds = array<i64: 400, 128>}, {transform_indices = @transform_5, window_bounds = array<i64: 400, 128>}, {transform_indices = @transform_6, window_bounds = array<i64: 400, 128>}, {transform_indices = @transform_7, window_bounds = array<i64: 400, 128>}, {transform_indices = @transform_8, window_bounds = array<i64: 400, 8>}, {transform_indices = @transform_9, window_bounds = array<i64: 400, 8>}, {transform_indices = @transform_10, window_bounds = array<i64: 512, 128>}, {transform_indices = @transform_11, window_bounds = array<i64: 1, 128>}, {pipeline_mode = #tpu.pipeline_mode<synchronous>, transform_indices = @transform_12, window_bounds = array<i64: 256, 512>}, {pipeline_mode = #tpu.pipeline_mode<synchronous>, transform_indices = @transform_13, window_bounds = array<i64: 1, 512>}, {pipeline_mode = #tpu.pipeline_mode<synchronous>, transform_indices = @transform_14, window_bounds = array<i64: 512, 256>}, {pipeline_mode = #tpu.pipeline_mode<synchronous>, transform_indices = @transform_15, window_bounds = array<i64: 1, 256>}, {pipeline_mode = #tpu.pipeline_mode<synchronous>, transform_indices = @transform_16, window_bounds = array<i64: 256, 1024>}, {pipeline_mode = #tpu.pipeline_mode<synchronous>, transform_indices = @transform_17, window_bounds = array<i64: 1, 1024>}, {pipeline_mode = #tpu.pipeline_mode<synchronous>, transform_indices = @transform_18, window_bounds = array<i64: 256, 512>}, {pipeline_mode = #tpu.pipeline_mode<synchronous>, transform_indices = @transform_19, window_bounds = array<i64: 1, 512>}, {pipeline_mode = #tpu.pipeline_mode<synchronous>, transform_indices = @transform_20, window_bounds = array<i64: 512, 256>}, {pipeline_mode = #tpu.pipeline_mode<synchronous>, transform_indices = @transform_21, window_bounds = array<i64: 1, 256>}, {pipeline_mode = #tpu.pipeline_mode<synchronous>, transform_indices = @transform_22, window_bounds = array<i64: 256, 128>}, {pipeline_mode = #tpu.pipeline_mode<synchronous>, transform_indices = @transform_23, window_bounds = array<i64: 1, 128>}, {transform_indices = @transform_24, window_bounds = array<i64: 400, 128>}, {pipeline_mode = #tpu.pipeline_mode<synchronous>, transform_indices = @transform_25, window_bounds = array<i64: 1, 1024>}, {pipeline_mode = #tpu.pipeline_mode<synchronous>, transform_indices = @transform_26, window_bounds = array<i64: 1, 128>}]} {
    %get3A = arith.constant 0 : index
    %get3A_0 = arith.constant 0 : index
    %get3A_1 = vector.load %arg10[%get3A, %get3A_0] : memref<400x8xf32, #tpu.memory_space<vmem>>, vector<400x1xf32>
    %get3A_2 = arith.constant 0 : index
    %get3A_3 = arith.constant 0 : index
    %get3A_4 = vector.load %arg11[%get3A_2, %get3A_3] : memref<400x8xf32, #tpu.memory_space<vmem>>, vector<400x1xf32>
    %add3A = arith.addf %get3A_1, %get3A_4 : vector<400x1xf32>
    %max3A = arith.constant 1.000000e+00 : f32
    %max3A_5 = vector.broadcast %max3A : f32 to vector<400x1xf32>
    %max3A_6 = arith.maximumf %add3A, %max3A_5 : vector<400x1xf32>
    %div3A = arith.constant 1.000000e+00 : f32
    %div3A_7 = vector.broadcast %div3A : f32 to vector<400x1xf32>
    %div3A_8 = arith.divf %div3A_7, %max3A_6 : vector<400x1xf32>
    %get3A_9 = arith.constant 0 : index
    %get3A_10 = arith.constant 0 : index
    %get3A_11 = vector.load %arg2[%get3A_9, %get3A_10] : memref<400x128xf32, #tpu.memory_space<vmem>>, vector<400x128xf32>
    %get3A_12 = arith.constant 0 : index
    %get3A_13 = arith.constant 0 : index
    %get3A_14 = vector.load %arg6[%get3A_12, %get3A_13] : memref<400x128xf32, #tpu.memory_space<vmem>>, vector<400x128xf32>
    %mul3A = vector.broadcast %div3A_8 : vector<400x1xf32> to vector<400x128xf32>
    %mul3A_15 = arith.mulf %get3A_14, %mul3A : vector<400x128xf32>
    %add3A_16 = arith.addf %get3A_11, %mul3A_15 : vector<400x128xf32>
    %get3A_17 = arith.constant 0 : index
    %get3A_18 = arith.constant 0 : index
    %get3A_19 = vector.load %arg3[%get3A_17, %get3A_18] : memref<400x128xf32, #tpu.memory_space<vmem>>, vector<400x128xf32>
    %get3A_20 = arith.constant 0 : index
    %get3A_21 = arith.constant 0 : index
    %get3A_22 = vector.load %arg7[%get3A_20, %get3A_21] : memref<400x128xf32, #tpu.memory_space<vmem>>, vector<400x128xf32>
    %mul3A_23 = vector.broadcast %div3A_8 : vector<400x1xf32> to vector<400x128xf32>
    %mul3A_24 = arith.mulf %get3A_22, %mul3A_23 : vector<400x128xf32>
    %add3A_25 = arith.addf %get3A_19, %mul3A_24 : vector<400x128xf32>
    %get3A_26 = arith.constant 0 : index
    %get3A_27 = arith.constant 0 : index
    %get3A_28 = vector.load %arg4[%get3A_26, %get3A_27] : memref<400x128xf32, #tpu.memory_space<vmem>>, vector<400x128xf32>
    %get3A_29 = arith.constant 0 : index
    %get3A_30 = arith.constant 0 : index
    %get3A_31 = vector.load %arg8[%get3A_29, %get3A_30] : memref<400x128xf32, #tpu.memory_space<vmem>>, vector<400x128xf32>
    %mul3A_32 = vector.broadcast %div3A_8 : vector<400x1xf32> to vector<400x128xf32>
    %mul3A_33 = arith.mulf %get3A_31, %mul3A_32 : vector<400x128xf32>
    %add3A_34 = arith.addf %get3A_28, %mul3A_33 : vector<400x128xf32>
    %get3A_35 = arith.constant 0 : index
    %get3A_36 = arith.constant 0 : index
    %get3A_37 = vector.load %arg5[%get3A_35, %get3A_36] : memref<400x128xf32, #tpu.memory_space<vmem>>, vector<400x128xf32>
    %get3A_38 = arith.constant 0 : index
    %get3A_39 = arith.constant 0 : index
    %get3A_40 = vector.load %arg9[%get3A_38, %get3A_39] : memref<400x128xf32, #tpu.memory_space<vmem>>, vector<400x128xf32>
    %mul3A_41 = vector.broadcast %div3A_8 : vector<400x1xf32> to vector<400x128xf32>
    %mul3A_42 = arith.mulf %get3A_40, %mul3A_41 : vector<400x128xf32>
    %add3A_43 = arith.addf %get3A_37, %mul3A_42 : vector<400x128xf32>
    %concatenate3A = tpu.concatenate %add3A_16, %add3A_25, %add3A_34, %add3A_43 in 1 : vector<400x128xf32>, vector<400x128xf32>, vector<400x128xf32>, vector<400x128xf32> -> vector<400x512xf32>
    %get3A_44 = arith.constant 0 : index
    %get3A_45 = arith.constant 0 : index
    %get3A_46 = vector.load %arg12[%get3A_44, %get3A_45] : memref<512x128xf32, #tpu.memory_space<vmem>>, vector<512x128xf32>
    %dot_general3A = arith.constant dense<0.000000e+00> : vector<400x128xf32>
    %dot_general3A_47 = tpu.matmul %concatenate3A, %get3A_46, %dot_general3A {dimension_numbers = #tpu.dot_dimension_numbers<[1], [0], [0], [1], [0, 0, 1, 1], [], []>, transpose_lhs_hint = false} : vector<400x512xf32>, vector<512x128xf32>, vector<400x128xf32> -> vector<400x128xf32>
    %get3A_48 = arith.constant 0 : index
    %get3A_49 = arith.constant 0 : index
    %get3A_50 = vector.load %arg13[%get3A_48, %get3A_49] : memref<1x128xf32, #tpu.memory_space<vmem>>, vector<1x128xf32>
    %add3A_51 = vector.broadcast %get3A_50 : vector<1x128xf32> to vector<400x128xf32>
    %add3A_52 = arith.addf %dot_general3A_47, %add3A_51 : vector<400x128xf32>
    %max3A_53 = arith.constant 0.000000e+00 : f32
    %max3A_54 = vector.broadcast %max3A_53 : f32 to vector<400x128xf32>
    %max3A_55 = arith.maximumf %add3A_52, %max3A_54 : vector<400x128xf32>
    %swap3A = arith.constant 0 : index
    %swap3A_56 = arith.constant 0 : index
    %swap3A_57 = vector.load %arg26[%swap3A, %swap3A_56] : memref<400x128xf32, #tpu.memory_space<vmem>>, vector<400x128xf32>
    tpu.vector_store %arg26[%swap3A, %swap3A_56], %max3A_55 {strides = array<i32>} : memref<400x128xf32, #tpu.memory_space<vmem>>, vector<400x128xf32>,
    %reduce_sum3A = arith.constant dense<0.000000e+00> : vector<128xf32>
    %reduce_sum3A_58 = vector.multi_reduction <add>, %max3A_55, %reduce_sum3A [0] : vector<400x128xf32> to vector<128xf32>
    %broadcast_in_dim3A = vector.shape_cast %reduce_sum3A_58 : vector<128xf32> to vector<1x128xf32>
    %eq3A = arith.constant 0 : i32
    %eq3A_59 = arith.cmpi eq, %arg0, %eq3A : i32
    %eq3A_60 = arith.constant 0 : i32
    %eq3A_61 = arith.cmpi eq, %arg1, %eq3A_60 : i32
    %and3A = arith.andi %eq3A_59, %eq3A_61 : i1
    %convert_element_type3A = arith.extui %and3A : i1 to i32
    %cond3A = arith.constant 0 : i32
    %cond3A_62 = arith.cmpi ne, %convert_element_type3A, %cond3A : i32
    scf.if %cond3A_62 {
      %broadcast_in_dim3A_81 = arith.constant 0.000000e+00 : f32
      %broadcast_in_dim3A_82 = vector.broadcast %broadcast_in_dim3A_81 : f32 to vector<1x256xf32>
      %swap3A_83 = arith.constant 0 : index
      %swap3A_84 = arith.constant 0 : index
      %swap3A_85 = vector.load %arg29[%swap3A_83, %swap3A_84] : memref<1x256xf32, #tpu.memory_space<vmem>>, vector<1x256xf32>
      tpu.vector_store %arg29[%swap3A_83, %swap3A_84], %broadcast_in_dim3A_82 {strides = array<i32>} : memref<1x256xf32, #tpu.memory_space<vmem>>, vector<1x256xf32>,
    } else {
    }
    %eq3A_63 = arith.constant 0 : i32
    %eq3A_64 = arith.cmpi eq, %arg1, %eq3A_63 : i32
    %convert_element_type3A_65 = arith.extui %eq3A_64 : i1 to i32
    %cond3A_66 = arith.constant 0 : i32
    %cond3A_67 = arith.cmpi ne, %convert_element_type3A_65, %cond3A_66 : i32
    scf.if %cond3A_67 {
      %get3A_81 = arith.constant 0 : index
      %get3A_82 = arith.constant 0 : index
      %get3A_83 = vector.load %arg29[%get3A_81, %get3A_82] : memref<1x256xf32, #tpu.memory_space<vmem>>, vector<1x128xf32>
      %add3A_84 = arith.addf %get3A_83, %broadcast_in_dim3A : vector<1x128xf32>
      %swap3A_85 = arith.constant 0 : index
      %swap3A_86 = arith.constant 0 : index
      %swap3A_87 = vector.load %arg29[%swap3A_85, %swap3A_86] : memref<1x256xf32, #tpu.memory_space<vmem>>, vector<1x128xf32>
      tpu.vector_store %arg29[%swap3A_85, %swap3A_86], %add3A_84 {strides = array<i32>} : memref<1x256xf32, #tpu.memory_space<vmem>>, vector<1x128xf32>,
    } else {
    }
    %eq3A_68 = arith.constant 1 : i32
    %eq3A_69 = arith.cmpi eq, %arg1, %eq3A_68 : i32
    %convert_element_type3A_70 = arith.extui %eq3A_69 : i1 to i32
    %cond3A_71 = arith.constant 0 : i32
    %cond3A_72 = arith.cmpi ne, %convert_element_type3A_70, %cond3A_71 : i32
    scf.if %cond3A_72 {
      %get3A_81 = arith.constant 0 : index
      %get3A_82 = arith.constant 128 : index
      %get3A_83 = vector.load %arg29[%get3A_81, %get3A_82] : memref<1x256xf32, #tpu.memory_space<vmem>>, vector<1x128xf32>
      %add3A_84 = arith.addf %get3A_83, %broadcast_in_dim3A : vector<1x128xf32>
      %swap3A_85 = arith.constant 0 : index
      %swap3A_86 = arith.constant 128 : index
      %swap3A_87 = vector.load %arg29[%swap3A_85, %swap3A_86] : memref<1x256xf32, #tpu.memory_space<vmem>>, vector<1x128xf32>
      tpu.vector_store %arg29[%swap3A_85, %swap3A_86], %add3A_84 {strides = array<i32>} : memref<1x256xf32, #tpu.memory_space<vmem>>, vector<1x128xf32>,
    } else {
    }
    %eq3A_73 = arith.constant 24 : i32
    %eq3A_74 = arith.cmpi eq, %arg0, %eq3A_73 : i32
    %eq3A_75 = arith.constant 1 : i32
    %eq3A_76 = arith.cmpi eq, %arg1, %eq3A_75 : i32
    %and3A_77 = arith.andi %eq3A_74, %eq3A_76 : i1
    %convert_element_type3A_78 = arith.extui %and3A_77 : i1 to i32
    %cond3A_79 = arith.constant 0 : i32
    %cond3A_80 = arith.cmpi ne, %convert_element_type3A_78, %cond3A_79 : i32
    scf.if %cond3A_80 {
      %get3A_81 = arith.constant 0 : index
      %get3A_82 = arith.constant 0 : index
      %get3A_83 = vector.load %arg29[%get3A_81, %get3A_82] : memref<1x256xf32, #tpu.memory_space<vmem>>, vector<1x256xf32>
      %mul3A_84 = arith.constant 9.99999974E-5 : f32
      %mul3A_85 = vector.broadcast %mul3A_84 : f32 to vector<1x256xf32>
      %mul3A_86 = arith.mulf %get3A_83, %mul3A_85 : vector<1x256xf32>
      %get3A_87 = arith.constant 0 : index
      %get3A_88 = arith.constant 0 : index
      %get3A_89 = vector.load %arg14[%get3A_87, %get3A_88] : memref<256x512xf32, #tpu.memory_space<vmem>>, vector<256x512xf32>
      %dot_general3A_90 = arith.constant dense<0.000000e+00> : vector<1x512xf32>
      %dot_general3A_91 = tpu.matmul %mul3A_86, %get3A_89, %dot_general3A_90 {dimension_numbers = #tpu.dot_dimension_numbers<[1], [0], [0], [1], [0, 0, 1, 1], [], []>, transpose_lhs_hint = false} : vector<1x256xf32>, vector<256x512xf32>, vector<1x512xf32> -> vector<1x512xf32>
      %get3A_92 = arith.constant 0 : index
      %get3A_93 = arith.constant 0 : index
      %get3A_94 = vector.load %arg15[%get3A_92, %get3A_93] : memref<1x512xf32, #tpu.memory_space<vmem>>, vector<1x512xf32>
      %add3A_95 = arith.addf %dot_general3A_91, %get3A_94 : vector<1x512xf32>
      %max3A_96 = arith.constant 0.000000e+00 : f32
      %max3A_97 = vector.broadcast %max3A_96 : f32 to vector<1x512xf32>
      %max3A_98 = arith.maximumf %add3A_95, %max3A_97 : vector<1x512xf32>
      %get3A_99 = arith.constant 0 : index
      %get3A_100 = arith.constant 0 : index
      %get3A_101 = vector.load %arg16[%get3A_99, %get3A_100] : memref<512x256xf32, #tpu.memory_space<vmem>>, vector<512x256xf32>
      %dot_general3A_102 = arith.constant dense<0.000000e+00> : vector<1x256xf32>
      %dot_general3A_103 = tpu.matmul %max3A_98, %get3A_101, %dot_general3A_102 {dimension_numbers = #tpu.dot_dimension_numbers<[1], [0], [0], [1], [0, 0, 1, 1], [], []>, transpose_lhs_hint = false} : vector<1x512xf32>, vector<512x256xf32>, vector<1x256xf32> -> vector<1x256xf32>
      %get3A_104 = arith.constant 0 : index
      %get3A_105 = arith.constant 0 : index
      %get3A_106 = vector.load %arg17[%get3A_104, %get3A_105] : memref<1x256xf32, #tpu.memory_space<vmem>>, vector<1x256xf32>
      %add3A_107 = arith.addf %dot_general3A_103, %get3A_106 : vector<1x256xf32>
      %max3A_108 = arith.constant 0.000000e+00 : f32
      %max3A_109 = vector.broadcast %max3A_108 : f32 to vector<1x256xf32>
      %max3A_110 = arith.maximumf %add3A_107, %max3A_109 : vector<1x256xf32>
      %get3A_111 = arith.constant 0 : index
      %get3A_112 = arith.constant 0 : index
      %get3A_113 = vector.load %arg18[%get3A_111, %get3A_112] : memref<256x1024xf32, #tpu.memory_space<vmem>>, vector<256x1024xf32>
      %dot_general3A_114 = arith.constant dense<0.000000e+00> : vector<1x1024xf32>
      %dot_general3A_115 = tpu.matmul %max3A_110, %get3A_113, %dot_general3A_114 {dimension_numbers = #tpu.dot_dimension_numbers<[1], [0], [0], [1], [0, 0, 1, 1], [], []>, transpose_lhs_hint = false} : vector<1x256xf32>, vector<256x1024xf32>, vector<1x1024xf32> -> vector<1x1024xf32>
      %get3A_116 = arith.constant 0 : index
      %get3A_117 = arith.constant 0 : index
      %get3A_118 = vector.load %arg19[%get3A_116, %get3A_117] : memref<1x1024xf32, #tpu.memory_space<vmem>>, vector<1x1024xf32>
      %add3A_119 = arith.addf %dot_general3A_115, %get3A_118 : vector<1x1024xf32>
      %swap3A_120 = arith.constant 0 : index
      %swap3A_121 = arith.constant 0 : index
      %swap3A_122 = vector.load %arg27[%swap3A_120, %swap3A_121] : memref<1x1024xf32, #tpu.memory_space<vmem>>, vector<1x1024xf32>
      tpu.vector_store %arg27[%swap3A_120, %swap3A_121], %add3A_119 {strides = array<i32>} : memref<1x1024xf32, #tpu.memory_space<vmem>>, vector<1x1024xf32>,
      %get3A_123 = arith.constant 0 : index
      %get3A_124 = arith.constant 0 : index
      %get3A_125 = vector.load %arg20[%get3A_123, %get3A_124] : memref<256x512xf32, #tpu.memory_space<vmem>>, vector<256x512xf32>
      %dot_general3A_126 = arith.constant dense<0.000000e+00> : vector<1x512xf32>
      %dot_general3A_127 = tpu.matmul %mul3A_86, %get3A_125, %dot_general3A_126 {dimension_numbers = #tpu.dot_dimension_numbers<[1], [0], [0], [1], [0, 0, 1, 1], [], []>, transpose_lhs_hint = false} : vector<1x256xf32>, vector<256x512xf32>, vector<1x512xf32> -> vector<1x512xf32>
      %get3A_128 = arith.constant 0 : index
      %get3A_129 = arith.constant 0 : index
      %get3A_130 = vector.load %arg21[%get3A_128, %get3A_129] : memref<1x512xf32, #tpu.memory_space<vmem>>, vector<1x512xf32>
      %add3A_131 = arith.addf %dot_general3A_127, %get3A_130 : vector<1x512xf32>
      %max3A_132 = arith.constant 0.000000e+00 : f32
      %max3A_133 = vector.broadcast %max3A_132 : f32 to vector<1x512xf32>
      %max3A_134 = arith.maximumf %add3A_131, %max3A_133 : vector<1x512xf32>
      %get3A_135 = arith.constant 0 : index
      %get3A_136 = arith.constant 0 : index
      %get3A_137 = vector.load %arg22[%get3A_135, %get3A_136] : memref<512x256xf32, #tpu.memory_space<vmem>>, vector<512x256xf32>
      %dot_general3A_138 = arith.constant dense<0.000000e+00> : vector<1x256xf32>
      %dot_general3A_139 = tpu.matmul %max3A_134, %get3A_137, %dot_general3A_138 {dimension_numbers = #tpu.dot_dimension_numbers<[1], [0], [0], [1], [0, 0, 1, 1], [], []>, transpose_lhs_hint = false} : vector<1x512xf32>, vector<512x256xf32>, vector<1x256xf32> -> vector<1x256xf32>
      %get3A_140 = arith.constant 0 : index
      %get3A_141 = arith.constant 0 : index
      %get3A_142 = vector.load %arg23[%get3A_140, %get3A_141] : memref<1x256xf32, #tpu.memory_space<vmem>>, vector<1x256xf32>
      %add3A_143 = arith.addf %dot_general3A_139, %get3A_142 : vector<1x256xf32>
      %max3A_144 = arith.constant 0.000000e+00 : f32
      %max3A_145 = vector.broadcast %max3A_144 : f32 to vector<1x256xf32>
      %max3A_146 = arith.maximumf %add3A_143, %max3A_145 : vector<1x256xf32>
      %get3A_147 = arith.constant 0 : index
      %get3A_148 = arith.constant 0 : index
      %get3A_149 = vector.load %arg24[%get3A_147, %get3A_148] : memref<256x128xf32, #tpu.memory_space<vmem>>, vector<256x128xf32>
      %dot_general3A_150 = arith.constant dense<0.000000e+00> : vector<1x128xf32>
      %dot_general3A_151 = tpu.matmul %max3A_146, %get3A_149, %dot_general3A_150 {dimension_numbers = #tpu.dot_dimension_numbers<[1], [0], [0], [1], [0, 0, 1, 1], [], []>, transpose_lhs_hint = false} : vector<1x256xf32>, vector<256x128xf32>, vector<1x128xf32> -> vector<1x128xf32>
      %get3A_152 = arith.constant 0 : index
      %get3A_153 = arith.constant 0 : index
      %get3A_154 = vector.load %arg25[%get3A_152, %get3A_153] : memref<1x128xf32, #tpu.memory_space<vmem>>, vector<1x128xf32>
      %add3A_155 = arith.addf %dot_general3A_151, %get3A_154 : vector<1x128xf32>
      %swap3A_156 = arith.constant 0 : index
      %swap3A_157 = arith.constant 0 : index
      %swap3A_158 = vector.load %arg28[%swap3A_156, %swap3A_157] : memref<1x128xf32, #tpu.memory_space<vmem>>, vector<1x128xf32>
      tpu.vector_store %arg28[%swap3A_156, %swap3A_157], %add3A_155 {strides = array<i32>} : memref<1x128xf32, #tpu.memory_space<vmem>>, vector<1x128xf32>,
    } else {
    }
    return
  }
  func.func @transform_0(%arg0: i32, %arg1: i32) -> (i32, i32) {
    %add3A = arith.constant 0 : i32
    %add3A_0 = arith.addi %add3A, %arg0 : i32
    %c0_i32 = arith.constant 0 : i32
    %c0_i32_1 = arith.constant 0 : i32
    return %add3A_0, %c0_i32 : i32, i32
  }
  func.func @transform_1(%arg0: i32, %arg1: i32) -> (i32, i32) {
    %add3A = arith.constant 25 : i32
    %add3A_0 = arith.addi %add3A, %arg0 : i32
    %c0_i32 = arith.constant 0 : i32
    %c0_i32_1 = arith.constant 0 : i32
    return %add3A_0, %c0_i32 : i32, i32
  }
  func.func @transform_2(%arg0: i32, %arg1: i32) -> (i32, i32) {
    %add3A = arith.constant 50 : i32
    %add3A_0 = arith.addi %add3A, %arg0 : i32
    %c0_i32 = arith.constant 0 : i32
    %c0_i32_1 = arith.constant 0 : i32
    return %add3A_0, %c0_i32 : i32, i32
  }
  func.func @transform_3(%arg0: i32, %arg1: i32) -> (i32, i32) {
    %add3A = arith.constant 75 : i32
    %add3A_0 = arith.addi %add3A, %arg0 : i32
    %c0_i32 = arith.constant 0 : i32
    %c0_i32_1 = arith.constant 0 : i32
    return %add3A_0, %c0_i32 : i32, i32
  }
  func.func @transform_4(%arg0: i32, %arg1: i32) -> (i32, i32) {
    %add3A = arith.constant 0 : i32
    %add3A_0 = arith.addi %add3A, %arg0 : i32
    %c0_i32 = arith.constant 0 : i32
    %c0_i32_1 = arith.constant 0 : i32
    return %add3A_0, %c0_i32 : i32, i32
  }
  func.func @transform_5(%arg0: i32, %arg1: i32) -> (i32, i32) {
    %add3A = arith.constant 25 : i32
    %add3A_0 = arith.addi %add3A, %arg0 : i32
    %c0_i32 = arith.constant 0 : i32
    %c0_i32_1 = arith.constant 0 : i32
    return %add3A_0, %c0_i32 : i32, i32
  }
  func.func @transform_6(%arg0: i32, %arg1: i32) -> (i32, i32) {
    %add3A = arith.constant 50 : i32
    %add3A_0 = arith.addi %add3A, %arg0 : i32
    %c0_i32 = arith.constant 0 : i32
    %c0_i32_1 = arith.constant 0 : i32
    return %add3A_0, %c0_i32 : i32, i32
  }
  func.func @transform_7(%arg0: i32, %arg1: i32) -> (i32, i32) {
    %add3A = arith.constant 75 : i32
    %add3A_0 = arith.addi %add3A, %arg0 : i32
    %c0_i32 = arith.constant 0 : i32
    %c0_i32_1 = arith.constant 0 : i32
    return %add3A_0, %c0_i32 : i32, i32
  }
  func.func @transform_8(%arg0: i32, %arg1: i32) -> (i32, i32) {
    %c0_i32 = arith.constant 0 : i32
    %c0_i32_0 = arith.constant 0 : i32
    return %arg0, %c0_i32 : i32, i32
  }
  func.func @transform_9(%arg0: i32, %arg1: i32) -> (i32, i32) {
    %add3A = arith.constant 25 : i32
    %add3A_0 = arith.addi %add3A, %arg0 : i32
    %c0_i32 = arith.constant 0 : i32
    %c0_i32_1 = arith.constant 0 : i32
    return %add3A_0, %c0_i32 : i32, i32
  }
  func.func @transform_10(%arg0: i32, %arg1: i32) -> (i32, i32) {
    %c0_i32 = arith.constant 0 : i32
    %c0_i32_0 = arith.constant 0 : i32
    return %c0_i32, %arg1 : i32, i32
  }
  func.func @transform_11(%arg0: i32, %arg1: i32) -> (i32, i32) {
    %c0_i32 = arith.constant 0 : i32
    %c0_i32_0 = arith.constant 0 : i32
    return %c0_i32, %arg1 : i32, i32
  }
  func.func @transform_12(%arg0: i32, %arg1: i32) -> (i32, i32) {
    %c0_i32 = arith.constant 0 : i32
    %c0_i32_0 = arith.constant 0 : i32
    %c0_i32_1 = arith.constant 0 : i32
    return %c0_i32, %c0_i32_0 : i32, i32
  }
  func.func @transform_13(%arg0: i32, %arg1: i32) -> (i32, i32) {
    %c0_i32 = arith.constant 0 : i32
    %c0_i32_0 = arith.constant 0 : i32
    %c0_i32_1 = arith.constant 0 : i32
    return %c0_i32, %c0_i32_0 : i32, i32
  }
  func.func @transform_14(%arg0: i32, %arg1: i32) -> (i32, i32) {
    %c0_i32 = arith.constant 0 : i32
    %c0_i32_0 = arith.constant 0 : i32
    %c0_i32_1 = arith.constant 0 : i32
    return %c0_i32, %c0_i32_0 : i32, i32
  }
  func.func @transform_15(%arg0: i32, %arg1: i32) -> (i32, i32) {
    %c0_i32 = arith.constant 0 : i32
    %c0_i32_0 = arith.constant 0 : i32
    %c0_i32_1 = arith.constant 0 : i32
    return %c0_i32, %c0_i32_0 : i32, i32
  }
  func.func @transform_16(%arg0: i32, %arg1: i32) -> (i32, i32) {
    %c0_i32 = arith.constant 0 : i32
    %c0_i32_0 = arith.constant 0 : i32
    %c0_i32_1 = arith.constant 0 : i32
    return %c0_i32, %c0_i32_0 : i32, i32
  }
  func.func @transform_17(%arg0: i32, %arg1: i32) -> (i32, i32) {
    %c0_i32 = arith.constant 0 : i32
    %c0_i32_0 = arith.constant 0 : i32
    %c0_i32_1 = arith.constant 0 : i32
    return %c0_i32, %c0_i32_0 : i32, i32
  }
  func.func @transform_18(%arg0: i32, %arg1: i32) -> (i32, i32) {
    %c0_i32 = arith.constant 0 : i32
    %c0_i32_0 = arith.constant 0 : i32
    %c0_i32_1 = arith.constant 0 : i32
    return %c0_i32, %c0_i32_0 : i32, i32
  }
  func.func @transform_19(%arg0: i32, %arg1: i32) -> (i32, i32) {
    %c0_i32 = arith.constant 0 : i32
    %c0_i32_0 = arith.constant 0 : i32
    %c0_i32_1 = arith.constant 0 : i32
    return %c0_i32, %c0_i32_0 : i32, i32
  }
  func.func @transform_20(%arg0: i32, %arg1: i32) -> (i32, i32) {
    %c0_i32 = arith.constant 0 : i32
    %c0_i32_0 = arith.constant 0 : i32
    %c0_i32_1 = arith.constant 0 : i32
    return %c0_i32, %c0_i32_0 : i32, i32
  }
  func.func @transform_21(%arg0: i32, %arg1: i32) -> (i32, i32) {
    %c0_i32 = arith.constant 0 : i32
    %c0_i32_0 = arith.constant 0 : i32
    %c0_i32_1 = arith.constant 0 : i32
    return %c0_i32, %c0_i32_0 : i32, i32
  }
  func.func @transform_22(%arg0: i32, %arg1: i32) -> (i32, i32) {
    %c0_i32 = arith.constant 0 : i32
    %c0_i32_0 = arith.constant 0 : i32
    %c0_i32_1 = arith.constant 0 : i32
    return %c0_i32, %c0_i32_0 : i32, i32
  }
  func.func @transform_23(%arg0: i32, %arg1: i32) -> (i32, i32) {
    %c0_i32 = arith.constant 0 : i32
    %c0_i32_0 = arith.constant 0 : i32
    %c0_i32_1 = arith.constant 0 : i32
    return %c0_i32, %c0_i32_0 : i32, i32
  }
  func.func @transform_24(%arg0: i32, %arg1: i32) -> (i32, i32) {
    %mul3A = arith.constant 25 : i32
    %mul3A_0 = arith.muli %arg1, %mul3A : i32
    %add3A = arith.addi %mul3A_0, %arg0 : i32
    %c0_i32 = arith.constant 0 : i32
    %c0_i32_1 = arith.constant 0 : i32
    return %add3A, %c0_i32 : i32, i32
  }
  func.func @transform_25(%arg0: i32, %arg1: i32) -> (i32, i32) {
    %c0_i32 = arith.constant 0 : i32
    %c0_i32_0 = arith.constant 0 : i32
    %c0_i32_1 = arith.constant 0 : i32
    return %c0_i32, %c0_i32_0 : i32, i32
  }
  func.func @transform_26(%arg0: i32, %arg1: i32) -> (i32, i32) {
    %c0_i32 = arith.constant 0 : i32
    %c0_i32_0 = arith.constant 0 : i32
    %c0_i32_1 = arith.constant 0 : i32
    return %c0_i32, %c0_i32_0 : i32, i32
  }
}

</mosaic_0001>

<sc_bundles>
// kernel: kernel.10.cloned.1.call-start
scs
__scs_entry_jumppad:
0x0: {  	(pc) =	sbr.rel $0x88, $3  }
0x1: {  	(tag) =	ssettag $0x0;
	lr =	simm.s32 $0x1  }
0x2: {  	[smem:$0x3F8B] =	sst lr;
	_ =	strace $0xD0000000  }
0x3: {  	_ = 	snop  }
0x4: {  	_ = 	snop  }
0x5: {  	_ = 	snop  }
0x6: {  	_ = 	snop  }
0x7: {  	_ = 	snop  }
__scs_overlays_trampoline_lowered:
0x8: {  	[smem:$0x3F9A] =	sst s0  }
0x9: {  	[smem:$0x3F9B] =	sst s1  }
0xa: {  	[smem:$0x3F9C] =	sst s2  }
0xb: {  	[smem:$0x3F9D] =	sst s3  }
0xc: {  	[smem:$0x3F9E] =	sst s4  }
0xd: {  	[smem:$0x3F9F] =	sst s5  }
0xe: {  	[smem:$0x3FA0] =	sst s6  }
0xf: {  	[smem:$0x3FA1] =	sst s7  }
0x10: {  	[smem:$0x3FA2] =	sst s8  }
0x11: {  	[smem:$0x3FA3] =	sst s9;
	s0 =	simm.s32 @!p0 $0x0  }
0x12: {  	s1 =	sld [smem:$0x3F89];
	s0 =	simm.s32 @p0 $0x1  }
0x13: {  	[smem:$0x3FA4] =	sst s0;
	s0 =	simm.s32 @!p1 $0x0  }
0x14: {  	s2 =	sld [smem:$0x3F88];
	s0 =	simm.s32 @p1 $0x1  }
0x15: {  	[smem:$0x3FA5] =	sst s0;
	s0 =	simm.s32 @!p2 $0x0  }
0x16: {  	s3 =	sld [smem:$0x3FDB];
	s0 =	simm.s32 @p2 $0x1  }
0x17: {  	s4 =	simm.s32 $0x1BF5;
	[smem:$0x3FA7] =	sst s0  }
0x18: {  	s0 =	sld [smem:$0x3F8A];
	_ =	swait.ge [sflag:s4], $0x0  }
0x19: {  	s7 =	sld [smem:$0x3F8B]  }
0x1a: {  	s8 =	sadd.s32 $0xFFFFE003, lr  }
0x1b: {  	s9 =	sadd.s32 $0xFFFFFEF7, lr;
	s5 =	simm.s32 $0xFFFFFFFF;
	p2 =	slt.u32 s8, $0xFFFFF086  }
0x1c: {  	p1 =	slt.u32 s9, $0xF7A;
	s5 =	simm.s32 @!p2 $0x0  }
0x1d: {  	s5 =	simm.s32 @p1 $0x1;
	p0 =	seq.s32 s7, s2  }
0x1e: {  	s7 =	smul.u32 @!p0 $0xF7A, s2;
	p2 =	seq.s32 @!p0 s5, $0x0  }
0x1f: {  	s9 =	smul.u32 $0xF7A, s1;
	s8 =	simm.s32 @!p0 $0x1BF5;
	p2 =	por !p2, p0  }
0x20: {  	[sflag:s8] =	ssyncset.s32 @!p0 $0xFFFFF086;
	s6 =	sadd.s32 @!p0 s3, s7;
	s7 =	simm.s32 @!p0 $0x108  }
0x21: {  	s3 =	sadd.s32 s3, s9;
	s6 =	sadd.s32 @!p0 $0x88, s6;
	s7 =	simm.s32 @p2 $0x1082  }
0x22: {  	[simem:s7], [sflag:s8] =	dma.local @!p0 [hbm:s6], $0xF7A  }
0x23: {  	s9 =	sor.u32 $0xD0000000, s2;
	s6 =	simm.s32 $0x108;
	_ =	swait.ge @!p0 [sflag:s8], $0x0  }
0x24: {  	s3 =	sadd.s32 $0x88, s3;
	s6 =	simm.s32 @!p1 $0x1082;
	[sflag:s4] =	ssyncset.s32 $0xFFFFF086  }
0x25: {  	[simem:s6], [sflag:s4] =	dma.local [hbm:s3], $0xF7A  }
0x26: {  	[smem:$0x3F8B] =	sst s1;
	(tag) =	ssettag s2;
	_ =	strace s9  }
0x27: {  	s1 =	sld [smem:$0x3F9B]  }
0x28: {  	s2 =	sld [smem:$0x3F9C]  }
0x29: {  	s4 =	sld [smem:$0x3F9E]  }
0x2a: {  	p0 =	seq.s32 s5, $0x0;
	s5 =	sld [smem:$0x3F9F]  }
0x2b: {  	s6 =	sld [smem:$0x3FA0]  }
0x2c: {  	s7 =	sld [smem:$0x3FA1]  }
0x2d: {  	s3 =	simm.s32 $0x108;
	s8 =	sld [smem:$0x3FA2]  }
0x2e: {  	s3 =	simm.s32 @!p0 $0x1082;
	s9 =	sld [smem:$0x3FA3]  }
0x2f: {  	lr =	sadd.s32 s0, s3;
	s0 =	sld [smem:$0x3F9A]  }
0x30: {  	s3 =	sld [smem:$0x3F9D]  }
0x31: {  	[smem:$0x3FA6] =	sst s10  }
0x32: {  	s10 =	sld [smem:$0x3FA4];
	_ =	sdelay $0x3  }
0x33: {  	p0 =	seq.s32 s10, $0x1;
	s10 =	sld [smem:$0x3FA6];
	_ =	sdelay $0x3  }
0x34: {  	[smem:$0x3FA6] =	sst s10  }
0x35: {  	s10 =	sld [smem:$0x3FA5];
	_ =	sdelay $0x3  }
0x36: {  	p1 =	seq.s32 s10, $0x1;
	s10 =	sld [smem:$0x3FA6];
	_ =	sdelay $0x3  }
0x37: {  	[smem:$0x3FA6] =	sst s10  }
0x38: {  	s10 =	sld [smem:$0x3FA7]  }
0x39: {  	_ = 	snop;
	(pc) =	sbr.ind lr, $3  }
0x3a: {  	_ = 	snop  }
0x3b: {  	_ = 	snop  }
0x3c: {  	p2 =	seq.s32 s10, $0x1;
	s10 =	sld [smem:$0x3FA6]  }
0x3d: {  	_ =	shalt  }
0x3e: {  	_ =	shalt  }
0x3f: {  	_ =	shalt  }
0x40: {  	_ =	shalt  }
0x41: {  	_ =	shalt  }
0x42: {  	_ =	shalt  }
0x43: {  	_ =	shalt  }
0x44: {  	_ =	shalt  }
0x45: {  	_ =	shalt  }
0x46: {  	_ =	shalt  }
0x47: {  	_ =	shalt  }
0x48: {  	_ =	shalt  }
0x49: {  	_ =	shalt  }
0x4a: {  	_ =	shalt  }
0x4b: {  	_ =	shalt  }
0x4c: {  	_ =	shalt  }
0x4d: {  	_ =	shalt  }
0x4e: {  	_ =	shalt  }
0x4f: {  	_ =	shalt  }
0x50: {  	_ =	shalt  }
0x51: {  	_ =	shalt  }
0x52: {  	_ =	shalt  }
0x53: {  	_ =	shalt  }
0x54: {  	_ =	shalt  }
0x55: {  	_ =	shalt  }
0x56: {  	_ =	shalt  }
0x57: {  	_ =	shalt  }
0x58: {  	_ =	shalt  }
0x59: {  	_ =	shalt  }
0x5a: {  	_ =	shalt  }
0x5b: {  	_ =	shalt  }
0x5c: {  	_ =	shalt  }
0x5d: {  	_ =	shalt  }
0x5e: {  	_ =	shalt  }
0x5f: {  	_ =	shalt  }
0x60: {  	_ =	shalt  }
0x61: {  	_ =	shalt  }
0x62: {  	_ =	shalt  }
0x63: {  	_ =	shalt  }
0x64: {  	_ =	shalt  }
0x65: {  	_ =	shalt  }
0x66: {  	_ =	shalt  }
0x67: {  	_ =	shalt  }
0x68: {  	_ =	shalt  }
0x69: {  	_ =	shalt  }
0x6a: {  	_ =	shalt  }
0x6b: {  	_ =	shalt  }
0x6c: {  	_ =	shalt  }
0x6d: {  	_ =	shalt  }
0x6e: {  	_ =	shalt  }
0x6f: {  	_ =	shalt  }
0x70: {  	_ =	shalt  }
0x71: {  	_ =	shalt  }
0x72: {  	_ =	shalt  }
0x73: {  	_ =	shalt  }
0x74: {  	_ =	shalt  }
0x75: {  	_ =	shalt  }
0x76: {  	_ =	shalt  }
0x77: {  	_ =	shalt  }
0x78: {  	_ =	shalt  }
0x79: {  	_ =	shalt  }
0x7a: {  	_ =	shalt  }
0x7b: {  	_ =	shalt  }
0x7c: {  	_ =	shalt  }
0x7d: {  	_ =	shalt  }
0x7e: {  	_ =	shalt  }
0x7f: {  	_ =	shalt  }
0x80: {  	_ =	shalt  }
0x81: {  	_ =	shalt  }
0x82: {  	_ =	shalt  }
0x83: {  	_ =	shalt  }
0x84: {  	_ =	shalt  }
0x85: {  	_ =	shalt  }
0x86: {  	_ =	shalt  }
0x87: {  	_ =	shalt  }
.Lfunc_end0:
.L_simem_size_0:
called_computation_lowered:
.L_overlay_start_0:
0x88: {  	s2 =	sld [smem:$0x3FD9]  }
0x89: {  	s3 =	sld [smem:$0x3FFE];
	_ =	sdelay $0x1  }
0x8a: {  	s1 =	srdreg.scid  }
0x8b: {  	s0 =	sand.u32 $0x1, s1  }
0x8c: {  	s17 =	sshll.u32 s0, $0xA;
	s2 =	sadd.s32 s3, s2  }
0x8d: {  	s2 =	sadd.s32 s2, s17  }
0x8e: {  	[smem:$0x3FB2] =	sst s2  }
0x8f: {  	_ = 	snop  }
0x90: {  	s2 =	sld [smem:$0x3FC9];
	(tm) =	ssettm $0x1  }
0x91: {  	s18 =	sld [smem:$0x3FFB];
	_ =	sdelay $0x3  }
0x92: {  	_ =	strace s18  }
0x93: {  	s3 =	sld [smem:$0x3FFC];
	_ =	sdelay $0x3  }
0x94: {  	_ =	strace s3  }
0x95: {  	s3 =	sld [smem:$0x3FFD];
	_ =	sdelay $0x3  }
0x96: {  	_ =	strace s3  }
0x97: {  	_ =	strace $0x8FFFFFFF  }
0x98: {  	s19 =	sld [smem:$0x3FDB];
	_ =	sdelay $0x1  }
0x99: {  	s4 =	simm.s32 $_scs_section_size  }
0x9a: {  	s5 =	simm.s32 $_size__tile_overlayer_lowered;
	s6 =	simm.s32 $_tile_overlayer_lowered  }
0x9b: {  	s22 =	simm.s32 $0x1BFF;
	s21 =	sshll.u32 s6, $0x1;
	s3 =	sadd.s32 s4, s19  }
0x9c: {  	s7 =	simm.s32 $0x0;
	s20 =	sshll.u32 s5, $0x1;
	s5 =	sadd.s32 s21, s3  }
0x9d: {  	[timem:s7], [sflag:s22] =	dma.local [hbm:s5], s20  }
0x9e: {  	_ =	swait.ge [sflag:s22], s20  }
0x9f: {  	s4 =	ssub.s32 $0x0, s20;
	[sflag:s22] =	ssyncset.done $0x0  }
0xa0: {  	[sflag:s22] =	ssyncadd.s32 s4;
	_ =	sdelay $0x1  }
0xa1: {  	s23 =	simm.s32 $0x1B8B  }
0xa2: {  	_ =	swait.ge [sflag:s23], $0x1  }
0xa3: {  	[sflag:s23] =	ssyncset.done $0x0  }
0xa4: {  	s25 =	simm.s32 $0x1B8E;
	s24 =	sld [smem:$0x3FFE];
	[sflag:s23] =	ssyncadd.s32 $0xFFFFFFFF  }
0xa5: {  	s26 =	simm.s32 $execute0_lowered;
	[smem:$0x3FD2] =	sst s25  }
0xa6: {  	s5 =	sshll.u32 s26, $0x1;
	_ =	strace $0x80000046;
	[dreg:$0x1] =	wrdreg $0xFFFFFFFF  }
0xa7: {  	s28 =	simm.s32 $_size_execute0_lowered;
	s3 =	sadd.s32 s3, s5;
	[dreg:$0x0] =	wrdreg $0x0  }
0xa8: {  	s5 =	sshll.u32 s28, $0x1;
	[dreg:$0x2] =	wrdreg s3  }
0xa9: {  	[dreg:$0x3] =	wrdreg s5  }
0xaa: {  	[dreg:$0x4] =	wrdreg $0xC0  }
0xab: {  	_ =	task [dreg:s7], $0x5FFFF  }
0xac: {  	[dreg:$0x1] =	wrdreg $0xFFFFFFFF  }
0xad: {  	[dreg:$0x0] =	wrdreg $0x60  }
0xae: {  	[dreg:$0x2] =	wrdreg s24  }
0xaf: {  	[dreg:$0x3] =	wrdreg s2  }
0xb0: {  	[dreg:$0x4] =	wrdreg $0xA4000  }
0xb1: {  	[dreg:$0x5] =	wrdreg $0x9  }
0xb2: {  	_ =	task.clear_ibuf [dreg:s7], $0x6FFFF;
	_ =	strace $0x90000046  }
0xb3: {  	s29 =	simm.s32 $0x9;
	_ =	strace $0x80000048  }
0xb4: {  	_ =	swait.ge [sflag:s29], $0x1  }
0xb5: {  	[sflag:s29] =	ssyncadd.s32 $0xFFFFFFFF  }
0xb6: {  	_ =	strace $0x90000048  }
0xb7: {  	_ =	sfence  }
0xb8: {  	s30 =	sld [smem:$0x0];
	_ =	sdelay $0x2  }
0xb9: {  	s31 =	sshll.u32 s1, $0xD;
	s1 =	sshrl.u32 s1, $0x2  }
0xba: {  	s3 =	sand.u32 $0x4000, s31;
	s1 =	sadd.s32 s1, s30  }
0xbb: {  	s0 =	sor.u32 s3, s0;
	s1 =	sshll.u32 s1, $0x11  }
0xbc: {  	s0 =	sor.u32 s1, s0  }
0xbd: {  	s0 =	sadd.s32 $0x8F2B, s0  }
0xbe: {  	[sflag:s0] =	ssyncadd.remote.s32 $0x1  }
0xbf: {  	_ =	sfence.sel $0xFFFF  }
0xc0: {  	[dreg:$0x0] =	wrdreg $0xFFFFFFFF;
	(pc) =	sbr.abs _section_cstart, $3  }
0xc1: {  	[dreg:$0x1] =	wrdreg $0xFFFFFFFF  }
0xc2: {  	_ =	task.clear_ibuf [dreg:s7], $0x2FFFF;
	_ =	strace $0x9FFFFFFF  }
0xc3: {  	(tm) =	ssettm $0x7FFFFFFF  }
tec
execute0_lowered:
.L_overlay_start_1:
0x0: {  	(tag) =	ssettag $0x1  }
0x1: {  	s0 =	rddreg [dreg:$0x0]  }
0x2: {  	s1 =	rddreg [dreg:$0x1]  }
0x3: {  	s3 =	rddreg [dreg:$0x2];
	s4 =	simm.s32 $0x0;
	s2 =	srdreg.scid  }
0x4: {  	s10 =	stileid.u32;
	s31 =	simm.s32 $0x200;
	s30 =	simm.s32 $0x6  }
0x5: {  	s29 =	simm.s32 $0x8;
	[smem:$0x7FF] =	sst s4;
	s2 =	sand.u32 $0x1, s2  }
0x6: {  	s5 =	smul.u32 $0x3E8, s10;
	s11 =	sadd.s32 $0x5000, s0;
	s6 =	sadd.s32 $0xEE00, s0  }
0x7: {  	s9 =	sadd.s32 $0x18C00, s0;
	s12 =	smul.u32 $0x2710, s10;
	s13 =	sadd.s32 $0x1CC00, s0  }
0x8: {  	s14 =	smul.u32 $0x7D000, s10;
	p0 =	sgt.u32 s10, $0x9;
	s10 =	simm.s32 $0xF  }
0x9: {  	_ =	strace $0x80000047;
	s7 =	smul.u32 $0x2710, s2;
	[dreg:$0x5] =	wrdreg s9  }
0xa: {  	s8 =	smul.u32 $0x27100, s2;
	[dreg:$0x6] =	wrdreg s13;
	s2 =	ssub.s32 $0x2, s2  }
0xb: {  	[dreg:$0x4] =	wrdreg s11;
	s9 =	simm.s32 $0x300;
	s16 =	sshrl.u32 s14, $0x2  }
0xc: {  	s15 =	sshrl.u32 s2, $0x1;
	s5 =	sadd.s32 s5, s7;
	s18 =	sadd.s32 s16, s3  }
0xd: {  	s2 =	ssub.s32 s2, s15;
	s5 =	sshll.u32 s5, $0x4;
	[dreg:$0x7] =	wrdreg s18  }
0xe: {  	s0 =	sadd.s32 s5, s0;
	s5 =	sadd.s32 s12, s8;
	s8 =	simm.s32 $0xE  }
0xf: {  	s17 =	sshrl.u32 s5, $0x3;
	s15 =	sadd.s32 $0x1D200, s0;
	s16 =	sadd.s32 $0x1E0, s5  }
0x10: {  	s0 =	sadd.s32 $0x6B400, s0;
	s19 =	sadd.s32 s11, s17;
	s20 =	sadd.s32 s6, s17  }
0x11: {  	s21 =	sadd.s32 $0xA, s17;
	s22 =	sadd.s32 $0x14, s17;
	[dreg:$0x12] =	wrdreg s15  }
0x12: {  	s25 =	sadd.s32 $0x1E, s17;
	s26 =	sadd.s32 $0x4D8, s17;
	[dreg:$0x13] =	wrdreg s0  }
0x13: {  	s17 =	smax.u32 s2, $0x1;
	s18 =	sshrl.u32 s16, $0x3;
	[dreg:$0x8] =	wrdreg s19  }
0x14: {  	s2 =	simm.s32 $0x280;
	s16 =	simm.s32 $0x50;
	[dreg:$0x9] =	wrdreg s20  }
0x15: {  	s15 =	simm.s32 $0x9;
	s12 =	sadd.s32 s11, s21;
	[dreg:$0x14] =	wrdreg s17  }
0x16: {  	s7 =	sadd.s32 s6, s21;
	s23 =	sadd.s32 s11, s22;
	[dreg:$0xa] =	wrdreg s12  }
0x17: {  	s24 =	sadd.s32 s6, s22;
	s13 =	sadd.s32 s11, s26;
	[dreg:$0xb] =	wrdreg s7  }
0x18: {  	s14 =	sadd.s32 s6, s26;
	s19 =	sadd.s32 $0x230, s5;
	[dreg:$0xc] =	wrdreg s23  }
0x19: {  	s20 =	sadd.s32 $0x190, s5;
	s0 =	sadd.s32 s18, s11;
	[dreg:$0xd] =	wrdreg s24  }
0x1a: {  	s26 =	sadd.s32 $0x140, s5;
	s17 =	simm.s32 $0x5;
	[dreg:$0x10] =	wrdreg s13  }
0x1b: {  	s5 =	simm.s32 $0xB;
	s12 =	sadd.s32 s11, s25;
	[dreg:$0x11] =	wrdreg s14  }
0x1c: {  	s7 =	sadd.s32 s6, s25;
	s23 =	sadd.s32 s18, s6;
	[dreg:$0x15] =	wrdreg s0  }
0x1d: {  	s21 =	sshrl.u32 s19, $0x3;
	s22 =	sshrl.u32 s20, $0x3;
	[dreg:$0x18] =	wrdreg s26  }
0x1e: {  	s20 =	simm.s32 $0x80;
	s14 =	simm.s32 $0x180;
	s18 =	simm.s32 $0x400  }
0x1f: {  	s26 =	simm.s32 $0xC;
	s19 =	simm.s32 $0x0;
	[dreg:$0xe] =	wrdreg s12  }
0x20: {  	[dreg:$0xf] =	wrdreg s7;
	s25 =	sadd.s32 s21, s6;
	s0 =	sadd.s32 s21, s11  }
0x21: {  	s28 =	sadd.s32 s22, s6;
	s24 =	sadd.s32 s22, s11;
	s11 =	simm.s32 $0x100  }
0x22: {  	s12 =	simm.s32 $0x380;
	s21 =	simm.s32 $0x10;
	[dreg:$0x16] =	wrdreg s0  }
0x23: {  	[dreg:$0x17] =	wrdreg s24;
	s24 =	simm.s32 $0x7;
	s0 =	simm.s32 $0xD  }
.LBB2_1:
0x24: {  	s7 =	stileid.u32  }
0x25: {  	[dreg:$0x19] =	wrdreg s19;
	s7 =	sshll.u32 @!p0 s7, $0x6  }
0x26: {  	s13 =	sor.u32 @!p0 $0x1C11, s7;
	s7 =	rddreg [dreg:$0x7]  }
0x27: {  	s19 =	sshrl.u32 @!p0 s7, $0x3;
	s7 =	rddreg [dreg:$0x5]  }
0x28: {  	[dreg:$0x1a] =	wrdreg s13  }
0x29: {  	[dreg:$0x1b] =	wrdreg s19  }
0x2a: {  	[spmem:s19], [sflag:s13] =	dma.local @!p0 [hbm:s7], $0x3E80  }
0x2b: {  	s7 =	simm.s32 @!p0 $0x11  }
0x2c: {  	_ =	swait.ge @!p0 [sflag:s7], $0x3E80  }
0x2d: {  	[sflag:s7] =	ssyncset.done @!p0 $0x0  }
0x2e: {  	[sflag:s7] =	ssyncadd.s32 @!p0 $0xFFFFC180  }
0x2f: {  	[bflag:$0x0] =	sbarrier.arrive $0xFFFF  }
0x30: {  	s19 =	rddreg [dreg:$0x8]  }
0x31: {  	s22 =	rddreg [dreg:$0x9]  }
0x32: {  	[tilespmem:s4], [sflag:$0x1] =	stream.linear.gather [hbm4b:s19+s4], $0x50, $0x38;
	[tilespmem:$0x1DC80] =	vst v63  }
0x33: {  	s13 =	rddreg [dreg:$0xa]  }
0x34: {  	[tilespmem:s31], [sflag:$0x5] =	stream.linear.gather [hbm4b:s22+s4], $0x50, $0x38;
	[tilespmem:$0x1DC80] =	vst v63  }
0x35: {  	s7 =	rddreg [dreg:$0x18]  }
0x36: {  	[tilespmem:s20], [sflag:$0x2] =	stream.linear.gather [hbm4b:s13+s4], $0x50, $0x38;
	[tilespmem:$0x1DC80] =	vst v63  }
0x37: {  	s19 =	rddreg [dreg:$0xb]  }
0x38: {  	[tilespmem:s2], [sflag:$0x6] =	stream.linear.gather [hbm4b:s19+s4], $0x50, $0x38;
	[tilespmem:$0x1DC80] =	vst v63  }
0x39: {  	s22 =	rddreg [dreg:$0xc]  }
0x3a: {  	[tilespmem:s11], [sflag:$0x3] =	stream.linear.gather [hbm4b:s22+s4], $0x50, $0x38;
	[tilespmem:$0x1DC80] =	vst v63  }
0x3b: {  	s13 =	rddreg [dreg:$0xd]  }
0x3c: {  	[tilespmem:s9], [sflag:$0x7] =	stream.linear.gather [hbm4b:s13+s4], $0x50, $0x38;
	[tilespmem:$0x1DC80] =	vst v63  }
0x3d: {  	s19 =	rddreg [dreg:$0xe]  }
0x3e: {  	[tilespmem:s14], [sflag:$0x4] =	stream.linear.gather [hbm4b:s19+s4], $0x50, $0x38;
	[tilespmem:$0x1DC80] =	vst v63  }
0x3f: {  	s22 =	rddreg [dreg:$0xf];
	s13 =	simm.s32 $0x0  }
0x40: {  	[tilespmem:s12], [sflag:$0x8] =	stream.linear.gather [hbm4b:s22+s4], $0x50, $0x38;
	[tilespmem:$0x1DC80] =	vst v63  }
.LBB2_2:
0x41: {  	s19 =	simm.s32 $0x1  }
0x42: {  	_ =	swait.ge [sflag:s19], $0x50  }
0x43: {  	[sflag:s19] =	ssyncset.done $0x0  }
0x44: {  	s22 =	simm.s32 $0x2;
	[sflag:s19] =	ssyncadd.s32 $0xFFFFFFB0  }
0x45: {  	[tilespmem:s18], [sflag:$0x9] =	stream.indirect.gather [hbm4b:s1+s16], $0x80, s4, s16, $0xb8;
	[tilespmem:$0x1DC80] =	vst v63  }
0x46: {  	_ =	swait.ge [sflag:s22], $0x50  }
0x47: {  	[sflag:s22] =	ssyncset.done $0x0  }
0x48: {  	s19 =	simm.s32 $0x2C00;
	[sflag:s22] =	ssyncadd.s32 $0xFFFFFFB0;
	s22 =	simm.s32 $0x3  }
0x49: {  	[tilespmem:s19], [sflag:$0xA] =	stream.indirect.gather [hbm4b:s1+s16], $0x80, s20, s16, $0xb8;
	[tilespmem:$0x1DC80] =	vst v63  }
0x4a: {  	_ =	swait.ge [sflag:s22], $0x50  }
0x4b: {  	[sflag:s22] =	ssyncset.done $0x0  }
0x4c: {  	s20 =	simm.s32 $0x5400;
	[sflag:s22] =	ssyncadd.s32 $0xFFFFFFB0;
	s22 =	simm.s32 $0x4  }
0x4d: {  	[tilespmem:s20], [sflag:$0xB] =	stream.indirect.gather [hbm4b:s1+s16], $0x80, s11, s16, $0xb8;
	[tilespmem:$0x1DC80] =	vst v63  }
0x4e: {  	_ =	swait.ge [sflag:s22], $0x50  }
0x4f: {  	[sflag:s22] =	ssyncset.done $0x0  }
0x50: {  	s11 =	simm.s32 $0x7C00;
	[sflag:s22] =	ssyncadd.s32 $0xFFFFFFB0  }
0x51: {  	[tilespmem:s11], [sflag:$0xC] =	stream.indirect.gather [hbm4b:s1+s16], $0x80, s14, s16, $0xb8;
	[tilespmem:$0x1DC80] =	vst v63  }
0x52: {  	_ =	swait.ge [sflag:s15], $0x2800  }
0x53: {  	[sflag:s15] =	ssyncset.done $0x0  }
0x54: {  	[sflag:s15] =	ssyncadd.s32 $0xFFFFD800  }
0x55: {  	_ =	swait.ge [sflag:s17], $0x50  }
0x56: {  	[sflag:s17] =	ssyncset.done $0x0  }
0x57: {  	s22 =	simm.s32 $0xA;
	[sflag:s17] =	ssyncadd.s32 $0xFFFFFFB0  }
0x58: {  	[spmem:s3] =	stream.indirect.scatter.add.f32 [tilespmem:s18], [sflag:$0xD], $0x80, s31, s16, $0xb8;
	[tilespmem:$0x1DC80] =	vst v63  }
0x59: {  	_ =	swait.ge [sflag:s22], $0x2800  }
0x5a: {  	[sflag:s22] =	ssyncset.done $0x0  }
0x5b: {  	[sflag:s22] =	ssyncadd.s32 $0xFFFFD800  }
0x5c: {  	_ =	swait.ge [sflag:s30], $0x50  }
0x5d: {  	[sflag:s30] =	ssyncset.done $0x0  }
0x5e: {  	[sflag:s30] =	ssyncadd.s32 $0xFFFFFFB0  }
0x5f: {  	[spmem:s3] =	stream.indirect.scatter.add.f32 [tilespmem:s19], [sflag:$0xE], $0x80, s2, s16, $0xb8;
	[tilespmem:$0x1DC80] =	vst v63  }
0x60: {  	_ =	swait.ge [sflag:s5], $0x2800  }
0x61: {  	[sflag:s5] =	ssyncset.done $0x0  }
0x62: {  	[sflag:s5] =	ssyncadd.s32 $0xFFFFD800  }
0x63: {  	_ =	swait.ge [sflag:s24], $0x50  }
0x64: {  	[sflag:s24] =	ssyncset.done $0x0  }
0x65: {  	[sflag:s24] =	ssyncadd.s32 $0xFFFFFFB0  }
0x66: {  	[spmem:s3] =	stream.indirect.scatter.add.f32 [tilespmem:s20], [sflag:$0xF], $0x80, s9, s16, $0xb8;
	[tilespmem:$0x1DC80] =	vst v63  }
0x67: {  	_ =	swait.ge [sflag:s26], $0x2800  }
0x68: {  	[sflag:s26] =	ssyncset.done $0x0  }
0x69: {  	[sflag:s26] =	ssyncadd.s32 $0xFFFFD800  }
0x6a: {  	_ =	swait.ge [sflag:s29], $0x50  }
0x6b: {  	p1 =	seq.s32 s13, $0x4B0;
	[sflag:s29] =	ssyncset.done $0x0  }
.Ltmp0:
0x6c: {  	[sflag:s29] =	ssyncadd.s32 $0xFFFFFFB0;
	(pc) =	sbr.rel @p1 .LBB2_4-.Ltmp0, $4  }
0x6d: {  	[spmem:s3] =	stream.indirect.scatter.add.f32 [tilespmem:s11], [sflag:$0x10], $0x80, s12, s16, $0xb8;
	[tilespmem:$0x1DC80] =	vst v63  }
0x6e: {  	_ =	swait.ge [sflag:s0], $0x2800  }
0x6f: {  	s14 =	simm.s32 $0x100;
	[sflag:s0] =	ssyncset.done $0x0  }
0x70: {  	s19 =	simm.s32 $0x180;
	s11 =	simm.s32 $0x80;
	[sflag:s0] =	ssyncadd.s32 $0xFFFFD800  }
0x71: {  	s20 =	sshrl.u32 s7, $0x3;
	s22 =	rddreg [dreg:$0x4]  }
0x72: {  	s22 =	sadd.s32 s22, s20  }
0x73: {  	[tilespmem:s4], [sflag:$0x1] =	stream.linear.gather [hbm4b:s22+s4], $0x50, $0x38;
	[tilespmem:$0x1DC80] =	vst v63  }
0x74: {  	s20 =	sadd.s32 s6, s20  }
0x75: {  	[tilespmem:s31], [sflag:$0x5] =	stream.linear.gather [hbm4b:s20+s4], $0x50, $0x38;
	[tilespmem:$0x1DC80] =	vst v63  }
0x76: {  	_ =	swait.ge [sflag:s8], $0x2800  }
0x77: {  	[sflag:s8] =	ssyncset.done $0x0;
	s22 =	rddreg [dreg:$0x17]  }
0x78: {  	[sflag:s8] =	ssyncadd.s32 $0xFFFFD800;
	s20 =	sadd.s32 s13, s22  }
0x79: {  	[tilespmem:s11], [sflag:$0x2] =	stream.linear.gather [hbm4b:s20+s4], $0x50, $0x38;
	[tilespmem:$0x1DC80] =	vst v63  }
0x7a: {  	s11 =	sadd.s32 s13, s28  }
0x7b: {  	[tilespmem:s2], [sflag:$0x6] =	stream.linear.gather [hbm4b:s11+s4], $0x50, $0x38;
	[tilespmem:$0x1DC80] =	vst v63  }
0x7c: {  	_ =	swait.ge [sflag:s10], $0x2800  }
0x7d: {  	[sflag:s10] =	ssyncset.done $0x0;
	s22 =	rddreg [dreg:$0x15]  }
0x7e: {  	[sflag:s10] =	ssyncadd.s32 $0xFFFFD800;
	s20 =	sadd.s32 s13, s22  }
0x7f: {  	[tilespmem:s14], [sflag:$0x3] =	stream.linear.gather [hbm4b:s20+s4], $0x50, $0x38;
	[tilespmem:$0x1DC80] =	vst v63  }
0x80: {  	s11 =	sadd.s32 s13, s23  }
0x81: {  	[tilespmem:s9], [sflag:$0x7] =	stream.linear.gather [hbm4b:s11+s4], $0x50, $0x38;
	[tilespmem:$0x1DC80] =	vst v63  }
0x82: {  	s7 =	sadd.s32 $0x140, s7;
	s22 =	sadd.s32 s13, s25;
	_ =	swait.ge [sflag:s21], $0x2800  }
.Ltmp1:
0x83: {  	[sflag:s21] =	ssyncset.done $0x0;
	s14 =	rddreg [dreg:$0x16];
	(pc) =	sbr.rel .LBB2_2-.Ltmp1, $4  }
0x84: {  	s11 =	simm.s32 $0x100;
	[sflag:s21] =	ssyncadd.s32 $0xFFFFD800;
	s20 =	sadd.s32 s13, s14  }
0x85: {  	[tilespmem:s19], [sflag:$0x4] =	stream.linear.gather [hbm4b:s20+s4], $0x50, $0x38;
	[tilespmem:$0x1DC80] =	vst v63  }
0x86: {  	s13 =	sadd.s32 $0x28, s13;
	s14 =	simm.s32 $0x180;
	s20 =	simm.s32 $0x80  }
0x87: {  	[tilespmem:s12], [sflag:$0x8] =	stream.linear.gather [hbm4b:s22+s4], $0x50, $0x38;
	[tilespmem:$0x1DC80] =	vst v63  }
.LBB2_4:
0x88: {  	_ =	swait.ge [sflag:s8], $0x2800  }
0x89: {  	[sflag:s8] =	ssyncset.done $0x0  }
0x8a: {  	[sflag:s8] =	ssyncadd.s32 $0xFFFFD800  }
0x8b: {  	_ =	swait.ge [sflag:s10], $0x2800  }
0x8c: {  	[sflag:s10] =	ssyncset.done $0x0  }
0x8d: {  	[sflag:s10] =	ssyncadd.s32 $0xFFFFD800  }
0x8e: {  	_ =	swait.ge [sflag:s21], $0x2800  }
0x8f: {  	[sflag:s21] =	ssyncset.done $0x0  }
0x90: {  	s14 =	simm.s32 $0x1;
	s7 =	rddreg [dreg:$0x10];
	[sflag:s21] =	ssyncadd.s32 $0xFFFFD800  }
0x91: {  	[tilespmem:s4], [sflag:$0x1] =	stream.linear.gather [hbm4b:s7+s4], $0x50, $0x38;
	[tilespmem:$0x1DC80] =	vst v63  }
0x92: {  	_ =	swait.ge [sflag:s14], $0x50  }
0x93: {  	[sflag:s14] =	ssyncset.done $0x0  }
0x94: {  	s19 =	rddreg [dreg:$0x11];
	[sflag:s14] =	ssyncadd.s32 $0xFFFFFFB0  }
0x95: {  	[tilespmem:s31], [sflag:$0x5] =	stream.linear.gather [hbm4b:s19+s4], $0x50, $0x38;
	[tilespmem:$0x1DC80] =	vst v63  }
0x96: {  	_ =	swait.ge [sflag:s17], $0x50  }
0x97: {  	[sflag:s17] =	ssyncset.done $0x0  }
0x98: {  	[sflag:s17] =	ssyncadd.s32 $0xFFFFFFB0  }
0x99: {  	[tilespmem:s18], [sflag:$0x9] =	stream.indirect.gather [hbm4b:s1+s16], $0x80, s4, s16, $0xb8;
	[tilespmem:$0x1DC80] =	vst v63  }
0x9a: {  	_ =	swait.ge [sflag:s15], $0x2800  }
0x9b: {  	[sflag:s15] =	ssyncset.done $0x0  }
0x9c: {  	[sflag:s15] =	ssyncadd.s32 $0xFFFFD800  }
0x9d: {  	[spmem:s3] =	stream.indirect.scatter.add.f32 [tilespmem:s18], [sflag:$0xD], $0x80, s31, s16, $0xb8;
	[tilespmem:$0x1DC80] =	vst v63  }
0x9e: {  	_ =	swait.ge [sflag:s0], $0x2800  }
0x9f: {  	[sflag:s0] =	ssyncset.done $0x0  }
0xa0: {  	[sflag:s0] =	ssyncadd.s32 $0xFFFFD800  }
0xa1: {  	[bflag:$0x0] =	sbarrier.arrive $0xFFFF  }
0xa2: {  	s7 =	rddreg [dreg:$0x12]  }
0xa3: {  	s14 =	rddreg [dreg:$0x1a]  }
0xa4: {  	s19 =	rddreg [dreg:$0x1b]  }
0xa5: {  	[hbm:s7], [sflag:s14] =	dma.local @!p0 [spmem:s19], $0x3E80  }
0xa6: {  	s7 =	simm.s32 @!p0 $0x11  }
0xa7: {  	_ =	swait.ge @!p0 [sflag:s7], $0x3E80  }
0xa8: {  	[sflag:s7] =	ssyncset.done @!p0 $0x0  }
0xa9: {  	s13 =	rddreg [dreg:$0x5];
	[sflag:s7] =	ssyncadd.s32 @!p0 $0xFFFFC180  }
0xaa: {  	[spmem:s19], [sflag:s14] =	dma.local @!p0 [hbm:s13], $0x3E80  }
0xab: {  	_ =	swait.ge @!p0 [sflag:s7], $0x3E80  }
0xac: {  	s11 =	simm.s32 $0x11;
	[sflag:s7] =	ssyncset.done @!p0 $0x0  }
0xad: {  	s20 =	rddreg [dreg:$0x6];
	[sflag:s7] =	ssyncadd.s32 @!p0 $0xFFFFC180;
	s7 =	simm.s32 $0x0  }
0xae: {  	[tilespmem:s18], [sflag:$0x11] =	stream.linear.gather [hbm4b:s20+s7], $0x2800, $0x38;
	[tilespmem:$0x1DC80] =	vst v63  }
0xaf: {  	_ =	swait.ge [sflag:s11], $0x2800  }
0xb0: {  	[sflag:s11] =	ssyncset.done $0x0  }
0xb1: {  	[sflag:s11] =	ssyncadd.s32 $0xFFFFD800  }
0xb2: {  	[bflag:$0x0] =	sbarrier.arrive $0xFFFF  }
0xb3: {  	s22 =	rddreg [dreg:$0x9]  }
0xb4: {  	[tilespmem:s31], [sflag:$0x5] =	stream.linear.gather [hbm4b:s22+s7], $0x50, $0x38;
	[tilespmem:$0x1DC80] =	vst v63  }
0xb5: {  	s11 =	rddreg [dreg:$0xb]  }
0xb6: {  	[tilespmem:s2], [sflag:$0x6] =	stream.linear.gather [hbm4b:s11+s7], $0x50, $0x38;
	[tilespmem:$0x1DC80] =	vst v63  }
0xb7: {  	s20 =	rddreg [dreg:$0xd]  }
0xb8: {  	[tilespmem:s9], [sflag:$0x7] =	stream.linear.gather [hbm4b:s20+s7], $0x50, $0x38;
	[tilespmem:$0x1DC80] =	vst v63  }
0xb9: {  	s22 =	rddreg [dreg:$0xf]  }
0xba: {  	[tilespmem:s12], [sflag:$0x8] =	stream.linear.gather [hbm4b:s22+s7], $0x50, $0x38;
	[tilespmem:$0x1DC80] =	vst v63  }
0xbb: {  	_ =	swait.ge [sflag:s17], $0x50  }
0xbc: {  	[sflag:s17] =	ssyncset.done $0x0  }
0xbd: {  	[sflag:s17] =	ssyncadd.s32 $0xFFFFFFB0  }
0xbe: {  	[spmem:s3] =	stream.indirect.scatter.add.f32 [tilespmem:s18], [sflag:$0xD], $0x80, s31, s16, $0xb8;
	[tilespmem:$0x1DC80] =	vst v63  }
0xbf: {  	_ =	swait.ge [sflag:s30], $0x50  }
0xc0: {  	[sflag:s30] =	ssyncset.done $0x0  }
0xc1: {  	[sflag:s30] =	ssyncadd.s32 $0xFFFFFFB0  }
0xc2: {  	[spmem:s3] =	stream.indirect.scatter.add.f32 [tilespmem:s18], [sflag:$0xE], $0x80, s2, s16, $0xb8;
	[tilespmem:$0x1DC80] =	vst v63  }
0xc3: {  	_ =	swait.ge [sflag:s24], $0x50  }
0xc4: {  	[sflag:s24] =	ssyncset.done $0x0  }
0xc5: {  	[sflag:s24] =	ssyncadd.s32 $0xFFFFFFB0  }
0xc6: {  	[spmem:s3] =	stream.indirect.scatter.add.f32 [tilespmem:s18], [sflag:$0xF], $0x80, s9, s16, $0xb8;
	[tilespmem:$0x1DC80] =	vst v63  }
0xc7: {  	_ =	swait.ge [sflag:s29], $0x50  }
0xc8: {  	[sflag:s29] =	ssyncset.done $0x0  }
0xc9: {  	[sflag:s29] =	ssyncadd.s32 $0xFFFFFFB0  }
0xca: {  	[spmem:s3] =	stream.indirect.scatter.add.f32 [tilespmem:s18], [sflag:$0x10], $0x80, s12, s16, $0xb8;
	[tilespmem:$0x1DC80] =	vst v63  }
0xcb: {  	_ =	swait.ge [sflag:s0], $0x2800  }
0xcc: {  	s13 =	rddreg [dreg:$0x18]  }
0xcd: {  	[sflag:s0] =	ssyncset.done $0x0;
	s11 =	sshrl.u32 s13, $0x3  }
0xce: {  	[sflag:s0] =	ssyncadd.s32 $0xFFFFD800;
	s7 =	sadd.s32 s6, s11  }
0xcf: {  	[tilespmem:s31], [sflag:$0x5] =	stream.linear.gather [hbm4b:s7+s4], $0x50, $0x38;
	[tilespmem:$0x1DC80] =	vst v63  }
0xd0: {  	_ =	swait.ge [sflag:s8], $0x2800  }
0xd1: {  	[sflag:s8] =	ssyncset.done $0x0  }
0xd2: {  	s20 =	sadd.s32 $0x0, s28;
	[sflag:s8] =	ssyncadd.s32 $0xFFFFD800  }
0xd3: {  	[tilespmem:s2], [sflag:$0x6] =	stream.linear.gather [hbm4b:s20+s4], $0x50, $0x38;
	[tilespmem:$0x1DC80] =	vst v63  }
0xd4: {  	_ =	swait.ge [sflag:s10], $0x2800  }
0xd5: {  	[sflag:s10] =	ssyncset.done $0x0  }
0xd6: {  	s22 =	sadd.s32 $0x0, s23;
	[sflag:s10] =	ssyncadd.s32 $0xFFFFD800  }
0xd7: {  	[tilespmem:s9], [sflag:$0x7] =	stream.linear.gather [hbm4b:s22+s4], $0x50, $0x38;
	[tilespmem:$0x1DC80] =	vst v63  }
0xd8: {  	_ =	swait.ge [sflag:s21], $0x2800  }
0xd9: {  	s13 =	sadd.s32 $0x140, s13;
	[sflag:s21] =	ssyncset.done $0x0  }
0xda: {  	s7 =	simm.s32 $0x28;
	s20 =	sadd.s32 $0x0, s25;
	[sflag:s21] =	ssyncadd.s32 $0xFFFFD800  }
.LBB2_5:
0xdb: {  	[tilespmem:s12], [sflag:$0x8] =	stream.linear.gather [hbm4b:s20+s4], $0x50, $0x38;
	[tilespmem:$0x1DC80] =	vst v63  }
0xdc: {  	s20 =	smov.u32 s7  }
0xdd: {  	p1 =	sne.s32 s7, $0x488;
	s7 =	sadd.s32 $0x28, s7;
	_ =	swait.ge [sflag:s17], $0x50  }
0xde: {  	[sflag:s17] =	ssyncset.done $0x0  }
0xdf: {  	[sflag:s17] =	ssyncadd.s32 $0xFFFFFFB0  }
0xe0: {  	[spmem:s3] =	stream.indirect.scatter.add.f32 [tilespmem:s18], [sflag:$0xD], $0x80, s31, s16, $0xb8;
	[tilespmem:$0x1DC80] =	vst v63  }
0xe1: {  	_ =	swait.ge [sflag:s30], $0x50  }
0xe2: {  	[sflag:s30] =	ssyncset.done $0x0  }
0xe3: {  	[sflag:s30] =	ssyncadd.s32 $0xFFFFFFB0  }
0xe4: {  	[spmem:s3] =	stream.indirect.scatter.add.f32 [tilespmem:s18], [sflag:$0xE], $0x80, s2, s16, $0xb8;
	[tilespmem:$0x1DC80] =	vst v63  }
0xe5: {  	_ =	swait.ge [sflag:s24], $0x50  }
0xe6: {  	[sflag:s24] =	ssyncset.done $0x0  }
0xe7: {  	[sflag:s24] =	ssyncadd.s32 $0xFFFFFFB0  }
0xe8: {  	[spmem:s3] =	stream.indirect.scatter.add.f32 [tilespmem:s18], [sflag:$0xF], $0x80, s9, s16, $0xb8;
	[tilespmem:$0x1DC80] =	vst v63  }
0xe9: {  	_ =	swait.ge [sflag:s29], $0x50  }
0xea: {  	[sflag:s29] =	ssyncset.done $0x0  }
0xeb: {  	[sflag:s29] =	ssyncadd.s32 $0xFFFFFFB0  }
0xec: {  	[spmem:s3] =	stream.indirect.scatter.add.f32 [tilespmem:s18], [sflag:$0x10], $0x80, s12, s16, $0xb8;
	[tilespmem:$0x1DC80] =	vst v63  }
0xed: {  	_ =	swait.ge [sflag:s0], $0x2800  }
0xee: {  	s22 =	sshrl.u32 s13, $0x3;
	[sflag:s0] =	ssyncset.done $0x0  }
0xef: {  	s22 =	sadd.s32 s6, s22;
	[sflag:s0] =	ssyncadd.s32 $0xFFFFD800  }
0xf0: {  	[tilespmem:s31], [sflag:$0x5] =	stream.linear.gather [hbm4b:s22+s4], $0x50, $0x38;
	[tilespmem:$0x1DC80] =	vst v63  }
0xf1: {  	_ =	swait.ge [sflag:s8], $0x2800  }
0xf2: {  	[sflag:s8] =	ssyncset.done $0x0  }
0xf3: {  	s22 =	sadd.s32 s20, s28;
	[sflag:s8] =	ssyncadd.s32 $0xFFFFD800  }
0xf4: {  	[tilespmem:s2], [sflag:$0x6] =	stream.linear.gather [hbm4b:s22+s4], $0x50, $0x38;
	[tilespmem:$0x1DC80] =	vst v63  }
0xf5: {  	_ =	swait.ge [sflag:s10], $0x2800  }
0xf6: {  	[sflag:s10] =	ssyncset.done $0x0  }
.Ltmp2:
0xf7: {  	s22 =	sadd.s32 s20, s23;
	[sflag:s10] =	ssyncadd.s32 $0xFFFFD800;
	(pc) =	sbr.rel @p1 .LBB2_5-.Ltmp2, $4  }
0xf8: {  	[tilespmem:s9], [sflag:$0x7] =	stream.linear.gather [hbm4b:s22+s4], $0x50, $0x38;
	[tilespmem:$0x1DC80] =	vst v63  }
0xf9: {  	_ =	swait.ge [sflag:s21], $0x2800  }
0xfa: {  	[sflag:s21] =	ssyncset.done $0x0  }
0xfb: {  	s13 =	sadd.s32 $0x140, s13;
	s20 =	sadd.s32 s20, s25;
	[sflag:s21] =	ssyncadd.s32 $0xFFFFD800  }
0xfc: {  	[tilespmem:s12], [sflag:$0x8] =	stream.linear.gather [hbm4b:s20+s4], $0x50, $0x38;
	[tilespmem:$0x1DC80] =	vst v63  }
0xfd: {  	_ =	swait.ge [sflag:s17], $0x50  }
0xfe: {  	[sflag:s17] =	ssyncset.done $0x0  }
0xff: {  	[sflag:s17] =	ssyncadd.s32 $0xFFFFFFB0  }
0x100: {  	[spmem:s3] =	stream.indirect.scatter.add.f32 [tilespmem:s18], [sflag:$0xD], $0x80, s31, s16, $0xb8;
	[tilespmem:$0x1DC80] =	vst v63  }
0x101: {  	_ =	swait.ge [sflag:s30], $0x50  }
0x102: {  	[sflag:s30] =	ssyncset.done $0x0  }
0x103: {  	[sflag:s30] =	ssyncadd.s32 $0xFFFFFFB0  }
0x104: {  	[spmem:s3] =	stream.indirect.scatter.add.f32 [tilespmem:s18], [sflag:$0xE], $0x80, s2, s16, $0xb8;
	[tilespmem:$0x1DC80] =	vst v63  }
0x105: {  	_ =	swait.ge [sflag:s24], $0x50  }
0x106: {  	[sflag:s24] =	ssyncset.done $0x0  }
0x107: {  	[sflag:s24] =	ssyncadd.s32 $0xFFFFFFB0  }
0x108: {  	[spmem:s3] =	stream.indirect.scatter.add.f32 [tilespmem:s18], [sflag:$0xF], $0x80, s9, s16, $0xb8;
	[tilespmem:$0x1DC80] =	vst v63  }
0x109: {  	_ =	swait.ge [sflag:s29], $0x50  }
0x10a: {  	[sflag:s29] =	ssyncset.done $0x0  }
0x10b: {  	[sflag:s29] =	ssyncadd.s32 $0xFFFFFFB0  }
0x10c: {  	[spmem:s3] =	stream.indirect.scatter.add.f32 [tilespmem:s18], [sflag:$0x10], $0x80, s12, s16, $0xb8;
	[tilespmem:$0x1DC80] =	vst v63  }
0x10d: {  	_ =	swait.ge [sflag:s0], $0x2800  }
0x10e: {  	[sflag:s0] =	ssyncset.done $0x0  }
0x10f: {  	[sflag:s0] =	ssyncadd.s32 $0xFFFFD800  }
0x110: {  	_ =	swait.ge [sflag:s8], $0x2800  }
0x111: {  	[sflag:s8] =	ssyncset.done $0x0  }
0x112: {  	[sflag:s8] =	ssyncadd.s32 $0xFFFFD800  }
0x113: {  	_ =	swait.ge [sflag:s10], $0x2800  }
0x114: {  	[sflag:s10] =	ssyncset.done $0x0  }
0x115: {  	[sflag:s10] =	ssyncadd.s32 $0xFFFFD800  }
0x116: {  	_ =	swait.ge [sflag:s21], $0x2800  }
0x117: {  	[sflag:s21] =	ssyncset.done $0x0  }
0x118: {  	s7 =	rddreg [dreg:$0x11];
	[sflag:s21] =	ssyncadd.s32 $0xFFFFD800  }
0x119: {  	[tilespmem:s31], [sflag:$0x5] =	stream.linear.gather [hbm4b:s7+s4], $0x50, $0x38;
	[tilespmem:$0x1DC80] =	vst v63  }
0x11a: {  	_ =	swait.ge [sflag:s17], $0x50  }
0x11b: {  	[sflag:s17] =	ssyncset.done $0x0  }
0x11c: {  	[sflag:s17] =	ssyncadd.s32 $0xFFFFFFB0  }
0x11d: {  	[spmem:s3] =	stream.indirect.scatter.add.f32 [tilespmem:s18], [sflag:$0xD], $0x80, s31, s16, $0xb8;
	[tilespmem:$0x1DC80] =	vst v63  }
0x11e: {  	_ =	swait.ge [sflag:s0], $0x2800  }
0x11f: {  	[sflag:s0] =	ssyncset.done $0x0  }
0x120: {  	[sflag:s0] =	ssyncadd.s32 $0xFFFFD800  }
0x121: {  	[bflag:$0x0] =	sbarrier.arrive $0xFFFF  }
0x122: {  	s7 =	rddreg [dreg:$0x13]  }
0x123: {  	[hbm:s7], [sflag:s14] =	dma.local @!p0 [spmem:s19], $0x3E80  }
0x124: {  	s7 =	simm.s32 @!p0 $0x11  }
0x125: {  	_ =	swait.ge @!p0 [sflag:s7], $0x3E80  }
0x126: {  	s22 =	rddreg [dreg:$0x19]  }
0x127: {  	s13 =	rddreg [dreg:$0x14];
	s19 =	sadd.s32 $0x1, s22  }
0x128: {  	p1 =	sne.s32 s19, s13  }
.Ltmp3:
0x129: {  	_ = 	snop;
	(pc) =	sbr.rel @p1 .LBB2_1-.Ltmp3, $3  }
0x12a: {  	_ =	sdelay $0x1  }
0x12b: {  	s20 =	simm.s32 $0x80;
	[sflag:s7] =	ssyncset.done @!p0 $0x0  }
0x12c: {  	s11 =	simm.s32 $0x100;
	s14 =	simm.s32 $0x180;
	[sflag:s7] =	ssyncadd.s32 @!p0 $0xFFFFC180  }
0x12d: {  	_ =	sfence.sel $0x180000  }
0x12e: {  	[bflag:$0x0] =	sbarrier.arrive $0xFFFF  }
0x12f: {  	_ =	strace $0x90000047  }
0x130: {  	s0 =	stileid.u32;
	[bflag:$0x2] =	sbarrier.arrive $0xFFFF  }
0x131: {  	p0 =	sne.s32 s0, $0x0;
	s0 =	rddreg [dreg:$0x3]  }
0x132: {  	s0 =	sadd.s32 @!p0 $0x100000, s0  }
0x133: {  	[sflag:s0] =	ssyncadd.tile.s32 @!p0 $0x1;
	_ =	shalt  }
.Lfunc_end2:
_tile_overlayer_lowered:
.L_overlay_start_2:
0x134: {  	(tag) =	ssettag $0x2  }
0x135: {  	s0 =	rddreg [dreg:$0x0];
	s2 =	stileid.u32  }
0x136: {  	s1 =	rddreg [dreg:$0x1];
	p0 =	sne.s32 s2, $0x0  }
0x137: {  	s3 =	rddreg [dreg:$0x2];
	[bflag:$0x3] =	sbarrier.arrive $0xFFFF;
	s2 =	simm.s32 @!p0 $0x1C11  }
0x138: {  	[timem:s3], [sflag:s2] =	dma.local @!p0 [hbm:s0], s1  }
0x139: {  	s0 =	simm.s32 @!p0 $0x11  }
0x13a: {  	_ =	swait.ge @!p0 [sflag:s0], s1  }
0x13b: {  	s1 =	ssub.s32 @!p0 $0x0, s1;
	[sflag:s0] =	ssyncset.done @!p0 $0x0  }
0x13c: {  	[sflag:s0] =	ssyncadd.s32 @!p0 s1  }
0x13d: {  	[bflag:$0x3] =	sbarrier.arrive $0xFFFF  }
0x13e: {  	_ =	shalt  }

// kernel: kernel.13.cloned.1.call-start
scs
__scs_entry_jumppad:
0x0: {  	(pc) =	sbr.rel $0x88, $3  }
0x1: {  	(tag) =	ssettag $0x0;
	lr =	simm.s32 $0x1  }
0x2: {  	[smem:$0x3F8B] =	sst lr;
	_ =	strace $0xD0000000  }
0x3: {  	_ = 	snop  }
0x4: {  	_ = 	snop  }
0x5: {  	_ = 	snop  }
0x6: {  	_ = 	snop  }
0x7: {  	_ = 	snop  }
__scs_overlays_trampoline_lowered:
0x8: {  	[smem:$0x3F9A] =	sst s0  }
0x9: {  	[smem:$0x3F9B] =	sst s1  }
0xa: {  	[smem:$0x3F9C] =	sst s2  }
0xb: {  	[smem:$0x3F9D] =	sst s3  }
0xc: {  	[smem:$0x3F9E] =	sst s4  }
0xd: {  	[smem:$0x3F9F] =	sst s5  }
0xe: {  	[smem:$0x3FA0] =	sst s6  }
0xf: {  	[smem:$0x3FA1] =	sst s7  }
0x10: {  	[smem:$0x3FA2] =	sst s8  }
0x11: {  	[smem:$0x3FA3] =	sst s9;
	s0 =	simm.s32 @!p0 $0x0  }
0x12: {  	s1 =	sld [smem:$0x3F89];
	s0 =	simm.s32 @p0 $0x1  }
0x13: {  	[smem:$0x3FA4] =	sst s0;
	s0 =	simm.s32 @!p1 $0x0  }
0x14: {  	s2 =	sld [smem:$0x3F88];
	s0 =	simm.s32 @p1 $0x1  }
0x15: {  	[smem:$0x3FA5] =	sst s0;
	s0 =	simm.s32 @!p2 $0x0  }
0x16: {  	s3 =	sld [smem:$0x3FDB];
	s0 =	simm.s32 @p2 $0x1  }
0x17: {  	s4 =	simm.s32 $0x1BF5;
	[smem:$0x3FA7] =	sst s0  }
0x18: {  	s0 =	sld [smem:$0x3F8A];
	_ =	swait.ge [sflag:s4], $0x0  }
0x19: {  	s7 =	sld [smem:$0x3F8B]  }
0x1a: {  	s8 =	sadd.s32 $0xFFFFE003, lr  }
0x1b: {  	s9 =	sadd.s32 $0xFFFFFEF7, lr;
	s5 =	simm.s32 $0xFFFFFFFF;
	p2 =	slt.u32 s8, $0xFFFFF086  }
0x1c: {  	p1 =	slt.u32 s9, $0xF7A;
	s5 =	simm.s32 @!p2 $0x0  }
0x1d: {  	s5 =	simm.s32 @p1 $0x1;
	p0 =	seq.s32 s7, s2  }
0x1e: {  	s7 =	smul.u32 @!p0 $0xF7A, s2;
	p2 =	seq.s32 @!p0 s5, $0x0  }
0x1f: {  	s9 =	smul.u32 $0xF7A, s1;
	s8 =	simm.s32 @!p0 $0x1BF5;
	p2 =	por !p2, p0  }
0x20: {  	[sflag:s8] =	ssyncset.s32 @!p0 $0xFFFFF086;
	s6 =	sadd.s32 @!p0 s3, s7;
	s7 =	simm.s32 @!p0 $0x108  }
0x21: {  	s3 =	sadd.s32 s3, s9;
	s6 =	sadd.s32 @!p0 $0x88, s6;
	s7 =	simm.s32 @p2 $0x1082  }
0x22: {  	[simem:s7], [sflag:s8] =	dma.local @!p0 [hbm:s6], $0xF7A  }
0x23: {  	s9 =	sor.u32 $0xD0000000, s2;
	s6 =	simm.s32 $0x108;
	_ =	swait.ge @!p0 [sflag:s8], $0x0  }
0x24: {  	s3 =	sadd.s32 $0x88, s3;
	s6 =	simm.s32 @!p1 $0x1082;
	[sflag:s4] =	ssyncset.s32 $0xFFFFF086  }
0x25: {  	[simem:s6], [sflag:s4] =	dma.local [hbm:s3], $0xF7A  }
0x26: {  	[smem:$0x3F8B] =	sst s1;
	(tag) =	ssettag s2;
	_ =	strace s9  }
0x27: {  	s1 =	sld [smem:$0x3F9B]  }
0x28: {  	s2 =	sld [smem:$0x3F9C]  }
0x29: {  	s4 =	sld [smem:$0x3F9E]  }
0x2a: {  	p0 =	seq.s32 s5, $0x0;
	s5 =	sld [smem:$0x3F9F]  }
0x2b: {  	s6 =	sld [smem:$0x3FA0]  }
0x2c: {  	s7 =	sld [smem:$0x3FA1]  }
0x2d: {  	s3 =	simm.s32 $0x108;
	s8 =	sld [smem:$0x3FA2]  }
0x2e: {  	s3 =	simm.s32 @!p0 $0x1082;
	s9 =	sld [smem:$0x3FA3]  }
0x2f: {  	lr =	sadd.s32 s0, s3;
	s0 =	sld [smem:$0x3F9A]  }
0x30: {  	s3 =	sld [smem:$0x3F9D]  }
0x31: {  	[smem:$0x3FA6] =	sst s10  }
0x32: {  	s10 =	sld [smem:$0x3FA4];
	_ =	sdelay $0x3  }
0x33: {  	p0 =	seq.s32 s10, $0x1;
	s10 =	sld [smem:$0x3FA6];
	_ =	sdelay $0x3  }
0x34: {  	[smem:$0x3FA6] =	sst s10  }
0x35: {  	s10 =	sld [smem:$0x3FA5];
	_ =	sdelay $0x3  }
0x36: {  	p1 =	seq.s32 s10, $0x1;
	s10 =	sld [smem:$0x3FA6];
	_ =	sdelay $0x3  }
0x37: {  	[smem:$0x3FA6] =	sst s10  }
0x38: {  	s10 =	sld [smem:$0x3FA7]  }
0x39: {  	_ = 	snop;
	(pc) =	sbr.ind lr, $3  }
0x3a: {  	_ = 	snop  }
0x3b: {  	_ = 	snop  }
0x3c: {  	p2 =	seq.s32 s10, $0x1;
	s10 =	sld [smem:$0x3FA6]  }
0x3d: {  	_ =	shalt  }
0x3e: {  	_ =	shalt  }
0x3f: {  	_ =	shalt  }
0x40: {  	_ =	shalt  }
0x41: {  	_ =	shalt  }
0x42: {  	_ =	shalt  }
0x43: {  	_ =	shalt  }
0x44: {  	_ =	shalt  }
0x45: {  	_ =	shalt  }
0x46: {  	_ =	shalt  }
0x47: {  	_ =	shalt  }
0x48: {  	_ =	shalt  }
0x49: {  	_ =	shalt  }
0x4a: {  	_ =	shalt  }
0x4b: {  	_ =	shalt  }
0x4c: {  	_ =	shalt  }
0x4d: {  	_ =	shalt  }
0x4e: {  	_ =	shalt  }
0x4f: {  	_ =	shalt  }
0x50: {  	_ =	shalt  }
0x51: {  	_ =	shalt  }
0x52: {  	_ =	shalt  }
0x53: {  	_ =	shalt  }
0x54: {  	_ =	shalt  }
0x55: {  	_ =	shalt  }
0x56: {  	_ =	shalt  }
0x57: {  	_ =	shalt  }
0x58: {  	_ =	shalt  }
0x59: {  	_ =	shalt  }
0x5a: {  	_ =	shalt  }
0x5b: {  	_ =	shalt  }
0x5c: {  	_ =	shalt  }
0x5d: {  	_ =	shalt  }
0x5e: {  	_ =	shalt  }
0x5f: {  	_ =	shalt  }
0x60: {  	_ =	shalt  }
0x61: {  	_ =	shalt  }
0x62: {  	_ =	shalt  }
0x63: {  	_ =	shalt  }
0x64: {  	_ =	shalt  }
0x65: {  	_ =	shalt  }
0x66: {  	_ =	shalt  }
0x67: {  	_ =	shalt  }
0x68: {  	_ =	shalt  }
0x69: {  	_ =	shalt  }
0x6a: {  	_ =	shalt  }
0x6b: {  	_ =	shalt  }
0x6c: {  	_ =	shalt  }
0x6d: {  	_ =	shalt  }
0x6e: {  	_ =	shalt  }
0x6f: {  	_ =	shalt  }
0x70: {  	_ =	shalt  }
0x71: {  	_ =	shalt  }
0x72: {  	_ =	shalt  }
0x73: {  	_ =	shalt  }
0x74: {  	_ =	shalt  }
0x75: {  	_ =	shalt  }
0x76: {  	_ =	shalt  }
0x77: {  	_ =	shalt  }
0x78: {  	_ =	shalt  }
0x79: {  	_ =	shalt  }
0x7a: {  	_ =	shalt  }
0x7b: {  	_ =	shalt  }
0x7c: {  	_ =	shalt  }
0x7d: {  	_ =	shalt  }
0x7e: {  	_ =	shalt  }
0x7f: {  	_ =	shalt  }
0x80: {  	_ =	shalt  }
0x81: {  	_ =	shalt  }
0x82: {  	_ =	shalt  }
0x83: {  	_ =	shalt  }
0x84: {  	_ =	shalt  }
0x85: {  	_ =	shalt  }
0x86: {  	_ =	shalt  }
0x87: {  	_ =	shalt  }
.Lfunc_end0:
.L_simem_size_0:
called_computation.1_lowered:
.L_overlay_start_0:
0x88: {  	s2 =	sld [smem:$0x3FD9]  }
0x89: {  	s3 =	sld [smem:$0x3FFE];
	_ =	sdelay $0x1  }
0x8a: {  	s1 =	srdreg.scid  }
0x8b: {  	s0 =	sand.u32 $0x1, s1  }
0x8c: {  	s16 =	sshll.u32 s0, $0xA;
	s2 =	sadd.s32 s3, s2  }
0x8d: {  	s2 =	sadd.s32 s2, s16  }
0x8e: {  	[smem:$0x3FB2] =	sst s2  }
0x8f: {  	_ = 	snop  }
0x90: {  	(tm) =	ssettm $0x1  }
0x91: {  	s17 =	sld [smem:$0x3FFB];
	_ =	sdelay $0x3  }
0x92: {  	_ =	strace s17  }
0x93: {  	s2 =	sld [smem:$0x3FFC];
	_ =	sdelay $0x3  }
0x94: {  	_ =	strace s2  }
0x95: {  	s2 =	sld [smem:$0x3FFD];
	_ =	sdelay $0x3  }
0x96: {  	_ =	strace s2  }
0x97: {  	_ =	strace $0x8FFFFFFF  }
0x98: {  	s18 =	sld [smem:$0x3FDB];
	_ =	sdelay $0x1  }
0x99: {  	s19 =	simm.s32 $_scs_section_size  }
0x9a: {  	s4 =	simm.s32 $_size__tile_overlayer_lowered;
	s5 =	simm.s32 $_tile_overlayer_lowered  }
0x9b: {  	s22 =	simm.s32 $0x1BFF;
	s21 =	sshll.u32 s5, $0x1;
	s2 =	sadd.s32 s19, s18  }
0x9c: {  	s6 =	simm.s32 $0x0;
	s20 =	sshll.u32 s4, $0x1;
	s4 =	sadd.s32 s21, s2  }
0x9d: {  	[timem:s6], [sflag:s22] =	dma.local [hbm:s4], s20  }
0x9e: {  	_ =	swait.ge [sflag:s22], s20  }
0x9f: {  	s3 =	ssub.s32 $0x0, s20;
	[sflag:s22] =	ssyncset.done $0x0  }
0xa0: {  	[sflag:s22] =	ssyncadd.s32 s3;
	_ =	sdelay $0x1  }
0xa1: {  	s23 =	simm.s32 $0x1B8B  }
0xa2: {  	_ =	swait.ge [sflag:s23], $0x1  }
0xa3: {  	[sflag:s23] =	ssyncset.done $0x0  }
0xa4: {  	s25 =	simm.s32 $0x1B8E;
	s24 =	sld [smem:$0x3FFE];
	[sflag:s23] =	ssyncadd.s32 $0xFFFFFFFF  }
0xa5: {  	s26 =	simm.s32 $execute0_lowered;
	[smem:$0x3FD2] =	sst s25  }
0xa6: {  	s4 =	sshll.u32 s26, $0x1;
	_ =	strace $0x80000049;
	[dreg:$0x1] =	wrdreg $0xFFFFFFFF  }
0xa7: {  	s28 =	simm.s32 $_size_execute0_lowered;
	s2 =	sadd.s32 s2, s4;
	[dreg:$0x0] =	wrdreg $0x0  }
0xa8: {  	s4 =	sshll.u32 s28, $0x1;
	[dreg:$0x2] =	wrdreg s2  }
0xa9: {  	[dreg:$0x3] =	wrdreg s4  }
0xaa: {  	[dreg:$0x4] =	wrdreg $0xC0  }
0xab: {  	_ =	task [dreg:s6], $0x5FFFF  }
0xac: {  	[dreg:$0x1] =	wrdreg $0xFFFFFFFF  }
0xad: {  	[dreg:$0x0] =	wrdreg $0x60  }
0xae: {  	[dreg:$0x2] =	wrdreg s24  }
0xaf: {  	[dreg:$0x3] =	wrdreg $0xA4000  }
0xb0: {  	[dreg:$0x4] =	wrdreg $0x9  }
0xb1: {  	_ =	task.clear_ibuf [dreg:s6], $0x5FFFF;
	_ =	strace $0x90000049  }
0xb2: {  	s29 =	simm.s32 $0x9;
	_ =	strace $0x8000004B  }
0xb3: {  	_ =	swait.ge [sflag:s29], $0x1  }
0xb4: {  	[sflag:s29] =	ssyncadd.s32 $0xFFFFFFFF  }
0xb5: {  	_ =	strace $0x9000004B  }
0xb6: {  	_ =	sfence  }
0xb7: {  	s30 =	sld [smem:$0x0];
	_ =	sdelay $0x2  }
0xb8: {  	s31 =	sshll.u32 s1, $0xD;
	s1 =	sshrl.u32 s1, $0x2  }
0xb9: {  	s3 =	sand.u32 $0x4000, s31;
	s1 =	sadd.s32 s1, s30  }
0xba: {  	s0 =	sor.u32 s3, s0;
	s1 =	sshll.u32 s1, $0x11  }
0xbb: {  	s0 =	sor.u32 s1, s0  }
0xbc: {  	s0 =	sadd.s32 $0x8F2B, s0  }
0xbd: {  	[sflag:s0] =	ssyncadd.remote.s32 $0x1  }
0xbe: {  	_ =	sfence.sel $0xFFFF  }
0xbf: {  	[dreg:$0x0] =	wrdreg $0xFFFFFFFF;
	(pc) =	sbr.abs _section_cstart, $3  }
0xc0: {  	[dreg:$0x1] =	wrdreg $0xFFFFFFFF  }
0xc1: {  	_ =	task.clear_ibuf [dreg:s6], $0x2FFFF;
	_ =	strace $0x9FFFFFFF  }
0xc2: {  	(tm) =	ssettm $0x7FFFFFFF  }
0xc3: {  	_ =	shalt  }
tec
execute0_lowered:
.L_overlay_start_1:
0x0: {  	(tag) =	ssettag $0x1  }
0x1: {  	s0 =	rddreg [dreg:$0x0]  }
0x2: {  	s2 =	rddreg [dreg:$0x1];
	s3 =	simm.s32 $0x0;
	s1 =	srdreg.scid  }
0x3: {  	s11 =	stileid.u32;
	s29 =	simm.s32 $0x200;
	s30 =	simm.s32 $0x80  }
0x4: {  	[smem:$0x7FF] =	sst s3;
	s1 =	sand.u32 $0x1, s1;
	s4 =	smul.u32 $0x3E80, s11  }
0x5: {  	s12 =	sadd.s32 $0xB9600, s0;
	s7 =	sadd.s32 $0xEE00, s0;
	s25 =	smul.u32 $0x4E20, s11  }
0x6: {  	s5 =	sadd.s32 $0x1CC00, s0;
	s9 =	sadd.s32 $0x18C00, s0;
	s10 =	smul.u32 $0x7D000, s11  }
0x7: {  	s22 =	smul.u32 $0x9C4, s11;
	p0 =	sgt.u32 s11, $0x9;
	s11 =	simm.s32 $0x380  }
0x8: {  	_ =	strace $0x8000004A;
	s6 =	smul.u32 $0x27100, s1;
	[dreg:$0x4] =	wrdreg s9  }
0x9: {  	s8 =	smul.u32 $0x4E200, s1;
	s1 =	ssub.s32 $0x2, s1;
	[dreg:$0x3] =	wrdreg s12  }
0xa: {  	s26 =	sshrl.u32 s1, $0x1;
	s31 =	sshrl.u32 s10, $0x2;
	s9 =	sshrl.u32 s25, $0x3  }
0xb: {  	s4 =	sadd.s32 s4, s6;
	s1 =	ssub.s32 s1, s26;
	s28 =	sadd.s32 s25, s8  }
0xc: {  	s6 =	sadd.s32 s31, s2;
	s10 =	sadd.s32 s7, s9;
	s9 =	simm.s32 $0xC  }
0xd: {  	s0 =	sadd.s32 s4, s0;
	s8 =	sshrl.u32 s28, $0x3;
	[dreg:$0x5] =	wrdreg s6  }
0xe: {  	s14 =	sadd.s32 $0xA, s10;
	s16 =	sadd.s32 $0x14, s10;
	[dreg:$0x7] =	wrdreg s10  }
0xf: {  	s18 =	sadd.s32 $0x1E, s10;
	s20 =	sadd.s32 $0x9B0, s10;
	[dreg:$0x9] =	wrdreg s14  }
0x10: {  	s21 =	sadd.s32 $0x1E0, s28;
	s1 =	smax.u32 s1, $0x1;
	[dreg:$0xb] =	wrdreg s16  }
0x11: {  	s23 =	sadd.s32 $0x230, s28;
	s24 =	sadd.s32 $0x190, s28;
	[dreg:$0xd] =	wrdreg s18  }
0x12: {  	s28 =	sadd.s32 $0x140, s28;
	s31 =	sadd.s32 $0x9BA, s10;
	[dreg:$0xf] =	wrdreg s20  }
0x13: {  	s10 =	simm.s32 $0x50;
	s4 =	simm.s32 $0x8;
	[dreg:$0x12] =	wrdreg s1  }
0x14: {  	s8 =	sadd.s32 s12, s8;
	s0 =	sadd.s32 $0xCD000, s0;
	[dreg:$0x17] =	wrdreg s28  }
0x15: {  	s1 =	sshrl.u32 s23, $0x3;
	s26 =	sshrl.u32 s24, $0x3;
	[dreg:$0x18] =	wrdreg s31  }
0x16: {  	s16 =	simm.s32 $0x4;
	s18 =	simm.s32 $0x9;
	s20 =	simm.s32 $0xA  }
0x17: {  	s23 =	simm.s32 $0xF;
	s24 =	simm.s32 $0x10;
	[dreg:$0x6] =	wrdreg s8  }
0x18: {  	s13 =	sadd.s32 $0xA, s8;
	s15 =	sadd.s32 $0x14, s8;
	[dreg:$0x11] =	wrdreg s0  }
0x19: {  	s17 =	sadd.s32 $0x1E, s8;
	s19 =	sadd.s32 $0x9B0, s8;
	[dreg:$0x8] =	wrdreg s13  }
0x1a: {  	s6 =	sadd.s32 $0x9BA, s8;
	s0 =	sshrl.u32 s21, $0x3;
	[dreg:$0xa] =	wrdreg s15  }
0x1b: {  	s25 =	sadd.s32 s1, s12;
	s1 =	simm.s32 $0x100;
	[dreg:$0xc] =	wrdreg s17  }
0x1c: {  	s8 =	simm.s32 $0x7;
	s21 =	simm.s32 $0xD;
	[dreg:$0xe] =	wrdreg s19  }
0x1d: {  	[dreg:$0x10] =	wrdreg s6;
	s6 =	sadd.s32 s22, s7;
	s0 =	sadd.s32 s0, s12  }
.Ltmp0:
0x1e: {  	[dreg:$0x15] =	wrdreg s25;
	s15 =	simm.s32 $0x280;
	(pc) =	sbr.rel .LBB2_1-.Ltmp0, $4  }
0x1f: {  	s17 =	simm.s32 $0x180;
	s19 =	simm.s32 $0x5;
	s25 =	simm.s32 $0xB  }
0x20: {  	s22 =	simm.s32 $0xE;
	s7 =	simm.s32 $0x0;
	[dreg:$0x13] =	wrdreg s6  }
0x21: {  	[dreg:$0x14] =	wrdreg s0;
	s0 =	sadd.s32 s26, s12;
	s6 =	simm.s32 $0x300  }
0x22: {  	s12 =	simm.s32 $0x2;
	s26 =	simm.s32 $0x6;
	[dreg:$0x16] =	wrdreg s0  }
.LBB2_4:
0x23: {  	_ =	swait.ge [sflag:s22], $0x2800  }
0x24: {  	[sflag:s22] =	ssyncset.done $0x0  }
0x25: {  	[sflag:s22] =	ssyncadd.s32 $0xFFFFD800  }
0x26: {  	_ =	swait.ge [sflag:s23], $0x2800  }
0x27: {  	[sflag:s23] =	ssyncset.done $0x0  }
0x28: {  	[sflag:s23] =	ssyncadd.s32 $0xFFFFD800  }
0x29: {  	_ =	swait.ge [sflag:s24], $0x2800  }
0x2a: {  	[sflag:s24] =	ssyncset.done $0x0  }
0x2b: {  	s6 =	simm.s32 $0x1;
	s0 =	rddreg [dreg:$0xe];
	[sflag:s24] =	ssyncadd.s32 $0xFFFFD800  }
0x2c: {  	[tilespmem:s3], [sflag:$0x1] =	stream.linear.gather [hbm4b:s0+s3], $0x50, $0x38;
	[tilespmem:$0x1DC80] =	vst v63  }
0x2d: {  	_ =	swait.ge [sflag:s6], $0x50  }
0x2e: {  	[sflag:s6] =	ssyncset.done $0x0  }
0x2f: {  	s7 =	rddreg [dreg:$0xf];
	[sflag:s6] =	ssyncadd.s32 $0xFFFFFFB0;
	s6 =	simm.s32 $0x200  }
0x30: {  	[tilespmem:s6], [sflag:$0x5] =	stream.linear.gather [hbm4b:s7+s3], $0x50, $0x38;
	[tilespmem:$0x1DC80] =	vst v63  }
0x31: {  	_ =	swait.ge [sflag:s19], $0x50  }
0x32: {  	[sflag:s19] =	ssyncset.done $0x0  }
0x33: {  	s11 =	simm.s32 $0x400;
	[sflag:s19] =	ssyncadd.s32 $0xFFFFFFB0  }
0x34: {  	[tilespmem:s11], [sflag:$0x9] =	stream.indirect.gather [hbm4b:s5+s10], $0x80, s3, s10, $0xb8;
	[tilespmem:$0x1DC80] =	vst v63  }
0x35: {  	_ =	swait.ge [sflag:s18], $0x2800  }
0x36: {  	[sflag:s18] =	ssyncset.done $0x0  }
0x37: {  	[sflag:s18] =	ssyncadd.s32 $0xFFFFD800  }
0x38: {  	[spmem:s2] =	stream.indirect.scatter.add.f32 [tilespmem:s11], [sflag:$0xD], $0x80, s6, s10, $0xb8;
	[tilespmem:$0x1DC80] =	vst v63  }
0x39: {  	_ =	swait.ge [sflag:s21], $0x2800  }
0x3a: {  	[sflag:s21] =	ssyncset.done $0x0  }
0x3b: {  	s14 =	simm.s32 $0x80;
	s13 =	rddreg [dreg:$0x10];
	[sflag:s21] =	ssyncadd.s32 $0xFFFFD800  }
0x3c: {  	[tilespmem:s14], [sflag:$0x2] =	stream.linear.gather [hbm4b:s13+s3], $0x50, $0x38;
	[tilespmem:$0x1DC80] =	vst v63  }
0x3d: {  	_ =	swait.ge [sflag:s12], $0x50  }
0x3e: {  	[sflag:s12] =	ssyncset.done $0x0  }
0x3f: {  	s28 =	simm.s32 $0x280;
	s15 =	rddreg [dreg:$0x18];
	[sflag:s12] =	ssyncadd.s32 $0xFFFFFFB0  }
0x40: {  	[tilespmem:s28], [sflag:$0x6] =	stream.linear.gather [hbm4b:s15+s3], $0x50, $0x38;
	[tilespmem:$0x1DC80] =	vst v63  }
0x41: {  	_ =	swait.ge [sflag:s26], $0x50  }
0x42: {  	[sflag:s26] =	ssyncset.done $0x0  }
0x43: {  	s17 =	simm.s32 $0x2C00;
	[sflag:s26] =	ssyncadd.s32 $0xFFFFFFB0  }
0x44: {  	[tilespmem:s17], [sflag:$0xA] =	stream.indirect.gather [hbm4b:s5+s10], $0x80, s14, s10, $0xb8;
	[tilespmem:$0x1DC80] =	vst v63  }
0x45: {  	_ =	swait.ge [sflag:s20], $0x2800  }
0x46: {  	[sflag:s20] =	ssyncset.done $0x0  }
0x47: {  	[sflag:s20] =	ssyncadd.s32 $0xFFFFD800  }
0x48: {  	[spmem:s2] =	stream.indirect.scatter.add.f32 [tilespmem:s17], [sflag:$0xE], $0x80, s28, s10, $0xb8;
	[tilespmem:$0x1DC80] =	vst v63  }
0x49: {  	_ =	swait.ge [sflag:s22], $0x2800  }
0x4a: {  	[sflag:s22] =	ssyncset.done $0x0  }
0x4b: {  	[sflag:s22] =	ssyncadd.s32 $0xFFFFD800  }
0x4c: {  	[bflag:$0x0] =	sbarrier.arrive $0xFFFF  }
0x4d: {  	s0 =	rddreg [dreg:$0x11]  }
0x4e: {  	s6 =	rddreg [dreg:$0x1a]  }
0x4f: {  	s7 =	rddreg [dreg:$0x1b]  }
0x50: {  	[hbm:s0], [sflag:s6] =	dma.local @!p0 [spmem:s7], $0x3E80  }
0x51: {  	s0 =	simm.s32 @!p0 $0x11  }
0x52: {  	_ =	swait.ge @!p0 [sflag:s0], $0x3E80  }
0x53: {  	s28 =	rddreg [dreg:$0x19]  }
0x54: {  	s31 =	rddreg [dreg:$0x12];
	s7 =	sadd.s32 $0x1, s28  }
0x55: {  	p1 =	sne.s32 s7, s31  }
.Ltmp1:
0x56: {  	_ = 	snop;
	(pc) =	sbr.rel @!p1 .LBB2_5-.Ltmp1, $4  }
0x57: {  	[sflag:s0] =	ssyncset.done @!p0 $0x0  }
0x58: {  	s29 =	simm.s32 $0x200;
	[sflag:s0] =	ssyncadd.s32 @!p0 $0xFFFFC180  }
0x59: {  	s30 =	simm.s32 $0x80;
	s11 =	simm.s32 $0x380;
	[bflag:$0x0] =	sbarrier.arrive $0xFFFF  }
0x5a: {  	s15 =	simm.s32 $0x280;
	s17 =	simm.s32 $0x180;
	s6 =	simm.s32 $0x300  }
.LBB2_1:
0x5b: {  	s0 =	stileid.u32  }
0x5c: {  	[dreg:$0x19] =	wrdreg s7;
	s0 =	sshll.u32 @!p0 s0, $0x6  }
0x5d: {  	s7 =	sor.u32 @!p0 $0x1C11, s0;
	s0 =	rddreg [dreg:$0x5]  }
0x5e: {  	s13 =	sshrl.u32 @!p0 s0, $0x3;
	s0 =	rddreg [dreg:$0x4]  }
0x5f: {  	[dreg:$0x1a] =	wrdreg s7  }
0x60: {  	[dreg:$0x1b] =	wrdreg s13  }
0x61: {  	[spmem:s13], [sflag:s7] =	dma.local @!p0 [hbm:s0], $0x3E80  }
0x62: {  	s0 =	simm.s32 @!p0 $0x11  }
0x63: {  	_ =	swait.ge @!p0 [sflag:s0], $0x3E80  }
0x64: {  	[sflag:s0] =	ssyncset.done @!p0 $0x0  }
0x65: {  	[sflag:s0] =	ssyncadd.s32 @!p0 $0xFFFFC180  }
0x66: {  	[bflag:$0x0] =	sbarrier.arrive $0xFFFF  }
0x67: {  	s7 =	rddreg [dreg:$0x6]  }
0x68: {  	s13 =	rddreg [dreg:$0x7]  }
0x69: {  	[tilespmem:s3], [sflag:$0x1] =	stream.linear.gather [hbm4b:s7+s3], $0x50, $0x38;
	[tilespmem:$0x1DC80] =	vst v63  }
0x6a: {  	s14 =	rddreg [dreg:$0x8]  }
0x6b: {  	[tilespmem:s29], [sflag:$0x5] =	stream.linear.gather [hbm4b:s13+s3], $0x50, $0x38;
	[tilespmem:$0x1DC80] =	vst v63  }
0x6c: {  	s28 =	rddreg [dreg:$0x9]  }
0x6d: {  	[tilespmem:s30], [sflag:$0x2] =	stream.linear.gather [hbm4b:s14+s3], $0x50, $0x38;
	[tilespmem:$0x1DC80] =	vst v63  }
0x6e: {  	s31 =	rddreg [dreg:$0x17]  }
0x6f: {  	[tilespmem:s15], [sflag:$0x6] =	stream.linear.gather [hbm4b:s28+s3], $0x50, $0x38;
	[tilespmem:$0x1DC80] =	vst v63  }
0x70: {  	s7 =	rddreg [dreg:$0xa]  }
0x71: {  	[tilespmem:s1], [sflag:$0x3] =	stream.linear.gather [hbm4b:s7+s3], $0x50, $0x38;
	[tilespmem:$0x1DC80] =	vst v63  }
0x72: {  	s13 =	rddreg [dreg:$0xb]  }
0x73: {  	[tilespmem:s6], [sflag:$0x7] =	stream.linear.gather [hbm4b:s13+s3], $0x50, $0x38;
	[tilespmem:$0x1DC80] =	vst v63  }
0x74: {  	s14 =	rddreg [dreg:$0xc]  }
0x75: {  	[tilespmem:s17], [sflag:$0x4] =	stream.linear.gather [hbm4b:s14+s3], $0x50, $0x38;
	[tilespmem:$0x1DC80] =	vst v63  }
0x76: {  	s0 =	simm.s32 $0x0;
	s28 =	rddreg [dreg:$0xd]  }
0x77: {  	[tilespmem:s11], [sflag:$0x8] =	stream.linear.gather [hbm4b:s28+s3], $0x50, $0x38;
	[tilespmem:$0x1DC80] =	vst v63  }
.LBB2_2:
0x78: {  	s7 =	simm.s32 $0x1  }
0x79: {  	_ =	swait.ge [sflag:s7], $0x50  }
0x7a: {  	[sflag:s7] =	ssyncset.done $0x0  }
0x7b: {  	s13 =	simm.s32 $0x400;
	[sflag:s7] =	ssyncadd.s32 $0xFFFFFFB0  }
0x7c: {  	[tilespmem:s13], [sflag:$0x9] =	stream.indirect.gather [hbm4b:s5+s10], $0x80, s3, s10, $0xb8;
	[tilespmem:$0x1DC80] =	vst v63  }
0x7d: {  	_ =	swait.ge [sflag:s12], $0x50  }
0x7e: {  	[sflag:s12] =	ssyncset.done $0x0  }
0x7f: {  	s28 =	simm.s32 $0x2C00;
	s14 =	simm.s32 $0x3;
	[sflag:s12] =	ssyncadd.s32 $0xFFFFFFB0  }
0x80: {  	[tilespmem:s28], [sflag:$0xA] =	stream.indirect.gather [hbm4b:s5+s10], $0x80, s30, s10, $0xb8;
	[tilespmem:$0x1DC80] =	vst v63  }
0x81: {  	_ =	swait.ge [sflag:s14], $0x50  }
0x82: {  	[sflag:s14] =	ssyncset.done $0x0  }
0x83: {  	[sflag:s14] =	ssyncadd.s32 $0xFFFFFFB0;
	s14 =	simm.s32 $0x5400  }
0x84: {  	[tilespmem:s14], [sflag:$0xB] =	stream.indirect.gather [hbm4b:s5+s10], $0x80, s1, s10, $0xb8;
	[tilespmem:$0x1DC80] =	vst v63  }
0x85: {  	_ =	swait.ge [sflag:s16], $0x50  }
0x86: {  	[sflag:s16] =	ssyncset.done $0x0  }
0x87: {  	s7 =	simm.s32 $0x7C00;
	[sflag:s16] =	ssyncadd.s32 $0xFFFFFFB0  }
0x88: {  	[tilespmem:s7], [sflag:$0xC] =	stream.indirect.gather [hbm4b:s5+s10], $0x80, s17, s10, $0xb8;
	[tilespmem:$0x1DC80] =	vst v63  }
0x89: {  	_ =	swait.ge [sflag:s18], $0x2800  }
0x8a: {  	[sflag:s18] =	ssyncset.done $0x0  }
0x8b: {  	[sflag:s18] =	ssyncadd.s32 $0xFFFFD800  }
0x8c: {  	_ =	swait.ge [sflag:s19], $0x50  }
0x8d: {  	[sflag:s19] =	ssyncset.done $0x0  }
0x8e: {  	[sflag:s19] =	ssyncadd.s32 $0xFFFFFFB0  }
0x8f: {  	[spmem:s2] =	stream.indirect.scatter.add.f32 [tilespmem:s13], [sflag:$0xD], $0x80, s29, s10, $0xb8;
	[tilespmem:$0x1DC80] =	vst v63  }
0x90: {  	_ =	swait.ge [sflag:s20], $0x2800  }
0x91: {  	[sflag:s20] =	ssyncset.done $0x0  }
0x92: {  	[sflag:s20] =	ssyncadd.s32 $0xFFFFD800  }
0x93: {  	_ =	swait.ge [sflag:s26], $0x50  }
0x94: {  	[sflag:s26] =	ssyncset.done $0x0  }
0x95: {  	[sflag:s26] =	ssyncadd.s32 $0xFFFFFFB0  }
0x96: {  	[spmem:s2] =	stream.indirect.scatter.add.f32 [tilespmem:s28], [sflag:$0xE], $0x80, s15, s10, $0xb8;
	[tilespmem:$0x1DC80] =	vst v63  }
0x97: {  	_ =	swait.ge [sflag:s25], $0x2800  }
0x98: {  	[sflag:s25] =	ssyncset.done $0x0  }
0x99: {  	[sflag:s25] =	ssyncadd.s32 $0xFFFFD800  }
0x9a: {  	_ =	swait.ge [sflag:s8], $0x50  }
0x9b: {  	[sflag:s8] =	ssyncset.done $0x0  }
0x9c: {  	[sflag:s8] =	ssyncadd.s32 $0xFFFFFFB0  }
0x9d: {  	[spmem:s2] =	stream.indirect.scatter.add.f32 [tilespmem:s14], [sflag:$0xF], $0x80, s6, s10, $0xb8;
	[tilespmem:$0x1DC80] =	vst v63  }
0x9e: {  	_ =	swait.ge [sflag:s9], $0x2800  }
0x9f: {  	[sflag:s9] =	ssyncset.done $0x0  }
0xa0: {  	[sflag:s9] =	ssyncadd.s32 $0xFFFFD800  }
0xa1: {  	_ =	swait.ge [sflag:s4], $0x50  }
0xa2: {  	p1 =	seq.s32 s0, $0x988;
	[sflag:s4] =	ssyncset.done $0x0  }
.Ltmp2:
0xa3: {  	[sflag:s4] =	ssyncadd.s32 $0xFFFFFFB0;
	(pc) =	sbr.rel @p1 .LBB2_4-.Ltmp2, $4  }
0xa4: {  	[spmem:s2] =	stream.indirect.scatter.add.f32 [tilespmem:s7], [sflag:$0x10], $0x80, s11, s10, $0xb8;
	[tilespmem:$0x1DC80] =	vst v63  }
0xa5: {  	_ =	swait.ge [sflag:s21], $0x2800  }
0xa6: {  	s17 =	simm.s32 $0x300;
	[sflag:s21] =	ssyncset.done $0x0  }
0xa7: {  	s13 =	simm.s32 $0x380;
	s11 =	simm.s32 $0x180;
	[sflag:s21] =	ssyncadd.s32 $0xFFFFD800  }
0xa8: {  	s1 =	sshrl.u32 s31, $0x3;
	s6 =	rddreg [dreg:$0x3]  }
0xa9: {  	s7 =	rddreg [dreg:$0x13];
	s1 =	sadd.s32 s6, s1  }
0xaa: {  	[tilespmem:s3], [sflag:$0x1] =	stream.linear.gather [hbm4b:s1+s3], $0x50, $0x38;
	[tilespmem:$0x1DC80] =	vst v63  }
0xab: {  	s1 =	sadd.s32 s0, s7  }
0xac: {  	s14 =	sadd.s32 $0x28, s1  }
0xad: {  	[tilespmem:s29], [sflag:$0x5] =	stream.linear.gather [hbm4b:s14+s3], $0x50, $0x38;
	[tilespmem:$0x1DC80] =	vst v63  }
0xae: {  	_ =	swait.ge [sflag:s22], $0x2800  }
0xaf: {  	[sflag:s22] =	ssyncset.done $0x0;
	s7 =	rddreg [dreg:$0x16]  }
0xb0: {  	[sflag:s22] =	ssyncadd.s32 $0xFFFFD800;
	s6 =	sadd.s32 s0, s7  }
0xb1: {  	[tilespmem:s30], [sflag:$0x2] =	stream.linear.gather [hbm4b:s6+s3], $0x50, $0x38;
	[tilespmem:$0x1DC80] =	vst v63  }
0xb2: {  	s14 =	sadd.s32 $0x32, s1  }
0xb3: {  	[tilespmem:s15], [sflag:$0x6] =	stream.linear.gather [hbm4b:s14+s3], $0x50, $0x38;
	[tilespmem:$0x1DC80] =	vst v63  }
0xb4: {  	_ =	swait.ge [sflag:s23], $0x2800  }
0xb5: {  	[sflag:s23] =	ssyncset.done $0x0;
	s7 =	rddreg [dreg:$0x14]  }
0xb6: {  	s28 =	simm.s32 $0x100;
	[sflag:s23] =	ssyncadd.s32 $0xFFFFD800;
	s6 =	sadd.s32 s0, s7  }
0xb7: {  	[tilespmem:s28], [sflag:$0x3] =	stream.linear.gather [hbm4b:s6+s3], $0x50, $0x38;
	[tilespmem:$0x1DC80] =	vst v63  }
0xb8: {  	s14 =	sadd.s32 $0x3C, s1  }
0xb9: {  	[tilespmem:s17], [sflag:$0x7] =	stream.linear.gather [hbm4b:s14+s3], $0x50, $0x38;
	[tilespmem:$0x1DC80] =	vst v63  }
0xba: {  	_ =	swait.ge [sflag:s24], $0x2800  }
0xbb: {  	s31 =	sadd.s32 $0x140, s31;
	[sflag:s24] =	ssyncset.done $0x0;
	s28 =	rddreg [dreg:$0x15]  }
.Ltmp3:
0xbc: {  	[sflag:s24] =	ssyncadd.s32 $0xFFFFD800;
	s6 =	sadd.s32 s0, s28;
	(pc) =	sbr.rel .LBB2_2-.Ltmp3, $4  }
0xbd: {  	[tilespmem:s11], [sflag:$0x4] =	stream.linear.gather [hbm4b:s6+s3], $0x50, $0x38;
	[tilespmem:$0x1DC80] =	vst v63  }
0xbe: {  	s1 =	sadd.s32 $0x46, s1;
	s17 =	simm.s32 $0x180;
	s0 =	sadd.s32 $0x28, s0  }
0xbf: {  	[tilespmem:s13], [sflag:$0x8] =	stream.linear.gather [hbm4b:s1+s3], $0x50, $0x38;
	[tilespmem:$0x1DC80] =	vst v63  }
0xc0: {  	s6 =	simm.s32 $0x300;
	s11 =	simm.s32 $0x380;
	s1 =	simm.s32 $0x100  }
.LBB2_5:
0xc1: {  	_ =	sfence.sel $0x180000  }
0xc2: {  	[bflag:$0x0] =	sbarrier.arrive $0xFFFF  }
0xc3: {  	_ =	strace $0x9000004A  }
0xc4: {  	s0 =	stileid.u32;
	[bflag:$0x2] =	sbarrier.arrive $0xFFFF  }
0xc5: {  	p0 =	sne.s32 s0, $0x0;
	s0 =	rddreg [dreg:$0x2]  }
0xc6: {  	s0 =	sadd.s32 @!p0 $0x100000, s0  }
0xc7: {  	[sflag:s0] =	ssyncadd.tile.s32 @!p0 $0x1;
	_ =	shalt  }
.Lfunc_end2:
_tile_overlayer_lowered:
.L_overlay_start_2:
0xc8: {  	(tag) =	ssettag $0x2  }
0xc9: {  	s0 =	rddreg [dreg:$0x0];
	s2 =	stileid.u32  }
0xca: {  	s1 =	rddreg [dreg:$0x1];
	p0 =	sne.s32 s2, $0x0  }
0xcb: {  	s3 =	rddreg [dreg:$0x2];
	[bflag:$0x3] =	sbarrier.arrive $0xFFFF;
	s2 =	simm.s32 @!p0 $0x1C11  }
0xcc: {  	[timem:s3], [sflag:s2] =	dma.local @!p0 [hbm:s0], s1  }
0xcd: {  	s0 =	simm.s32 @!p0 $0x11  }
0xce: {  	_ =	swait.ge @!p0 [sflag:s0], s1  }
0xcf: {  	s1 =	ssub.s32 @!p0 $0x0, s1;
	[sflag:s0] =	ssyncset.done @!p0 $0x0  }
0xd0: {  	[sflag:s0] =	ssyncadd.s32 @!p0 s1  }
0xd1: {  	[bflag:$0x3] =	sbarrier.arrive $0xFFFF  }
0xd2: {  	_ =	shalt  }

// kernel: kernel.16.cloned.1.call-start
scs
__scs_entry_jumppad:
0x0: {  	(pc) =	sbr.rel $0x88, $3  }
0x1: {  	(tag) =	ssettag $0x0;
	lr =	simm.s32 $0x1  }
0x2: {  	[smem:$0x3F8B] =	sst lr;
	_ =	strace $0xD0000000  }
0x3: {  	_ = 	snop  }
0x4: {  	_ = 	snop  }
0x5: {  	_ = 	snop  }
0x6: {  	_ = 	snop  }
0x7: {  	_ = 	snop  }
__scs_overlays_trampoline_lowered:
0x8: {  	[smem:$0x3F9A] =	sst s0  }
0x9: {  	[smem:$0x3F9B] =	sst s1  }
0xa: {  	[smem:$0x3F9C] =	sst s2  }
0xb: {  	[smem:$0x3F9D] =	sst s3  }
0xc: {  	[smem:$0x3F9E] =	sst s4  }
0xd: {  	[smem:$0x3F9F] =	sst s5  }
0xe: {  	[smem:$0x3FA0] =	sst s6  }
0xf: {  	[smem:$0x3FA1] =	sst s7  }
0x10: {  	[smem:$0x3FA2] =	sst s8  }
0x11: {  	[smem:$0x3FA3] =	sst s9;
	s0 =	simm.s32 @!p0 $0x0  }
0x12: {  	s1 =	sld [smem:$0x3F89];
	s0 =	simm.s32 @p0 $0x1  }
0x13: {  	[smem:$0x3FA4] =	sst s0;
	s0 =	simm.s32 @!p1 $0x0  }
0x14: {  	s2 =	sld [smem:$0x3F88];
	s0 =	simm.s32 @p1 $0x1  }
0x15: {  	[smem:$0x3FA5] =	sst s0;
	s0 =	simm.s32 @!p2 $0x0  }
0x16: {  	s3 =	sld [smem:$0x3FDB];
	s0 =	simm.s32 @p2 $0x1  }
0x17: {  	s4 =	simm.s32 $0x1BF5;
	[smem:$0x3FA7] =	sst s0  }
0x18: {  	s0 =	sld [smem:$0x3F8A];
	_ =	swait.ge [sflag:s4], $0x0  }
0x19: {  	s7 =	sld [smem:$0x3F8B]  }
0x1a: {  	s8 =	sadd.s32 $0xFFFFE003, lr  }
0x1b: {  	s9 =	sadd.s32 $0xFFFFFEF7, lr;
	s5 =	simm.s32 $0xFFFFFFFF;
	p2 =	slt.u32 s8, $0xFFFFF086  }
0x1c: {  	p1 =	slt.u32 s9, $0xF7A;
	s5 =	simm.s32 @!p2 $0x0  }
0x1d: {  	s5 =	simm.s32 @p1 $0x1;
	p0 =	seq.s32 s7, s2  }
0x1e: {  	s7 =	smul.u32 @!p0 $0xF7A, s2;
	p2 =	seq.s32 @!p0 s5, $0x0  }
0x1f: {  	s9 =	smul.u32 $0xF7A, s1;
	s8 =	simm.s32 @!p0 $0x1BF5;
	p2 =	por !p2, p0  }
0x20: {  	[sflag:s8] =	ssyncset.s32 @!p0 $0xFFFFF086;
	s6 =	sadd.s32 @!p0 s3, s7;
	s7 =	simm.s32 @!p0 $0x108  }
0x21: {  	s3 =	sadd.s32 s3, s9;
	s6 =	sadd.s32 @!p0 $0x88, s6;
	s7 =	simm.s32 @p2 $0x1082  }
0x22: {  	[simem:s7], [sflag:s8] =	dma.local @!p0 [hbm:s6], $0xF7A  }
0x23: {  	s9 =	sor.u32 $0xD0000000, s2;
	s6 =	simm.s32 $0x108;
	_ =	swait.ge @!p0 [sflag:s8], $0x0  }
0x24: {  	s3 =	sadd.s32 $0x88, s3;
	s6 =	simm.s32 @!p1 $0x1082;
	[sflag:s4] =	ssyncset.s32 $0xFFFFF086  }
0x25: {  	[simem:s6], [sflag:s4] =	dma.local [hbm:s3], $0xF7A  }
0x26: {  	[smem:$0x3F8B] =	sst s1;
	(tag) =	ssettag s2;
	_ =	strace s9  }
0x27: {  	s1 =	sld [smem:$0x3F9B]  }
0x28: {  	s2 =	sld [smem:$0x3F9C]  }
0x29: {  	s4 =	sld [smem:$0x3F9E]  }
0x2a: {  	p0 =	seq.s32 s5, $0x0;
	s5 =	sld [smem:$0x3F9F]  }
0x2b: {  	s6 =	sld [smem:$0x3FA0]  }
0x2c: {  	s7 =	sld [smem:$0x3FA1]  }
0x2d: {  	s3 =	simm.s32 $0x108;
	s8 =	sld [smem:$0x3FA2]  }
0x2e: {  	s3 =	simm.s32 @!p0 $0x1082;
	s9 =	sld [smem:$0x3FA3]  }
0x2f: {  	lr =	sadd.s32 s0, s3;
	s0 =	sld [smem:$0x3F9A]  }
0x30: {  	s3 =	sld [smem:$0x3F9D]  }
0x31: {  	[smem:$0x3FA6] =	sst s10  }
0x32: {  	s10 =	sld [smem:$0x3FA4];
	_ =	sdelay $0x3  }
0x33: {  	p0 =	seq.s32 s10, $0x1;
	s10 =	sld [smem:$0x3FA6];
	_ =	sdelay $0x3  }
0x34: {  	[smem:$0x3FA6] =	sst s10  }
0x35: {  	s10 =	sld [smem:$0x3FA5];
	_ =	sdelay $0x3  }
0x36: {  	p1 =	seq.s32 s10, $0x1;
	s10 =	sld [smem:$0x3FA6];
	_ =	sdelay $0x3  }
0x37: {  	[smem:$0x3FA6] =	sst s10  }
0x38: {  	s10 =	sld [smem:$0x3FA7]  }
0x39: {  	_ = 	snop;
	(pc) =	sbr.ind lr, $3  }
0x3a: {  	_ = 	snop  }
0x3b: {  	_ = 	snop  }
0x3c: {  	p2 =	seq.s32 s10, $0x1;
	s10 =	sld [smem:$0x3FA6]  }
0x3d: {  	_ =	shalt  }
0x3e: {  	_ =	shalt  }
0x3f: {  	_ =	shalt  }
0x40: {  	_ =	shalt  }
0x41: {  	_ =	shalt  }
0x42: {  	_ =	shalt  }
0x43: {  	_ =	shalt  }
0x44: {  	_ =	shalt  }
0x45: {  	_ =	shalt  }
0x46: {  	_ =	shalt  }
0x47: {  	_ =	shalt  }
0x48: {  	_ =	shalt  }
0x49: {  	_ =	shalt  }
0x4a: {  	_ =	shalt  }
0x4b: {  	_ =	shalt  }
0x4c: {  	_ =	shalt  }
0x4d: {  	_ =	shalt  }
0x4e: {  	_ =	shalt  }
0x4f: {  	_ =	shalt  }
0x50: {  	_ =	shalt  }
0x51: {  	_ =	shalt  }
0x52: {  	_ =	shalt  }
0x53: {  	_ =	shalt  }
0x54: {  	_ =	shalt  }
0x55: {  	_ =	shalt  }
0x56: {  	_ =	shalt  }
0x57: {  	_ =	shalt  }
0x58: {  	_ =	shalt  }
0x59: {  	_ =	shalt  }
0x5a: {  	_ =	shalt  }
0x5b: {  	_ =	shalt  }
0x5c: {  	_ =	shalt  }
0x5d: {  	_ =	shalt  }
0x5e: {  	_ =	shalt  }
0x5f: {  	_ =	shalt  }
0x60: {  	_ =	shalt  }
0x61: {  	_ =	shalt  }
0x62: {  	_ =	shalt  }
0x63: {  	_ =	shalt  }
0x64: {  	_ =	shalt  }
0x65: {  	_ =	shalt  }
0x66: {  	_ =	shalt  }
0x67: {  	_ =	shalt  }
0x68: {  	_ =	shalt  }
0x69: {  	_ =	shalt  }
0x6a: {  	_ =	shalt  }
0x6b: {  	_ =	shalt  }
0x6c: {  	_ =	shalt  }
0x6d: {  	_ =	shalt  }
0x6e: {  	_ =	shalt  }
0x6f: {  	_ =	shalt  }
0x70: {  	_ =	shalt  }
0x71: {  	_ =	shalt  }
0x72: {  	_ =	shalt  }
0x73: {  	_ =	shalt  }
0x74: {  	_ =	shalt  }
0x75: {  	_ =	shalt  }
0x76: {  	_ =	shalt  }
0x77: {  	_ =	shalt  }
0x78: {  	_ =	shalt  }
0x79: {  	_ =	shalt  }
0x7a: {  	_ =	shalt  }
0x7b: {  	_ =	shalt  }
0x7c: {  	_ =	shalt  }
0x7d: {  	_ =	shalt  }
0x7e: {  	_ =	shalt  }
0x7f: {  	_ =	shalt  }
0x80: {  	_ =	shalt  }
0x81: {  	_ =	shalt  }
0x82: {  	_ =	shalt  }
0x83: {  	_ =	shalt  }
0x84: {  	_ =	shalt  }
0x85: {  	_ =	shalt  }
0x86: {  	_ =	shalt  }
0x87: {  	_ =	shalt  }
.Lfunc_end0:
.L_simem_size_0:
called_computation.2_lowered:
.L_overlay_start_0:
0x88: {  	s2 =	sld [smem:$0x3FD9]  }
0x89: {  	s3 =	sld [smem:$0x3FFE];
	_ =	sdelay $0x1  }
0x8a: {  	s1 =	srdreg.scid  }
0x8b: {  	s0 =	sand.u32 $0x1, s1  }
0x8c: {  	s16 =	sshll.u32 s0, $0xA;
	s2 =	sadd.s32 s3, s2  }
0x8d: {  	s2 =	sadd.s32 s2, s16  }
0x8e: {  	[smem:$0x3FB2] =	sst s2  }
0x8f: {  	_ = 	snop  }
0x90: {  	(tm) =	ssettm $0x1  }
0x91: {  	s17 =	sld [smem:$0x3FFB];
	_ =	sdelay $0x3  }
0x92: {  	_ =	strace s17  }
0x93: {  	s2 =	sld [smem:$0x3FFC];
	_ =	sdelay $0x3  }
0x94: {  	_ =	strace s2  }
0x95: {  	s2 =	sld [smem:$0x3FFD];
	_ =	sdelay $0x3  }
0x96: {  	_ =	strace s2  }
0x97: {  	_ =	strace $0x8FFFFFFF  }
0x98: {  	s18 =	sld [smem:$0x3FDB];
	_ =	sdelay $0x1  }
0x99: {  	s19 =	simm.s32 $_scs_section_size  }
0x9a: {  	s4 =	simm.s32 $_size__tile_overlayer_lowered;
	s5 =	simm.s32 $_tile_overlayer_lowered  }
0x9b: {  	s22 =	simm.s32 $0x1BFF;
	s21 =	sshll.u32 s5, $0x1;
	s2 =	sadd.s32 s19, s18  }
0x9c: {  	s6 =	simm.s32 $0x0;
	s20 =	sshll.u32 s4, $0x1;
	s4 =	sadd.s32 s21, s2  }
0x9d: {  	[timem:s6], [sflag:s22] =	dma.local [hbm:s4], s20  }
0x9e: {  	_ =	swait.ge [sflag:s22], s20  }
0x9f: {  	s3 =	ssub.s32 $0x0, s20;
	[sflag:s22] =	ssyncset.done $0x0  }
0xa0: {  	[sflag:s22] =	ssyncadd.s32 s3;
	_ =	sdelay $0x1  }
0xa1: {  	s23 =	simm.s32 $0x1B8B  }
0xa2: {  	_ =	swait.ge [sflag:s23], $0x1  }
0xa3: {  	[sflag:s23] =	ssyncset.done $0x0  }
0xa4: {  	s25 =	simm.s32 $0x1B8E;
	s24 =	sld [smem:$0x3FFE];
	[sflag:s23] =	ssyncadd.s32 $0xFFFFFFFF  }
0xa5: {  	s26 =	simm.s32 $execute0_lowered;
	[smem:$0x3FD2] =	sst s25  }
0xa6: {  	s4 =	sshll.u32 s26, $0x1;
	_ =	strace $0x8000004C;
	[dreg:$0x1] =	wrdreg $0xFFFFFFFF  }
0xa7: {  	s28 =	simm.s32 $_size_execute0_lowered;
	s2 =	sadd.s32 s2, s4;
	[dreg:$0x0] =	wrdreg $0x0  }
0xa8: {  	s4 =	sshll.u32 s28, $0x1;
	[dreg:$0x2] =	wrdreg s2  }
0xa9: {  	[dreg:$0x3] =	wrdreg s4  }
0xaa: {  	[dreg:$0x4] =	wrdreg $0xC0  }
0xab: {  	_ =	task [dreg:s6], $0x5FFFF  }
0xac: {  	[dreg:$0x1] =	wrdreg $0xFFFFFFFF  }
0xad: {  	[dreg:$0x0] =	wrdreg $0x60  }
0xae: {  	[dreg:$0x2] =	wrdreg s24  }
0xaf: {  	[dreg:$0x3] =	wrdreg $0xA4000  }
0xb0: {  	[dreg:$0x4] =	wrdreg $0x9  }
0xb1: {  	_ =	task.clear_ibuf [dreg:s6], $0x5FFFF;
	_ =	strace $0x9000004C  }
0xb2: {  	s29 =	simm.s32 $0x9;
	_ =	strace $0x8000004E  }
0xb3: {  	_ =	swait.ge [sflag:s29], $0x1  }
0xb4: {  	[sflag:s29] =	ssyncadd.s32 $0xFFFFFFFF  }
0xb5: {  	_ =	strace $0x9000004E  }
0xb6: {  	_ =	sfence  }
0xb7: {  	s30 =	sld [smem:$0x0];
	_ =	sdelay $0x2  }
0xb8: {  	s31 =	sshll.u32 s1, $0xD;
	s1 =	sshrl.u32 s1, $0x2  }
0xb9: {  	s3 =	sand.u32 $0x4000, s31;
	s1 =	sadd.s32 s1, s30  }
0xba: {  	s0 =	sor.u32 s3, s0;
	s1 =	sshll.u32 s1, $0x11  }
0xbb: {  	s0 =	sor.u32 s1, s0  }
0xbc: {  	s0 =	sadd.s32 $0x8F2B, s0  }
0xbd: {  	[sflag:s0] =	ssyncadd.remote.s32 $0x1  }
0xbe: {  	_ =	sfence.sel $0xFFFF  }
0xbf: {  	[dreg:$0x0] =	wrdreg $0xFFFFFFFF;
	(pc) =	sbr.abs _section_cstart, $3  }
0xc0: {  	[dreg:$0x1] =	wrdreg $0xFFFFFFFF  }
0xc1: {  	_ =	task.clear_ibuf [dreg:s6], $0x2FFFF;
	_ =	strace $0x9FFFFFFF  }
0xc2: {  	(tm) =	ssettm $0x7FFFFFFF  }
0xc3: {  	_ =	shalt  }
tec
execute0_lowered:
.L_overlay_start_1:
0x0: {  	(tag) =	ssettag $0x1  }
0x1: {  	s0 =	rddreg [dreg:$0x0]  }
0x2: {  	s1 =	rddreg [dreg:$0x1];
	s3 =	simm.s32 $0x0;
	s2 =	srdreg.scid  }
0x3: {  	s13 =	stileid.u32;
	s28 =	simm.s32 $0x200;
	s30 =	simm.s32 $0x80  }
0x4: {  	s29 =	simm.s32 $0x9;
	s31 =	simm.s32 $0x5;
	[smem:$0x7FF] =	sst s3  }
0x5: {  	s2 =	sand.u32 $0x1, s2;
	s4 =	smul.u32 $0x7D000, s13;
	s14 =	sadd.s32 $0x11B200, s0  }
0x6: {  	s6 =	sadd.s32 $0xEE00, s0;
	s5 =	sadd.s32 $0x142400, s0;
	s9 =	smul.u32 $0x4E20, s13  }
0x7: {  	s10 =	sadd.s32 $0x18C00, s0;
	s0 =	sadd.s32 $0x1DE800, s0;
	s20 =	smul.u32 $0x3E8, s13  }
0x8: {  	s17 =	smul.u32 $0x9C4, s13;
	p0 =	sgt.u32 s13, $0x9;
	p1 =	slt.u32 s13, $0xA  }
0x9: {  	_ =	strace $0x8000004D;
	s7 =	smul.u32 $0x4E200, s2;
	s8 =	ssub.s32 $0x2, s2  }
0xa: {  	[dreg:$0x4] =	wrdreg s10;
	s12 =	smul.u32 $0x2710, s2;
	s2 =	sor.u32 $0x2, s2  }
0xb: {  	[dreg:$0x3] =	wrdreg s14;
	s19 =	sshrl.u32 s8, $0x1;
	s22 =	smul.u32 $0x4E200, s2  }
0xc: {  	s4 =	sshrl.u32 s4, $0x2;
	s11 =	sshrl.u32 s9, $0x3;
	s2 =	smul.u32 $0x2710, s2  }
0xd: {  	s8 =	ssub.s32 s8, s19;
	s7 =	sadd.s32 s9, s7;
	s4 =	sadd.s32 s4, s1  }
0xe: {  	s16 =	sadd.s32 s6, s11;
	s25 =	sadd.s32 s20, s12;
	[dreg:$0x5] =	wrdreg s4  }
0xf: {  	s21 =	sshrl.u32 s7, $0x3;
	s24 =	sadd.s32 $0xA, s16;
	s11 =	sshll.u32 s25, $0x4  }
0x10: {  	s4 =	sadd.s32 s9, s22;
	s2 =	sadd.s32 s20, s2;
	s12 =	sadd.s32 $0x1E0, s7  }
0x11: {  	s18 =	smax.u32 s8, $0x1;
	s20 =	sadd.s32 s17, s6;
	s22 =	sadd.s32 $0x190, s7  }
0x12: {  	s6 =	sadd.s32 $0x9C590, s7;
	s8 =	sadd.s32 $0x9C540, s7;
	[dreg:$0x7] =	wrdreg s16  }
0x13: {  	s13 =	sadd.s32 $0x14, s16;
	s17 =	sadd.s32 $0x1E, s16;
	[dreg:$0x9] =	wrdreg s24  }
0x14: {  	s15 =	sadd.s32 s14, s21;
	s11 =	sadd.s32 s0, s11;
	[dreg:$0xe] =	wrdreg s18  }
0x15: {  	s4 =	sshrl.u32 s4, $0x3;
	s2 =	sshll.u32 s2, $0x4;
	[dreg:$0x10] =	wrdreg s20  }
0x16: {  	s21 =	sadd.s32 $0x230, s7;
	s9 =	sshrl.u32 s6, $0x3;
	[dreg:$0x18] =	wrdreg s13  }
0x17: {  	s10 =	sshrl.u32 s8, $0x3;
	[dreg:$0x1a] =	wrdreg s17;
	s8 =	simm.s32 $0x380  }
0x18: {  	s6 =	simm.s32 $0x400;
	s17 =	simm.s32 $0xB;
	[dreg:$0xb] =	wrdreg s11  }
0x19: {  	s13 =	simm.s32 $0x0;
	s23 =	sadd.s32 $0xA, s15;
	[dreg:$0x6] =	wrdreg s15  }
0x1a: {  	s26 =	sadd.s32 $0x14, s15;
	s11 =	sadd.s32 s14, s4;
	[dreg:$0x8] =	wrdreg s23  }
0x1b: {  	s4 =	sshrl.u32 s12, $0x3;
	s0 =	sadd.s32 s0, s2;
	[dreg:$0xa] =	wrdreg s26  }
0x1c: {  	s2 =	sshrl.u32 s22, $0x3;
	s12 =	sadd.s32 s10, s14;
	[dreg:$0xd] =	wrdreg s0  }
0x1d: {  	s18 =	sadd.s32 $0x9B0, s15;
	s20 =	sadd.s32 $0x9BA, s15;
	[dreg:$0x17] =	wrdreg s12  }
0x1e: {  	s10 =	simm.s32 $0xA;
	s19 =	sadd.s32 s4, s14;
	[dreg:$0x1b] =	wrdreg s18  }
0x1f: {  	s0 =	sshrl.u32 s21, $0x3;
	s23 =	sadd.s32 $0x9C5E0, s7;
	[dreg:$0x1d] =	wrdreg s20  }
0x20: {  	s24 =	sadd.s32 s2, s14;
	s26 =	sadd.s32 $0x140, s7;
	[dreg:$0xc] =	wrdreg s11  }
0x21: {  	s4 =	sadd.s32 $0x9C630, s7;
	s21 =	sadd.s32 $0x9BA, s16;
	[dreg:$0xf] =	wrdreg s19  }
0x22: {  	s22 =	sadd.s32 $0xA, s11;
	s2 =	simm.s32 $0x100;
	[dreg:$0x12] =	wrdreg s24  }
0x23: {  	s12 =	simm.s32 $0x180;
	s7 =	simm.s32 $0x3;
	[dreg:$0x13] =	wrdreg s26  }
0x24: {  	s20 =	simm.s32 $0xC;
	s18 =	simm.s32 $0x10;
	[dreg:$0x1e] =	wrdreg s21  }
0x25: {  	s0 =	sadd.s32 s0, s14;
	s25 =	sshrl.u32 s23, $0x3;
	[dreg:$0x1f] =	wrdreg s22  }
0x26: {  	s19 =	sadd.s32 $0x9B0, s16;
	s23 =	sadd.s32 $0x14, s11;
	[dreg:$0x11] =	wrdreg s0  }
0x27: {  	s24 =	sadd.s32 $0x1E, s11;
	s26 =	sadd.s32 $0x9BA, s11;
	[dreg:$0x1c] =	wrdreg s19  }
0x28: {  	s21 =	simm.s32 $0x300;
	s16 =	simm.s32 $0x50;
	[smem:$0x7FA] =	sst s23  }
0x29: {  	s22 =	simm.s32 $0x8;
	s0 =	sadd.s32 s25, s14;
	[smem:$0x7FB] =	sst s24  }
0x2a: {  	s25 =	sadd.s32 $0x9B0, s11;
	[smem:$0x7FD] =	sst s26;
	s11 =	simm.s32 $0x280  }
0x2b: {  	s19 =	simm.s32 $0x7;
	s23 =	simm.s32 $0xD;
	s24 =	simm.s32 $0xE  }
.Ltmp0:
0x2c: {  	[dreg:$0x14] =	wrdreg s0;
	s0 =	sshrl.u32 s4, $0x3;
	(pc) =	sbr.rel .LBB2_1-.Ltmp0, $4  }
0x2d: {  	[smem:$0x7FC] =	sst s25;
	s4 =	simm.s32 $0x6;
	s0 =	sadd.s32 s0, s14  }
0x2e: {  	s25 =	simm.s32 $0xF;
	[dreg:$0x15] =	wrdreg s0;
	s0 =	sadd.s32 s9, s14  }
0x2f: {  	s14 =	sadd.s32 $0x1E, s15;
	s15 =	simm.s32 $0x1;
	[dreg:$0x16] =	wrdreg s0  }
0x30: {  	s9 =	simm.s32 $0x4;
	[dreg:$0x19] =	wrdreg s14;
	s14 =	simm.s32 $0x2  }
.LBB2_7:
0x31: {  	_ =	swait.ge [sflag:s24], $0x2800  }
0x32: {  	[sflag:s24] =	ssyncset.done $0x0  }
0x33: {  	[sflag:s24] =	ssyncadd.s32 $0xFFFFD800  }
0x34: {  	_ =	swait.ge [sflag:s25], $0x2800  }
0x35: {  	[sflag:s25] =	ssyncset.done $0x0  }
0x36: {  	[sflag:s25] =	ssyncadd.s32 $0xFFFFD800  }
0x37: {  	_ =	swait.ge [sflag:s18], $0x2800  }
0x38: {  	s0 =	sld [smem:$0x7FC]  }
0x39: {  	[sflag:s18] =	ssyncset.done $0x0  }
0x3a: {  	[sflag:s18] =	ssyncadd.s32 $0xFFFFD800  }
0x3b: {  	[tilespmem:s3], [sflag:$0x1] =	stream.linear.gather [hbm4b:s0+s3], $0x50, $0x38;
	[tilespmem:$0x1DC80] =	vst v63  }
0x3c: {  	_ =	swait.ge [sflag:s15], $0x50  }
0x3d: {  	[sflag:s15] =	ssyncset.done $0x0  }
0x3e: {  	s12 =	simm.s32 $0x200;
	s11 =	rddreg [dreg:$0x1c];
	[sflag:s15] =	ssyncadd.s32 $0xFFFFFFB0  }
0x3f: {  	[tilespmem:s12], [sflag:$0x5] =	stream.linear.gather [hbm4b:s11+s3], $0x50, $0x38;
	[tilespmem:$0x1DC80] =	vst v63  }
0x40: {  	_ =	swait.ge [sflag:s31], $0x50  }
0x41: {  	[sflag:s31] =	ssyncset.done $0x0  }
0x42: {  	s6 =	simm.s32 $0x400;
	[sflag:s31] =	ssyncadd.s32 $0xFFFFFFB0  }
0x43: {  	[tilespmem:s6], [sflag:$0x9] =	stream.indirect.gather [hbm4b:s5+s16], $0x80, s3, s16, $0xb8;
	[tilespmem:$0x1DC80] =	vst v63  }
0x44: {  	_ =	swait.ge [sflag:s29], $0x2800  }
0x45: {  	[sflag:s29] =	ssyncset.done $0x0  }
0x46: {  	[sflag:s29] =	ssyncadd.s32 $0xFFFFD800  }
0x47: {  	[spmem:s1] =	stream.indirect.scatter.add.f32 [tilespmem:s6], [sflag:$0xD], $0x80, s12, s16, $0xb8;
	[tilespmem:$0x1DC80] =	vst v63  }
0x48: {  	_ =	swait.ge [sflag:s23], $0x2800  }
0x49: {  	s13 =	sld [smem:$0x7FD]  }
0x4a: {  	[sflag:s23] =	ssyncset.done $0x0  }
0x4b: {  	s26 =	simm.s32 $0x80;
	[sflag:s23] =	ssyncadd.s32 $0xFFFFD800  }
0x4c: {  	[tilespmem:s26], [sflag:$0x2] =	stream.linear.gather [hbm4b:s13+s3], $0x50, $0x38;
	[tilespmem:$0x1DC80] =	vst v63  }
0x4d: {  	_ =	swait.ge [sflag:s14], $0x50  }
0x4e: {  	[sflag:s14] =	ssyncset.done $0x0  }
0x4f: {  	s13 =	simm.s32 $0x280;
	s7 =	rddreg [dreg:$0x1e];
	[sflag:s14] =	ssyncadd.s32 $0xFFFFFFB0  }
0x50: {  	[tilespmem:s13], [sflag:$0x6] =	stream.linear.gather [hbm4b:s7+s3], $0x50, $0x38;
	[tilespmem:$0x1DC80] =	vst v63  }
0x51: {  	_ =	swait.ge [sflag:s4], $0x50  }
0x52: {  	[sflag:s4] =	ssyncset.done $0x0  }
0x53: {  	s8 =	simm.s32 $0x2C00;
	[sflag:s4] =	ssyncadd.s32 $0xFFFFFFB0  }
0x54: {  	[tilespmem:s8], [sflag:$0xA] =	stream.indirect.gather [hbm4b:s5+s16], $0x80, s26, s16, $0xb8;
	[tilespmem:$0x1DC80] =	vst v63  }
0x55: {  	_ =	swait.ge [sflag:s10], $0x2800  }
0x56: {  	[sflag:s10] =	ssyncset.done $0x0  }
0x57: {  	[sflag:s10] =	ssyncadd.s32 $0xFFFFD800  }
0x58: {  	[spmem:s1] =	stream.indirect.scatter.add.f32 [tilespmem:s8], [sflag:$0xE], $0x80, s13, s16, $0xb8;
	[tilespmem:$0x1DC80] =	vst v63  }
0x59: {  	_ =	swait.ge [sflag:s24], $0x2800  }
0x5a: {  	[sflag:s24] =	ssyncset.done $0x0  }
0x5b: {  	[sflag:s24] =	ssyncadd.s32 $0xFFFFD800  }
0x5c: {  	[bflag:$0x0] =	sbarrier.arrive $0xFFFF  }
0x5d: {  	s7 =	sld [smem:$0x7F8]  }
0x5e: {  	s8 =	sld [smem:$0x7F9];
	_ =	sdelay $0x1  }
0x5f: {  	s0 =	rddreg [dreg:$0xd]  }
0x60: {  	[hbm:s0], [sflag:s7] =	dma.local @!p0 [spmem:s8], $0x3E80  }
0x61: {  	s0 =	simm.s32 @!p0 $0x11  }
0x62: {  	_ =	swait.ge @!p0 [sflag:s0], $0x3E80  }
0x63: {  	s12 =	sld [smem:$0x7F7];
	_ =	sdelay $0x2  }
0x64: {  	s26 =	rddreg [dreg:$0xe];
	s13 =	sadd.s32 $0x1, s12  }
0x65: {  	p2 =	sne.s32 s13, s26  }
.Ltmp1:
0x66: {  	_ = 	snop;
	(pc) =	sbr.rel @!p2 .LBB2_8-.Ltmp1, $4  }
0x67: {  	[sflag:s0] =	ssyncset.done @!p0 $0x0  }
0x68: {  	s28 =	simm.s32 $0x200;
	[sflag:s0] =	ssyncadd.s32 @!p0 $0xFFFFC180  }
0x69: {  	s30 =	simm.s32 $0x80;
	s11 =	simm.s32 $0x280;
	[bflag:$0x0] =	sbarrier.arrive $0xFFFF  }
0x6a: {  	s8 =	simm.s32 $0x380;
	s7 =	simm.s32 $0x3;
	s12 =	simm.s32 $0x180  }
.LBB2_1:
0x6b: {  	s0 =	stileid.u32  }
0x6c: {  	[smem:$0x7F7] =	sst s13;
	s0 =	sshll.u32 @!p0 s0, $0x6  }
0x6d: {  	s13 =	sor.u32 @!p0 $0x1C11, s0;
	s0 =	rddreg [dreg:$0x5]  }
0x6e: {  	s26 =	sshrl.u32 @!p0 s0, $0x3;
	s0 =	rddreg [dreg:$0x4]  }
0x6f: {  	[smem:$0x7F8] =	sst s13  }
0x70: {  	[smem:$0x7F9] =	sst s26  }
0x71: {  	[spmem:s26], [sflag:s13] =	dma.local @!p0 [hbm:s0], $0x3E80  }
0x72: {  	s0 =	simm.s32 @!p0 $0x11  }
0x73: {  	_ =	swait.ge @!p0 [sflag:s0], $0x3E80  }
0x74: {  	[sflag:s0] =	ssyncset.done @!p0 $0x0  }
0x75: {  	[sflag:s0] =	ssyncadd.s32 @!p0 $0xFFFFC180  }
0x76: {  	[bflag:$0x0] =	sbarrier.arrive $0xFFFF  }
0x77: {  	s13 =	rddreg [dreg:$0x6]  }
0x78: {  	s26 =	rddreg [dreg:$0x7]  }
0x79: {  	[tilespmem:s3], [sflag:$0x1] =	stream.linear.gather [hbm4b:s13+s3], $0x50, $0x38;
	[tilespmem:$0x1DC80] =	vst v63  }
0x7a: {  	s0 =	rddreg [dreg:$0x13]  }
0x7b: {  	[tilespmem:s28], [sflag:$0x5] =	stream.linear.gather [hbm4b:s26+s3], $0x50, $0x38;
	[tilespmem:$0x1DC80] =	vst v63  }
0x7c: {  	s13 =	rddreg [dreg:$0x8]  }
0x7d: {  	[tilespmem:s30], [sflag:$0x2] =	stream.linear.gather [hbm4b:s13+s3], $0x50, $0x38;
	[tilespmem:$0x1DC80] =	vst v63  }
0x7e: {  	s26 =	rddreg [dreg:$0x9]  }
0x7f: {  	[tilespmem:s11], [sflag:$0x6] =	stream.linear.gather [hbm4b:s26+s3], $0x50, $0x38;
	[tilespmem:$0x1DC80] =	vst v63  }
0x80: {  	s13 =	rddreg [dreg:$0xa]  }
0x81: {  	[tilespmem:s2], [sflag:$0x3] =	stream.linear.gather [hbm4b:s13+s3], $0x50, $0x38;
	[tilespmem:$0x1DC80] =	vst v63  }
0x82: {  	s26 =	rddreg [dreg:$0x18]  }
0x83: {  	[tilespmem:s21], [sflag:$0x7] =	stream.linear.gather [hbm4b:s26+s3], $0x50, $0x38;
	[tilespmem:$0x1DC80] =	vst v63  }
0x84: {  	s13 =	rddreg [dreg:$0x19]  }
0x85: {  	[tilespmem:s12], [sflag:$0x4] =	stream.linear.gather [hbm4b:s13+s3], $0x50, $0x38;
	[tilespmem:$0x1DC80] =	vst v63  }
0x86: {  	s26 =	rddreg [dreg:$0x1a];
	s12 =	simm.s32 $0x0  }
0x87: {  	[tilespmem:s8], [sflag:$0x8] =	stream.linear.gather [hbm4b:s26+s3], $0x50, $0x38;
	[tilespmem:$0x1DC80] =	vst v63  }
.LBB2_2:
0x88: {  	_ =	swait.ge [sflag:s15], $0x50  }
0x89: {  	[sflag:s15] =	ssyncset.done $0x0  }
0x8a: {  	[sflag:s15] =	ssyncadd.s32 $0xFFFFFFB0  }
0x8b: {  	[tilespmem:s6], [sflag:$0x9] =	stream.indirect.gather [hbm4b:s5+s16], $0x80, s3, s16, $0xb8;
	[tilespmem:$0x1DC80] =	vst v63  }
0x8c: {  	_ =	swait.ge [sflag:s14], $0x50  }
0x8d: {  	[sflag:s14] =	ssyncset.done $0x0  }
0x8e: {  	s13 =	simm.s32 $0x2C00;
	[sflag:s14] =	ssyncadd.s32 $0xFFFFFFB0  }
0x8f: {  	[tilespmem:s13], [sflag:$0xA] =	stream.indirect.gather [hbm4b:s5+s16], $0x80, s30, s16, $0xb8;
	[tilespmem:$0x1DC80] =	vst v63  }
0x90: {  	_ =	swait.ge [sflag:s7], $0x50  }
0x91: {  	[sflag:s7] =	ssyncset.done $0x0  }
0x92: {  	s26 =	simm.s32 $0x5400;
	[sflag:s7] =	ssyncadd.s32 $0xFFFFFFB0  }
0x93: {  	[tilespmem:s26], [sflag:$0xB] =	stream.indirect.gather [hbm4b:s5+s16], $0x80, s2, s16, $0xb8;
	[tilespmem:$0x1DC80] =	vst v63  }
0x94: {  	_ =	swait.ge [sflag:s9], $0x50  }
0x95: {  	[sflag:s9] =	ssyncset.done $0x0  }
0x96: {  	s2 =	simm.s32 $0x7C00;
	[sflag:s9] =	ssyncadd.s32 $0xFFFFFFB0;
	s9 =	simm.s32 $0x180  }
0x97: {  	[tilespmem:s2], [sflag:$0xC] =	stream.indirect.gather [hbm4b:s5+s16], $0x80, s9, s16, $0xb8;
	[tilespmem:$0x1DC80] =	vst v63  }
0x98: {  	_ =	swait.ge [sflag:s29], $0x2800  }
0x99: {  	[sflag:s29] =	ssyncset.done $0x0  }
0x9a: {  	[sflag:s29] =	ssyncadd.s32 $0xFFFFD800  }
0x9b: {  	_ =	swait.ge [sflag:s31], $0x50  }
0x9c: {  	[sflag:s31] =	ssyncset.done $0x0  }
0x9d: {  	[sflag:s31] =	ssyncadd.s32 $0xFFFFFFB0  }
0x9e: {  	[spmem:s1] =	stream.indirect.scatter.add.f32 [tilespmem:s6], [sflag:$0xD], $0x80, s28, s16, $0xb8;
	[tilespmem:$0x1DC80] =	vst v63  }
0x9f: {  	_ =	swait.ge [sflag:s10], $0x2800  }
0xa0: {  	[sflag:s10] =	ssyncset.done $0x0  }
0xa1: {  	[sflag:s10] =	ssyncadd.s32 $0xFFFFD800  }
0xa2: {  	_ =	swait.ge [sflag:s4], $0x50  }
0xa3: {  	[sflag:s4] =	ssyncset.done $0x0  }
0xa4: {  	[sflag:s4] =	ssyncadd.s32 $0xFFFFFFB0  }
0xa5: {  	[spmem:s1] =	stream.indirect.scatter.add.f32 [tilespmem:s13], [sflag:$0xE], $0x80, s11, s16, $0xb8;
	[tilespmem:$0x1DC80] =	vst v63  }
0xa6: {  	_ =	swait.ge [sflag:s17], $0x2800  }
0xa7: {  	[sflag:s17] =	ssyncset.done $0x0  }
0xa8: {  	[sflag:s17] =	ssyncadd.s32 $0xFFFFD800  }
0xa9: {  	_ =	swait.ge [sflag:s19], $0x50  }
0xaa: {  	[sflag:s19] =	ssyncset.done $0x0  }
0xab: {  	[sflag:s19] =	ssyncadd.s32 $0xFFFFFFB0  }
0xac: {  	[spmem:s1] =	stream.indirect.scatter.add.f32 [tilespmem:s26], [sflag:$0xF], $0x80, s21, s16, $0xb8;
	[tilespmem:$0x1DC80] =	vst v63  }
0xad: {  	_ =	swait.ge [sflag:s20], $0x2800  }
0xae: {  	[sflag:s20] =	ssyncset.done $0x0  }
0xaf: {  	[sflag:s20] =	ssyncadd.s32 $0xFFFFD800  }
0xb0: {  	_ =	swait.ge [sflag:s22], $0x50  }
0xb1: {  	p2 =	seq.s32 s12, $0x988;
	[sflag:s22] =	ssyncset.done $0x0  }
.Ltmp2:
0xb2: {  	[sflag:s22] =	ssyncadd.s32 $0xFFFFFFB0;
	(pc) =	sbr.rel @p2 .LBB2_4-.Ltmp2, $4  }
0xb3: {  	[spmem:s1] =	stream.indirect.scatter.add.f32 [tilespmem:s2], [sflag:$0x10], $0x80, s8, s16, $0xb8;
	[tilespmem:$0x1DC80] =	vst v63  }
0xb4: {  	_ =	swait.ge [sflag:s23], $0x2800  }
0xb5: {  	[sflag:s23] =	ssyncset.done $0x0  }
0xb6: {  	s26 =	simm.s32 $0x300;
	s21 =	simm.s32 $0x100;
	[sflag:s23] =	ssyncadd.s32 $0xFFFFD800  }
0xb7: {  	s13 =	sshrl.u32 s0, $0x3;
	s2 =	rddreg [dreg:$0x3]  }
0xb8: {  	s13 =	sadd.s32 s2, s13  }
0xb9: {  	[tilespmem:s3], [sflag:$0x1] =	stream.linear.gather [hbm4b:s13+s3], $0x50, $0x38;
	[tilespmem:$0x1DC80] =	vst v63  }
0xba: {  	s13 =	rddreg [dreg:$0x10]  }
0xbb: {  	s13 =	sadd.s32 s12, s13  }
0xbc: {  	s2 =	sadd.s32 $0x28, s13  }
0xbd: {  	[tilespmem:s28], [sflag:$0x5] =	stream.linear.gather [hbm4b:s2+s3], $0x50, $0x38;
	[tilespmem:$0x1DC80] =	vst v63  }
0xbe: {  	_ =	swait.ge [sflag:s24], $0x2800  }
0xbf: {  	[sflag:s24] =	ssyncset.done $0x0;
	s9 =	rddreg [dreg:$0x12]  }
0xc0: {  	[sflag:s24] =	ssyncadd.s32 $0xFFFFD800;
	s2 =	sadd.s32 s12, s9  }
0xc1: {  	[tilespmem:s30], [sflag:$0x2] =	stream.linear.gather [hbm4b:s2+s3], $0x50, $0x38;
	[tilespmem:$0x1DC80] =	vst v63  }
0xc2: {  	s9 =	sadd.s32 $0x32, s13  }
0xc3: {  	[tilespmem:s11], [sflag:$0x6] =	stream.linear.gather [hbm4b:s9+s3], $0x50, $0x38;
	[tilespmem:$0x1DC80] =	vst v63  }
0xc4: {  	_ =	swait.ge [sflag:s25], $0x2800  }
0xc5: {  	[sflag:s25] =	ssyncset.done $0x0;
	s9 =	rddreg [dreg:$0xf]  }
0xc6: {  	[sflag:s25] =	ssyncadd.s32 $0xFFFFD800;
	s2 =	sadd.s32 s12, s9  }
0xc7: {  	[tilespmem:s21], [sflag:$0x3] =	stream.linear.gather [hbm4b:s2+s3], $0x50, $0x38;
	[tilespmem:$0x1DC80] =	vst v63  }
0xc8: {  	s0 =	sadd.s32 $0x140, s0;
	s21 =	sadd.s32 $0x3C, s13  }
0xc9: {  	[tilespmem:s26], [sflag:$0x7] =	stream.linear.gather [hbm4b:s21+s3], $0x50, $0x38;
	[tilespmem:$0x1DC80] =	vst v63  }
0xca: {  	s9 =	simm.s32 $0x180;
	s21 =	simm.s32 $0x300;
	_ =	swait.ge [sflag:s18], $0x2800  }
.Ltmp3:
0xcb: {  	[sflag:s18] =	ssyncset.done $0x0;
	s26 =	rddreg [dreg:$0x11];
	(pc) =	sbr.rel .LBB2_2-.Ltmp3, $4  }
0xcc: {  	[sflag:s18] =	ssyncadd.s32 $0xFFFFD800;
	s2 =	sadd.s32 s12, s26;
	s26 =	sadd.s32 $0x46, s13  }
0xcd: {  	[tilespmem:s9], [sflag:$0x4] =	stream.linear.gather [hbm4b:s2+s3], $0x50, $0x38;
	[tilespmem:$0x1DC80] =	vst v63  }
0xce: {  	s12 =	sadd.s32 $0x28, s12;
	s2 =	simm.s32 $0x100;
	s9 =	simm.s32 $0x4  }
0xcf: {  	[tilespmem:s8], [sflag:$0x8] =	stream.linear.gather [hbm4b:s26+s3], $0x50, $0x38;
	[tilespmem:$0x1DC80] =	vst v63  }
.LBB2_4:
0xd0: {  	_ =	swait.ge [sflag:s24], $0x2800  }
0xd1: {  	[sflag:s24] =	ssyncset.done $0x0  }
0xd2: {  	[sflag:s24] =	ssyncadd.s32 $0xFFFFD800  }
0xd3: {  	_ =	swait.ge [sflag:s25], $0x2800  }
0xd4: {  	[sflag:s25] =	ssyncset.done $0x0  }
0xd5: {  	[sflag:s25] =	ssyncadd.s32 $0xFFFFD800  }
0xd6: {  	_ =	swait.ge [sflag:s18], $0x2800  }
0xd7: {  	[sflag:s18] =	ssyncset.done $0x0  }
0xd8: {  	s0 =	rddreg [dreg:$0x1b];
	[sflag:s18] =	ssyncadd.s32 $0xFFFFD800  }
0xd9: {  	[tilespmem:s3], [sflag:$0x1] =	stream.linear.gather [hbm4b:s0+s3], $0x50, $0x38;
	[tilespmem:$0x1DC80] =	vst v63  }
0xda: {  	_ =	swait.ge [sflag:s15], $0x50  }
0xdb: {  	[sflag:s15] =	ssyncset.done $0x0  }
0xdc: {  	s9 =	simm.s32 $0x200;
	s13 =	rddreg [dreg:$0x1c];
	[sflag:s15] =	ssyncadd.s32 $0xFFFFFFB0  }
0xdd: {  	[tilespmem:s9], [sflag:$0x5] =	stream.linear.gather [hbm4b:s13+s3], $0x50, $0x38;
	[tilespmem:$0x1DC80] =	vst v63  }
0xde: {  	_ =	swait.ge [sflag:s31], $0x50  }
0xdf: {  	[sflag:s31] =	ssyncset.done $0x0  }
0xe0: {  	[sflag:s31] =	ssyncadd.s32 $0xFFFFFFB0  }
0xe1: {  	[tilespmem:s6], [sflag:$0x9] =	stream.indirect.gather [hbm4b:s5+s16], $0x80, s3, s16, $0xb8;
	[tilespmem:$0x1DC80] =	vst v63  }
0xe2: {  	_ =	swait.ge [sflag:s29], $0x2800  }
0xe3: {  	[sflag:s29] =	ssyncset.done $0x0  }
0xe4: {  	[sflag:s29] =	ssyncadd.s32 $0xFFFFD800  }
0xe5: {  	[spmem:s1] =	stream.indirect.scatter.add.f32 [tilespmem:s6], [sflag:$0xD], $0x80, s9, s16, $0xb8;
	[tilespmem:$0x1DC80] =	vst v63  }
0xe6: {  	_ =	swait.ge [sflag:s23], $0x2800  }
0xe7: {  	[sflag:s23] =	ssyncset.done $0x0  }
0xe8: {  	s11 =	simm.s32 $0x80;
	s2 =	rddreg [dreg:$0x1d];
	[sflag:s23] =	ssyncadd.s32 $0xFFFFD800  }
0xe9: {  	[tilespmem:s11], [sflag:$0x2] =	stream.linear.gather [hbm4b:s2+s3], $0x50, $0x38;
	[tilespmem:$0x1DC80] =	vst v63  }
0xea: {  	_ =	swait.ge [sflag:s14], $0x50  }
0xeb: {  	[sflag:s14] =	ssyncset.done $0x0  }
0xec: {  	s2 =	simm.s32 $0x280;
	s12 =	rddreg [dreg:$0x1e];
	[sflag:s14] =	ssyncadd.s32 $0xFFFFFFB0  }
0xed: {  	[tilespmem:s2], [sflag:$0x6] =	stream.linear.gather [hbm4b:s12+s3], $0x50, $0x38;
	[tilespmem:$0x1DC80] =	vst v63  }
0xee: {  	_ =	swait.ge [sflag:s4], $0x50  }
0xef: {  	[sflag:s4] =	ssyncset.done $0x0  }
0xf0: {  	s13 =	simm.s32 $0x2C00;
	[sflag:s4] =	ssyncadd.s32 $0xFFFFFFB0  }
0xf1: {  	[tilespmem:s13], [sflag:$0xA] =	stream.indirect.gather [hbm4b:s5+s16], $0x80, s11, s16, $0xb8;
	[tilespmem:$0x1DC80] =	vst v63  }
0xf2: {  	_ =	swait.ge [sflag:s10], $0x2800  }
0xf3: {  	[sflag:s10] =	ssyncset.done $0x0  }
0xf4: {  	[sflag:s10] =	ssyncadd.s32 $0xFFFFD800  }
0xf5: {  	[spmem:s1] =	stream.indirect.scatter.add.f32 [tilespmem:s13], [sflag:$0xE], $0x80, s2, s16, $0xb8;
	[tilespmem:$0x1DC80] =	vst v63  }
0xf6: {  	_ =	swait.ge [sflag:s24], $0x2800  }
0xf7: {  	[sflag:s24] =	ssyncset.done $0x0  }
0xf8: {  	[sflag:s24] =	ssyncadd.s32 $0xFFFFD800  }
0xf9: {  	s0 =	stileid.u32;
	[bflag:$0x0] =	sbarrier.arrive $0xFFFF  }
0xfa: {  	s0 =	sshll.u32 @p1 s0, $0x6;
	s2 =	rddreg [dreg:$0x5]  }
0xfb: {  	s0 =	sor.u32 @p1 $0x1C11, s0;
	s12 =	rddreg [dreg:$0xb];
	s2 =	sshrl.u32 @p1 s2, $0x3  }
0xfc: {  	[hbm:s12], [sflag:s0] =	dma.local @p1 [spmem:s2], $0x3E80  }
0xfd: {  	s12 =	simm.s32 @p1 $0x11  }
0xfe: {  	_ =	swait.ge @p1 [sflag:s12], $0x3E80  }
0xff: {  	[sflag:s12] =	ssyncset.done @p1 $0x0  }
0x100: {  	[sflag:s12] =	ssyncadd.s32 @p1 $0xFFFFC180  }
0x101: {  	[bflag:$0x0] =	sbarrier.arrive @p1 $0xFFFF  }
0x102: {  	s13 =	rddreg [dreg:$0x4]  }
0x103: {  	[spmem:s2], [sflag:s0] =	dma.local @p1 [hbm:s13], $0x3E80  }
0x104: {  	_ =	swait.ge @p1 [sflag:s12], $0x3E80  }
0x105: {  	[sflag:s12] =	ssyncset.done @p1 $0x0  }
0x106: {  	[sflag:s12] =	ssyncadd.s32 @p1 $0xFFFFC180  }
0x107: {  	[bflag:$0x0] =	sbarrier.arrive @!p1 $0xFFFF  }
0x108: {  	[bflag:$0x0] =	sbarrier.arrive $0xFFFF  }
0x109: {  	s0 =	simm.s32 $0x0;
	s12 =	rddreg [dreg:$0xc]  }
0x10a: {  	[tilespmem:s0], [sflag:$0x1] =	stream.linear.gather [hbm4b:s12+s0], $0x50, $0x38;
	[tilespmem:$0x1DC80] =	vst v63  }
0x10b: {  	s13 =	rddreg [dreg:$0x7]  }
0x10c: {  	[tilespmem:s9], [sflag:$0x5] =	stream.linear.gather [hbm4b:s13+s0], $0x50, $0x38;
	[tilespmem:$0x1DC80] =	vst v63  }
0x10d: {  	s9 =	rddreg [dreg:$0x1f]  }
0x10e: {  	[tilespmem:s11], [sflag:$0x2] =	stream.linear.gather [hbm4b:s9+s0], $0x50, $0x38;
	[tilespmem:$0x1DC80] =	vst v63  }
0x10f: {  	s12 =	rddreg [dreg:$0x9];
	s13 =	simm.s32 $0x280  }
0x110: {  	[tilespmem:s13], [sflag:$0x6] =	stream.linear.gather [hbm4b:s12+s0], $0x50, $0x38;
	[tilespmem:$0x1DC80] =	vst v63  }
0x111: {  	s12 =	sld [smem:$0x7FA];
	_ =	sdelay $0x1  }
0x112: {  	s9 =	sld [smem:$0x7FB]  }
0x113: {  	[tilespmem:s21], [sflag:$0x3] =	stream.linear.gather [hbm4b:s12+s0], $0x50, $0x38;
	[tilespmem:$0x1DC80] =	vst v63  }
0x114: {  	s13 =	rddreg [dreg:$0x18]  }
0x115: {  	[tilespmem:s26], [sflag:$0x7] =	stream.linear.gather [hbm4b:s13+s0], $0x50, $0x38;
	[tilespmem:$0x1DC80] =	vst v63  }
0x116: {  	s28 =	simm.s32 $0x200;
	s12 =	simm.s32 $0x180  }
0x117: {  	[tilespmem:s12], [sflag:$0x4] =	stream.linear.gather [hbm4b:s9+s0], $0x50, $0x38;
	[tilespmem:$0x1DC80] =	vst v63  }
0x118: {  	s30 =	simm.s32 $0x80;
	s2 =	simm.s32 $0x180;
	s13 =	rddreg [dreg:$0x1a]  }
0x119: {  	[tilespmem:s8], [sflag:$0x8] =	stream.linear.gather [hbm4b:s13+s0], $0x50, $0x38;
	[tilespmem:$0x1DC80] =	vst v63  }
0x11a: {  	s11 =	simm.s32 $0x280;
	s9 =	simm.s32 $0x4;
	s13 =	rddreg [dreg:$0x14]  }
.LBB2_5:
0x11b: {  	_ =	swait.ge [sflag:s15], $0x50  }
0x11c: {  	[sflag:s15] =	ssyncset.done $0x0  }
0x11d: {  	[sflag:s15] =	ssyncadd.s32 $0xFFFFFFB0  }
0x11e: {  	[tilespmem:s6], [sflag:$0x9] =	stream.indirect.gather [hbm4b:s5+s16], $0x80, s3, s16, $0xb8;
	[tilespmem:$0x1DC80] =	vst v63  }
0x11f: {  	_ =	swait.ge [sflag:s14], $0x50  }
0x120: {  	[sflag:s14] =	ssyncset.done $0x0  }
0x121: {  	s12 =	simm.s32 $0x2C00;
	[sflag:s14] =	ssyncadd.s32 $0xFFFFFFB0  }
0x122: {  	[tilespmem:s12], [sflag:$0xA] =	stream.indirect.gather [hbm4b:s5+s16], $0x80, s30, s16, $0xb8;
	[tilespmem:$0x1DC80] =	vst v63  }
0x123: {  	_ =	swait.ge [sflag:s7], $0x50  }
0x124: {  	[sflag:s7] =	ssyncset.done $0x0  }
0x125: {  	[sflag:s7] =	ssyncadd.s32 $0xFFFFFFB0;
	s7 =	simm.s32 $0x5400  }
0x126: {  	[tilespmem:s7], [sflag:$0xB] =	stream.indirect.gather [hbm4b:s5+s16], $0x80, s21, s16, $0xb8;
	[tilespmem:$0x1DC80] =	vst v63  }
0x127: {  	_ =	swait.ge [sflag:s9], $0x50  }
0x128: {  	[sflag:s9] =	ssyncset.done $0x0  }
0x129: {  	s21 =	simm.s32 $0x7C00;
	[sflag:s9] =	ssyncadd.s32 $0xFFFFFFB0  }
0x12a: {  	[tilespmem:s21], [sflag:$0xC] =	stream.indirect.gather [hbm4b:s5+s16], $0x80, s2, s16, $0xb8;
	[tilespmem:$0x1DC80] =	vst v63  }
0x12b: {  	_ =	swait.ge [sflag:s29], $0x2800  }
0x12c: {  	[sflag:s29] =	ssyncset.done $0x0  }
0x12d: {  	[sflag:s29] =	ssyncadd.s32 $0xFFFFD800  }
0x12e: {  	_ =	swait.ge [sflag:s31], $0x50  }
0x12f: {  	[sflag:s31] =	ssyncset.done $0x0  }
0x130: {  	[sflag:s31] =	ssyncadd.s32 $0xFFFFFFB0  }
0x131: {  	[spmem:s1] =	stream.indirect.scatter.add.f32 [tilespmem:s6], [sflag:$0xD], $0x80, s28, s16, $0xb8;
	[tilespmem:$0x1DC80] =	vst v63  }
0x132: {  	_ =	swait.ge [sflag:s10], $0x2800  }
0x133: {  	[sflag:s10] =	ssyncset.done $0x0  }
0x134: {  	[sflag:s10] =	ssyncadd.s32 $0xFFFFD800  }
0x135: {  	_ =	swait.ge [sflag:s4], $0x50  }
0x136: {  	[sflag:s4] =	ssyncset.done $0x0  }
0x137: {  	[sflag:s4] =	ssyncadd.s32 $0xFFFFFFB0  }
0x138: {  	[spmem:s1] =	stream.indirect.scatter.add.f32 [tilespmem:s12], [sflag:$0xE], $0x80, s11, s16, $0xb8;
	[tilespmem:$0x1DC80] =	vst v63  }
0x139: {  	_ =	swait.ge [sflag:s17], $0x2800  }
0x13a: {  	[sflag:s17] =	ssyncset.done $0x0  }
0x13b: {  	[sflag:s17] =	ssyncadd.s32 $0xFFFFD800  }
0x13c: {  	_ =	swait.ge [sflag:s19], $0x50  }
0x13d: {  	[sflag:s19] =	ssyncset.done $0x0  }
0x13e: {  	[sflag:s19] =	ssyncadd.s32 $0xFFFFFFB0  }
0x13f: {  	[spmem:s1] =	stream.indirect.scatter.add.f32 [tilespmem:s7], [sflag:$0xF], $0x80, s26, s16, $0xb8;
	[tilespmem:$0x1DC80] =	vst v63  }
0x140: {  	_ =	swait.ge [sflag:s20], $0x2800  }
0x141: {  	[sflag:s20] =	ssyncset.done $0x0  }
0x142: {  	[sflag:s20] =	ssyncadd.s32 $0xFFFFD800  }
0x143: {  	_ =	swait.ge [sflag:s22], $0x50  }
0x144: {  	p2 =	seq.s32 s0, $0x988;
	[sflag:s22] =	ssyncset.done $0x0  }
.Ltmp4:
0x145: {  	[sflag:s22] =	ssyncadd.s32 $0xFFFFFFB0;
	(pc) =	sbr.rel @p2 .LBB2_7-.Ltmp4, $4  }
0x146: {  	[spmem:s1] =	stream.indirect.scatter.add.f32 [tilespmem:s21], [sflag:$0x10], $0x80, s8, s16, $0xb8;
	[tilespmem:$0x1DC80] =	vst v63  }
0x147: {  	_ =	swait.ge [sflag:s23], $0x2800  }
0x148: {  	s2 =	simm.s32 $0x100;
	s6 =	simm.s32 $0x380;
	[sflag:s23] =	ssyncset.done $0x0  }
0x149: {  	s21 =	simm.s32 $0x300;
	s8 =	simm.s32 $0x180;
	[sflag:s23] =	ssyncadd.s32 $0xFFFFD800  }
0x14a: {  	s2 =	rddreg [dreg:$0x17]  }
0x14b: {  	s12 =	rddreg [dreg:$0x10];
	s2 =	sadd.s32 s0, s2  }
0x14c: {  	[tilespmem:s3], [sflag:$0x1] =	stream.linear.gather [hbm4b:s2+s3], $0x50, $0x38;
	[tilespmem:$0x1DC80] =	vst v63  }
0x14d: {  	s2 =	sadd.s32 s0, s12  }
0x14e: {  	s12 =	sadd.s32 $0x28, s2  }
0x14f: {  	[tilespmem:s28], [sflag:$0x5] =	stream.linear.gather [hbm4b:s12+s3], $0x50, $0x38;
	[tilespmem:$0x1DC80] =	vst v63  }
0x150: {  	_ =	swait.ge [sflag:s24], $0x2800  }
0x151: {  	[sflag:s24] =	ssyncset.done $0x0;
	s7 =	rddreg [dreg:$0x16]  }
0x152: {  	[sflag:s24] =	ssyncadd.s32 $0xFFFFD800;
	s12 =	sadd.s32 s0, s7  }
0x153: {  	[tilespmem:s30], [sflag:$0x2] =	stream.linear.gather [hbm4b:s12+s3], $0x50, $0x38;
	[tilespmem:$0x1DC80] =	vst v63  }
0x154: {  	s7 =	sadd.s32 $0x32, s2  }
0x155: {  	[tilespmem:s11], [sflag:$0x6] =	stream.linear.gather [hbm4b:s7+s3], $0x50, $0x38;
	[tilespmem:$0x1DC80] =	vst v63  }
0x156: {  	_ =	swait.ge [sflag:s25], $0x2800  }
0x157: {  	[sflag:s25] =	ssyncset.done $0x0  }
0x158: {  	s21 =	simm.s32 $0x100;
	s7 =	sadd.s32 s0, s13;
	[sflag:s25] =	ssyncadd.s32 $0xFFFFD800  }
0x159: {  	[tilespmem:s21], [sflag:$0x3] =	stream.linear.gather [hbm4b:s7+s3], $0x50, $0x38;
	[tilespmem:$0x1DC80] =	vst v63  }
0x15a: {  	s26 =	simm.s32 $0x300;
	s7 =	sadd.s32 $0x3C, s2  }
0x15b: {  	[tilespmem:s26], [sflag:$0x7] =	stream.linear.gather [hbm4b:s7+s3], $0x50, $0x38;
	[tilespmem:$0x1DC80] =	vst v63  }
0x15c: {  	_ =	swait.ge [sflag:s18], $0x2800  }
0x15d: {  	[sflag:s18] =	ssyncset.done $0x0;
	s7 =	rddreg [dreg:$0x15]  }
.Ltmp5:
0x15e: {  	[sflag:s18] =	ssyncadd.s32 $0xFFFFD800;
	s12 =	sadd.s32 s0, s7;
	(pc) =	sbr.rel .LBB2_5-.Ltmp5, $4  }
0x15f: {  	[tilespmem:s8], [sflag:$0x4] =	stream.linear.gather [hbm4b:s12+s3], $0x50, $0x38;
	[tilespmem:$0x1DC80] =	vst v63  }
0x160: {  	s2 =	sadd.s32 $0x46, s2;
	s0 =	sadd.s32 $0x28, s0;
	s7 =	simm.s32 $0x3  }
0x161: {  	[tilespmem:s6], [sflag:$0x8] =	stream.linear.gather [hbm4b:s2+s3], $0x50, $0x38;
	[tilespmem:$0x1DC80] =	vst v63  }
0x162: {  	s8 =	simm.s32 $0x380;
	s2 =	simm.s32 $0x180;
	s6 =	simm.s32 $0x400  }
.LBB2_8:
0x163: {  	_ =	sfence.sel $0x180000  }
0x164: {  	[bflag:$0x0] =	sbarrier.arrive $0xFFFF  }
0x165: {  	_ =	strace $0x9000004D  }
0x166: {  	s0 =	stileid.u32;
	[bflag:$0x2] =	sbarrier.arrive $0xFFFF  }
0x167: {  	p0 =	sne.s32 s0, $0x0;
	s0 =	rddreg [dreg:$0x2]  }
0x168: {  	s0 =	sadd.s32 @!p0 $0x100000, s0  }
0x169: {  	[sflag:s0] =	ssyncadd.tile.s32 @!p0 $0x1;
	_ =	shalt  }
.Lfunc_end2:
_tile_overlayer_lowered:
.L_overlay_start_2:
0x16a: {  	(tag) =	ssettag $0x2  }
0x16b: {  	s0 =	rddreg [dreg:$0x0];
	s2 =	stileid.u32  }
0x16c: {  	s1 =	rddreg [dreg:$0x1];
	p0 =	sne.s32 s2, $0x0  }
0x16d: {  	s3 =	rddreg [dreg:$0x2];
	[bflag:$0x3] =	sbarrier.arrive $0xFFFF;
	s2 =	simm.s32 @!p0 $0x1C11  }
0x16e: {  	[timem:s3], [sflag:s2] =	dma.local @!p0 [hbm:s0], s1  }
0x16f: {  	s0 =	simm.s32 @!p0 $0x11  }
0x170: {  	_ =	swait.ge @!p0 [sflag:s0], s1  }
0x171: {  	s1 =	ssub.s32 @!p0 $0x0, s1;
	[sflag:s0] =	ssyncset.done @!p0 $0x0  }
0x172: {  	[sflag:s0] =	ssyncadd.s32 @!p0 s1  }
0x173: {  	[bflag:$0x3] =	sbarrier.arrive $0xFFFF  }
0x174: {  	_ =	shalt  }

// kernel: kernel.19.cloned.1.call-start
scs
__scs_entry_jumppad:
0x0: {  	(pc) =	sbr.rel $0x88, $3  }
0x1: {  	(tag) =	ssettag $0x0;
	lr =	simm.s32 $0x1  }
0x2: {  	[smem:$0x3F8B] =	sst lr;
	_ =	strace $0xD0000000  }
0x3: {  	_ = 	snop  }
0x4: {  	_ = 	snop  }
0x5: {  	_ = 	snop  }
0x6: {  	_ = 	snop  }
0x7: {  	_ = 	snop  }
__scs_overlays_trampoline_lowered:
0x8: {  	[smem:$0x3F9A] =	sst s0  }
0x9: {  	[smem:$0x3F9B] =	sst s1  }
0xa: {  	[smem:$0x3F9C] =	sst s2  }
0xb: {  	[smem:$0x3F9D] =	sst s3  }
0xc: {  	[smem:$0x3F9E] =	sst s4  }
0xd: {  	[smem:$0x3F9F] =	sst s5  }
0xe: {  	[smem:$0x3FA0] =	sst s6  }
0xf: {  	[smem:$0x3FA1] =	sst s7  }
0x10: {  	[smem:$0x3FA2] =	sst s8  }
0x11: {  	[smem:$0x3FA3] =	sst s9;
	s0 =	simm.s32 @!p0 $0x0  }
0x12: {  	s1 =	sld [smem:$0x3F89];
	s0 =	simm.s32 @p0 $0x1  }
0x13: {  	[smem:$0x3FA4] =	sst s0;
	s0 =	simm.s32 @!p1 $0x0  }
0x14: {  	s2 =	sld [smem:$0x3F88];
	s0 =	simm.s32 @p1 $0x1  }
0x15: {  	[smem:$0x3FA5] =	sst s0;
	s0 =	simm.s32 @!p2 $0x0  }
0x16: {  	s3 =	sld [smem:$0x3FDB];
	s0 =	simm.s32 @p2 $0x1  }
0x17: {  	s4 =	simm.s32 $0x1BF5;
	[smem:$0x3FA7] =	sst s0  }
0x18: {  	s0 =	sld [smem:$0x3F8A];
	_ =	swait.ge [sflag:s4], $0x0  }
0x19: {  	s7 =	sld [smem:$0x3F8B]  }
0x1a: {  	s8 =	sadd.s32 $0xFFFFE003, lr  }
0x1b: {  	s9 =	sadd.s32 $0xFFFFFEF7, lr;
	s5 =	simm.s32 $0xFFFFFFFF;
	p2 =	slt.u32 s8, $0xFFFFF086  }
0x1c: {  	p1 =	slt.u32 s9, $0xF7A;
	s5 =	simm.s32 @!p2 $0x0  }
0x1d: {  	s5 =	simm.s32 @p1 $0x1;
	p0 =	seq.s32 s7, s2  }
0x1e: {  	s7 =	smul.u32 @!p0 $0xF7A, s2;
	p2 =	seq.s32 @!p0 s5, $0x0  }
0x1f: {  	s9 =	smul.u32 $0xF7A, s1;
	s8 =	simm.s32 @!p0 $0x1BF5;
	p2 =	por !p2, p0  }
0x20: {  	[sflag:s8] =	ssyncset.s32 @!p0 $0xFFFFF086;
	s6 =	sadd.s32 @!p0 s3, s7;
	s7 =	simm.s32 @!p0 $0x108  }
0x21: {  	s3 =	sadd.s32 s3, s9;
	s6 =	sadd.s32 @!p0 $0x88, s6;
	s7 =	simm.s32 @p2 $0x1082  }
0x22: {  	[simem:s7], [sflag:s8] =	dma.local @!p0 [hbm:s6], $0xF7A  }
0x23: {  	s9 =	sor.u32 $0xD0000000, s2;
	s6 =	simm.s32 $0x108;
	_ =	swait.ge @!p0 [sflag:s8], $0x0  }
0x24: {  	s3 =	sadd.s32 $0x88, s3;
	s6 =	simm.s32 @!p1 $0x1082;
	[sflag:s4] =	ssyncset.s32 $0xFFFFF086  }
0x25: {  	[simem:s6], [sflag:s4] =	dma.local [hbm:s3], $0xF7A  }
0x26: {  	[smem:$0x3F8B] =	sst s1;
	(tag) =	ssettag s2;
	_ =	strace s9  }
0x27: {  	s1 =	sld [smem:$0x3F9B]  }
0x28: {  	s2 =	sld [smem:$0x3F9C]  }
0x29: {  	s4 =	sld [smem:$0x3F9E]  }
0x2a: {  	p0 =	seq.s32 s5, $0x0;
	s5 =	sld [smem:$0x3F9F]  }
0x2b: {  	s6 =	sld [smem:$0x3FA0]  }
0x2c: {  	s7 =	sld [smem:$0x3FA1]  }
0x2d: {  	s3 =	simm.s32 $0x108;
	s8 =	sld [smem:$0x3FA2]  }
0x2e: {  	s3 =	simm.s32 @!p0 $0x1082;
	s9 =	sld [smem:$0x3FA3]  }
0x2f: {  	lr =	sadd.s32 s0, s3;
	s0 =	sld [smem:$0x3F9A]  }
0x30: {  	s3 =	sld [smem:$0x3F9D]  }
0x31: {  	[smem:$0x3FA6] =	sst s10  }
0x32: {  	s10 =	sld [smem:$0x3FA4];
	_ =	sdelay $0x3  }
0x33: {  	p0 =	seq.s32 s10, $0x1;
	s10 =	sld [smem:$0x3FA6];
	_ =	sdelay $0x3  }
0x34: {  	[smem:$0x3FA6] =	sst s10  }
0x35: {  	s10 =	sld [smem:$0x3FA5];
	_ =	sdelay $0x3  }
0x36: {  	p1 =	seq.s32 s10, $0x1;
	s10 =	sld [smem:$0x3FA6];
	_ =	sdelay $0x3  }
0x37: {  	[smem:$0x3FA6] =	sst s10  }
0x38: {  	s10 =	sld [smem:$0x3FA7]  }
0x39: {  	_ = 	snop;
	(pc) =	sbr.ind lr, $3  }
0x3a: {  	_ = 	snop  }
0x3b: {  	_ = 	snop  }
0x3c: {  	p2 =	seq.s32 s10, $0x1;
	s10 =	sld [smem:$0x3FA6]  }
0x3d: {  	_ =	shalt  }
0x3e: {  	_ =	shalt  }
0x3f: {  	_ =	shalt  }
0x40: {  	_ =	shalt  }
0x41: {  	_ =	shalt  }
0x42: {  	_ =	shalt  }
0x43: {  	_ =	shalt  }
0x44: {  	_ =	shalt  }
0x45: {  	_ =	shalt  }
0x46: {  	_ =	shalt  }
0x47: {  	_ =	shalt  }
0x48: {  	_ =	shalt  }
0x49: {  	_ =	shalt  }
0x4a: {  	_ =	shalt  }
0x4b: {  	_ =	shalt  }
0x4c: {  	_ =	shalt  }
0x4d: {  	_ =	shalt  }
0x4e: {  	_ =	shalt  }
0x4f: {  	_ =	shalt  }
0x50: {  	_ =	shalt  }
0x51: {  	_ =	shalt  }
0x52: {  	_ =	shalt  }
0x53: {  	_ =	shalt  }
0x54: {  	_ =	shalt  }
0x55: {  	_ =	shalt  }
0x56: {  	_ =	shalt  }
0x57: {  	_ =	shalt  }
0x58: {  	_ =	shalt  }
0x59: {  	_ =	shalt  }
0x5a: {  	_ =	shalt  }
0x5b: {  	_ =	shalt  }
0x5c: {  	_ =	shalt  }
0x5d: {  	_ =	shalt  }
0x5e: {  	_ =	shalt  }
0x5f: {  	_ =	shalt  }
0x60: {  	_ =	shalt  }
0x61: {  	_ =	shalt  }
0x62: {  	_ =	shalt  }
0x63: {  	_ =	shalt  }
0x64: {  	_ =	shalt  }
0x65: {  	_ =	shalt  }
0x66: {  	_ =	shalt  }
0x67: {  	_ =	shalt  }
0x68: {  	_ =	shalt  }
0x69: {  	_ =	shalt  }
0x6a: {  	_ =	shalt  }
0x6b: {  	_ =	shalt  }
0x6c: {  	_ =	shalt  }
0x6d: {  	_ =	shalt  }
0x6e: {  	_ =	shalt  }
0x6f: {  	_ =	shalt  }
0x70: {  	_ =	shalt  }
0x71: {  	_ =	shalt  }
0x72: {  	_ =	shalt  }
0x73: {  	_ =	shalt  }
0x74: {  	_ =	shalt  }
0x75: {  	_ =	shalt  }
0x76: {  	_ =	shalt  }
0x77: {  	_ =	shalt  }
0x78: {  	_ =	shalt  }
0x79: {  	_ =	shalt  }
0x7a: {  	_ =	shalt  }
0x7b: {  	_ =	shalt  }
0x7c: {  	_ =	shalt  }
0x7d: {  	_ =	shalt  }
0x7e: {  	_ =	shalt  }
0x7f: {  	_ =	shalt  }
0x80: {  	_ =	shalt  }
0x81: {  	_ =	shalt  }
0x82: {  	_ =	shalt  }
0x83: {  	_ =	shalt  }
0x84: {  	_ =	shalt  }
0x85: {  	_ =	shalt  }
0x86: {  	_ =	shalt  }
0x87: {  	_ =	shalt  }
.Lfunc_end0:
.L_simem_size_0:
called_computation.3_lowered:
.L_overlay_start_0:
0x88: {  	s2 =	sld [smem:$0x3FD9]  }
0x89: {  	s3 =	sld [smem:$0x3FFE];
	_ =	sdelay $0x1  }
0x8a: {  	s1 =	srdreg.scid  }
0x8b: {  	s0 =	sand.u32 $0x1, s1  }
0x8c: {  	s16 =	sshll.u32 s0, $0xA;
	s2 =	sadd.s32 s3, s2  }
0x8d: {  	s2 =	sadd.s32 s2, s16  }
0x8e: {  	[smem:$0x3FB2] =	sst s2  }
0x8f: {  	_ = 	snop  }
0x90: {  	(tm) =	ssettm $0x1  }
0x91: {  	s17 =	sld [smem:$0x3FFB];
	_ =	sdelay $0x3  }
0x92: {  	_ =	strace s17  }
0x93: {  	s2 =	sld [smem:$0x3FFC];
	_ =	sdelay $0x3  }
0x94: {  	_ =	strace s2  }
0x95: {  	s2 =	sld [smem:$0x3FFD];
	_ =	sdelay $0x3  }
0x96: {  	_ =	strace s2  }
0x97: {  	_ =	strace $0x8FFFFFFF  }
0x98: {  	s18 =	sld [smem:$0x3FDB];
	_ =	sdelay $0x1  }
0x99: {  	s19 =	simm.s32 $_scs_section_size  }
0x9a: {  	s4 =	simm.s32 $_size__tile_overlayer_lowered;
	s5 =	simm.s32 $_tile_overlayer_lowered  }
0x9b: {  	s22 =	simm.s32 $0x1BFF;
	s21 =	sshll.u32 s5, $0x1;
	s2 =	sadd.s32 s19, s18  }
0x9c: {  	s6 =	simm.s32 $0x0;
	s20 =	sshll.u32 s4, $0x1;
	s4 =	sadd.s32 s21, s2  }
0x9d: {  	[timem:s6], [sflag:s22] =	dma.local [hbm:s4], s20  }
0x9e: {  	_ =	swait.ge [sflag:s22], s20  }
0x9f: {  	s3 =	ssub.s32 $0x0, s20;
	[sflag:s22] =	ssyncset.done $0x0  }
0xa0: {  	[sflag:s22] =	ssyncadd.s32 s3;
	_ =	sdelay $0x1  }
0xa1: {  	s23 =	simm.s32 $0x1B8B  }
0xa2: {  	_ =	swait.ge [sflag:s23], $0x1  }
0xa3: {  	[sflag:s23] =	ssyncset.done $0x0  }
0xa4: {  	s25 =	simm.s32 $0x1B8E;
	s24 =	sld [smem:$0x3FFE];
	[sflag:s23] =	ssyncadd.s32 $0xFFFFFFFF  }
0xa5: {  	s26 =	simm.s32 $execute0_lowered;
	[smem:$0x3FD2] =	sst s25  }
0xa6: {  	s4 =	sshll.u32 s26, $0x1;
	_ =	strace $0x8000004F;
	[dreg:$0x1] =	wrdreg $0xFFFFFFFF  }
0xa7: {  	s28 =	simm.s32 $_size_execute0_lowered;
	s2 =	sadd.s32 s2, s4;
	[dreg:$0x0] =	wrdreg $0x0  }
0xa8: {  	s4 =	sshll.u32 s28, $0x1;
	[dreg:$0x2] =	wrdreg s2  }
0xa9: {  	[dreg:$0x3] =	wrdreg s4  }
0xaa: {  	[dreg:$0x4] =	wrdreg $0xC0  }
0xab: {  	_ =	task [dreg:s6], $0x5FFFF  }
0xac: {  	[dreg:$0x1] =	wrdreg $0xFFFFFFFF  }
0xad: {  	[dreg:$0x0] =	wrdreg $0x60  }
0xae: {  	[dreg:$0x2] =	wrdreg s24  }
0xaf: {  	[dreg:$0x3] =	wrdreg $0xA4000  }
0xb0: {  	[dreg:$0x4] =	wrdreg $0x9  }
0xb1: {  	_ =	task.clear_ibuf [dreg:s6], $0x5FFFF;
	_ =	strace $0x9000004F  }
0xb2: {  	s29 =	simm.s32 $0x9;
	_ =	strace $0x80000051  }
0xb3: {  	_ =	swait.ge [sflag:s29], $0x1  }
0xb4: {  	[sflag:s29] =	ssyncadd.s32 $0xFFFFFFFF  }
0xb5: {  	_ =	strace $0x90000051  }
0xb6: {  	_ =	sfence  }
0xb7: {  	s30 =	sld [smem:$0x0];
	_ =	sdelay $0x2  }
0xb8: {  	s31 =	sshll.u32 s1, $0xD;
	s1 =	sshrl.u32 s1, $0x2  }
0xb9: {  	s3 =	sand.u32 $0x4000, s31;
	s1 =	sadd.s32 s1, s30  }
0xba: {  	s0 =	sor.u32 s3, s0;
	s1 =	sshll.u32 s1, $0x11  }
0xbb: {  	s0 =	sor.u32 s1, s0  }
0xbc: {  	s0 =	sadd.s32 $0x8F2B, s0  }
0xbd: {  	[sflag:s0] =	ssyncadd.remote.s32 $0x1  }
0xbe: {  	_ =	sfence.sel $0xFFFF  }
0xbf: {  	[dreg:$0x0] =	wrdreg $0xFFFFFFFF;
	(pc) =	sbr.abs _section_cstart, $3  }
0xc0: {  	[dreg:$0x1] =	wrdreg $0xFFFFFFFF  }
0xc1: {  	_ =	task.clear_ibuf [dreg:s6], $0x2FFFF;
	_ =	strace $0x9FFFFFFF  }
0xc2: {  	(tm) =	ssettm $0x7FFFFFFF  }
0xc3: {  	_ =	shalt  }
tec
execute0_lowered:
.L_overlay_start_1:
0x0: {  	(tag) =	ssettag $0x1  }
0x1: {  	s0 =	rddreg [dreg:$0x0]  }
0x2: {  	s1 =	rddreg [dreg:$0x1];
	s3 =	simm.s32 $0x0;
	s2 =	srdreg.scid  }
0x3: {  	s13 =	stileid.u32;
	s28 =	simm.s32 $0x200;
	s30 =	simm.s32 $0x80  }
0x4: {  	s29 =	simm.s32 $0x9;
	s31 =	simm.s32 $0x5;
	[smem:$0x7FF] =	sst s3  }
0x5: {  	s2 =	sand.u32 $0x1, s2;
	s4 =	smul.u32 $0x7D000, s13;
	s14 =	sadd.s32 $0x11B200, s0  }
0x6: {  	s6 =	sadd.s32 $0xEE00, s0;
	s5 =	sadd.s32 $0x27AC00, s0;
	s9 =	smul.u32 $0x4E20, s13  }
0x7: {  	s10 =	sadd.s32 $0x18C00, s0;
	s0 =	sadd.s32 $0x142400, s0;
	s20 =	smul.u32 $0x3E8, s13  }
0x8: {  	s17 =	smul.u32 $0x9C4, s13;
	p0 =	sgt.u32 s13, $0x9;
	p1 =	slt.u32 s13, $0xA  }
0x9: {  	_ =	strace $0x80000050;
	s7 =	smul.u32 $0x4E200, s2;
	s8 =	ssub.s32 $0x2, s2  }
0xa: {  	[dreg:$0x4] =	wrdreg s10;
	s12 =	smul.u32 $0x2710, s2;
	s2 =	sor.u32 $0x2, s2  }
0xb: {  	[dreg:$0x3] =	wrdreg s14;
	s19 =	sshrl.u32 s8, $0x1;
	s22 =	smul.u32 $0x4E200, s2  }
0xc: {  	s4 =	sshrl.u32 s4, $0x2;
	s11 =	sshrl.u32 s9, $0x3;
	s2 =	smul.u32 $0x2710, s2  }
0xd: {  	s8 =	ssub.s32 s8, s19;
	s7 =	sadd.s32 s9, s7;
	s4 =	sadd.s32 s4, s1  }
0xe: {  	s16 =	sadd.s32 s6, s11;
	s25 =	sadd.s32 s20, s12;
	[dreg:$0x5] =	wrdreg s4  }
0xf: {  	s21 =	sshrl.u32 s7, $0x3;
	s24 =	sadd.s32 $0xA, s16;
	s11 =	sshll.u32 s25, $0x4  }
0x10: {  	s4 =	sadd.s32 s9, s22;
	s2 =	sadd.s32 s20, s2;
	s12 =	sadd.s32 $0x1E0, s7  }
0x11: {  	s18 =	smax.u32 s8, $0x1;
	s20 =	sadd.s32 s17, s6;
	s22 =	sadd.s32 $0x190, s7  }
0x12: {  	s6 =	sadd.s32 $0x9C590, s7;
	s8 =	sadd.s32 $0x9C540, s7;
	[dreg:$0x7] =	wrdreg s16  }
0x13: {  	s13 =	sadd.s32 $0x14, s16;
	s17 =	sadd.s32 $0x1E, s16;
	[dreg:$0x9] =	wrdreg s24  }
0x14: {  	s15 =	sadd.s32 s14, s21;
	s11 =	sadd.s32 s0, s11;
	[dreg:$0xe] =	wrdreg s18  }
0x15: {  	s4 =	sshrl.u32 s4, $0x3;
	s2 =	sshll.u32 s2, $0x4;
	[dreg:$0x10] =	wrdreg s20  }
0x16: {  	s21 =	sadd.s32 $0x230, s7;
	s9 =	sshrl.u32 s6, $0x3;
	[dreg:$0x18] =	wrdreg s13  }
0x17: {  	s10 =	sshrl.u32 s8, $0x3;
	[dreg:$0x1a] =	wrdreg s17;
	s8 =	simm.s32 $0x380  }
0x18: {  	s6 =	simm.s32 $0x400;
	s17 =	simm.s32 $0xB;
	[dreg:$0xb] =	wrdreg s11  }
0x19: {  	s13 =	simm.s32 $0x0;
	s23 =	sadd.s32 $0xA, s15;
	[dreg:$0x6] =	wrdreg s15  }
0x1a: {  	s26 =	sadd.s32 $0x14, s15;
	s11 =	sadd.s32 s14, s4;
	[dreg:$0x8] =	wrdreg s23  }
0x1b: {  	s4 =	sshrl.u32 s12, $0x3;
	s0 =	sadd.s32 s0, s2;
	[dreg:$0xa] =	wrdreg s26  }
0x1c: {  	s2 =	sshrl.u32 s22, $0x3;
	s12 =	sadd.s32 s10, s14;
	[dreg:$0xd] =	wrdreg s0  }
0x1d: {  	s18 =	sadd.s32 $0x9B0, s15;
	s20 =	sadd.s32 $0x9BA, s15;
	[dreg:$0x17] =	wrdreg s12  }
0x1e: {  	s10 =	simm.s32 $0xA;
	s19 =	sadd.s32 s4, s14;
	[dreg:$0x1b] =	wrdreg s18  }
0x1f: {  	s0 =	sshrl.u32 s21, $0x3;
	s23 =	sadd.s32 $0x9C5E0, s7;
	[dreg:$0x1d] =	wrdreg s20  }
0x20: {  	s24 =	sadd.s32 s2, s14;
	s26 =	sadd.s32 $0x140, s7;
	[dreg:$0xc] =	wrdreg s11  }
0x21: {  	s4 =	sadd.s32 $0x9C630, s7;
	s21 =	sadd.s32 $0x9BA, s16;
	[dreg:$0xf] =	wrdreg s19  }
0x22: {  	s22 =	sadd.s32 $0xA, s11;
	s2 =	simm.s32 $0x100;
	[dreg:$0x12] =	wrdreg s24  }
0x23: {  	s12 =	simm.s32 $0x180;
	s7 =	simm.s32 $0x3;
	[dreg:$0x13] =	wrdreg s26  }
0x24: {  	s20 =	simm.s32 $0xC;
	s18 =	simm.s32 $0x10;
	[dreg:$0x1e] =	wrdreg s21  }
0x25: {  	s0 =	sadd.s32 s0, s14;
	s25 =	sshrl.u32 s23, $0x3;
	[dreg:$0x1f] =	wrdreg s22  }
0x26: {  	s19 =	sadd.s32 $0x9B0, s16;
	s23 =	sadd.s32 $0x14, s11;
	[dreg:$0x11] =	wrdreg s0  }
0x27: {  	s24 =	sadd.s32 $0x1E, s11;
	s26 =	sadd.s32 $0x9BA, s11;
	[dreg:$0x1c] =	wrdreg s19  }
0x28: {  	s21 =	simm.s32 $0x300;
	s16 =	simm.s32 $0x50;
	[smem:$0x7FA] =	sst s23  }
0x29: {  	s22 =	simm.s32 $0x8;
	s0 =	sadd.s32 s25, s14;
	[smem:$0x7FB] =	sst s24  }
0x2a: {  	s25 =	sadd.s32 $0x9B0, s11;
	[smem:$0x7FD] =	sst s26;
	s11 =	simm.s32 $0x280  }
0x2b: {  	s19 =	simm.s32 $0x7;
	s23 =	simm.s32 $0xD;
	s24 =	simm.s32 $0xE  }
.Ltmp0:
0x2c: {  	[dreg:$0x14] =	wrdreg s0;
	s0 =	sshrl.u32 s4, $0x3;
	(pc) =	sbr.rel .LBB2_1-.Ltmp0, $4  }
0x2d: {  	[smem:$0x7FC] =	sst s25;
	s4 =	simm.s32 $0x6;
	s0 =	sadd.s32 s0, s14  }
0x2e: {  	s25 =	simm.s32 $0xF;
	[dreg:$0x15] =	wrdreg s0;
	s0 =	sadd.s32 s9, s14  }
0x2f: {  	s14 =	sadd.s32 $0x1E, s15;
	s15 =	simm.s32 $0x1;
	[dreg:$0x16] =	wrdreg s0  }
0x30: {  	s9 =	simm.s32 $0x4;
	[dreg:$0x19] =	wrdreg s14;
	s14 =	simm.s32 $0x2  }
.LBB2_7:
0x31: {  	_ =	swait.ge [sflag:s24], $0x2800  }
0x32: {  	[sflag:s24] =	ssyncset.done $0x0  }
0x33: {  	[sflag:s24] =	ssyncadd.s32 $0xFFFFD800  }
0x34: {  	_ =	swait.ge [sflag:s25], $0x2800  }
0x35: {  	[sflag:s25] =	ssyncset.done $0x0  }
0x36: {  	[sflag:s25] =	ssyncadd.s32 $0xFFFFD800  }
0x37: {  	_ =	swait.ge [sflag:s18], $0x2800  }
0x38: {  	s0 =	sld [smem:$0x7FC]  }
0x39: {  	[sflag:s18] =	ssyncset.done $0x0  }
0x3a: {  	[sflag:s18] =	ssyncadd.s32 $0xFFFFD800  }
0x3b: {  	[tilespmem:s3], [sflag:$0x1] =	stream.linear.gather [hbm4b:s0+s3], $0x50, $0x38;
	[tilespmem:$0x1DC80] =	vst v63  }
0x3c: {  	_ =	swait.ge [sflag:s15], $0x50  }
0x3d: {  	[sflag:s15] =	ssyncset.done $0x0  }
0x3e: {  	s12 =	simm.s32 $0x200;
	s11 =	rddreg [dreg:$0x1c];
	[sflag:s15] =	ssyncadd.s32 $0xFFFFFFB0  }
0x3f: {  	[tilespmem:s12], [sflag:$0x5] =	stream.linear.gather [hbm4b:s11+s3], $0x50, $0x38;
	[tilespmem:$0x1DC80] =	vst v63  }
0x40: {  	_ =	swait.ge [sflag:s31], $0x50  }
0x41: {  	[sflag:s31] =	ssyncset.done $0x0  }
0x42: {  	s6 =	simm.s32 $0x400;
	[sflag:s31] =	ssyncadd.s32 $0xFFFFFFB0  }
0x43: {  	[tilespmem:s6], [sflag:$0x9] =	stream.indirect.gather [hbm4b:s5+s16], $0x80, s3, s16, $0xb8;
	[tilespmem:$0x1DC80] =	vst v63  }
0x44: {  	_ =	swait.ge [sflag:s29], $0x2800  }
0x45: {  	[sflag:s29] =	ssyncset.done $0x0  }
0x46: {  	[sflag:s29] =	ssyncadd.s32 $0xFFFFD800  }
0x47: {  	[spmem:s1] =	stream.indirect.scatter.add.f32 [tilespmem:s6], [sflag:$0xD], $0x80, s12, s16, $0xb8;
	[tilespmem:$0x1DC80] =	vst v63  }
0x48: {  	_ =	swait.ge [sflag:s23], $0x2800  }
0x49: {  	s13 =	sld [smem:$0x7FD]  }
0x4a: {  	[sflag:s23] =	ssyncset.done $0x0  }
0x4b: {  	s26 =	simm.s32 $0x80;
	[sflag:s23] =	ssyncadd.s32 $0xFFFFD800  }
0x4c: {  	[tilespmem:s26], [sflag:$0x2] =	stream.linear.gather [hbm4b:s13+s3], $0x50, $0x38;
	[tilespmem:$0x1DC80] =	vst v63  }
0x4d: {  	_ =	swait.ge [sflag:s14], $0x50  }
0x4e: {  	[sflag:s14] =	ssyncset.done $0x0  }
0x4f: {  	s13 =	simm.s32 $0x280;
	s7 =	rddreg [dreg:$0x1e];
	[sflag:s14] =	ssyncadd.s32 $0xFFFFFFB0  }
0x50: {  	[tilespmem:s13], [sflag:$0x6] =	stream.linear.gather [hbm4b:s7+s3], $0x50, $0x38;
	[tilespmem:$0x1DC80] =	vst v63  }
0x51: {  	_ =	swait.ge [sflag:s4], $0x50  }
0x52: {  	[sflag:s4] =	ssyncset.done $0x0  }
0x53: {  	s8 =	simm.s32 $0x2C00;
	[sflag:s4] =	ssyncadd.s32 $0xFFFFFFB0  }
0x54: {  	[tilespmem:s8], [sflag:$0xA] =	stream.indirect.gather [hbm4b:s5+s16], $0x80, s26, s16, $0xb8;
	[tilespmem:$0x1DC80] =	vst v63  }
0x55: {  	_ =	swait.ge [sflag:s10], $0x2800  }
0x56: {  	[sflag:s10] =	ssyncset.done $0x0  }
0x57: {  	[sflag:s10] =	ssyncadd.s32 $0xFFFFD800  }
0x58: {  	[spmem:s1] =	stream.indirect.scatter.add.f32 [tilespmem:s8], [sflag:$0xE], $0x80, s13, s16, $0xb8;
	[tilespmem:$0x1DC80] =	vst v63  }
0x59: {  	_ =	swait.ge [sflag:s24], $0x2800  }
0x5a: {  	[sflag:s24] =	ssyncset.done $0x0  }
0x5b: {  	[sflag:s24] =	ssyncadd.s32 $0xFFFFD800  }
0x5c: {  	[bflag:$0x0] =	sbarrier.arrive $0xFFFF  }
0x5d: {  	s7 =	sld [smem:$0x7F8]  }
0x5e: {  	s8 =	sld [smem:$0x7F9];
	_ =	sdelay $0x1  }
0x5f: {  	s0 =	rddreg [dreg:$0xd]  }
0x60: {  	[hbm:s0], [sflag:s7] =	dma.local @!p0 [spmem:s8], $0x3E80  }
0x61: {  	s0 =	simm.s32 @!p0 $0x11  }
0x62: {  	_ =	swait.ge @!p0 [sflag:s0], $0x3E80  }
0x63: {  	s12 =	sld [smem:$0x7F7];
	_ =	sdelay $0x2  }
0x64: {  	s26 =	rddreg [dreg:$0xe];
	s13 =	sadd.s32 $0x1, s12  }
0x65: {  	p2 =	sne.s32 s13, s26  }
.Ltmp1:
0x66: {  	_ = 	snop;
	(pc) =	sbr.rel @!p2 .LBB2_8-.Ltmp1, $4  }
0x67: {  	[sflag:s0] =	ssyncset.done @!p0 $0x0  }
0x68: {  	s28 =	simm.s32 $0x200;
	[sflag:s0] =	ssyncadd.s32 @!p0 $0xFFFFC180  }
0x69: {  	s30 =	simm.s32 $0x80;
	s11 =	simm.s32 $0x280;
	[bflag:$0x0] =	sbarrier.arrive $0xFFFF  }
0x6a: {  	s8 =	simm.s32 $0x380;
	s7 =	simm.s32 $0x3;
	s12 =	simm.s32 $0x180  }
.LBB2_1:
0x6b: {  	s0 =	stileid.u32  }
0x6c: {  	[smem:$0x7F7] =	sst s13;
	s0 =	sshll.u32 @!p0 s0, $0x6  }
0x6d: {  	s13 =	sor.u32 @!p0 $0x1C11, s0;
	s0 =	rddreg [dreg:$0x5]  }
0x6e: {  	s26 =	sshrl.u32 @!p0 s0, $0x3;
	s0 =	rddreg [dreg:$0x4]  }
0x6f: {  	[smem:$0x7F8] =	sst s13  }
0x70: {  	[smem:$0x7F9] =	sst s26  }
0x71: {  	[spmem:s26], [sflag:s13] =	dma.local @!p0 [hbm:s0], $0x3E80  }
0x72: {  	s0 =	simm.s32 @!p0 $0x11  }
0x73: {  	_ =	swait.ge @!p0 [sflag:s0], $0x3E80  }
0x74: {  	[sflag:s0] =	ssyncset.done @!p0 $0x0  }
0x75: {  	[sflag:s0] =	ssyncadd.s32 @!p0 $0xFFFFC180  }
0x76: {  	[bflag:$0x0] =	sbarrier.arrive $0xFFFF  }
0x77: {  	s13 =	rddreg [dreg:$0x6]  }
0x78: {  	s26 =	rddreg [dreg:$0x7]  }
0x79: {  	[tilespmem:s3], [sflag:$0x1] =	stream.linear.gather [hbm4b:s13+s3], $0x50, $0x38;
	[tilespmem:$0x1DC80] =	vst v63  }
0x7a: {  	s0 =	rddreg [dreg:$0x13]  }
0x7b: {  	[tilespmem:s28], [sflag:$0x5] =	stream.linear.gather [hbm4b:s26+s3], $0x50, $0x38;
	[tilespmem:$0x1DC80] =	vst v63  }
0x7c: {  	s13 =	rddreg [dreg:$0x8]  }
0x7d: {  	[tilespmem:s30], [sflag:$0x2] =	stream.linear.gather [hbm4b:s13+s3], $0x50, $0x38;
	[tilespmem:$0x1DC80] =	vst v63  }
0x7e: {  	s26 =	rddreg [dreg:$0x9]  }
0x7f: {  	[tilespmem:s11], [sflag:$0x6] =	stream.linear.gather [hbm4b:s26+s3], $0x50, $0x38;
	[tilespmem:$0x1DC80] =	vst v63  }
0x80: {  	s13 =	rddreg [dreg:$0xa]  }
0x81: {  	[tilespmem:s2], [sflag:$0x3] =	stream.linear.gather [hbm4b:s13+s3], $0x50, $0x38;
	[tilespmem:$0x1DC80] =	vst v63  }
0x82: {  	s26 =	rddreg [dreg:$0x18]  }
0x83: {  	[tilespmem:s21], [sflag:$0x7] =	stream.linear.gather [hbm4b:s26+s3], $0x50, $0x38;
	[tilespmem:$0x1DC80] =	vst v63  }
0x84: {  	s13 =	rddreg [dreg:$0x19]  }
0x85: {  	[tilespmem:s12], [sflag:$0x4] =	stream.linear.gather [hbm4b:s13+s3], $0x50, $0x38;
	[tilespmem:$0x1DC80] =	vst v63  }
0x86: {  	s26 =	rddreg [dreg:$0x1a];
	s12 =	simm.s32 $0x0  }
0x87: {  	[tilespmem:s8], [sflag:$0x8] =	stream.linear.gather [hbm4b:s26+s3], $0x50, $0x38;
	[tilespmem:$0x1DC80] =	vst v63  }
.LBB2_2:
0x88: {  	_ =	swait.ge [sflag:s15], $0x50  }
0x89: {  	[sflag:s15] =	ssyncset.done $0x0  }
0x8a: {  	[sflag:s15] =	ssyncadd.s32 $0xFFFFFFB0  }
0x8b: {  	[tilespmem:s6], [sflag:$0x9] =	stream.indirect.gather [hbm4b:s5+s16], $0x80, s3, s16, $0xb8;
	[tilespmem:$0x1DC80] =	vst v63  }
0x8c: {  	_ =	swait.ge [sflag:s14], $0x50  }
0x8d: {  	[sflag:s14] =	ssyncset.done $0x0  }
0x8e: {  	s13 =	simm.s32 $0x2C00;
	[sflag:s14] =	ssyncadd.s32 $0xFFFFFFB0  }
0x8f: {  	[tilespmem:s13], [sflag:$0xA] =	stream.indirect.gather [hbm4b:s5+s16], $0x80, s30, s16, $0xb8;
	[tilespmem:$0x1DC80] =	vst v63  }
0x90: {  	_ =	swait.ge [sflag:s7], $0x50  }
0x91: {  	[sflag:s7] =	ssyncset.done $0x0  }
0x92: {  	s26 =	simm.s32 $0x5400;
	[sflag:s7] =	ssyncadd.s32 $0xFFFFFFB0  }
0x93: {  	[tilespmem:s26], [sflag:$0xB] =	stream.indirect.gather [hbm4b:s5+s16], $0x80, s2, s16, $0xb8;
	[tilespmem:$0x1DC80] =	vst v63  }
0x94: {  	_ =	swait.ge [sflag:s9], $0x50  }
0x95: {  	[sflag:s9] =	ssyncset.done $0x0  }
0x96: {  	s2 =	simm.s32 $0x7C00;
	[sflag:s9] =	ssyncadd.s32 $0xFFFFFFB0;
	s9 =	simm.s32 $0x180  }
0x97: {  	[tilespmem:s2], [sflag:$0xC] =	stream.indirect.gather [hbm4b:s5+s16], $0x80, s9, s16, $0xb8;
	[tilespmem:$0x1DC80] =	vst v63  }
0x98: {  	_ =	swait.ge [sflag:s29], $0x2800  }
0x99: {  	[sflag:s29] =	ssyncset.done $0x0  }
0x9a: {  	[sflag:s29] =	ssyncadd.s32 $0xFFFFD800  }
0x9b: {  	_ =	swait.ge [sflag:s31], $0x50  }
0x9c: {  	[sflag:s31] =	ssyncset.done $0x0  }
0x9d: {  	[sflag:s31] =	ssyncadd.s32 $0xFFFFFFB0  }
0x9e: {  	[spmem:s1] =	stream.indirect.scatter.add.f32 [tilespmem:s6], [sflag:$0xD], $0x80, s28, s16, $0xb8;
	[tilespmem:$0x1DC80] =	vst v63  }
0x9f: {  	_ =	swait.ge [sflag:s10], $0x2800  }
0xa0: {  	[sflag:s10] =	ssyncset.done $0x0  }
0xa1: {  	[sflag:s10] =	ssyncadd.s32 $0xFFFFD800  }
0xa2: {  	_ =	swait.ge [sflag:s4], $0x50  }
0xa3: {  	[sflag:s4] =	ssyncset.done $0x0  }
0xa4: {  	[sflag:s4] =	ssyncadd.s32 $0xFFFFFFB0  }
0xa5: {  	[spmem:s1] =	stream.indirect.scatter.add.f32 [tilespmem:s13], [sflag:$0xE], $0x80, s11, s16, $0xb8;
	[tilespmem:$0x1DC80] =	vst v63  }
0xa6: {  	_ =	swait.ge [sflag:s17], $0x2800  }
0xa7: {  	[sflag:s17] =	ssyncset.done $0x0  }
0xa8: {  	[sflag:s17] =	ssyncadd.s32 $0xFFFFD800  }
0xa9: {  	_ =	swait.ge [sflag:s19], $0x50  }
0xaa: {  	[sflag:s19] =	ssyncset.done $0x0  }
0xab: {  	[sflag:s19] =	ssyncadd.s32 $0xFFFFFFB0  }
0xac: {  	[spmem:s1] =	stream.indirect.scatter.add.f32 [tilespmem:s26], [sflag:$0xF], $0x80, s21, s16, $0xb8;
	[tilespmem:$0x1DC80] =	vst v63  }
0xad: {  	_ =	swait.ge [sflag:s20], $0x2800  }
0xae: {  	[sflag:s20] =	ssyncset.done $0x0  }
0xaf: {  	[sflag:s20] =	ssyncadd.s32 $0xFFFFD800  }
0xb0: {  	_ =	swait.ge [sflag:s22], $0x50  }
0xb1: {  	p2 =	seq.s32 s12, $0x988;
	[sflag:s22] =	ssyncset.done $0x0  }
.Ltmp2:
0xb2: {  	[sflag:s22] =	ssyncadd.s32 $0xFFFFFFB0;
	(pc) =	sbr.rel @p2 .LBB2_4-.Ltmp2, $4  }
0xb3: {  	[spmem:s1] =	stream.indirect.scatter.add.f32 [tilespmem:s2], [sflag:$0x10], $0x80, s8, s16, $0xb8;
	[tilespmem:$0x1DC80] =	vst v63  }
0xb4: {  	_ =	swait.ge [sflag:s23], $0x2800  }
0xb5: {  	[sflag:s23] =	ssyncset.done $0x0  }
0xb6: {  	s26 =	simm.s32 $0x300;
	s21 =	simm.s32 $0x100;
	[sflag:s23] =	ssyncadd.s32 $0xFFFFD800  }
0xb7: {  	s13 =	sshrl.u32 s0, $0x3;
	s2 =	rddreg [dreg:$0x3]  }
0xb8: {  	s13 =	sadd.s32 s2, s13  }
0xb9: {  	[tilespmem:s3], [sflag:$0x1] =	stream.linear.gather [hbm4b:s13+s3], $0x50, $0x38;
	[tilespmem:$0x1DC80] =	vst v63  }
0xba: {  	s13 =	rddreg [dreg:$0x10]  }
0xbb: {  	s13 =	sadd.s32 s12, s13  }
0xbc: {  	s2 =	sadd.s32 $0x28, s13  }
0xbd: {  	[tilespmem:s28], [sflag:$0x5] =	stream.linear.gather [hbm4b:s2+s3], $0x50, $0x38;
	[tilespmem:$0x1DC80] =	vst v63  }
0xbe: {  	_ =	swait.ge [sflag:s24], $0x2800  }
0xbf: {  	[sflag:s24] =	ssyncset.done $0x0;
	s9 =	rddreg [dreg:$0x12]  }
0xc0: {  	[sflag:s24] =	ssyncadd.s32 $0xFFFFD800;
	s2 =	sadd.s32 s12, s9  }
0xc1: {  	[tilespmem:s30], [sflag:$0x2] =	stream.linear.gather [hbm4b:s2+s3], $0x50, $0x38;
	[tilespmem:$0x1DC80] =	vst v63  }
0xc2: {  	s9 =	sadd.s32 $0x32, s13  }
0xc3: {  	[tilespmem:s11], [sflag:$0x6] =	stream.linear.gather [hbm4b:s9+s3], $0x50, $0x38;
	[tilespmem:$0x1DC80] =	vst v63  }
0xc4: {  	_ =	swait.ge [sflag:s25], $0x2800  }
0xc5: {  	[sflag:s25] =	ssyncset.done $0x0;
	s9 =	rddreg [dreg:$0xf]  }
0xc6: {  	[sflag:s25] =	ssyncadd.s32 $0xFFFFD800;
	s2 =	sadd.s32 s12, s9  }
0xc7: {  	[tilespmem:s21], [sflag:$0x3] =	stream.linear.gather [hbm4b:s2+s3], $0x50, $0x38;
	[tilespmem:$0x1DC80] =	vst v63  }
0xc8: {  	s0 =	sadd.s32 $0x140, s0;
	s21 =	sadd.s32 $0x3C, s13  }
0xc9: {  	[tilespmem:s26], [sflag:$0x7] =	stream.linear.gather [hbm4b:s21+s3], $0x50, $0x38;
	[tilespmem:$0x1DC80] =	vst v63  }
0xca: {  	s9 =	simm.s32 $0x180;
	s21 =	simm.s32 $0x300;
	_ =	swait.ge [sflag:s18], $0x2800  }
.Ltmp3:
0xcb: {  	[sflag:s18] =	ssyncset.done $0x0;
	s26 =	rddreg [dreg:$0x11];
	(pc) =	sbr.rel .LBB2_2-.Ltmp3, $4  }
0xcc: {  	[sflag:s18] =	ssyncadd.s32 $0xFFFFD800;
	s2 =	sadd.s32 s12, s26;
	s26 =	sadd.s32 $0x46, s13  }
0xcd: {  	[tilespmem:s9], [sflag:$0x4] =	stream.linear.gather [hbm4b:s2+s3], $0x50, $0x38;
	[tilespmem:$0x1DC80] =	vst v63  }
0xce: {  	s12 =	sadd.s32 $0x28, s12;
	s2 =	simm.s32 $0x100;
	s9 =	simm.s32 $0x4  }
0xcf: {  	[tilespmem:s8], [sflag:$0x8] =	stream.linear.gather [hbm4b:s26+s3], $0x50, $0x38;
	[tilespmem:$0x1DC80] =	vst v63  }
.LBB2_4:
0xd0: {  	_ =	swait.ge [sflag:s24], $0x2800  }
0xd1: {  	[sflag:s24] =	ssyncset.done $0x0  }
0xd2: {  	[sflag:s24] =	ssyncadd.s32 $0xFFFFD800  }
0xd3: {  	_ =	swait.ge [sflag:s25], $0x2800  }
0xd4: {  	[sflag:s25] =	ssyncset.done $0x0  }
0xd5: {  	[sflag:s25] =	ssyncadd.s32 $0xFFFFD800  }
0xd6: {  	_ =	swait.ge [sflag:s18], $0x2800  }
0xd7: {  	[sflag:s18] =	ssyncset.done $0x0  }
0xd8: {  	s0 =	rddreg [dreg:$0x1b];
	[sflag:s18] =	ssyncadd.s32 $0xFFFFD800  }
0xd9: {  	[tilespmem:s3], [sflag:$0x1] =	stream.linear.gather [hbm4b:s0+s3], $0x50, $0x38;
	[tilespmem:$0x1DC80] =	vst v63  }
0xda: {  	_ =	swait.ge [sflag:s15], $0x50  }
0xdb: {  	[sflag:s15] =	ssyncset.done $0x0  }
0xdc: {  	s9 =	simm.s32 $0x200;
	s13 =	rddreg [dreg:$0x1c];
	[sflag:s15] =	ssyncadd.s32 $0xFFFFFFB0  }
0xdd: {  	[tilespmem:s9], [sflag:$0x5] =	stream.linear.gather [hbm4b:s13+s3], $0x50, $0x38;
	[tilespmem:$0x1DC80] =	vst v63  }
0xde: {  	_ =	swait.ge [sflag:s31], $0x50  }
0xdf: {  	[sflag:s31] =	ssyncset.done $0x0  }
0xe0: {  	[sflag:s31] =	ssyncadd.s32 $0xFFFFFFB0  }
0xe1: {  	[tilespmem:s6], [sflag:$0x9] =	stream.indirect.gather [hbm4b:s5+s16], $0x80, s3, s16, $0xb8;
	[tilespmem:$0x1DC80] =	vst v63  }
0xe2: {  	_ =	swait.ge [sflag:s29], $0x2800  }
0xe3: {  	[sflag:s29] =	ssyncset.done $0x0  }
0xe4: {  	[sflag:s29] =	ssyncadd.s32 $0xFFFFD800  }
0xe5: {  	[spmem:s1] =	stream.indirect.scatter.add.f32 [tilespmem:s6], [sflag:$0xD], $0x80, s9, s16, $0xb8;
	[tilespmem:$0x1DC80] =	vst v63  }
0xe6: {  	_ =	swait.ge [sflag:s23], $0x2800  }
0xe7: {  	[sflag:s23] =	ssyncset.done $0x0  }
0xe8: {  	s11 =	simm.s32 $0x80;
	s2 =	rddreg [dreg:$0x1d];
	[sflag:s23] =	ssyncadd.s32 $0xFFFFD800  }
0xe9: {  	[tilespmem:s11], [sflag:$0x2] =	stream.linear.gather [hbm4b:s2+s3], $0x50, $0x38;
	[tilespmem:$0x1DC80] =	vst v63  }
0xea: {  	_ =	swait.ge [sflag:s14], $0x50  }
0xeb: {  	[sflag:s14] =	ssyncset.done $0x0  }
0xec: {  	s2 =	simm.s32 $0x280;
	s12 =	rddreg [dreg:$0x1e];
	[sflag:s14] =	ssyncadd.s32 $0xFFFFFFB0  }
0xed: {  	[tilespmem:s2], [sflag:$0x6] =	stream.linear.gather [hbm4b:s12+s3], $0x50, $0x38;
	[tilespmem:$0x1DC80] =	vst v63  }
0xee: {  	_ =	swait.ge [sflag:s4], $0x50  }
0xef: {  	[sflag:s4] =	ssyncset.done $0x0  }
0xf0: {  	s13 =	simm.s32 $0x2C00;
	[sflag:s4] =	ssyncadd.s32 $0xFFFFFFB0  }
0xf1: {  	[tilespmem:s13], [sflag:$0xA] =	stream.indirect.gather [hbm4b:s5+s16], $0x80, s11, s16, $0xb8;
	[tilespmem:$0x1DC80] =	vst v63  }
0xf2: {  	_ =	swait.ge [sflag:s10], $0x2800  }
0xf3: {  	[sflag:s10] =	ssyncset.done $0x0  }
0xf4: {  	[sflag:s10] =	ssyncadd.s32 $0xFFFFD800  }
0xf5: {  	[spmem:s1] =	stream.indirect.scatter.add.f32 [tilespmem:s13], [sflag:$0xE], $0x80, s2, s16, $0xb8;
	[tilespmem:$0x1DC80] =	vst v63  }
0xf6: {  	_ =	swait.ge [sflag:s24], $0x2800  }
0xf7: {  	[sflag:s24] =	ssyncset.done $0x0  }
0xf8: {  	[sflag:s24] =	ssyncadd.s32 $0xFFFFD800  }
0xf9: {  	s0 =	stileid.u32;
	[bflag:$0x0] =	sbarrier.arrive $0xFFFF  }
0xfa: {  	s0 =	sshll.u32 @p1 s0, $0x6;
	s2 =	rddreg [dreg:$0x5]  }
0xfb: {  	s0 =	sor.u32 @p1 $0x1C11, s0;
	s12 =	rddreg [dreg:$0xb];
	s2 =	sshrl.u32 @p1 s2, $0x3  }
0xfc: {  	[hbm:s12], [sflag:s0] =	dma.local @p1 [spmem:s2], $0x3E80  }
0xfd: {  	s12 =	simm.s32 @p1 $0x11  }
0xfe: {  	_ =	swait.ge @p1 [sflag:s12], $0x3E80  }
0xff: {  	[sflag:s12] =	ssyncset.done @p1 $0x0  }
0x100: {  	[sflag:s12] =	ssyncadd.s32 @p1 $0xFFFFC180  }
0x101: {  	[bflag:$0x0] =	sbarrier.arrive @p1 $0xFFFF  }
0x102: {  	s13 =	rddreg [dreg:$0x4]  }
0x103: {  	[spmem:s2], [sflag:s0] =	dma.local @p1 [hbm:s13], $0x3E80  }
0x104: {  	_ =	swait.ge @p1 [sflag:s12], $0x3E80  }
0x105: {  	[sflag:s12] =	ssyncset.done @p1 $0x0  }
0x106: {  	[sflag:s12] =	ssyncadd.s32 @p1 $0xFFFFC180  }
0x107: {  	[bflag:$0x0] =	sbarrier.arrive @!p1 $0xFFFF  }
0x108: {  	[bflag:$0x0] =	sbarrier.arrive $0xFFFF  }
0x109: {  	s0 =	simm.s32 $0x0;
	s12 =	rddreg [dreg:$0xc]  }
0x10a: {  	[tilespmem:s0], [sflag:$0x1] =	stream.linear.gather [hbm4b:s12+s0], $0x50, $0x38;
	[tilespmem:$0x1DC80] =	vst v63  }
0x10b: {  	s13 =	rddreg [dreg:$0x7]  }
0x10c: {  	[tilespmem:s9], [sflag:$0x5] =	stream.linear.gather [hbm4b:s13+s0], $0x50, $0x38;
	[tilespmem:$0x1DC80] =	vst v63  }
0x10d: {  	s9 =	rddreg [dreg:$0x1f]  }
0x10e: {  	[tilespmem:s11], [sflag:$0x2] =	stream.linear.gather [hbm4b:s9+s0], $0x50, $0x38;
	[tilespmem:$0x1DC80] =	vst v63  }
0x10f: {  	s12 =	rddreg [dreg:$0x9];
	s13 =	simm.s32 $0x280  }
0x110: {  	[tilespmem:s13], [sflag:$0x6] =	stream.linear.gather [hbm4b:s12+s0], $0x50, $0x38;
	[tilespmem:$0x1DC80] =	vst v63  }
0x111: {  	s12 =	sld [smem:$0x7FA];
	_ =	sdelay $0x1  }
0x112: {  	s9 =	sld [smem:$0x7FB]  }
0x113: {  	[tilespmem:s21], [sflag:$0x3] =	stream.linear.gather [hbm4b:s12+s0], $0x50, $0x38;
	[tilespmem:$0x1DC80] =	vst v63  }
0x114: {  	s13 =	rddreg [dreg:$0x18]  }
0x115: {  	[tilespmem:s26], [sflag:$0x7] =	stream.linear.gather [hbm4b:s13+s0], $0x50, $0x38;
	[tilespmem:$0x1DC80] =	vst v63  }
0x116: {  	s28 =	simm.s32 $0x200;
	s12 =	simm.s32 $0x180  }
0x117: {  	[tilespmem:s12], [sflag:$0x4] =	stream.linear.gather [hbm4b:s9+s0], $0x50, $0x38;
	[tilespmem:$0x1DC80] =	vst v63  }
0x118: {  	s30 =	simm.s32 $0x80;
	s2 =	simm.s32 $0x180;
	s13 =	rddreg [dreg:$0x1a]  }
0x119: {  	[tilespmem:s8], [sflag:$0x8] =	stream.linear.gather [hbm4b:s13+s0], $0x50, $0x38;
	[tilespmem:$0x1DC80] =	vst v63  }
0x11a: {  	s11 =	simm.s32 $0x280;
	s9 =	simm.s32 $0x4;
	s13 =	rddreg [dreg:$0x14]  }
.LBB2_5:
0x11b: {  	_ =	swait.ge [sflag:s15], $0x50  }
0x11c: {  	[sflag:s15] =	ssyncset.done $0x0  }
0x11d: {  	[sflag:s15] =	ssyncadd.s32 $0xFFFFFFB0  }
0x11e: {  	[tilespmem:s6], [sflag:$0x9] =	stream.indirect.gather [hbm4b:s5+s16], $0x80, s3, s16, $0xb8;
	[tilespmem:$0x1DC80] =	vst v63  }
0x11f: {  	_ =	swait.ge [sflag:s14], $0x50  }
0x120: {  	[sflag:s14] =	ssyncset.done $0x0  }
0x121: {  	s12 =	simm.s32 $0x2C00;
	[sflag:s14] =	ssyncadd.s32 $0xFFFFFFB0  }
0x122: {  	[tilespmem:s12], [sflag:$0xA] =	stream.indirect.gather [hbm4b:s5+s16], $0x80, s30, s16, $0xb8;
	[tilespmem:$0x1DC80] =	vst v63  }
0x123: {  	_ =	swait.ge [sflag:s7], $0x50  }
0x124: {  	[sflag:s7] =	ssyncset.done $0x0  }
0x125: {  	[sflag:s7] =	ssyncadd.s32 $0xFFFFFFB0;
	s7 =	simm.s32 $0x5400  }
0x126: {  	[tilespmem:s7], [sflag:$0xB] =	stream.indirect.gather [hbm4b:s5+s16], $0x80, s21, s16, $0xb8;
	[tilespmem:$0x1DC80] =	vst v63  }
0x127: {  	_ =	swait.ge [sflag:s9], $0x50  }
0x128: {  	[sflag:s9] =	ssyncset.done $0x0  }
0x129: {  	s21 =	simm.s32 $0x7C00;
	[sflag:s9] =	ssyncadd.s32 $0xFFFFFFB0  }
0x12a: {  	[tilespmem:s21], [sflag:$0xC] =	stream.indirect.gather [hbm4b:s5+s16], $0x80, s2, s16, $0xb8;
	[tilespmem:$0x1DC80] =	vst v63  }
0x12b: {  	_ =	swait.ge [sflag:s29], $0x2800  }
0x12c: {  	[sflag:s29] =	ssyncset.done $0x0  }
0x12d: {  	[sflag:s29] =	ssyncadd.s32 $0xFFFFD800  }
0x12e: {  	_ =	swait.ge [sflag:s31], $0x50  }
0x12f: {  	[sflag:s31] =	ssyncset.done $0x0  }
0x130: {  	[sflag:s31] =	ssyncadd.s32 $0xFFFFFFB0  }
0x131: {  	[spmem:s1] =	stream.indirect.scatter.add.f32 [tilespmem:s6], [sflag:$0xD], $0x80, s28, s16, $0xb8;
	[tilespmem:$0x1DC80] =	vst v63  }
0x132: {  	_ =	swait.ge [sflag:s10], $0x2800  }
0x133: {  	[sflag:s10] =	ssyncset.done $0x0  }
0x134: {  	[sflag:s10] =	ssyncadd.s32 $0xFFFFD800  }
0x135: {  	_ =	swait.ge [sflag:s4], $0x50  }
0x136: {  	[sflag:s4] =	ssyncset.done $0x0  }
0x137: {  	[sflag:s4] =	ssyncadd.s32 $0xFFFFFFB0  }
0x138: {  	[spmem:s1] =	stream.indirect.scatter.add.f32 [tilespmem:s12], [sflag:$0xE], $0x80, s11, s16, $0xb8;
	[tilespmem:$0x1DC80] =	vst v63  }
0x139: {  	_ =	swait.ge [sflag:s17], $0x2800  }
0x13a: {  	[sflag:s17] =	ssyncset.done $0x0  }
0x13b: {  	[sflag:s17] =	ssyncadd.s32 $0xFFFFD800  }
0x13c: {  	_ =	swait.ge [sflag:s19], $0x50  }
0x13d: {  	[sflag:s19] =	ssyncset.done $0x0  }
0x13e: {  	[sflag:s19] =	ssyncadd.s32 $0xFFFFFFB0  }
0x13f: {  	[spmem:s1] =	stream.indirect.scatter.add.f32 [tilespmem:s7], [sflag:$0xF], $0x80, s26, s16, $0xb8;
	[tilespmem:$0x1DC80] =	vst v63  }
0x140: {  	_ =	swait.ge [sflag:s20], $0x2800  }
0x141: {  	[sflag:s20] =	ssyncset.done $0x0  }
0x142: {  	[sflag:s20] =	ssyncadd.s32 $0xFFFFD800  }
0x143: {  	_ =	swait.ge [sflag:s22], $0x50  }
0x144: {  	p2 =	seq.s32 s0, $0x988;
	[sflag:s22] =	ssyncset.done $0x0  }
.Ltmp4:
0x145: {  	[sflag:s22] =	ssyncadd.s32 $0xFFFFFFB0;
	(pc) =	sbr.rel @p2 .LBB2_7-.Ltmp4, $4  }
0x146: {  	[spmem:s1] =	stream.indirect.scatter.add.f32 [tilespmem:s21], [sflag:$0x10], $0x80, s8, s16, $0xb8;
	[tilespmem:$0x1DC80] =	vst v63  }
0x147: {  	_ =	swait.ge [sflag:s23], $0x2800  }
0x148: {  	s2 =	simm.s32 $0x100;
	s6 =	simm.s32 $0x380;
	[sflag:s23] =	ssyncset.done $0x0  }
0x149: {  	s21 =	simm.s32 $0x300;
	s8 =	simm.s32 $0x180;
	[sflag:s23] =	ssyncadd.s32 $0xFFFFD800  }
0x14a: {  	s2 =	rddreg [dreg:$0x17]  }
0x14b: {  	s12 =	rddreg [dreg:$0x10];
	s2 =	sadd.s32 s0, s2  }
0x14c: {  	[tilespmem:s3], [sflag:$0x1] =	stream.linear.gather [hbm4b:s2+s3], $0x50, $0x38;
	[tilespmem:$0x1DC80] =	vst v63  }
0x14d: {  	s2 =	sadd.s32 s0, s12  }
0x14e: {  	s12 =	sadd.s32 $0x28, s2  }
0x14f: {  	[tilespmem:s28], [sflag:$0x5] =	stream.linear.gather [hbm4b:s12+s3], $0x50, $0x38;
	[tilespmem:$0x1DC80] =	vst v63  }
0x150: {  	_ =	swait.ge [sflag:s24], $0x2800  }
0x151: {  	[sflag:s24] =	ssyncset.done $0x0;
	s7 =	rddreg [dreg:$0x16]  }
0x152: {  	[sflag:s24] =	ssyncadd.s32 $0xFFFFD800;
	s12 =	sadd.s32 s0, s7  }
0x153: {  	[tilespmem:s30], [sflag:$0x2] =	stream.linear.gather [hbm4b:s12+s3], $0x50, $0x38;
	[tilespmem:$0x1DC80] =	vst v63  }
0x154: {  	s7 =	sadd.s32 $0x32, s2  }
0x155: {  	[tilespmem:s11], [sflag:$0x6] =	stream.linear.gather [hbm4b:s7+s3], $0x50, $0x38;
	[tilespmem:$0x1DC80] =	vst v63  }
0x156: {  	_ =	swait.ge [sflag:s25], $0x2800  }
0x157: {  	[sflag:s25] =	ssyncset.done $0x0  }
0x158: {  	s21 =	simm.s32 $0x100;
	s7 =	sadd.s32 s0, s13;
	[sflag:s25] =	ssyncadd.s32 $0xFFFFD800  }
0x159: {  	[tilespmem:s21], [sflag:$0x3] =	stream.linear.gather [hbm4b:s7+s3], $0x50, $0x38;
	[tilespmem:$0x1DC80] =	vst v63  }
0x15a: {  	s26 =	simm.s32 $0x300;
	s7 =	sadd.s32 $0x3C, s2  }
0x15b: {  	[tilespmem:s26], [sflag:$0x7] =	stream.linear.gather [hbm4b:s7+s3], $0x50, $0x38;
	[tilespmem:$0x1DC80] =	vst v63  }
0x15c: {  	_ =	swait.ge [sflag:s18], $0x2800  }
0x15d: {  	[sflag:s18] =	ssyncset.done $0x0;
	s7 =	rddreg [dreg:$0x15]  }
.Ltmp5:
0x15e: {  	[sflag:s18] =	ssyncadd.s32 $0xFFFFD800;
	s12 =	sadd.s32 s0, s7;
	(pc) =	sbr.rel .LBB2_5-.Ltmp5, $4  }
0x15f: {  	[tilespmem:s8], [sflag:$0x4] =	stream.linear.gather [hbm4b:s12+s3], $0x50, $0x38;
	[tilespmem:$0x1DC80] =	vst v63  }
0x160: {  	s2 =	sadd.s32 $0x46, s2;
	s0 =	sadd.s32 $0x28, s0;
	s7 =	simm.s32 $0x3  }
0x161: {  	[tilespmem:s6], [sflag:$0x8] =	stream.linear.gather [hbm4b:s2+s3], $0x50, $0x38;
	[tilespmem:$0x1DC80] =	vst v63  }
0x162: {  	s8 =	simm.s32 $0x380;
	s2 =	simm.s32 $0x180;
	s6 =	simm.s32 $0x400  }
.LBB2_8:
0x163: {  	_ =	sfence.sel $0x180000  }
0x164: {  	[bflag:$0x0] =	sbarrier.arrive $0xFFFF  }
0x165: {  	_ =	strace $0x90000050  }
0x166: {  	s0 =	stileid.u32;
	[bflag:$0x2] =	sbarrier.arrive $0xFFFF  }
0x167: {  	p0 =	sne.s32 s0, $0x0;
	s0 =	rddreg [dreg:$0x2]  }
0x168: {  	s0 =	sadd.s32 @!p0 $0x100000, s0  }
0x169: {  	[sflag:s0] =	ssyncadd.tile.s32 @!p0 $0x1;
	_ =	shalt  }
.Lfunc_end2:
_tile_overlayer_lowered:
.L_overlay_start_2:
0x16a: {  	(tag) =	ssettag $0x2  }
0x16b: {  	s0 =	rddreg [dreg:$0x0];
	s2 =	stileid.u32  }
0x16c: {  	s1 =	rddreg [dreg:$0x1];
	p0 =	sne.s32 s2, $0x0  }
0x16d: {  	s3 =	rddreg [dreg:$0x2];
	[bflag:$0x3] =	sbarrier.arrive $0xFFFF;
	s2 =	simm.s32 @!p0 $0x1C11  }
0x16e: {  	[timem:s3], [sflag:s2] =	dma.local @!p0 [hbm:s0], s1  }
0x16f: {  	s0 =	simm.s32 @!p0 $0x11  }
0x170: {  	_ =	swait.ge @!p0 [sflag:s0], s1  }
0x171: {  	s1 =	ssub.s32 @!p0 $0x0, s1;
	[sflag:s0] =	ssyncset.done @!p0 $0x0  }
0x172: {  	[sflag:s0] =	ssyncadd.s32 @!p0 s1  }
0x173: {  	[bflag:$0x3] =	sbarrier.arrive $0xFFFF  }
0x174: {  	_ =	shalt  }

</sc_bundles>
